<compile_context>
chip_gen: v7x
topology: tpu7x:2x2x1
jax: 0.10.2.dev20260603
libtpu: 0.0.44.dev20260713+nightly
codegen_flags: <defaults>
</compile_context>

<pallas_src>
import functools

import jax
import jax.numpy as jnp
from jax import lax
from jax.experimental import pallas as pl
from jax.experimental.pallas import tpu as pltpu
from jax.experimental.pallas import tpu_sc as plsc

N_NODES = 10000
D = 128
E_TOTAL = 320000
CHUNK = 128
N_CHUNKS = E_TOTAL // CHUNK
N_CORES = 2
N_SUB = 16
NW = N_CORES * N_SUB
ROWS_MAIN = 632
ROWS_LAST = N_NODES - 15 * ROWS_MAIN
REM_MAIN = ROWS_MAIN - 4 * CHUNK
REM_LAST = ROWS_LAST - 4 * CHUNK
DEG_MAIN = 640
DEG_LAST = N_NODES - 15 * DEG_MAIN

_mesh = plsc.VectorSubcoreMesh(core_axis_name="c", subcore_axis_name="s")

SB = 16
N_SB = -(-N_CHUNKS // SB)
SB_TAIL = N_CHUNKS - (N_SB - 1) * SB
MAX_U = 2 * (-(-(-(-N_SB // NW)) // 2))


@functools.partial(
    pl.kernel,
    mesh=_mesh,
    out_type=[
        jax.ShapeDtypeStruct((N_CORES, N_NODES, D), jnp.float32),
        jax.ShapeDtypeStruct((N_CORES * N_NODES,), jnp.float32),
    ],
    scratch_types=[
        pltpu.VMEM((SB, CHUNK), jnp.int32),
        pltpu.VMEM((SB, CHUNK), jnp.int32),
        pltpu.VMEM((SB, CHUNK), jnp.int32),
        pltpu.VMEM((SB, CHUNK), jnp.int32),
        pltpu.VMEM((CHUNK, D), jnp.float32),
        pltpu.VMEM((CHUNK, D), jnp.float32),
        pltpu.VMEM((CHUNK,), jnp.float32),
        pltpu.VMEM((DEG_MAIN,), jnp.float32),
        pltpu.VMEM_SHARED((N_NODES, D), jnp.float32),
        pltpu.VMEM_SHARED((N_NODES,), jnp.float32),
        pltpu.SemaphoreType.DMA,
        pltpu.SemaphoreType.DMA,
        pltpu.SemaphoreType.DMA,
        pltpu.SemaphoreType.DMA,
        pltpu.SemaphoreType.DMA,
    ],
)
def _sc_aggregate(x_hbm, src_hbm, dst_hbm, acc_out, deg_out,
                  idx_s0, idx_s1, idx_d0, idx_d1,
                  rows0, rows1,
                  ones_v, zer_v, acc_sh, deg_sh,
                  isem0, isem1, gsem0, gsem1, dsem):
    cid = lax.axis_index("c")
    sid = lax.axis_index("s")
    wid = sid * N_CORES + cid

    zero16 = jnp.zeros((16,), jnp.float32)
    one16 = jnp.ones((16,), jnp.float32)

    def init_row(i, carry):
        for j in range(D // 16):
            rows0[i, pl.ds(j * 16, 16)] = zero16
        return carry

    lax.fori_loop(0, CHUNK, init_row, 0)

    for j in range(CHUNK // 16):
        ones_v[pl.ds(j * 16, 16)] = one16
    for j in range(DEG_MAIN // 16):
        zer_v[pl.ds(j * 16, 16)] = zero16

    base = sid * ROWS_MAIN
    dbase = sid * DEG_MAIN
    for t in range(4):
        pltpu.sync_copy(rows0, acc_sh.at[pl.ds(base + t * CHUNK, CHUNK)])

    @pl.when(sid < N_SUB - 1)
    def _():
        pltpu.sync_copy(rows0.at[pl.ds(0, REM_MAIN)],
                        acc_sh.at[pl.ds(base + 4 * CHUNK, REM_MAIN)])
        pltpu.sync_copy(zer_v, deg_sh.at[pl.ds(dbase, DEG_MAIN)])

    @pl.when(sid == N_SUB - 1)
    def _():
        pltpu.sync_copy(rows0.at[pl.ds(0, REM_LAST)],
                        acc_sh.at[pl.ds(base + 4 * CHUNK, REM_LAST)])
        pltpu.sync_copy(zer_v.at[pl.ds(0, DEG_LAST)],
                        deg_sh.at[pl.ds(dbase, DEG_LAST)])

    plsc.subcore_barrier()

    idx_bufs = ((idx_s0, idx_d0, isem0), (idx_s1, idx_d1, isem1))
    row_bufs = ((rows0, gsem0), (rows1, gsem1))

    def issue_idx(p, s):
        bs, bd, sem = idx_bufs[p]

        @pl.when(s < N_SB - 1)
        def _():
            pltpu.async_copy(src_hbm.at[pl.ds(s * SB, SB)], bs, sem)
            pltpu.async_copy(dst_hbm.at[pl.ds(s * SB, SB)], bd, sem)

        @pl.when(s == N_SB - 1)
        def _():
            pltpu.async_copy(src_hbm.at[pl.ds(s * SB, SB_TAIL)],
                             bs.at[pl.ds(0, SB_TAIL)], sem)
            pltpu.async_copy(dst_hbm.at[pl.ds(s * SB, SB_TAIL)],
                             bd.at[pl.ds(0, SB_TAIL)], sem)

    def wait_idx(p, s):
        bs, bd, sem = idx_bufs[p]

        @pl.when(s < N_SB - 1)
        def _():
            pltpu.make_async_copy(src_hbm.at[pl.ds(0, SB)], bs, sem).wait()
            pltpu.make_async_copy(src_hbm.at[pl.ds(0, SB)], bd, sem).wait()

        @pl.when(s == N_SB - 1)
        def _():
            pltpu.make_async_copy(src_hbm.at[pl.ds(0, SB_TAIL)],
                                  bs.at[pl.ds(0, SB_TAIL)], sem).wait()
            pltpu.make_async_copy(src_hbm.at[pl.ds(0, SB_TAIL)],
                                  bd.at[pl.ds(0, SB_TAIL)], sem).wait()

    def issue_gather(p, s, j):
        bs, _, _ = idx_bufs[p]
        rbuf, gsem = row_bufs[j % 2]

        @pl.when(s * SB + j < N_CHUNKS)
        def _():
            pltpu.async_copy(x_hbm.at[bs.at[j]], rbuf, gsem)

    def wait_gather(s, j):
        rbuf, gsem = row_bufs[j % 2]

        @pl.when(s * SB + j < N_CHUNKS)
        def _():
            pltpu.make_async_copy(x_hbm.at[pl.ds(0, CHUNK)], rbuf,
                                  gsem).wait()

    def drain_deg(s):
        for jj in range(SB):
            @pl.when((s >= 0) & (s * SB + jj < N_CHUNKS))
            def _():
                pltpu.make_async_copy(ones_v, deg_sh.at[pl.ds(0, CHUNK)],
                                      dsem).wait()

    def process_block(p, s):
        bs, bd, _ = idx_bufs[p]
        s_prev = s - NW
        s_next = s + NW
        for j in range(SB):
            if j == 0:
                drain_deg(s_prev)
            wait_gather(s, j)

            @pl.when(s * SB + j < N_CHUNKS)
            def _():
                rbuf, _ = row_bufs[j % 2]
                pltpu.async_copy(ones_v, deg_sh.at[bd.at[j]], dsem,
                                 add=True)
                pltpu.sync_copy(rbuf, acc_sh.at[bd.at[j]], add=True)

            if j == 1:
                issue_idx(1 - p, s_next)
            if j == 5:
                wait_idx(1 - p, s_next)
            if j < SB - 2:
                issue_gather(p, s, j + 2)
            else:
                issue_gather(1 - p, s_next, j - (SB - 2))

    issue_idx(0, wid)
    wait_idx(0, wid)
    issue_gather(0, wid, 0)
    issue_gather(0, wid, 1)

    def vbody(v, carry):
        s0 = wid + (2 * v) * NW
        s1 = wid + (2 * v + 1) * NW
        process_block(0, s0)
        process_block(1, s1)
        return carry

    lax.fori_loop(0, MAX_U // 2, vbody, 0)

    drain_deg(wid + (MAX_U - 1) * NW)

    plsc.subcore_barrier()

    pltpu.sync_copy(acc_sh.at[pl.ds(base, 4 * CHUNK)],
                    acc_out.at[cid, pl.ds(base, 4 * CHUNK)])

    @pl.when(sid < N_SUB - 1)
    def _():
        pltpu.sync_copy(acc_sh.at[pl.ds(base + 4 * CHUNK, REM_MAIN)],
                        acc_out.at[cid, pl.ds(base + 4 * CHUNK, REM_MAIN)])
        pltpu.sync_copy(deg_sh.at[pl.ds(dbase, DEG_MAIN)], zer_v)
        pltpu.sync_copy(zer_v,
                        deg_out.at[pl.ds(cid * N_NODES + dbase, DEG_MAIN)])

    @pl.when(sid == N_SUB - 1)
    def _():
        pltpu.sync_copy(acc_sh.at[pl.ds(base + 4 * CHUNK, REM_LAST)],
                        acc_out.at[cid, pl.ds(base + 4 * CHUNK, REM_LAST)])
        pltpu.sync_copy(deg_sh.at[pl.ds(dbase, DEG_LAST)],
                        zer_v.at[pl.ds(0, DEG_LAST)])
        pltpu.sync_copy(zer_v.at[pl.ds(0, DEG_LAST)],
                        deg_out.at[pl.ds(cid * N_NODES + dbase, DEG_LAST)])


BLK = 1000


def _tc_proj_body(x_ref, w_ref, xs_ref):
    xs_ref[...] = jnp.dot(x_ref[...], w_ref[...],
                          preferred_element_type=jnp.float32)


_tc_proj = pl.pallas_call(
    _tc_proj_body,
    grid=(N_NODES // BLK,),
    in_specs=[
        pl.BlockSpec((BLK, D), lambda i: (i, 0)),
        pl.BlockSpec((D, D), lambda i: (0, 0)),
    ],
    out_specs=pl.BlockSpec((BLK, D), lambda i: (i, 0)),
    out_shape=jax.ShapeDtypeStruct((N_NODES, D), jnp.float32),
)


def _tc_combine_body(w_ref, acc_ref, d0_ref, d1_ref, dst_ref, deg_ref):
    w = w_ref[...]
    agg = acc_ref[0] + acc_ref[1]
    dv = d0_ref[...] + d1_ref[...]
    deg = jnp.maximum(dv, 1.0)
    dst_ref[...] = jnp.dot(agg * (1.0 / deg), w,
                           preferred_element_type=jnp.float32)
    deg_ref[...] = deg


_tc_combine = pl.pallas_call(
    _tc_combine_body,
    grid=(N_NODES // BLK,),
    in_specs=[
        pl.BlockSpec((D, D), lambda i: (0, 0)),
        pl.BlockSpec((N_CORES, BLK, D), lambda i: (0, i, 0)),
        pl.BlockSpec((BLK, 1), lambda i: (i, 0)),
        pl.BlockSpec((BLK, 1), lambda i: (i + N_NODES // BLK, 0)),
    ],
    out_specs=[
        pl.BlockSpec((BLK, D), lambda i: (i, 0)),
        pl.BlockSpec((BLK, 1), lambda i: (i, 0)),
    ],
    out_shape=[
        jax.ShapeDtypeStruct((N_NODES, D), jnp.float32),
        jax.ShapeDtypeStruct((N_NODES, 1), jnp.float32),
    ],
)


def kernel(x_src, x_dst, edge_index, W_src, W_dst):
    src_r = edge_index[0].astype(jnp.int32).reshape(N_CHUNKS, CHUNK)
    dst_r = edge_index[1].astype(jnp.int32).reshape(N_CHUNKS, CHUNK)
    acc_p, deg_flat = _sc_aggregate(x_src, src_r, dst_r)
    xs = _tc_proj(x_src, W_src)
    deg_p = deg_flat.reshape(N_CORES * N_NODES, 1)
    dst, deg = _tc_combine(W_src, acc_p, deg_p, deg_p)
    return dst, xs, deg.reshape(-1)

# --- scband reference (transcript-rebuilt; emitter-appended) ---
"""Pipeline reference for scband-rel-kdadapter-89378269430325 (READ-ONLY COPY).

The authoritative reference and input builder live on the scoring server;
editing this copy changes nothing except your own understanding.
"""

import jax, jax.numpy as jnp
import numpy as np

N_SRC = 10000
N_DST = 10000
E = 320000
D_FEAT = 128
D_REL = 128


def setup_inputs(seed: int = 0) -> dict:
    key = jax.random.key(seed)
    k1, k2, k3, k4, k5 = jax.random.split(key, 5)
    x_src = jax.random.normal(k1, (N_SRC, D_FEAT), dtype=jnp.float32)
    x_dst = jax.random.normal(k2, (N_DST, D_FEAT), dtype=jnp.float32)
    edge_index = jax.random.randint(k3, (2, E), 0, N_SRC, dtype=jnp.int64)
    # Linear(d_feat, d_rel, bias=False) weights per node type, stored as [in, out]
    scale = 1.0 / np.sqrt(D_FEAT)
    W_src = jax.random.uniform(k4, (D_FEAT, D_REL), dtype=jnp.float32, minval=-scale, maxval=scale)
    W_dst = jax.random.uniform(k5, (D_FEAT, D_REL), dtype=jnp.float32, minval=-scale, maxval=scale)
    return {"x_src": x_src, "x_dst": x_dst, "edge_index": edge_index, "W_src": W_src, "W_dst": W_dst}


def reference(x_src, x_dst, edge_index, W_src, W_dst):
    # project every node type (mirrors x_proj loop over hetero.node_types)
    xs = x_src @ W_src  # x_proj['src']
    xd = x_dst @ W_dst  # x_proj['dst'] (computed but unused by this etype, as in original)
    src_idx = edge_index[0]
    dst_idx = edge_index[1]
    # _build_adj: A[row=dst, col=src] = 1; deg = row-sum, clamp_min(1); norm_val = 1/deg[row]
    deg = jnp.zeros((N_DST,), dtype=jnp.float32).at[dst_idx].add(1.0)
    deg = jnp.clip(deg, 1.0, None)
    norm_val = 1.0 / deg[dst_idx]
    # dst = A_norm @ x_proj['src']  == scatter-add of norm_val * xs[src_idx] into dst rows
    msgs = xs[src_idx] * norm_val[:, None]
    dst = jnp.zeros((N_DST, D_REL), dtype=jnp.float32).at[dst_idx].add(msgs)
    # rel_embs[et] = {'dst': dst, 'src_in': xs, 'deg_dst': deg}
    return (dst, xs, deg)

if __name__ == "__main__":
    import jax
    _d = setup_inputs()
    print(jax.jit(kernel)(*tuple(_d.values())))

</pallas_src>

<mosaic_0001>
#map = affine_map<(d0, d1) -> (0, 0)>
#map1 = affine_map<(d0, d1) -> (0, 0, 0)>
#map2 = affine_map<(d0, d1) -> (0)>
module attributes {stable_mosaic.version = 14 : i64} {
  func.func @_sc_aggregate(%arg0: i32, %arg1: i32, %arg2: memref<10000x128xf32, #tpu.memory_space<hbm>>, %arg3: memref<2500x128xi32, #tpu.memory_space<hbm>>, %arg4: memref<2500x128xi32, #tpu.memory_space<hbm>>, %arg5: memref<2x10000x128xf32, #tpu.memory_space<hbm>>, %arg6: memref<20000xf32, #tpu.memory_space<hbm>>, %arg7: memref<16x128xi32, #tpu.memory_space<vmem>>, %arg8: memref<16x128xi32, #tpu.memory_space<vmem>>, %arg9: memref<16x128xi32, #tpu.memory_space<vmem>>, %arg10: memref<16x128xi32, #tpu.memory_space<vmem>>, %arg11: memref<128x128xf32, #tpu.memory_space<vmem>>, %arg12: memref<128x128xf32, #tpu.memory_space<vmem>>, %arg13: memref<128xf32, #tpu.memory_space<vmem>>, %arg14: memref<640xf32, #tpu.memory_space<vmem>>, %arg15: memref<10000x128xf32, #tpu.memory_space<vmem_shared>>, %arg16: memref<10000xf32, #tpu.memory_space<vmem_shared>>, %arg17: memref<!tpu.dma_semaphore, #tpu.memory_space<semaphore_mem>>, %arg18: memref<!tpu.dma_semaphore, #tpu.memory_space<semaphore_mem>>, %arg19: memref<!tpu.dma_semaphore, #tpu.memory_space<semaphore_mem>>, %arg20: memref<!tpu.dma_semaphore, #tpu.memory_space<semaphore_mem>>, %arg21: memref<!tpu.dma_semaphore, #tpu.memory_space<semaphore_mem>>) attributes {dimension_semantics = [#tpu.dimension_semantics<core_parallel>, #tpu.dimension_semantics<subcore_parallel>], iteration_bounds = array<i64: 2, 16>, scalar_prefetch = 0 : i64, scratch_operands = 15 : i64, tpu.core_type = #tpu.core_type<sc_vector_subcore>, window_params = [{transform_indices = #map}, {transform_indices = #map}, {transform_indices = #map}, {transform_indices = #map1}, {transform_indices = #map2}]} {
    %mul3A = arith.constant 2 : i32
    %mul3A_0 = arith.muli %arg1, %mul3A : i32
    %add3A = arith.addi %mul3A_0, %arg0 : i32
    %broadcast_in_dim3A = arith.constant 0.000000e+00 : f32
    %broadcast_in_dim3A_1 = vector.broadcast %broadcast_in_dim3A : f32 to vector<16xf32>
    %broadcast_in_dim3A_2 = arith.constant 1.000000e+00 : f32
    %broadcast_in_dim3A_3 = vector.broadcast %broadcast_in_dim3A_2 : f32 to vector<16xf32>
    %scan3A = arith.constant 0 : i32
    %scan3A_4 = arith.constant 0 : i32
    %scan3A_5 = arith.constant 128 : i32
    %scan3A_6 = arith.addi %scan3A_4, %scan3A_5 : i32
    %scan3A_7 = arith.constant 1 : i32
    scf.for %scan3A_465 = %scan3A_4 to %scan3A_6 step %scan3A_7  : i32 {
      %swap3A_466 = arith.index_cast %scan3A_465 : i32 to index
      %swap3A_467 = arith.constant 0 : index
      %swap3A_468 = tpu.vector_load %arg11[%swap3A_466, %swap3A_467] {strides = array<i32>} : memref<128x128xf32, #tpu.memory_space<vmem>>, vector<1x16xf32>,
      %swap3A_469 = vector.shape_cast %swap3A_468 : vector<1x16xf32> to vector<16xf32>
      %swap3A_470 = vector.shape_cast %broadcast_in_dim3A_1 : vector<16xf32> to vector<1x16xf32>
      tpu.vector_store %arg11[%swap3A_466, %swap3A_467], %swap3A_470 {strides = array<i32>} : memref<128x128xf32, #tpu.memory_space<vmem>>, vector<1x16xf32>,
      %swap3A_471 = arith.index_cast %scan3A_465 : i32 to index
      %swap3A_472 = arith.constant 16 : index
      %swap3A_473 = tpu.vector_load %arg11[%swap3A_471, %swap3A_472] {strides = array<i32>} : memref<128x128xf32, #tpu.memory_space<vmem>>, vector<1x16xf32>,
      %swap3A_474 = vector.shape_cast %swap3A_473 : vector<1x16xf32> to vector<16xf32>
      %swap3A_475 = vector.shape_cast %broadcast_in_dim3A_1 : vector<16xf32> to vector<1x16xf32>
      tpu.vector_store %arg11[%swap3A_471, %swap3A_472], %swap3A_475 {strides = array<i32>} : memref<128x128xf32, #tpu.memory_space<vmem>>, vector<1x16xf32>,
      %swap3A_476 = arith.index_cast %scan3A_465 : i32 to index
      %swap3A_477 = arith.constant 32 : index
      %swap3A_478 = tpu.vector_load %arg11[%swap3A_476, %swap3A_477] {strides = array<i32>} : memref<128x128xf32, #tpu.memory_space<vmem>>, vector<1x16xf32>,
      %swap3A_479 = vector.shape_cast %swap3A_478 : vector<1x16xf32> to vector<16xf32>
      %swap3A_480 = vector.shape_cast %broadcast_in_dim3A_1 : vector<16xf32> to vector<1x16xf32>
      tpu.vector_store %arg11[%swap3A_476, %swap3A_477], %swap3A_480 {strides = array<i32>} : memref<128x128xf32, #tpu.memory_space<vmem>>, vector<1x16xf32>,
      %swap3A_481 = arith.index_cast %scan3A_465 : i32 to index
      %swap3A_482 = arith.constant 48 : index
      %swap3A_483 = tpu.vector_load %arg11[%swap3A_481, %swap3A_482] {strides = array<i32>} : memref<128x128xf32, #tpu.memory_space<vmem>>, vector<1x16xf32>,
      %swap3A_484 = vector.shape_cast %swap3A_483 : vector<1x16xf32> to vector<16xf32>
      %swap3A_485 = vector.shape_cast %broadcast_in_dim3A_1 : vector<16xf32> to vector<1x16xf32>
      tpu.vector_store %arg11[%swap3A_481, %swap3A_482], %swap3A_485 {strides = array<i32>} : memref<128x128xf32, #tpu.memory_space<vmem>>, vector<1x16xf32>,
      %swap3A_486 = arith.index_cast %scan3A_465 : i32 to index
      %swap3A_487 = arith.constant 64 : index
      %swap3A_488 = tpu.vector_load %arg11[%swap3A_486, %swap3A_487] {strides = array<i32>} : memref<128x128xf32, #tpu.memory_space<vmem>>, vector<1x16xf32>,
      %swap3A_489 = vector.shape_cast %swap3A_488 : vector<1x16xf32> to vector<16xf32>
      %swap3A_490 = vector.shape_cast %broadcast_in_dim3A_1 : vector<16xf32> to vector<1x16xf32>
      tpu.vector_store %arg11[%swap3A_486, %swap3A_487], %swap3A_490 {strides = array<i32>} : memref<128x128xf32, #tpu.memory_space<vmem>>, vector<1x16xf32>,
      %swap3A_491 = arith.index_cast %scan3A_465 : i32 to index
      %swap3A_492 = arith.constant 80 : index
      %swap3A_493 = tpu.vector_load %arg11[%swap3A_491, %swap3A_492] {strides = array<i32>} : memref<128x128xf32, #tpu.memory_space<vmem>>, vector<1x16xf32>,
      %swap3A_494 = vector.shape_cast %swap3A_493 : vector<1x16xf32> to vector<16xf32>
      %swap3A_495 = vector.shape_cast %broadcast_in_dim3A_1 : vector<16xf32> to vector<1x16xf32>
      tpu.vector_store %arg11[%swap3A_491, %swap3A_492], %swap3A_495 {strides = array<i32>} : memref<128x128xf32, #tpu.memory_space<vmem>>, vector<1x16xf32>,
      %swap3A_496 = arith.index_cast %scan3A_465 : i32 to index
      %swap3A_497 = arith.constant 96 : index
      %swap3A_498 = tpu.vector_load %arg11[%swap3A_496, %swap3A_497] {strides = array<i32>} : memref<128x128xf32, #tpu.memory_space<vmem>>, vector<1x16xf32>,
      %swap3A_499 = vector.shape_cast %swap3A_498 : vector<1x16xf32> to vector<16xf32>
      %swap3A_500 = vector.shape_cast %broadcast_in_dim3A_1 : vector<16xf32> to vector<1x16xf32>
      tpu.vector_store %arg11[%swap3A_496, %swap3A_497], %swap3A_500 {strides = array<i32>} : memref<128x128xf32, #tpu.memory_space<vmem>>, vector<1x16xf32>,
      %swap3A_501 = arith.index_cast %scan3A_465 : i32 to index
      %swap3A_502 = arith.constant 112 : index
      %swap3A_503 = tpu.vector_load %arg11[%swap3A_501, %swap3A_502] {strides = array<i32>} : memref<128x128xf32, #tpu.memory_space<vmem>>, vector<1x16xf32>,
      %swap3A_504 = vector.shape_cast %swap3A_503 : vector<1x16xf32> to vector<16xf32>
      %swap3A_505 = vector.shape_cast %broadcast_in_dim3A_1 : vector<16xf32> to vector<1x16xf32>
      tpu.vector_store %arg11[%swap3A_501, %swap3A_502], %swap3A_505 {strides = array<i32>} : memref<128x128xf32, #tpu.memory_space<vmem>>, vector<1x16xf32>,
    }
    %scan3A_8 = arith.constant 128 : i32
    %swap3A = arith.constant 0 : index
    %swap3A_9 = tpu.vector_load %arg13[%swap3A] {strides = array<i32>} : memref<128xf32, #tpu.memory_space<vmem>>, vector<16xf32>,
    %swap3A_10 = vector.shape_cast %swap3A_9 : vector<16xf32> to vector<16xf32>
    %swap3A_11 = vector.shape_cast %broadcast_in_dim3A_3 : vector<16xf32> to vector<16xf32>
    tpu.vector_store %arg13[%swap3A], %swap3A_11 {strides = array<i32>} : memref<128xf32, #tpu.memory_space<vmem>>, vector<16xf32>,
    %swap3A_12 = arith.constant 16 : index
    %swap3A_13 = tpu.vector_load %arg13[%swap3A_12] {strides = array<i32>} : memref<128xf32, #tpu.memory_space<vmem>>, vector<16xf32>,
    %swap3A_14 = vector.shape_cast %swap3A_13 : vector<16xf32> to vector<16xf32>
    %swap3A_15 = vector.shape_cast %broadcast_in_dim3A_3 : vector<16xf32> to vector<16xf32>
    tpu.vector_store %arg13[%swap3A_12], %swap3A_15 {strides = array<i32>} : memref<128xf32, #tpu.memory_space<vmem>>, vector<16xf32>,
    %swap3A_16 = arith.constant 32 : index
    %swap3A_17 = tpu.vector_load %arg13[%swap3A_16] {strides = array<i32>} : memref<128xf32, #tpu.memory_space<vmem>>, vector<16xf32>,
    %swap3A_18 = vector.shape_cast %swap3A_17 : vector<16xf32> to vector<16xf32>
    %swap3A_19 = vector.shape_cast %broadcast_in_dim3A_3 : vector<16xf32> to vector<16xf32>
    tpu.vector_store %arg13[%swap3A_16], %swap3A_19 {strides = array<i32>} : memref<128xf32, #tpu.memory_space<vmem>>, vector<16xf32>,
    %swap3A_20 = arith.constant 48 : index
    %swap3A_21 = tpu.vector_load %arg13[%swap3A_20] {strides = array<i32>} : memref<128xf32, #tpu.memory_space<vmem>>, vector<16xf32>,
    %swap3A_22 = vector.shape_cast %swap3A_21 : vector<16xf32> to vector<16xf32>
    %swap3A_23 = vector.shape_cast %broadcast_in_dim3A_3 : vector<16xf32> to vector<16xf32>
    tpu.vector_store %arg13[%swap3A_20], %swap3A_23 {strides = array<i32>} : memref<128xf32, #tpu.memory_space<vmem>>, vector<16xf32>,
    %swap3A_24 = arith.constant 64 : index
    %swap3A_25 = tpu.vector_load %arg13[%swap3A_24] {strides = array<i32>} : memref<128xf32, #tpu.memory_space<vmem>>, vector<16xf32>,
    %swap3A_26 = vector.shape_cast %swap3A_25 : vector<16xf32> to vector<16xf32>
    %swap3A_27 = vector.shape_cast %broadcast_in_dim3A_3 : vector<16xf32> to vector<16xf32>
    tpu.vector_store %arg13[%swap3A_24], %swap3A_27 {strides = array<i32>} : memref<128xf32, #tpu.memory_space<vmem>>, vector<16xf32>,
    %swap3A_28 = arith.constant 80 : index
    %swap3A_29 = tpu.vector_load %arg13[%swap3A_28] {strides = array<i32>} : memref<128xf32, #tpu.memory_space<vmem>>, vector<16xf32>,
    %swap3A_30 = vector.shape_cast %swap3A_29 : vector<16xf32> to vector<16xf32>
    %swap3A_31 = vector.shape_cast %broadcast_in_dim3A_3 : vector<16xf32> to vector<16xf32>
    tpu.vector_store %arg13[%swap3A_28], %swap3A_31 {strides = array<i32>} : memref<128xf32, #tpu.memory_space<vmem>>, vector<16xf32>,
    %swap3A_32 = arith.constant 96 : index
    %swap3A_33 = tpu.vector_load %arg13[%swap3A_32] {strides = array<i32>} : memref<128xf32, #tpu.memory_space<vmem>>, vector<16xf32>,
    %swap3A_34 = vector.shape_cast %swap3A_33 : vector<16xf32> to vector<16xf32>
    %swap3A_35 = vector.shape_cast %broadcast_in_dim3A_3 : vector<16xf32> to vector<16xf32>
    tpu.vector_store %arg13[%swap3A_32], %swap3A_35 {strides = array<i32>} : memref<128xf32, #tpu.memory_space<vmem>>, vector<16xf32>,
    %swap3A_36 = arith.constant 112 : index
    %swap3A_37 = tpu.vector_load %arg13[%swap3A_36] {strides = array<i32>} : memref<128xf32, #tpu.memory_space<vmem>>, vector<16xf32>,
    %swap3A_38 = vector.shape_cast %swap3A_37 : vector<16xf32> to vector<16xf32>
    %swap3A_39 = vector.shape_cast %broadcast_in_dim3A_3 : vector<16xf32> to vector<16xf32>
    tpu.vector_store %arg13[%swap3A_36], %swap3A_39 {strides = array<i32>} : memref<128xf32, #tpu.memory_space<vmem>>, vector<16xf32>,
    %swap3A_40 = arith.constant 0 : index
    %swap3A_41 = tpu.vector_load %arg14[%swap3A_40] {strides = array<i32>} : memref<640xf32, #tpu.memory_space<vmem>>, vector<16xf32>,
    %swap3A_42 = vector.shape_cast %swap3A_41 : vector<16xf32> to vector<16xf32>
    %swap3A_43 = vector.shape_cast %broadcast_in_dim3A_1 : vector<16xf32> to vector<16xf32>
    tpu.vector_store %arg14[%swap3A_40], %swap3A_43 {strides = array<i32>} : memref<640xf32, #tpu.memory_space<vmem>>, vector<16xf32>,
    %swap3A_44 = arith.constant 16 : index
    %swap3A_45 = tpu.vector_load %arg14[%swap3A_44] {strides = array<i32>} : memref<640xf32, #tpu.memory_space<vmem>>, vector<16xf32>,
    %swap3A_46 = vector.shape_cast %swap3A_45 : vector<16xf32> to vector<16xf32>
    %swap3A_47 = vector.shape_cast %broadcast_in_dim3A_1 : vector<16xf32> to vector<16xf32>
    tpu.vector_store %arg14[%swap3A_44], %swap3A_47 {strides = array<i32>} : memref<640xf32, #tpu.memory_space<vmem>>, vector<16xf32>,
    %swap3A_48 = arith.constant 32 : index
    %swap3A_49 = tpu.vector_load %arg14[%swap3A_48] {strides = array<i32>} : memref<640xf32, #tpu.memory_space<vmem>>, vector<16xf32>,
    %swap3A_50 = vector.shape_cast %swap3A_49 : vector<16xf32> to vector<16xf32>
    %swap3A_51 = vector.shape_cast %broadcast_in_dim3A_1 : vector<16xf32> to vector<16xf32>
    tpu.vector_store %arg14[%swap3A_48], %swap3A_51 {strides = array<i32>} : memref<640xf32, #tpu.memory_space<vmem>>, vector<16xf32>,
    %swap3A_52 = arith.constant 48 : index
    %swap3A_53 = tpu.vector_load %arg14[%swap3A_52] {strides = array<i32>} : memref<640xf32, #tpu.memory_space<vmem>>, vector<16xf32>,
    %swap3A_54 = vector.shape_cast %swap3A_53 : vector<16xf32> to vector<16xf32>
    %swap3A_55 = vector.shape_cast %broadcast_in_dim3A_1 : vector<16xf32> to vector<16xf32>
    tpu.vector_store %arg14[%swap3A_52], %swap3A_55 {strides = array<i32>} : memref<640xf32, #tpu.memory_space<vmem>>, vector<16xf32>,
    %swap3A_56 = arith.constant 64 : index
    %swap3A_57 = tpu.vector_load %arg14[%swap3A_56] {strides = array<i32>} : memref<640xf32, #tpu.memory_space<vmem>>, vector<16xf32>,
    %swap3A_58 = vector.shape_cast %swap3A_57 : vector<16xf32> to vector<16xf32>
    %swap3A_59 = vector.shape_cast %broadcast_in_dim3A_1 : vector<16xf32> to vector<16xf32>
    tpu.vector_store %arg14[%swap3A_56], %swap3A_59 {strides = array<i32>} : memref<640xf32, #tpu.memory_space<vmem>>, vector<16xf32>,
    %swap3A_60 = arith.constant 80 : index
    %swap3A_61 = tpu.vector_load %arg14[%swap3A_60] {strides = array<i32>} : memref<640xf32, #tpu.memory_space<vmem>>, vector<16xf32>,
    %swap3A_62 = vector.shape_cast %swap3A_61 : vector<16xf32> to vector<16xf32>
    %swap3A_63 = vector.shape_cast %broadcast_in_dim3A_1 : vector<16xf32> to vector<16xf32>
    tpu.vector_store %arg14[%swap3A_60], %swap3A_63 {strides = array<i32>} : memref<640xf32, #tpu.memory_space<vmem>>, vector<16xf32>,
    %swap3A_64 = arith.constant 96 : index
    %swap3A_65 = tpu.vector_load %arg14[%swap3A_64] {strides = array<i32>} : memref<640xf32, #tpu.memory_space<vmem>>, vector<16xf32>,
    %swap3A_66 = vector.shape_cast %swap3A_65 : vector<16xf32> to vector<16xf32>
    %swap3A_67 = vector.shape_cast %broadcast_in_dim3A_1 : vector<16xf32> to vector<16xf32>
    tpu.vector_store %arg14[%swap3A_64], %swap3A_67 {strides = array<i32>} : memref<640xf32, #tpu.memory_space<vmem>>, vector<16xf32>,
    %swap3A_68 = arith.constant 112 : index
    %swap3A_69 = tpu.vector_load %arg14[%swap3A_68] {strides = array<i32>} : memref<640xf32, #tpu.memory_space<vmem>>, vector<16xf32>,
    %swap3A_70 = vector.shape_cast %swap3A_69 : vector<16xf32> to vector<16xf32>
    %swap3A_71 = vector.shape_cast %broadcast_in_dim3A_1 : vector<16xf32> to vector<16xf32>
    tpu.vector_store %arg14[%swap3A_68], %swap3A_71 {strides = array<i32>} : memref<640xf32, #tpu.memory_space<vmem>>, vector<16xf32>,
    %swap3A_72 = arith.constant 128 : index
    %swap3A_73 = tpu.vector_load %arg14[%swap3A_72] {strides = array<i32>} : memref<640xf32, #tpu.memory_space<vmem>>, vector<16xf32>,
    %swap3A_74 = vector.shape_cast %swap3A_73 : vector<16xf32> to vector<16xf32>
    %swap3A_75 = vector.shape_cast %broadcast_in_dim3A_1 : vector<16xf32> to vector<16xf32>
    tpu.vector_store %arg14[%swap3A_72], %swap3A_75 {strides = array<i32>} : memref<640xf32, #tpu.memory_space<vmem>>, vector<16xf32>,
    %swap3A_76 = arith.constant 144 : index
    %swap3A_77 = tpu.vector_load %arg14[%swap3A_76] {strides = array<i32>} : memref<640xf32, #tpu.memory_space<vmem>>, vector<16xf32>,
    %swap3A_78 = vector.shape_cast %swap3A_77 : vector<16xf32> to vector<16xf32>
    %swap3A_79 = vector.shape_cast %broadcast_in_dim3A_1 : vector<16xf32> to vector<16xf32>
    tpu.vector_store %arg14[%swap3A_76], %swap3A_79 {strides = array<i32>} : memref<640xf32, #tpu.memory_space<vmem>>, vector<16xf32>,
    %swap3A_80 = arith.constant 160 : index
    %swap3A_81 = tpu.vector_load %arg14[%swap3A_80] {strides = array<i32>} : memref<640xf32, #tpu.memory_space<vmem>>, vector<16xf32>,
    %swap3A_82 = vector.shape_cast %swap3A_81 : vector<16xf32> to vector<16xf32>
    %swap3A_83 = vector.shape_cast %broadcast_in_dim3A_1 : vector<16xf32> to vector<16xf32>
    tpu.vector_store %arg14[%swap3A_80], %swap3A_83 {strides = array<i32>} : memref<640xf32, #tpu.memory_space<vmem>>, vector<16xf32>,
    %swap3A_84 = arith.constant 176 : index
    %swap3A_85 = tpu.vector_load %arg14[%swap3A_84] {strides = array<i32>} : memref<640xf32, #tpu.memory_space<vmem>>, vector<16xf32>,
    %swap3A_86 = vector.shape_cast %swap3A_85 : vector<16xf32> to vector<16xf32>
    %swap3A_87 = vector.shape_cast %broadcast_in_dim3A_1 : vector<16xf32> to vector<16xf32>
    tpu.vector_store %arg14[%swap3A_84], %swap3A_87 {strides = array<i32>} : memref<640xf32, #tpu.memory_space<vmem>>, vector<16xf32>,
    %swap3A_88 = arith.constant 192 : index
    %swap3A_89 = tpu.vector_load %arg14[%swap3A_88] {strides = array<i32>} : memref<640xf32, #tpu.memory_space<vmem>>, vector<16xf32>,
    %swap3A_90 = vector.shape_cast %swap3A_89 : vector<16xf32> to vector<16xf32>
    %swap3A_91 = vector.shape_cast %broadcast_in_dim3A_1 : vector<16xf32> to vector<16xf32>
    tpu.vector_store %arg14[%swap3A_88], %swap3A_91 {strides = array<i32>} : memref<640xf32, #tpu.memory_space<vmem>>, vector<16xf32>,
    %swap3A_92 = arith.constant 208 : index
    %swap3A_93 = tpu.vector_load %arg14[%swap3A_92] {strides = array<i32>} : memref<640xf32, #tpu.memory_space<vmem>>, vector<16xf32>,
    %swap3A_94 = vector.shape_cast %swap3A_93 : vector<16xf32> to vector<16xf32>
    %swap3A_95 = vector.shape_cast %broadcast_in_dim3A_1 : vector<16xf32> to vector<16xf32>
    tpu.vector_store %arg14[%swap3A_92], %swap3A_95 {strides = array<i32>} : memref<640xf32, #tpu.memory_space<vmem>>, vector<16xf32>,
    %swap3A_96 = arith.constant 224 : index
    %swap3A_97 = tpu.vector_load %arg14[%swap3A_96] {strides = array<i32>} : memref<640xf32, #tpu.memory_space<vmem>>, vector<16xf32>,
    %swap3A_98 = vector.shape_cast %swap3A_97 : vector<16xf32> to vector<16xf32>
    %swap3A_99 = vector.shape_cast %broadcast_in_dim3A_1 : vector<16xf32> to vector<16xf32>
    tpu.vector_store %arg14[%swap3A_96], %swap3A_99 {strides = array<i32>} : memref<640xf32, #tpu.memory_space<vmem>>, vector<16xf32>,
    %swap3A_100 = arith.constant 240 : index
    %swap3A_101 = tpu.vector_load %arg14[%swap3A_100] {strides = array<i32>} : memref<640xf32, #tpu.memory_space<vmem>>, vector<16xf32>,
    %swap3A_102 = vector.shape_cast %swap3A_101 : vector<16xf32> to vector<16xf32>
    %swap3A_103 = vector.shape_cast %broadcast_in_dim3A_1 : vector<16xf32> to vector<16xf32>
    tpu.vector_store %arg14[%swap3A_100], %swap3A_103 {strides = array<i32>} : memref<640xf32, #tpu.memory_space<vmem>>, vector<16xf32>,
    %swap3A_104 = arith.constant 256 : index
    %swap3A_105 = tpu.vector_load %arg14[%swap3A_104] {strides = array<i32>} : memref<640xf32, #tpu.memory_space<vmem>>, vector<16xf32>,
    %swap3A_106 = vector.shape_cast %swap3A_105 : vector<16xf32> to vector<16xf32>
    %swap3A_107 = vector.shape_cast %broadcast_in_dim3A_1 : vector<16xf32> to vector<16xf32>
    tpu.vector_store %arg14[%swap3A_104], %swap3A_107 {strides = array<i32>} : memref<640xf32, #tpu.memory_space<vmem>>, vector<16xf32>,
    %swap3A_108 = arith.constant 272 : index
    %swap3A_109 = tpu.vector_load %arg14[%swap3A_108] {strides = array<i32>} : memref<640xf32, #tpu.memory_space<vmem>>, vector<16xf32>,
    %swap3A_110 = vector.shape_cast %swap3A_109 : vector<16xf32> to vector<16xf32>
    %swap3A_111 = vector.shape_cast %broadcast_in_dim3A_1 : vector<16xf32> to vector<16xf32>
    tpu.vector_store %arg14[%swap3A_108], %swap3A_111 {strides = array<i32>} : memref<640xf32, #tpu.memory_space<vmem>>, vector<16xf32>,
    %swap3A_112 = arith.constant 288 : index
    %swap3A_113 = tpu.vector_load %arg14[%swap3A_112] {strides = array<i32>} : memref<640xf32, #tpu.memory_space<vmem>>, vector<16xf32>,
    %swap3A_114 = vector.shape_cast %swap3A_113 : vector<16xf32> to vector<16xf32>
    %swap3A_115 = vector.shape_cast %broadcast_in_dim3A_1 : vector<16xf32> to vector<16xf32>
    tpu.vector_store %arg14[%swap3A_112], %swap3A_115 {strides = array<i32>} : memref<640xf32, #tpu.memory_space<vmem>>, vector<16xf32>,
    %swap3A_116 = arith.constant 304 : index
    %swap3A_117 = tpu.vector_load %arg14[%swap3A_116] {strides = array<i32>} : memref<640xf32, #tpu.memory_space<vmem>>, vector<16xf32>,
    %swap3A_118 = vector.shape_cast %swap3A_117 : vector<16xf32> to vector<16xf32>
    %swap3A_119 = vector.shape_cast %broadcast_in_dim3A_1 : vector<16xf32> to vector<16xf32>
    tpu.vector_store %arg14[%swap3A_116], %swap3A_119 {strides = array<i32>} : memref<640xf32, #tpu.memory_space<vmem>>, vector<16xf32>,
    %swap3A_120 = arith.constant 320 : index
    %swap3A_121 = tpu.vector_load %arg14[%swap3A_120] {strides = array<i32>} : memref<640xf32, #tpu.memory_space<vmem>>, vector<16xf32>,
    %swap3A_122 = vector.shape_cast %swap3A_121 : vector<16xf32> to vector<16xf32>
    %swap3A_123 = vector.shape_cast %broadcast_in_dim3A_1 : vector<16xf32> to vector<16xf32>
    tpu.vector_store %arg14[%swap3A_120], %swap3A_123 {strides = array<i32>} : memref<640xf32, #tpu.memory_space<vmem>>, vector<16xf32>,
    %swap3A_124 = arith.constant 336 : index
    %swap3A_125 = tpu.vector_load %arg14[%swap3A_124] {strides = array<i32>} : memref<640xf32, #tpu.memory_space<vmem>>, vector<16xf32>,
    %swap3A_126 = vector.shape_cast %swap3A_125 : vector<16xf32> to vector<16xf32>
    %swap3A_127 = vector.shape_cast %broadcast_in_dim3A_1 : vector<16xf32> to vector<16xf32>
    tpu.vector_store %arg14[%swap3A_124], %swap3A_127 {strides = array<i32>} : memref<640xf32, #tpu.memory_space<vmem>>, vector<16xf32>,
    %swap3A_128 = arith.constant 352 : index
    %swap3A_129 = tpu.vector_load %arg14[%swap3A_128] {strides = array<i32>} : memref<640xf32, #tpu.memory_space<vmem>>, vector<16xf32>,
    %swap3A_130 = vector.shape_cast %swap3A_129 : vector<16xf32> to vector<16xf32>
    %swap3A_131 = vector.shape_cast %broadcast_in_dim3A_1 : vector<16xf32> to vector<16xf32>
    tpu.vector_store %arg14[%swap3A_128], %swap3A_131 {strides = array<i32>} : memref<640xf32, #tpu.memory_space<vmem>>, vector<16xf32>,
    %swap3A_132 = arith.constant 368 : index
    %swap3A_133 = tpu.vector_load %arg14[%swap3A_132] {strides = array<i32>} : memref<640xf32, #tpu.memory_space<vmem>>, vector<16xf32>,
    %swap3A_134 = vector.shape_cast %swap3A_133 : vector<16xf32> to vector<16xf32>
    %swap3A_135 = vector.shape_cast %broadcast_in_dim3A_1 : vector<16xf32> to vector<16xf32>
    tpu.vector_store %arg14[%swap3A_132], %swap3A_135 {strides = array<i32>} : memref<640xf32, #tpu.memory_space<vmem>>, vector<16xf32>,
    %swap3A_136 = arith.constant 384 : index
    %swap3A_137 = tpu.vector_load %arg14[%swap3A_136] {strides = array<i32>} : memref<640xf32, #tpu.memory_space<vmem>>, vector<16xf32>,
    %swap3A_138 = vector.shape_cast %swap3A_137 : vector<16xf32> to vector<16xf32>
    %swap3A_139 = vector.shape_cast %broadcast_in_dim3A_1 : vector<16xf32> to vector<16xf32>
    tpu.vector_store %arg14[%swap3A_136], %swap3A_139 {strides = array<i32>} : memref<640xf32, #tpu.memory_space<vmem>>, vector<16xf32>,
    %swap3A_140 = arith.constant 400 : index
    %swap3A_141 = tpu.vector_load %arg14[%swap3A_140] {strides = array<i32>} : memref<640xf32, #tpu.memory_space<vmem>>, vector<16xf32>,
    %swap3A_142 = vector.shape_cast %swap3A_141 : vector<16xf32> to vector<16xf32>
    %swap3A_143 = vector.shape_cast %broadcast_in_dim3A_1 : vector<16xf32> to vector<16xf32>
    tpu.vector_store %arg14[%swap3A_140], %swap3A_143 {strides = array<i32>} : memref<640xf32, #tpu.memory_space<vmem>>, vector<16xf32>,
    %swap3A_144 = arith.constant 416 : index
    %swap3A_145 = tpu.vector_load %arg14[%swap3A_144] {strides = array<i32>} : memref<640xf32, #tpu.memory_space<vmem>>, vector<16xf32>,
    %swap3A_146 = vector.shape_cast %swap3A_145 : vector<16xf32> to vector<16xf32>
    %swap3A_147 = vector.shape_cast %broadcast_in_dim3A_1 : vector<16xf32> to vector<16xf32>
    tpu.vector_store %arg14[%swap3A_144], %swap3A_147 {strides = array<i32>} : memref<640xf32, #tpu.memory_space<vmem>>, vector<16xf32>,
    %swap3A_148 = arith.constant 432 : index
    %swap3A_149 = tpu.vector_load %arg14[%swap3A_148] {strides = array<i32>} : memref<640xf32, #tpu.memory_space<vmem>>, vector<16xf32>,
    %swap3A_150 = vector.shape_cast %swap3A_149 : vector<16xf32> to vector<16xf32>
    %swap3A_151 = vector.shape_cast %broadcast_in_dim3A_1 : vector<16xf32> to vector<16xf32>
    tpu.vector_store %arg14[%swap3A_148], %swap3A_151 {strides = array<i32>} : memref<640xf32, #tpu.memory_space<vmem>>, vector<16xf32>,
    %swap3A_152 = arith.constant 448 : index
    %swap3A_153 = tpu.vector_load %arg14[%swap3A_152] {strides = array<i32>} : memref<640xf32, #tpu.memory_space<vmem>>, vector<16xf32>,
    %swap3A_154 = vector.shape_cast %swap3A_153 : vector<16xf32> to vector<16xf32>
    %swap3A_155 = vector.shape_cast %broadcast_in_dim3A_1 : vector<16xf32> to vector<16xf32>
    tpu.vector_store %arg14[%swap3A_152], %swap3A_155 {strides = array<i32>} : memref<640xf32, #tpu.memory_space<vmem>>, vector<16xf32>,
    %swap3A_156 = arith.constant 464 : index
    %swap3A_157 = tpu.vector_load %arg14[%swap3A_156] {strides = array<i32>} : memref<640xf32, #tpu.memory_space<vmem>>, vector<16xf32>,
    %swap3A_158 = vector.shape_cast %swap3A_157 : vector<16xf32> to vector<16xf32>
    %swap3A_159 = vector.shape_cast %broadcast_in_dim3A_1 : vector<16xf32> to vector<16xf32>
    tpu.vector_store %arg14[%swap3A_156], %swap3A_159 {strides = array<i32>} : memref<640xf32, #tpu.memory_space<vmem>>, vector<16xf32>,
    %swap3A_160 = arith.constant 480 : index
    %swap3A_161 = tpu.vector_load %arg14[%swap3A_160] {strides = array<i32>} : memref<640xf32, #tpu.memory_space<vmem>>, vector<16xf32>,
    %swap3A_162 = vector.shape_cast %swap3A_161 : vector<16xf32> to vector<16xf32>
    %swap3A_163 = vector.shape_cast %broadcast_in_dim3A_1 : vector<16xf32> to vector<16xf32>
    tpu.vector_store %arg14[%swap3A_160], %swap3A_163 {strides = array<i32>} : memref<640xf32, #tpu.memory_space<vmem>>, vector<16xf32>,
    %swap3A_164 = arith.constant 496 : index
    %swap3A_165 = tpu.vector_load %arg14[%swap3A_164] {strides = array<i32>} : memref<640xf32, #tpu.memory_space<vmem>>, vector<16xf32>,
    %swap3A_166 = vector.shape_cast %swap3A_165 : vector<16xf32> to vector<16xf32>
    %swap3A_167 = vector.shape_cast %broadcast_in_dim3A_1 : vector<16xf32> to vector<16xf32>
    tpu.vector_store %arg14[%swap3A_164], %swap3A_167 {strides = array<i32>} : memref<640xf32, #tpu.memory_space<vmem>>, vector<16xf32>,
    %swap3A_168 = arith.constant 512 : index
    %swap3A_169 = tpu.vector_load %arg14[%swap3A_168] {strides = array<i32>} : memref<640xf32, #tpu.memory_space<vmem>>, vector<16xf32>,
    %swap3A_170 = vector.shape_cast %swap3A_169 : vector<16xf32> to vector<16xf32>
    %swap3A_171 = vector.shape_cast %broadcast_in_dim3A_1 : vector<16xf32> to vector<16xf32>
    tpu.vector_store %arg14[%swap3A_168], %swap3A_171 {strides = array<i32>} : memref<640xf32, #tpu.memory_space<vmem>>, vector<16xf32>,
    %swap3A_172 = arith.constant 528 : index
    %swap3A_173 = tpu.vector_load %arg14[%swap3A_172] {strides = array<i32>} : memref<640xf32, #tpu.memory_space<vmem>>, vector<16xf32>,
    %swap3A_174 = vector.shape_cast %swap3A_173 : vector<16xf32> to vector<16xf32>
    %swap3A_175 = vector.shape_cast %broadcast_in_dim3A_1 : vector<16xf32> to vector<16xf32>
    tpu.vector_store %arg14[%swap3A_172], %swap3A_175 {strides = array<i32>} : memref<640xf32, #tpu.memory_space<vmem>>, vector<16xf32>,
    %swap3A_176 = arith.constant 544 : index
    %swap3A_177 = tpu.vector_load %arg14[%swap3A_176] {strides = array<i32>} : memref<640xf32, #tpu.memory_space<vmem>>, vector<16xf32>,
    %swap3A_178 = vector.shape_cast %swap3A_177 : vector<16xf32> to vector<16xf32>
    %swap3A_179 = vector.shape_cast %broadcast_in_dim3A_1 : vector<16xf32> to vector<16xf32>
    tpu.vector_store %arg14[%swap3A_176], %swap3A_179 {strides = array<i32>} : memref<640xf32, #tpu.memory_space<vmem>>, vector<16xf32>,
    %swap3A_180 = arith.constant 560 : index
    %swap3A_181 = tpu.vector_load %arg14[%swap3A_180] {strides = array<i32>} : memref<640xf32, #tpu.memory_space<vmem>>, vector<16xf32>,
    %swap3A_182 = vector.shape_cast %swap3A_181 : vector<16xf32> to vector<16xf32>
    %swap3A_183 = vector.shape_cast %broadcast_in_dim3A_1 : vector<16xf32> to vector<16xf32>
    tpu.vector_store %arg14[%swap3A_180], %swap3A_183 {strides = array<i32>} : memref<640xf32, #tpu.memory_space<vmem>>, vector<16xf32>,
    %swap3A_184 = arith.constant 576 : index
    %swap3A_185 = tpu.vector_load %arg14[%swap3A_184] {strides = array<i32>} : memref<640xf32, #tpu.memory_space<vmem>>, vector<16xf32>,
    %swap3A_186 = vector.shape_cast %swap3A_185 : vector<16xf32> to vector<16xf32>
    %swap3A_187 = vector.shape_cast %broadcast_in_dim3A_1 : vector<16xf32> to vector<16xf32>
    tpu.vector_store %arg14[%swap3A_184], %swap3A_187 {strides = array<i32>} : memref<640xf32, #tpu.memory_space<vmem>>, vector<16xf32>,
    %swap3A_188 = arith.constant 592 : index
    %swap3A_189 = tpu.vector_load %arg14[%swap3A_188] {strides = array<i32>} : memref<640xf32, #tpu.memory_space<vmem>>, vector<16xf32>,
    %swap3A_190 = vector.shape_cast %swap3A_189 : vector<16xf32> to vector<16xf32>
    %swap3A_191 = vector.shape_cast %broadcast_in_dim3A_1 : vector<16xf32> to vector<16xf32>
    tpu.vector_store %arg14[%swap3A_188], %swap3A_191 {strides = array<i32>} : memref<640xf32, #tpu.memory_space<vmem>>, vector<16xf32>,
    %swap3A_192 = arith.constant 608 : index
    %swap3A_193 = tpu.vector_load %arg14[%swap3A_192] {strides = array<i32>} : memref<640xf32, #tpu.memory_space<vmem>>, vector<16xf32>,
    %swap3A_194 = vector.shape_cast %swap3A_193 : vector<16xf32> to vector<16xf32>
    %swap3A_195 = vector.shape_cast %broadcast_in_dim3A_1 : vector<16xf32> to vector<16xf32>
    tpu.vector_store %arg14[%swap3A_192], %swap3A_195 {strides = array<i32>} : memref<640xf32, #tpu.memory_space<vmem>>, vector<16xf32>,
    %swap3A_196 = arith.constant 624 : index
    %swap3A_197 = tpu.vector_load %arg14[%swap3A_196] {strides = array<i32>} : memref<640xf32, #tpu.memory_space<vmem>>, vector<16xf32>,
    %swap3A_198 = vector.shape_cast %swap3A_197 : vector<16xf32> to vector<16xf32>
    %swap3A_199 = vector.shape_cast %broadcast_in_dim3A_1 : vector<16xf32> to vector<16xf32>
    tpu.vector_store %arg14[%swap3A_196], %swap3A_199 {strides = array<i32>} : memref<640xf32, #tpu.memory_space<vmem>>, vector<16xf32>,
    %mul3A_200 = arith.constant 632 : i32
    %mul3A_201 = arith.muli %arg1, %mul3A_200 : i32
    %mul3A_202 = arith.constant 640 : i32
    %mul3A_203 = arith.muli %arg1, %mul3A_202 : i32
    %add3A_204 = arith.constant 0 : i32
    %add3A_205 = arith.addi %mul3A_201, %add3A_204 : i32
    "tpu.region"() ({
      %run_scoped3A = tpu.sem_alloc : memref<!tpu.dma_semaphore, #tpu.memory_space<semaphore_mem>>
      %dma_start3A = arith.constant 0 : i32
      %dma_start3A_465 = tpu.memref_slice %arg15[%add3A_205, %dma_start3A] : memref<10000x128xf32, #tpu.memory_space<vmem_shared>> -> memref<128x128xf32, #tpu.memory_space<vmem_shared>>
      %dma_start3A_466 = arith.constant 0 : i32
      %dma_start3A_467 = tpu.memref_slice %arg15[%add3A_205, %dma_start3A_466] : memref<10000x128xf32, #tpu.memory_space<vmem_shared>> -> memref<128x128xf32, #tpu.memory_space<vmem_shared>>
      tpu.enqueue_dma source(%arg11 : memref<128x128xf32, #tpu.memory_space<vmem>>) target(%dma_start3A_467 : memref<128x128xf32, #tpu.memory_space<vmem_shared>>) target_semaphore(%run_scoped3A : memref<!tpu.dma_semaphore, #tpu.memory_space<semaphore_mem>>)
      %dma_wait3A = arith.constant 0 : i32
      %dma_wait3A_468 = tpu.memref_slice %arg15[%add3A_205, %dma_wait3A] : memref<10000x128xf32, #tpu.memory_space<vmem_shared>> -> memref<128x128xf32, #tpu.memory_space<vmem_shared>>
      %dma_wait3A_469 = arith.constant 0 : i32
      %dma_wait3A_470 = tpu.memref_slice %arg15[%add3A_205, %dma_wait3A_469] : memref<10000x128xf32, #tpu.memory_space<vmem_shared>> -> memref<128x128xf32, #tpu.memory_space<vmem_shared>>
      tpu.wait_dma2 semaphore(%run_scoped3A : memref<!tpu.dma_semaphore, #tpu.memory_space<semaphore_mem>>) src(%arg11 : memref<128x128xf32, #tpu.memory_space<vmem>>) dst(%dma_wait3A_470 : memref<128x128xf32, #tpu.memory_space<vmem_shared>>)
      tpu.yield
    }) : () -> ()
    %add3A_206 = arith.constant 128 : i32
    %add3A_207 = arith.addi %mul3A_201, %add3A_206 : i32
    "tpu.region"() ({
      %run_scoped3A = tpu.sem_alloc : memref<!tpu.dma_semaphore, #tpu.memory_space<semaphore_mem>>
      %dma_start3A = arith.constant 0 : i32
      %dma_start3A_465 = tpu.memref_slice %arg15[%add3A_207, %dma_start3A] : memref<10000x128xf32, #tpu.memory_space<vmem_shared>> -> memref<128x128xf32, #tpu.memory_space<vmem_shared>>
      %dma_start3A_466 = arith.constant 0 : i32
      %dma_start3A_467 = tpu.memref_slice %arg15[%add3A_207, %dma_start3A_466] : memref<10000x128xf32, #tpu.memory_space<vmem_shared>> -> memref<128x128xf32, #tpu.memory_space<vmem_shared>>
      tpu.enqueue_dma source(%arg11 : memref<128x128xf32, #tpu.memory_space<vmem>>) target(%dma_start3A_467 : memref<128x128xf32, #tpu.memory_space<vmem_shared>>) target_semaphore(%run_scoped3A : memref<!tpu.dma_semaphore, #tpu.memory_space<semaphore_mem>>)
      %dma_wait3A = arith.constant 0 : i32
      %dma_wait3A_468 = tpu.memref_slice %arg15[%add3A_207, %dma_wait3A] : memref<10000x128xf32, #tpu.memory_space<vmem_shared>> -> memref<128x128xf32, #tpu.memory_space<vmem_shared>>
      %dma_wait3A_469 = arith.constant 0 : i32
      %dma_wait3A_470 = tpu.memref_slice %arg15[%add3A_207, %dma_wait3A_469] : memref<10000x128xf32, #tpu.memory_space<vmem_shared>> -> memref<128x128xf32, #tpu.memory_space<vmem_shared>>
      tpu.wait_dma2 semaphore(%run_scoped3A : memref<!tpu.dma_semaphore, #tpu.memory_space<semaphore_mem>>) src(%arg11 : memref<128x128xf32, #tpu.memory_space<vmem>>) dst(%dma_wait3A_470 : memref<128x128xf32, #tpu.memory_space<vmem_shared>>)
      tpu.yield
    }) : () -> ()
    %add3A_208 = arith.constant 256 : i32
    %add3A_209 = arith.addi %mul3A_201, %add3A_208 : i32
    "tpu.region"() ({
      %run_scoped3A = tpu.sem_alloc : memref<!tpu.dma_semaphore, #tpu.memory_space<semaphore_mem>>
      %dma_start3A = arith.constant 0 : i32
      %dma_start3A_465 = tpu.memref_slice %arg15[%add3A_209, %dma_start3A] : memref<10000x128xf32, #tpu.memory_space<vmem_shared>> -> memref<128x128xf32, #tpu.memory_space<vmem_shared>>
      %dma_start3A_466 = arith.constant 0 : i32
      %dma_start3A_467 = tpu.memref_slice %arg15[%add3A_209, %dma_start3A_466] : memref<10000x128xf32, #tpu.memory_space<vmem_shared>> -> memref<128x128xf32, #tpu.memory_space<vmem_shared>>
      tpu.enqueue_dma source(%arg11 : memref<128x128xf32, #tpu.memory_space<vmem>>) target(%dma_start3A_467 : memref<128x128xf32, #tpu.memory_space<vmem_shared>>) target_semaphore(%run_scoped3A : memref<!tpu.dma_semaphore, #tpu.memory_space<semaphore_mem>>)
      %dma_wait3A = arith.constant 0 : i32
      %dma_wait3A_468 = tpu.memref_slice %arg15[%add3A_209, %dma_wait3A] : memref<10000x128xf32, #tpu.memory_space<vmem_shared>> -> memref<128x128xf32, #tpu.memory_space<vmem_shared>>
      %dma_wait3A_469 = arith.constant 0 : i32
      %dma_wait3A_470 = tpu.memref_slice %arg15[%add3A_209, %dma_wait3A_469] : memref<10000x128xf32, #tpu.memory_space<vmem_shared>> -> memref<128x128xf32, #tpu.memory_space<vmem_shared>>
      tpu.wait_dma2 semaphore(%run_scoped3A : memref<!tpu.dma_semaphore, #tpu.memory_space<semaphore_mem>>) src(%arg11 : memref<128x128xf32, #tpu.memory_space<vmem>>) dst(%dma_wait3A_470 : memref<128x128xf32, #tpu.memory_space<vmem_shared>>)
      tpu.yield
    }) : () -> ()
    %add3A_210 = arith.constant 384 : i32
    %add3A_211 = arith.addi %mul3A_201, %add3A_210 : i32
    "tpu.region"() ({
      %run_scoped3A = tpu.sem_alloc : memref<!tpu.dma_semaphore, #tpu.memory_space<semaphore_mem>>
      %dma_start3A = arith.constant 0 : i32
      %dma_start3A_465 = tpu.memref_slice %arg15[%add3A_211, %dma_start3A] : memref<10000x128xf32, #tpu.memory_space<vmem_shared>> -> memref<128x128xf32, #tpu.memory_space<vmem_shared>>
      %dma_start3A_466 = arith.constant 0 : i32
      %dma_start3A_467 = tpu.memref_slice %arg15[%add3A_211, %dma_start3A_466] : memref<10000x128xf32, #tpu.memory_space<vmem_shared>> -> memref<128x128xf32, #tpu.memory_space<vmem_shared>>
      tpu.enqueue_dma source(%arg11 : memref<128x128xf32, #tpu.memory_space<vmem>>) target(%dma_start3A_467 : memref<128x128xf32, #tpu.memory_space<vmem_shared>>) target_semaphore(%run_scoped3A : memref<!tpu.dma_semaphore, #tpu.memory_space<semaphore_mem>>)
      %dma_wait3A = arith.constant 0 : i32
      %dma_wait3A_468 = tpu.memref_slice %arg15[%add3A_211, %dma_wait3A] : memref<10000x128xf32, #tpu.memory_space<vmem_shared>> -> memref<128x128xf32, #tpu.memory_space<vmem_shared>>
      %dma_wait3A_469 = arith.constant 0 : i32
      %dma_wait3A_470 = tpu.memref_slice %arg15[%add3A_211, %dma_wait3A_469] : memref<10000x128xf32, #tpu.memory_space<vmem_shared>> -> memref<128x128xf32, #tpu.memory_space<vmem_shared>>
      tpu.wait_dma2 semaphore(%run_scoped3A : memref<!tpu.dma_semaphore, #tpu.memory_space<semaphore_mem>>) src(%arg11 : memref<128x128xf32, #tpu.memory_space<vmem>>) dst(%dma_wait3A_470 : memref<128x128xf32, #tpu.memory_space<vmem_shared>>)
      tpu.yield
    }) : () -> ()
    %lt3A = arith.constant 15 : i32
    %lt3A_212 = arith.cmpi slt, %arg1, %lt3A : i32
    %convert_element_type3A = arith.extui %lt3A_212 : i1 to i32
    %cond3A = arith.constant 0 : i32
    %cond3A_213 = arith.cmpi ne, %convert_element_type3A, %cond3A : i32
    scf.if %cond3A_213 {
      %add3A_465 = arith.constant 512 : i32
      %add3A_466 = arith.addi %mul3A_201, %add3A_465 : i32
      "tpu.region"() ({
        %run_scoped3A = tpu.sem_alloc : memref<!tpu.dma_semaphore, #tpu.memory_space<semaphore_mem>>
        %dma_start3A = arith.constant 0 : i32
        %dma_start3A_467 = arith.constant 0 : i32
        %dma_start3A_468 = tpu.memref_slice %arg11[%dma_start3A, %dma_start3A_467] : memref<128x128xf32, #tpu.memory_space<vmem>> -> memref<120x128xf32, #tpu.memory_space<vmem>>
        %dma_start3A_469 = arith.constant 0 : i32
        %dma_start3A_470 = tpu.memref_slice %arg15[%add3A_466, %dma_start3A_469] : memref<10000x128xf32, #tpu.memory_space<vmem_shared>> -> memref<120x128xf32, #tpu.memory_space<vmem_shared>>
        %dma_start3A_471 = arith.constant 0 : i32
        %dma_start3A_472 = tpu.memref_slice %arg15[%add3A_466, %dma_start3A_471] : memref<10000x128xf32, #tpu.memory_space<vmem_shared>> -> memref<120x128xf32, #tpu.memory_space<vmem_shared>>
        %dma_start3A_473 = arith.constant 0 : i32
        %dma_start3A_474 = arith.constant 0 : i32
        %dma_start3A_475 = tpu.memref_slice %arg11[%dma_start3A_473, %dma_start3A_474] : memref<128x128xf32, #tpu.memory_space<vmem>> -> memref<120x128xf32, #tpu.memory_space<vmem>>
        tpu.enqueue_dma source(%dma_start3A_475 : memref<120x128xf32, #tpu.memory_space<vmem>>) target(%dma_start3A_472 : memref<120x128xf32, #tpu.memory_space<vmem_shared>>) target_semaphore(%run_scoped3A : memref<!tpu.dma_semaphore, #tpu.memory_space<semaphore_mem>>)
        %dma_wait3A = arith.constant 0 : i32
        %dma_wait3A_476 = arith.constant 0 : i32
        %dma_wait3A_477 = tpu.memref_slice %arg11[%dma_wait3A, %dma_wait3A_476] : memref<128x128xf32, #tpu.memory_space<vmem>> -> memref<120x128xf32, #tpu.memory_space<vmem>>
        %dma_wait3A_478 = arith.constant 0 : i32
        %dma_wait3A_479 = tpu.memref_slice %arg15[%add3A_466, %dma_wait3A_478] : memref<10000x128xf32, #tpu.memory_space<vmem_shared>> -> memref<120x128xf32, #tpu.memory_space<vmem_shared>>
        %dma_wait3A_480 = arith.constant 0 : i32
        %dma_wait3A_481 = tpu.memref_slice %arg15[%add3A_466, %dma_wait3A_480] : memref<10000x128xf32, #tpu.memory_space<vmem_shared>> -> memref<120x128xf32, #tpu.memory_space<vmem_shared>>
        %dma_wait3A_482 = arith.constant 0 : i32
        %dma_wait3A_483 = arith.constant 0 : i32
        %dma_wait3A_484 = tpu.memref_slice %arg11[%dma_wait3A_482, %dma_wait3A_483] : memref<128x128xf32, #tpu.memory_space<vmem>> -> memref<120x128xf32, #tpu.memory_space<vmem>>
        tpu.wait_dma2 semaphore(%run_scoped3A : memref<!tpu.dma_semaphore, #tpu.memory_space<semaphore_mem>>) src(%dma_wait3A_484 : memref<120x128xf32, #tpu.memory_space<vmem>>) dst(%dma_wait3A_481 : memref<120x128xf32, #tpu.memory_space<vmem_shared>>)
        tpu.yield
      }) : () -> ()
      "tpu.region"() ({
        %run_scoped3A = tpu.sem_alloc : memref<!tpu.dma_semaphore, #tpu.memory_space<semaphore_mem>>
        %dma_start3A = tpu.memref_slice %arg16[%mul3A_203] : memref<10000xf32, #tpu.memory_space<vmem_shared>> -> memref<640xf32, #tpu.memory_space<vmem_shared>>
        %dma_start3A_467 = tpu.memref_slice %arg16[%mul3A_203] : memref<10000xf32, #tpu.memory_space<vmem_shared>> -> memref<640xf32, #tpu.memory_space<vmem_shared>>
        tpu.enqueue_dma source(%arg14 : memref<640xf32, #tpu.memory_space<vmem>>) target(%dma_start3A_467 : memref<640xf32, #tpu.memory_space<vmem_shared>>) target_semaphore(%run_scoped3A : memref<!tpu.dma_semaphore, #tpu.memory_space<semaphore_mem>>)
        %dma_wait3A = tpu.memref_slice %arg16[%mul3A_203] : memref<10000xf32, #tpu.memory_space<vmem_shared>> -> memref<640xf32, #tpu.memory_space<vmem_shared>>
        %dma_wait3A_468 = tpu.memref_slice %arg16[%mul3A_203] : memref<10000xf32, #tpu.memory_space<vmem_shared>> -> memref<640xf32, #tpu.memory_space<vmem_shared>>
        tpu.wait_dma2 semaphore(%run_scoped3A : memref<!tpu.dma_semaphore, #tpu.memory_space<semaphore_mem>>) src(%arg14 : memref<640xf32, #tpu.memory_space<vmem>>) dst(%dma_wait3A_468 : memref<640xf32, #tpu.memory_space<vmem_shared>>)
        tpu.yield
      }) : () -> ()
    } else {
    }
    %eq3A = arith.constant 15 : i32
    %eq3A_214 = arith.cmpi eq, %arg1, %eq3A : i32
    %convert_element_type3A_215 = arith.extui %eq3A_214 : i1 to i32
    %cond3A_216 = arith.constant 0 : i32
    %cond3A_217 = arith.cmpi ne, %convert_element_type3A_215, %cond3A_216 : i32
    scf.if %cond3A_217 {
      %add3A_465 = arith.constant 512 : i32
      %add3A_466 = arith.addi %mul3A_201, %add3A_465 : i32
      "tpu.region"() ({
        %run_scoped3A = tpu.sem_alloc : memref<!tpu.dma_semaphore, #tpu.memory_space<semaphore_mem>>
        %dma_start3A = arith.constant 0 : i32
        %dma_start3A_467 = arith.constant 0 : i32
        %dma_start3A_468 = tpu.memref_slice %arg11[%dma_start3A, %dma_start3A_467] : memref<128x128xf32, #tpu.memory_space<vmem>> -> memref<8x128xf32, #tpu.memory_space<vmem>>
        %dma_start3A_469 = arith.constant 0 : i32
        %dma_start3A_470 = tpu.memref_slice %arg15[%add3A_466, %dma_start3A_469] : memref<10000x128xf32, #tpu.memory_space<vmem_shared>> -> memref<8x128xf32, #tpu.memory_space<vmem_shared>>
        %dma_start3A_471 = arith.constant 0 : i32
        %dma_start3A_472 = tpu.memref_slice %arg15[%add3A_466, %dma_start3A_471] : memref<10000x128xf32, #tpu.memory_space<vmem_shared>> -> memref<8x128xf32, #tpu.memory_space<vmem_shared>>
        %dma_start3A_473 = arith.constant 0 : i32
        %dma_start3A_474 = arith.constant 0 : i32
        %dma_start3A_475 = tpu.memref_slice %arg11[%dma_start3A_473, %dma_start3A_474] : memref<128x128xf32, #tpu.memory_space<vmem>> -> memref<8x128xf32, #tpu.memory_space<vmem>>
        tpu.enqueue_dma source(%dma_start3A_475 : memref<8x128xf32, #tpu.memory_space<vmem>>) target(%dma_start3A_472 : memref<8x128xf32, #tpu.memory_space<vmem_shared>>) target_semaphore(%run_scoped3A : memref<!tpu.dma_semaphore, #tpu.memory_space<semaphore_mem>>)
        %dma_wait3A = arith.constant 0 : i32
        %dma_wait3A_476 = arith.constant 0 : i32
        %dma_wait3A_477 = tpu.memref_slice %arg11[%dma_wait3A, %dma_wait3A_476] : memref<128x128xf32, #tpu.memory_space<vmem>> -> memref<8x128xf32, #tpu.memory_space<vmem>>
        %dma_wait3A_478 = arith.constant 0 : i32
        %dma_wait3A_479 = tpu.memref_slice %arg15[%add3A_466, %dma_wait3A_478] : memref<10000x128xf32, #tpu.memory_space<vmem_shared>> -> memref<8x128xf32, #tpu.memory_space<vmem_shared>>
        %dma_wait3A_480 = arith.constant 0 : i32
        %dma_wait3A_481 = tpu.memref_slice %arg15[%add3A_466, %dma_wait3A_480] : memref<10000x128xf32, #tpu.memory_space<vmem_shared>> -> memref<8x128xf32, #tpu.memory_space<vmem_shared>>
        %dma_wait3A_482 = arith.constant 0 : i32
        %dma_wait3A_483 = arith.constant 0 : i32
        %dma_wait3A_484 = tpu.memref_slice %arg11[%dma_wait3A_482, %dma_wait3A_483] : memref<128x128xf32, #tpu.memory_space<vmem>> -> memref<8x128xf32, #tpu.memory_space<vmem>>
        tpu.wait_dma2 semaphore(%run_scoped3A : memref<!tpu.dma_semaphore, #tpu.memory_space<semaphore_mem>>) src(%dma_wait3A_484 : memref<8x128xf32, #tpu.memory_space<vmem>>) dst(%dma_wait3A_481 : memref<8x128xf32, #tpu.memory_space<vmem_shared>>)
        tpu.yield
      }) : () -> ()
      "tpu.region"() ({
        %run_scoped3A = tpu.sem_alloc : memref<!tpu.dma_semaphore, #tpu.memory_space<semaphore_mem>>
        %dma_start3A = arith.constant 0 : i32
        %dma_start3A_467 = tpu.memref_slice %arg14[%dma_start3A] : memref<640xf32, #tpu.memory_space<vmem>> -> memref<400xf32, #tpu.memory_space<vmem>>
        %dma_start3A_468 = tpu.memref_slice %arg16[%mul3A_203] : memref<10000xf32, #tpu.memory_space<vmem_shared>> -> memref<400xf32, #tpu.memory_space<vmem_shared>>
        %dma_start3A_469 = tpu.memref_slice %arg16[%mul3A_203] : memref<10000xf32, #tpu.memory_space<vmem_shared>> -> memref<400xf32, #tpu.memory_space<vmem_shared>>
        %dma_start3A_470 = arith.constant 0 : i32
        %dma_start3A_471 = tpu.memref_slice %arg14[%dma_start3A_470] : memref<640xf32, #tpu.memory_space<vmem>> -> memref<400xf32, #tpu.memory_space<vmem>>
        tpu.enqueue_dma source(%dma_start3A_471 : memref<400xf32, #tpu.memory_space<vmem>>) target(%dma_start3A_469 : memref<400xf32, #tpu.memory_space<vmem_shared>>) target_semaphore(%run_scoped3A : memref<!tpu.dma_semaphore, #tpu.memory_space<semaphore_mem>>)
        %dma_wait3A = arith.constant 0 : i32
        %dma_wait3A_472 = tpu.memref_slice %arg14[%dma_wait3A] : memref<640xf32, #tpu.memory_space<vmem>> -> memref<400xf32, #tpu.memory_space<vmem>>
        %dma_wait3A_473 = tpu.memref_slice %arg16[%mul3A_203] : memref<10000xf32, #tpu.memory_space<vmem_shared>> -> memref<400xf32, #tpu.memory_space<vmem_shared>>
        %dma_wait3A_474 = tpu.memref_slice %arg16[%mul3A_203] : memref<10000xf32, #tpu.memory_space<vmem_shared>> -> memref<400xf32, #tpu.memory_space<vmem_shared>>
        %dma_wait3A_475 = arith.constant 0 : i32
        %dma_wait3A_476 = tpu.memref_slice %arg14[%dma_wait3A_475] : memref<640xf32, #tpu.memory_space<vmem>> -> memref<400xf32, #tpu.memory_space<vmem>>
        tpu.wait_dma2 semaphore(%run_scoped3A : memref<!tpu.dma_semaphore, #tpu.memory_space<semaphore_mem>>) src(%dma_wait3A_476 : memref<400xf32, #tpu.memory_space<vmem>>) dst(%dma_wait3A_474 : memref<400xf32, #tpu.memory_space<vmem_shared>>)
        tpu.yield
      }) : () -> ()
    } else {
    }
    %barrier3A = arith.constant 0 : index
    tpu.barrier barrier_id(%barrier3A)
    %lt3A_218 = arith.constant 156 : i32
    %lt3A_219 = arith.cmpi slt, %add3A, %lt3A_218 : i32
    %convert_element_type3A_220 = arith.extui %lt3A_219 : i1 to i32
    %cond3A_221 = arith.constant 0 : i32
    %cond3A_222 = arith.cmpi ne, %convert_element_type3A_220, %cond3A_221 : i32
    scf.if %cond3A_222 {
      %mul3A_465 = arith.constant 16 : i32
      %mul3A_466 = arith.muli %add3A, %mul3A_465 : i32
      %dma_start3A = arith.constant 0 : i32
      %dma_start3A_467 = tpu.memref_slice %arg3[%mul3A_466, %dma_start3A] : memref<2500x128xi32, #tpu.memory_space<hbm>> -> memref<16x128xi32, #tpu.memory_space<hbm>>
      %dma_start3A_468 = arith.constant 0 : i32
      %dma_start3A_469 = tpu.memref_slice %arg3[%mul3A_466, %dma_start3A_468] : memref<2500x128xi32, #tpu.memory_space<hbm>> -> memref<16x128xi32, #tpu.memory_space<hbm>>
      tpu.enqueue_dma source(%dma_start3A_469 : memref<16x128xi32, #tpu.memory_space<hbm>>) target(%arg7 : memref<16x128xi32, #tpu.memory_space<vmem>>) target_semaphore(%arg17 : memref<!tpu.dma_semaphore, #tpu.memory_space<semaphore_mem>>)
      %mul3A_470 = arith.constant 16 : i32
      %mul3A_471 = arith.muli %add3A, %mul3A_470 : i32
      %dma_start3A_472 = arith.constant 0 : i32
      %dma_start3A_473 = tpu.memref_slice %arg4[%mul3A_471, %dma_start3A_472] : memref<2500x128xi32, #tpu.memory_space<hbm>> -> memref<16x128xi32, #tpu.memory_space<hbm>>
      %dma_start3A_474 = arith.constant 0 : i32
      %dma_start3A_475 = tpu.memref_slice %arg4[%mul3A_471, %dma_start3A_474] : memref<2500x128xi32, #tpu.memory_space<hbm>> -> memref<16x128xi32, #tpu.memory_space<hbm>>
      tpu.enqueue_dma source(%dma_start3A_475 : memref<16x128xi32, #tpu.memory_space<hbm>>) target(%arg9 : memref<16x128xi32, #tpu.memory_space<vmem>>) target_semaphore(%arg17 : memref<!tpu.dma_semaphore, #tpu.memory_space<semaphore_mem>>)
    } else {
    }
    %eq3A_223 = arith.constant 156 : i32
    %eq3A_224 = arith.cmpi eq, %add3A, %eq3A_223 : i32
    %convert_element_type3A_225 = arith.extui %eq3A_224 : i1 to i32
    %cond3A_226 = arith.constant 0 : i32
    %cond3A_227 = arith.cmpi ne, %convert_element_type3A_225, %cond3A_226 : i32
    scf.if %cond3A_227 {
      %mul3A_465 = arith.constant 16 : i32
      %mul3A_466 = arith.muli %add3A, %mul3A_465 : i32
      %dma_start3A = arith.constant 0 : i32
      %dma_start3A_467 = arith.constant 0 : i32
      %dma_start3A_468 = tpu.memref_slice %arg7[%dma_start3A, %dma_start3A_467] : memref<16x128xi32, #tpu.memory_space<vmem>> -> memref<4x128xi32, #tpu.memory_space<vmem>>
      %dma_start3A_469 = arith.constant 0 : i32
      %dma_start3A_470 = tpu.memref_slice %arg3[%mul3A_466, %dma_start3A_469] : memref<2500x128xi32, #tpu.memory_space<hbm>> -> memref<4x128xi32, #tpu.memory_space<hbm>>
      %dma_start3A_471 = arith.constant 0 : i32
      %dma_start3A_472 = arith.constant 0 : i32
      %dma_start3A_473 = tpu.memref_slice %arg7[%dma_start3A_471, %dma_start3A_472] : memref<16x128xi32, #tpu.memory_space<vmem>> -> memref<4x128xi32, #tpu.memory_space<vmem>>
      %dma_start3A_474 = arith.constant 0 : i32
      %dma_start3A_475 = tpu.memref_slice %arg3[%mul3A_466, %dma_start3A_474] : memref<2500x128xi32, #tpu.memory_space<hbm>> -> memref<4x128xi32, #tpu.memory_space<hbm>>
      tpu.enqueue_dma source(%dma_start3A_475 : memref<4x128xi32, #tpu.memory_space<hbm>>) target(%dma_start3A_473 : memref<4x128xi32, #tpu.memory_space<vmem>>) target_semaphore(%arg17 : memref<!tpu.dma_semaphore, #tpu.memory_space<semaphore_mem>>)
      %mul3A_476 = arith.constant 16 : i32
      %mul3A_477 = arith.muli %add3A, %mul3A_476 : i32
      %dma_start3A_478 = arith.constant 0 : i32
      %dma_start3A_479 = arith.constant 0 : i32
      %dma_start3A_480 = tpu.memref_slice %arg9[%dma_start3A_478, %dma_start3A_479] : memref<16x128xi32, #tpu.memory_space<vmem>> -> memref<4x128xi32, #tpu.memory_space<vmem>>
      %dma_start3A_481 = arith.constant 0 : i32
      %dma_start3A_482 = tpu.memref_slice %arg4[%mul3A_477, %dma_start3A_481] : memref<2500x128xi32, #tpu.memory_space<hbm>> -> memref<4x128xi32, #tpu.memory_space<hbm>>
      %dma_start3A_483 = arith.constant 0 : i32
      %dma_start3A_484 = arith.constant 0 : i32
      %dma_start3A_485 = tpu.memref_slice %arg9[%dma_start3A_483, %dma_start3A_484] : memref<16x128xi32, #tpu.memory_space<vmem>> -> memref<4x128xi32, #tpu.memory_space<vmem>>
      %dma_start3A_486 = arith.constant 0 : i32
      %dma_start3A_487 = tpu.memref_slice %arg4[%mul3A_477, %dma_start3A_486] : memref<2500x128xi32, #tpu.memory_space<hbm>> -> memref<4x128xi32, #tpu.memory_space<hbm>>
      tpu.enqueue_dma source(%dma_start3A_487 : memref<4x128xi32, #tpu.memory_space<hbm>>) target(%dma_start3A_485 : memref<4x128xi32, #tpu.memory_space<vmem>>) target_semaphore(%arg17 : memref<!tpu.dma_semaphore, #tpu.memory_space<semaphore_mem>>)
    } else {
    }
    %lt3A_228 = arith.constant 156 : i32
    %lt3A_229 = arith.cmpi slt, %add3A, %lt3A_228 : i32
    %convert_element_type3A_230 = arith.extui %lt3A_229 : i1 to i32
    %cond3A_231 = arith.constant 0 : i32
    %cond3A_232 = arith.cmpi ne, %convert_element_type3A_230, %cond3A_231 : i32
    scf.if %cond3A_232 {
      %dma_wait3A = arith.constant 0 : i32
      %dma_wait3A_465 = arith.constant 0 : i32
      %dma_wait3A_466 = tpu.memref_slice %arg3[%dma_wait3A, %dma_wait3A_465] : memref<2500x128xi32, #tpu.memory_space<hbm>> -> memref<16x128xi32, #tpu.memory_space<hbm>>
      %dma_wait3A_467 = arith.constant 0 : i32
      %dma_wait3A_468 = arith.constant 0 : i32
      %dma_wait3A_469 = tpu.memref_slice %arg3[%dma_wait3A_467, %dma_wait3A_468] : memref<2500x128xi32, #tpu.memory_space<hbm>> -> memref<16x128xi32, #tpu.memory_space<hbm>>
      tpu.wait_dma2 semaphore(%arg17 : memref<!tpu.dma_semaphore, #tpu.memory_space<semaphore_mem>>) src(%dma_wait3A_469 : memref<16x128xi32, #tpu.memory_space<hbm>>) dst(%arg7 : memref<16x128xi32, #tpu.memory_space<vmem>>)
      %dma_wait3A_470 = arith.constant 0 : i32
      %dma_wait3A_471 = arith.constant 0 : i32
      %dma_wait3A_472 = tpu.memref_slice %arg3[%dma_wait3A_470, %dma_wait3A_471] : memref<2500x128xi32, #tpu.memory_space<hbm>> -> memref<16x128xi32, #tpu.memory_space<hbm>>
      %dma_wait3A_473 = arith.constant 0 : i32
      %dma_wait3A_474 = arith.constant 0 : i32
      %dma_wait3A_475 = tpu.memref_slice %arg3[%dma_wait3A_473, %dma_wait3A_474] : memref<2500x128xi32, #tpu.memory_space<hbm>> -> memref<16x128xi32, #tpu.memory_space<hbm>>
      tpu.wait_dma2 semaphore(%arg17 : memref<!tpu.dma_semaphore, #tpu.memory_space<semaphore_mem>>) src(%dma_wait3A_475 : memref<16x128xi32, #tpu.memory_space<hbm>>) dst(%arg9 : memref<16x128xi32, #tpu.memory_space<vmem>>)
    } else {
    }
    %eq3A_233 = arith.constant 156 : i32
    %eq3A_234 = arith.cmpi eq, %add3A, %eq3A_233 : i32
    %convert_element_type3A_235 = arith.extui %eq3A_234 : i1 to i32
    %cond3A_236 = arith.constant 0 : i32
    %cond3A_237 = arith.cmpi ne, %convert_element_type3A_235, %cond3A_236 : i32
    scf.if %cond3A_237 {
      %dma_wait3A = arith.constant 0 : i32
      %dma_wait3A_465 = arith.constant 0 : i32
      %dma_wait3A_466 = tpu.memref_slice %arg7[%dma_wait3A, %dma_wait3A_465] : memref<16x128xi32, #tpu.memory_space<vmem>> -> memref<4x128xi32, #tpu.memory_space<vmem>>
      %dma_wait3A_467 = arith.constant 0 : i32
      %dma_wait3A_468 = arith.constant 0 : i32
      %dma_wait3A_469 = tpu.memref_slice %arg3[%dma_wait3A_467, %dma_wait3A_468] : memref<2500x128xi32, #tpu.memory_space<hbm>> -> memref<4x128xi32, #tpu.memory_space<hbm>>
      %dma_wait3A_470 = arith.constant 0 : i32
      %dma_wait3A_471 = arith.constant 0 : i32
      %dma_wait3A_472 = tpu.memref_slice %arg7[%dma_wait3A_470, %dma_wait3A_471] : memref<16x128xi32, #tpu.memory_space<vmem>> -> memref<4x128xi32, #tpu.memory_space<vmem>>
      %dma_wait3A_473 = arith.constant 0 : i32
      %dma_wait3A_474 = arith.constant 0 : i32
      %dma_wait3A_475 = tpu.memref_slice %arg3[%dma_wait3A_473, %dma_wait3A_474] : memref<2500x128xi32, #tpu.memory_space<hbm>> -> memref<4x128xi32, #tpu.memory_space<hbm>>
      tpu.wait_dma2 semaphore(%arg17 : memref<!tpu.dma_semaphore, #tpu.memory_space<semaphore_mem>>) src(%dma_wait3A_475 : memref<4x128xi32, #tpu.memory_space<hbm>>) dst(%dma_wait3A_472 : memref<4x128xi32, #tpu.memory_space<vmem>>)
      %dma_wait3A_476 = arith.constant 0 : i32
      %dma_wait3A_477 = arith.constant 0 : i32
      %dma_wait3A_478 = tpu.memref_slice %arg9[%dma_wait3A_476, %dma_wait3A_477] : memref<16x128xi32, #tpu.memory_space<vmem>> -> memref<4x128xi32, #tpu.memory_space<vmem>>
      %dma_wait3A_479 = arith.constant 0 : i32
      %dma_wait3A_480 = arith.constant 0 : i32
      %dma_wait3A_481 = tpu.memref_slice %arg3[%dma_wait3A_479, %dma_wait3A_480] : memref<2500x128xi32, #tpu.memory_space<hbm>> -> memref<4x128xi32, #tpu.memory_space<hbm>>
      %dma_wait3A_482 = arith.constant 0 : i32
      %dma_wait3A_483 = arith.constant 0 : i32
      %dma_wait3A_484 = tpu.memref_slice %arg9[%dma_wait3A_482, %dma_wait3A_483] : memref<16x128xi32, #tpu.memory_space<vmem>> -> memref<4x128xi32, #tpu.memory_space<vmem>>
      %dma_wait3A_485 = arith.constant 0 : i32
      %dma_wait3A_486 = arith.constant 0 : i32
      %dma_wait3A_487 = tpu.memref_slice %arg3[%dma_wait3A_485, %dma_wait3A_486] : memref<2500x128xi32, #tpu.memory_space<hbm>> -> memref<4x128xi32, #tpu.memory_space<hbm>>
      tpu.wait_dma2 semaphore(%arg17 : memref<!tpu.dma_semaphore, #tpu.memory_space<semaphore_mem>>) src(%dma_wait3A_487 : memref<4x128xi32, #tpu.memory_space<hbm>>) dst(%dma_wait3A_484 : memref<4x128xi32, #tpu.memory_space<vmem>>)
    } else {
    }
    %mul3A_238 = arith.constant 16 : i32
    %mul3A_239 = arith.muli %add3A, %mul3A_238 : i32
    %add3A_240 = arith.constant 0 : i32
    %add3A_241 = arith.addi %mul3A_239, %add3A_240 : i32
    %lt3A_242 = arith.constant 2500 : i32
    %lt3A_243 = arith.cmpi slt, %add3A_241, %lt3A_242 : i32
    %convert_element_type3A_244 = arith.extui %lt3A_243 : i1 to i32
    %cond3A_245 = arith.constant 0 : i32
    %cond3A_246 = arith.cmpi ne, %convert_element_type3A_244, %cond3A_245 : i32
    scf.if %cond3A_246 {
      %dma_start3A = arith.constant 0 : i32
      %dma_start3A_465 = arith.constant 0 : i32
      %dma_start3A_466 = tpu.memref_slice %arg7[%dma_start3A, %dma_start3A_465] : memref<16x128xi32, #tpu.memory_space<vmem>> -> memref<1x128xi32, #tpu.memory_space<vmem>>
      %dma_start3A_467 = tpu.memref_squeeze %dma_start3A_466 : memref<1x128xi32, #tpu.memory_space<vmem>> -> memref<128xi32, #tpu.memory_space<vmem>>
      %dma_start3A_468 = arith.constant 0 : i32
      %dma_start3A_469 = arith.constant 0 : i32
      %dma_start3A_470 = tpu.memref_slice %arg2[%dma_start3A_468, %dma_start3A_469] : memref<10000x128xf32, #tpu.memory_space<hbm>> -> memref<10000x128xf32, #tpu.memory_space<hbm>>
      tpu.enqueue_indirect_dma source(%dma_start3A_470 : memref<10000x128xf32, #tpu.memory_space<hbm>>) target(%arg11 : memref<128x128xf32, #tpu.memory_space<vmem>>) offsets(%dma_start3A_467 : memref<128xi32, #tpu.memory_space<vmem>>) semaphore(%arg19 : memref<!tpu.dma_semaphore, #tpu.memory_space<semaphore_mem>>)
    } else {
    }
    %mul3A_247 = arith.constant 16 : i32
    %mul3A_248 = arith.muli %add3A, %mul3A_247 : i32
    %add3A_249 = arith.constant 1 : i32
    %add3A_250 = arith.addi %mul3A_248, %add3A_249 : i32
    %lt3A_251 = arith.constant 2500 : i32
    %lt3A_252 = arith.cmpi slt, %add3A_250, %lt3A_251 : i32
    %convert_element_type3A_253 = arith.extui %lt3A_252 : i1 to i32
    %cond3A_254 = arith.constant 0 : i32
    %cond3A_255 = arith.cmpi ne, %convert_element_type3A_253, %cond3A_254 : i32
    scf.if %cond3A_255 {
      %dma_start3A = arith.constant 1 : i32
      %dma_start3A_465 = arith.constant 0 : i32
      %dma_start3A_466 = tpu.memref_slice %arg7[%dma_start3A, %dma_start3A_465] : memref<16x128xi32, #tpu.memory_space<vmem>> -> memref<1x128xi32, #tpu.memory_space<vmem>>
      %dma_start3A_467 = tpu.memref_squeeze %dma_start3A_466 : memref<1x128xi32, #tpu.memory_space<vmem>> -> memref<128xi32, #tpu.memory_space<vmem>>
      %dma_start3A_468 = arith.constant 0 : i32
      %dma_start3A_469 = arith.constant 0 : i32
      %dma_start3A_470 = tpu.memref_slice %arg2[%dma_start3A_468, %dma_start3A_469] : memref<10000x128xf32, #tpu.memory_space<hbm>> -> memref<10000x128xf32, #tpu.memory_space<hbm>>
      tpu.enqueue_indirect_dma source(%dma_start3A_470 : memref<10000x128xf32, #tpu.memory_space<hbm>>) target(%arg12 : memref<128x128xf32, #tpu.memory_space<vmem>>) offsets(%dma_start3A_467 : memref<128xi32, #tpu.memory_space<vmem>>) semaphore(%arg20 : memref<!tpu.dma_semaphore, #tpu.memory_space<semaphore_mem>>)
    } else {
    }
    %scan3A_256 = arith.constant 0 : i32
    %scan3A_257 = arith.constant 0 : i32
    %scan3A_258 = arith.constant 3 : i32
    %scan3A_259 = arith.addi %scan3A_257, %scan3A_258 : i32
    %scan3A_260 = arith.constant 1 : i32
    scf.for %scan3A_465 = %scan3A_257 to %scan3A_259 step %scan3A_260  : i32 {
      %mul3A_466 = arith.constant 2 : i32
      %mul3A_467 = arith.muli %mul3A_466, %scan3A_465 : i32
      %mul3A_468 = arith.constant 32 : i32
      %mul3A_469 = arith.muli %mul3A_467, %mul3A_468 : i32
      %add3A_470 = arith.addi %add3A, %mul3A_469 : i32
      %mul3A_471 = arith.constant 2 : i32
      %mul3A_472 = arith.muli %mul3A_471, %scan3A_465 : i32
      %add3A_473 = arith.constant 1 : i32
      %add3A_474 = arith.addi %mul3A_472, %add3A_473 : i32
      %mul3A_475 = arith.constant 32 : i32
      %mul3A_476 = arith.muli %add3A_474, %mul3A_475 : i32
      %add3A_477 = arith.addi %add3A, %mul3A_476 : i32
      %sub3A = arith.constant 32 : i32
      %sub3A_478 = arith.subi %add3A_470, %sub3A : i32
      %add3A_479 = arith.constant 32 : i32
      %add3A_480 = arith.addi %add3A_470, %add3A_479 : i32
      %ge3A_481 = arith.constant 0 : i32
      %ge3A_482 = arith.cmpi sge, %sub3A_478, %ge3A_481 : i32
      %mul3A_483 = arith.constant 16 : i32
      %mul3A_484 = arith.muli %sub3A_478, %mul3A_483 : i32
      %add3A_485 = arith.constant 0 : i32
      %add3A_486 = arith.addi %mul3A_484, %add3A_485 : i32
      %lt3A_487 = arith.constant 2500 : i32
      %lt3A_488 = arith.cmpi slt, %add3A_486, %lt3A_487 : i32
      %and3A_489 = arith.andi %ge3A_482, %lt3A_488 : i1
      %convert_element_type3A_490 = arith.extui %and3A_489 : i1 to i32
      %cond3A_491 = arith.constant 0 : i32
      %cond3A_492 = arith.cmpi ne, %convert_element_type3A_490, %cond3A_491 : i32
      scf.if %cond3A_492 {
        %dma_wait3A = arith.constant 0 : i32
        %dma_wait3A_1773 = tpu.memref_slice %arg16[%dma_wait3A] : memref<10000xf32, #tpu.memory_space<vmem_shared>> -> memref<128xf32, #tpu.memory_space<vmem_shared>>
        %dma_wait3A_1774 = arith.constant 0 : i32
        %dma_wait3A_1775 = tpu.memref_slice %arg16[%dma_wait3A_1774] : memref<10000xf32, #tpu.memory_space<vmem_shared>> -> memref<128xf32, #tpu.memory_space<vmem_shared>>
        tpu.wait_dma2 semaphore(%arg21 : memref<!tpu.dma_semaphore, #tpu.memory_space<semaphore_mem>>) src(%arg13 : memref<128xf32, #tpu.memory_space<vmem>>) dst(%dma_wait3A_1775 : memref<128xf32, #tpu.memory_space<vmem_shared>>)
      } else {
      }
      %ge3A_493 = arith.constant 0 : i32
      %ge3A_494 = arith.cmpi sge, %sub3A_478, %ge3A_493 : i32
      %mul3A_495 = arith.constant 16 : i32
      %mul3A_496 = arith.muli %sub3A_478, %mul3A_495 : i32
      %add3A_497 = arith.constant 1 : i32
      %add3A_498 = arith.addi %mul3A_496, %add3A_497 : i32
      %lt3A_499 = arith.constant 2500 : i32
      %lt3A_500 = arith.cmpi slt, %add3A_498, %lt3A_499 : i32
      %and3A_501 = arith.andi %ge3A_494, %lt3A_500 : i1
      %convert_element_type3A_502 = arith.extui %and3A_501 : i1 to i32
      %cond3A_503 = arith.constant 0 : i32
      %cond3A_504 = arith.cmpi ne, %convert_element_type3A_502, %cond3A_503 : i32
      scf.if %cond3A_504 {
        %dma_wait3A = arith.constant 0 : i32
        %dma_wait3A_1773 = tpu.memref_slice %arg16[%dma_wait3A] : memref<10000xf32, #tpu.memory_space<vmem_shared>> -> memref<128xf32, #tpu.memory_space<vmem_shared>>
        %dma_wait3A_1774 = arith.constant 0 : i32
        %dma_wait3A_1775 = tpu.memref_slice %arg16[%dma_wait3A_1774] : memref<10000xf32, #tpu.memory_space<vmem_shared>> -> memref<128xf32, #tpu.memory_space<vmem_shared>>
        tpu.wait_dma2 semaphore(%arg21 : memref<!tpu.dma_semaphore, #tpu.memory_space<semaphore_mem>>) src(%arg13 : memref<128xf32, #tpu.memory_space<vmem>>) dst(%dma_wait3A_1775 : memref<128xf32, #tpu.memory_space<vmem_shared>>)
      } else {
      }
      %ge3A_505 = arith.constant 0 : i32
      %ge3A_506 = arith.cmpi sge, %sub3A_478, %ge3A_505 : i32
      %mul3A_507 = arith.constant 16 : i32
      %mul3A_508 = arith.muli %sub3A_478, %mul3A_507 : i32
      %add3A_509 = arith.constant 2 : i32
      %add3A_510 = arith.addi %mul3A_508, %add3A_509 : i32
      %lt3A_511 = arith.constant 2500 : i32
      %lt3A_512 = arith.cmpi slt, %add3A_510, %lt3A_511 : i32
      %and3A_513 = arith.andi %ge3A_506, %lt3A_512 : i1
      %convert_element_type3A_514 = arith.extui %and3A_513 : i1 to i32
      %cond3A_515 = arith.constant 0 : i32
      %cond3A_516 = arith.cmpi ne, %convert_element_type3A_514, %cond3A_515 : i32
      scf.if %cond3A_516 {
        %dma_wait3A = arith.constant 0 : i32
        %dma_wait3A_1773 = tpu.memref_slice %arg16[%dma_wait3A] : memref<10000xf32, #tpu.memory_space<vmem_shared>> -> memref<128xf32, #tpu.memory_space<vmem_shared>>
        %dma_wait3A_1774 = arith.constant 0 : i32
        %dma_wait3A_1775 = tpu.memref_slice %arg16[%dma_wait3A_1774] : memref<10000xf32, #tpu.memory_space<vmem_shared>> -> memref<128xf32, #tpu.memory_space<vmem_shared>>
        tpu.wait_dma2 semaphore(%arg21 : memref<!tpu.dma_semaphore, #tpu.memory_space<semaphore_mem>>) src(%arg13 : memref<128xf32, #tpu.memory_space<vmem>>) dst(%dma_wait3A_1775 : memref<128xf32, #tpu.memory_space<vmem_shared>>)
      } else {
      }
      %ge3A_517 = arith.constant 0 : i32
      %ge3A_518 = arith.cmpi sge, %sub3A_478, %ge3A_517 : i32
      %mul3A_519 = arith.constant 16 : i32
      %mul3A_520 = arith.muli %sub3A_478, %mul3A_519 : i32
      %add3A_521 = arith.constant 3 : i32
      %add3A_522 = arith.addi %mul3A_520, %add3A_521 : i32
      %lt3A_523 = arith.constant 2500 : i32
      %lt3A_524 = arith.cmpi slt, %add3A_522, %lt3A_523 : i32
      %and3A_525 = arith.andi %ge3A_518, %lt3A_524 : i1
      %convert_element_type3A_526 = arith.extui %and3A_525 : i1 to i32
      %cond3A_527 = arith.constant 0 : i32
      %cond3A_528 = arith.cmpi ne, %convert_element_type3A_526, %cond3A_527 : i32
      scf.if %cond3A_528 {
        %dma_wait3A = arith.constant 0 : i32
        %dma_wait3A_1773 = tpu.memref_slice %arg16[%dma_wait3A] : memref<10000xf32, #tpu.memory_space<vmem_shared>> -> memref<128xf32, #tpu.memory_space<vmem_shared>>
        %dma_wait3A_1774 = arith.constant 0 : i32
        %dma_wait3A_1775 = tpu.memref_slice %arg16[%dma_wait3A_1774] : memref<10000xf32, #tpu.memory_space<vmem_shared>> -> memref<128xf32, #tpu.memory_space<vmem_shared>>
        tpu.wait_dma2 semaphore(%arg21 : memref<!tpu.dma_semaphore, #tpu.memory_space<semaphore_mem>>) src(%arg13 : memref<128xf32, #tpu.memory_space<vmem>>) dst(%dma_wait3A_1775 : memref<128xf32, #tpu.memory_space<vmem_shared>>)
      } else {
      }
      %ge3A_529 = arith.constant 0 : i32
      %ge3A_530 = arith.cmpi sge, %sub3A_478, %ge3A_529 : i32
      %mul3A_531 = arith.constant 16 : i32
      %mul3A_532 = arith.muli %sub3A_478, %mul3A_531 : i32
      %add3A_533 = arith.constant 4 : i32
      %add3A_534 = arith.addi %mul3A_532, %add3A_533 : i32
      %lt3A_535 = arith.constant 2500 : i32
      %lt3A_536 = arith.cmpi slt, %add3A_534, %lt3A_535 : i32
      %and3A_537 = arith.andi %ge3A_530, %lt3A_536 : i1
      %convert_element_type3A_538 = arith.extui %and3A_537 : i1 to i32
      %cond3A_539 = arith.constant 0 : i32
      %cond3A_540 = arith.cmpi ne, %convert_element_type3A_538, %cond3A_539 : i32
      scf.if %cond3A_540 {
        %dma_wait3A = arith.constant 0 : i32
        %dma_wait3A_1773 = tpu.memref_slice %arg16[%dma_wait3A] : memref<10000xf32, #tpu.memory_space<vmem_shared>> -> memref<128xf32, #tpu.memory_space<vmem_shared>>
        %dma_wait3A_1774 = arith.constant 0 : i32
        %dma_wait3A_1775 = tpu.memref_slice %arg16[%dma_wait3A_1774] : memref<10000xf32, #tpu.memory_space<vmem_shared>> -> memref<128xf32, #tpu.memory_space<vmem_shared>>
        tpu.wait_dma2 semaphore(%arg21 : memref<!tpu.dma_semaphore, #tpu.memory_space<semaphore_mem>>) src(%arg13 : memref<128xf32, #tpu.memory_space<vmem>>) dst(%dma_wait3A_1775 : memref<128xf32, #tpu.memory_space<vmem_shared>>)
      } else {
      }
      %ge3A_541 = arith.constant 0 : i32
      %ge3A_542 = arith.cmpi sge, %sub3A_478, %ge3A_541 : i32
      %mul3A_543 = arith.constant 16 : i32
      %mul3A_544 = arith.muli %sub3A_478, %mul3A_543 : i32
      %add3A_545 = arith.constant 5 : i32
      %add3A_546 = arith.addi %mul3A_544, %add3A_545 : i32
      %lt3A_547 = arith.constant 2500 : i32
      %lt3A_548 = arith.cmpi slt, %add3A_546, %lt3A_547 : i32
      %and3A_549 = arith.andi %ge3A_542, %lt3A_548 : i1
      %convert_element_type3A_550 = arith.extui %and3A_549 : i1 to i32
      %cond3A_551 = arith.constant 0 : i32
      %cond3A_552 = arith.cmpi ne, %convert_element_type3A_550, %cond3A_551 : i32
      scf.if %cond3A_552 {
        %dma_wait3A = arith.constant 0 : i32
        %dma_wait3A_1773 = tpu.memref_slice %arg16[%dma_wait3A] : memref<10000xf32, #tpu.memory_space<vmem_shared>> -> memref<128xf32, #tpu.memory_space<vmem_shared>>
        %dma_wait3A_1774 = arith.constant 0 : i32
        %dma_wait3A_1775 = tpu.memref_slice %arg16[%dma_wait3A_1774] : memref<10000xf32, #tpu.memory_space<vmem_shared>> -> memref<128xf32, #tpu.memory_space<vmem_shared>>
        tpu.wait_dma2 semaphore(%arg21 : memref<!tpu.dma_semaphore, #tpu.memory_space<semaphore_mem>>) src(%arg13 : memref<128xf32, #tpu.memory_space<vmem>>) dst(%dma_wait3A_1775 : memref<128xf32, #tpu.memory_space<vmem_shared>>)
      } else {
      }
      %ge3A_553 = arith.constant 0 : i32
      %ge3A_554 = arith.cmpi sge, %sub3A_478, %ge3A_553 : i32
      %mul3A_555 = arith.constant 16 : i32
      %mul3A_556 = arith.muli %sub3A_478, %mul3A_555 : i32
      %add3A_557 = arith.constant 6 : i32
      %add3A_558 = arith.addi %mul3A_556, %add3A_557 : i32
      %lt3A_559 = arith.constant 2500 : i32
      %lt3A_560 = arith.cmpi slt, %add3A_558, %lt3A_559 : i32
      %and3A_561 = arith.andi %ge3A_554, %lt3A_560 : i1
      %convert_element_type3A_562 = arith.extui %and3A_561 : i1 to i32
      %cond3A_563 = arith.constant 0 : i32
      %cond3A_564 = arith.cmpi ne, %convert_element_type3A_562, %cond3A_563 : i32
      scf.if %cond3A_564 {
        %dma_wait3A = arith.constant 0 : i32
        %dma_wait3A_1773 = tpu.memref_slice %arg16[%dma_wait3A] : memref<10000xf32, #tpu.memory_space<vmem_shared>> -> memref<128xf32, #tpu.memory_space<vmem_shared>>
        %dma_wait3A_1774 = arith.constant 0 : i32
        %dma_wait3A_1775 = tpu.memref_slice %arg16[%dma_wait3A_1774] : memref<10000xf32, #tpu.memory_space<vmem_shared>> -> memref<128xf32, #tpu.memory_space<vmem_shared>>
        tpu.wait_dma2 semaphore(%arg21 : memref<!tpu.dma_semaphore, #tpu.memory_space<semaphore_mem>>) src(%arg13 : memref<128xf32, #tpu.memory_space<vmem>>) dst(%dma_wait3A_1775 : memref<128xf32, #tpu.memory_space<vmem_shared>>)
      } else {
      }
      %ge3A_565 = arith.constant 0 : i32
      %ge3A_566 = arith.cmpi sge, %sub3A_478, %ge3A_565 : i32
      %mul3A_567 = arith.constant 16 : i32
      %mul3A_568 = arith.muli %sub3A_478, %mul3A_567 : i32
      %add3A_569 = arith.constant 7 : i32
      %add3A_570 = arith.addi %mul3A_568, %add3A_569 : i32
      %lt3A_571 = arith.constant 2500 : i32
      %lt3A_572 = arith.cmpi slt, %add3A_570, %lt3A_571 : i32
      %and3A_573 = arith.andi %ge3A_566, %lt3A_572 : i1
      %convert_element_type3A_574 = arith.extui %and3A_573 : i1 to i32
      %cond3A_575 = arith.constant 0 : i32
      %cond3A_576 = arith.cmpi ne, %convert_element_type3A_574, %cond3A_575 : i32
      scf.if %cond3A_576 {
        %dma_wait3A = arith.constant 0 : i32
        %dma_wait3A_1773 = tpu.memref_slice %arg16[%dma_wait3A] : memref<10000xf32, #tpu.memory_space<vmem_shared>> -> memref<128xf32, #tpu.memory_space<vmem_shared>>
        %dma_wait3A_1774 = arith.constant 0 : i32
        %dma_wait3A_1775 = tpu.memref_slice %arg16[%dma_wait3A_1774] : memref<10000xf32, #tpu.memory_space<vmem_shared>> -> memref<128xf32, #tpu.memory_space<vmem_shared>>
        tpu.wait_dma2 semaphore(%arg21 : memref<!tpu.dma_semaphore, #tpu.memory_space<semaphore_mem>>) src(%arg13 : memref<128xf32, #tpu.memory_space<vmem>>) dst(%dma_wait3A_1775 : memref<128xf32, #tpu.memory_space<vmem_shared>>)
      } else {
      }
      %ge3A_577 = arith.constant 0 : i32
      %ge3A_578 = arith.cmpi sge, %sub3A_478, %ge3A_577 : i32
      %mul3A_579 = arith.constant 16 : i32
      %mul3A_580 = arith.muli %sub3A_478, %mul3A_579 : i32
      %add3A_581 = arith.constant 8 : i32
      %add3A_582 = arith.addi %mul3A_580, %add3A_581 : i32
      %lt3A_583 = arith.constant 2500 : i32
      %lt3A_584 = arith.cmpi slt, %add3A_582, %lt3A_583 : i32
      %and3A_585 = arith.andi %ge3A_578, %lt3A_584 : i1
      %convert_element_type3A_586 = arith.extui %and3A_585 : i1 to i32
      %cond3A_587 = arith.constant 0 : i32
      %cond3A_588 = arith.cmpi ne, %convert_element_type3A_586, %cond3A_587 : i32
      scf.if %cond3A_588 {
        %dma_wait3A = arith.constant 0 : i32
        %dma_wait3A_1773 = tpu.memref_slice %arg16[%dma_wait3A] : memref<10000xf32, #tpu.memory_space<vmem_shared>> -> memref<128xf32, #tpu.memory_space<vmem_shared>>
        %dma_wait3A_1774 = arith.constant 0 : i32
        %dma_wait3A_1775 = tpu.memref_slice %arg16[%dma_wait3A_1774] : memref<10000xf32, #tpu.memory_space<vmem_shared>> -> memref<128xf32, #tpu.memory_space<vmem_shared>>
        tpu.wait_dma2 semaphore(%arg21 : memref<!tpu.dma_semaphore, #tpu.memory_space<semaphore_mem>>) src(%arg13 : memref<128xf32, #tpu.memory_space<vmem>>) dst(%dma_wait3A_1775 : memref<128xf32, #tpu.memory_space<vmem_shared>>)
      } else {
      }
      %ge3A_589 = arith.constant 0 : i32
      %ge3A_590 = arith.cmpi sge, %sub3A_478, %ge3A_589 : i32
      %mul3A_591 = arith.constant 16 : i32
      %mul3A_592 = arith.muli %sub3A_478, %mul3A_591 : i32
      %add3A_593 = arith.constant 9 : i32
      %add3A_594 = arith.addi %mul3A_592, %add3A_593 : i32
      %lt3A_595 = arith.constant 2500 : i32
      %lt3A_596 = arith.cmpi slt, %add3A_594, %lt3A_595 : i32
      %and3A_597 = arith.andi %ge3A_590, %lt3A_596 : i1
      %convert_element_type3A_598 = arith.extui %and3A_597 : i1 to i32
      %cond3A_599 = arith.constant 0 : i32
      %cond3A_600 = arith.cmpi ne, %convert_element_type3A_598, %cond3A_599 : i32
      scf.if %cond3A_600 {
        %dma_wait3A = arith.constant 0 : i32
        %dma_wait3A_1773 = tpu.memref_slice %arg16[%dma_wait3A] : memref<10000xf32, #tpu.memory_space<vmem_shared>> -> memref<128xf32, #tpu.memory_space<vmem_shared>>
        %dma_wait3A_1774 = arith.constant 0 : i32
        %dma_wait3A_1775 = tpu.memref_slice %arg16[%dma_wait3A_1774] : memref<10000xf32, #tpu.memory_space<vmem_shared>> -> memref<128xf32, #tpu.memory_space<vmem_shared>>
        tpu.wait_dma2 semaphore(%arg21 : memref<!tpu.dma_semaphore, #tpu.memory_space<semaphore_mem>>) src(%arg13 : memref<128xf32, #tpu.memory_space<vmem>>) dst(%dma_wait3A_1775 : memref<128xf32, #tpu.memory_space<vmem_shared>>)
      } else {
      }
      %ge3A_601 = arith.constant 0 : i32
      %ge3A_602 = arith.cmpi sge, %sub3A_478, %ge3A_601 : i32
      %mul3A_603 = arith.constant 16 : i32
      %mul3A_604 = arith.muli %sub3A_478, %mul3A_603 : i32
      %add3A_605 = arith.constant 10 : i32
      %add3A_606 = arith.addi %mul3A_604, %add3A_605 : i32
      %lt3A_607 = arith.constant 2500 : i32
      %lt3A_608 = arith.cmpi slt, %add3A_606, %lt3A_607 : i32
      %and3A_609 = arith.andi %ge3A_602, %lt3A_608 : i1
      %convert_element_type3A_610 = arith.extui %and3A_609 : i1 to i32
      %cond3A_611 = arith.constant 0 : i32
      %cond3A_612 = arith.cmpi ne, %convert_element_type3A_610, %cond3A_611 : i32
      scf.if %cond3A_612 {
        %dma_wait3A = arith.constant 0 : i32
        %dma_wait3A_1773 = tpu.memref_slice %arg16[%dma_wait3A] : memref<10000xf32, #tpu.memory_space<vmem_shared>> -> memref<128xf32, #tpu.memory_space<vmem_shared>>
        %dma_wait3A_1774 = arith.constant 0 : i32
        %dma_wait3A_1775 = tpu.memref_slice %arg16[%dma_wait3A_1774] : memref<10000xf32, #tpu.memory_space<vmem_shared>> -> memref<128xf32, #tpu.memory_space<vmem_shared>>
        tpu.wait_dma2 semaphore(%arg21 : memref<!tpu.dma_semaphore, #tpu.memory_space<semaphore_mem>>) src(%arg13 : memref<128xf32, #tpu.memory_space<vmem>>) dst(%dma_wait3A_1775 : memref<128xf32, #tpu.memory_space<vmem_shared>>)
      } else {
      }
      %ge3A_613 = arith.constant 0 : i32
      %ge3A_614 = arith.cmpi sge, %sub3A_478, %ge3A_613 : i32
      %mul3A_615 = arith.constant 16 : i32
      %mul3A_616 = arith.muli %sub3A_478, %mul3A_615 : i32
      %add3A_617 = arith.constant 11 : i32
      %add3A_618 = arith.addi %mul3A_616, %add3A_617 : i32
      %lt3A_619 = arith.constant 2500 : i32
      %lt3A_620 = arith.cmpi slt, %add3A_618, %lt3A_619 : i32
      %and3A_621 = arith.andi %ge3A_614, %lt3A_620 : i1
      %convert_element_type3A_622 = arith.extui %and3A_621 : i1 to i32
      %cond3A_623 = arith.constant 0 : i32
      %cond3A_624 = arith.cmpi ne, %convert_element_type3A_622, %cond3A_623 : i32
      scf.if %cond3A_624 {
        %dma_wait3A = arith.constant 0 : i32
        %dma_wait3A_1773 = tpu.memref_slice %arg16[%dma_wait3A] : memref<10000xf32, #tpu.memory_space<vmem_shared>> -> memref<128xf32, #tpu.memory_space<vmem_shared>>
        %dma_wait3A_1774 = arith.constant 0 : i32
        %dma_wait3A_1775 = tpu.memref_slice %arg16[%dma_wait3A_1774] : memref<10000xf32, #tpu.memory_space<vmem_shared>> -> memref<128xf32, #tpu.memory_space<vmem_shared>>
        tpu.wait_dma2 semaphore(%arg21 : memref<!tpu.dma_semaphore, #tpu.memory_space<semaphore_mem>>) src(%arg13 : memref<128xf32, #tpu.memory_space<vmem>>) dst(%dma_wait3A_1775 : memref<128xf32, #tpu.memory_space<vmem_shared>>)
      } else {
      }
      %ge3A_625 = arith.constant 0 : i32
      %ge3A_626 = arith.cmpi sge, %sub3A_478, %ge3A_625 : i32
      %mul3A_627 = arith.constant 16 : i32
      %mul3A_628 = arith.muli %sub3A_478, %mul3A_627 : i32
      %add3A_629 = arith.constant 12 : i32
      %add3A_630 = arith.addi %mul3A_628, %add3A_629 : i32
      %lt3A_631 = arith.constant 2500 : i32
      %lt3A_632 = arith.cmpi slt, %add3A_630, %lt3A_631 : i32
      %and3A_633 = arith.andi %ge3A_626, %lt3A_632 : i1
      %convert_element_type3A_634 = arith.extui %and3A_633 : i1 to i32
      %cond3A_635 = arith.constant 0 : i32
      %cond3A_636 = arith.cmpi ne, %convert_element_type3A_634, %cond3A_635 : i32
      scf.if %cond3A_636 {
        %dma_wait3A = arith.constant 0 : i32
        %dma_wait3A_1773 = tpu.memref_slice %arg16[%dma_wait3A] : memref<10000xf32, #tpu.memory_space<vmem_shared>> -> memref<128xf32, #tpu.memory_space<vmem_shared>>
        %dma_wait3A_1774 = arith.constant 0 : i32
        %dma_wait3A_1775 = tpu.memref_slice %arg16[%dma_wait3A_1774] : memref<10000xf32, #tpu.memory_space<vmem_shared>> -> memref<128xf32, #tpu.memory_space<vmem_shared>>
        tpu.wait_dma2 semaphore(%arg21 : memref<!tpu.dma_semaphore, #tpu.memory_space<semaphore_mem>>) src(%arg13 : memref<128xf32, #tpu.memory_space<vmem>>) dst(%dma_wait3A_1775 : memref<128xf32, #tpu.memory_space<vmem_shared>>)
      } else {
      }
      %ge3A_637 = arith.constant 0 : i32
      %ge3A_638 = arith.cmpi sge, %sub3A_478, %ge3A_637 : i32
      %mul3A_639 = arith.constant 16 : i32
      %mul3A_640 = arith.muli %sub3A_478, %mul3A_639 : i32
      %add3A_641 = arith.constant 13 : i32
      %add3A_642 = arith.addi %mul3A_640, %add3A_641 : i32
      %lt3A_643 = arith.constant 2500 : i32
      %lt3A_644 = arith.cmpi slt, %add3A_642, %lt3A_643 : i32
      %and3A_645 = arith.andi %ge3A_638, %lt3A_644 : i1
      %convert_element_type3A_646 = arith.extui %and3A_645 : i1 to i32
      %cond3A_647 = arith.constant 0 : i32
      %cond3A_648 = arith.cmpi ne, %convert_element_type3A_646, %cond3A_647 : i32
      scf.if %cond3A_648 {
        %dma_wait3A = arith.constant 0 : i32
        %dma_wait3A_1773 = tpu.memref_slice %arg16[%dma_wait3A] : memref<10000xf32, #tpu.memory_space<vmem_shared>> -> memref<128xf32, #tpu.memory_space<vmem_shared>>
        %dma_wait3A_1774 = arith.constant 0 : i32
        %dma_wait3A_1775 = tpu.memref_slice %arg16[%dma_wait3A_1774] : memref<10000xf32, #tpu.memory_space<vmem_shared>> -> memref<128xf32, #tpu.memory_space<vmem_shared>>
        tpu.wait_dma2 semaphore(%arg21 : memref<!tpu.dma_semaphore, #tpu.memory_space<semaphore_mem>>) src(%arg13 : memref<128xf32, #tpu.memory_space<vmem>>) dst(%dma_wait3A_1775 : memref<128xf32, #tpu.memory_space<vmem_shared>>)
      } else {
      }
      %ge3A_649 = arith.constant 0 : i32
      %ge3A_650 = arith.cmpi sge, %sub3A_478, %ge3A_649 : i32
      %mul3A_651 = arith.constant 16 : i32
      %mul3A_652 = arith.muli %sub3A_478, %mul3A_651 : i32
      %add3A_653 = arith.constant 14 : i32
      %add3A_654 = arith.addi %mul3A_652, %add3A_653 : i32
      %lt3A_655 = arith.constant 2500 : i32
      %lt3A_656 = arith.cmpi slt, %add3A_654, %lt3A_655 : i32
      %and3A_657 = arith.andi %ge3A_650, %lt3A_656 : i1
      %convert_element_type3A_658 = arith.extui %and3A_657 : i1 to i32
      %cond3A_659 = arith.constant 0 : i32
      %cond3A_660 = arith.cmpi ne, %convert_element_type3A_658, %cond3A_659 : i32
      scf.if %cond3A_660 {
        %dma_wait3A = arith.constant 0 : i32
        %dma_wait3A_1773 = tpu.memref_slice %arg16[%dma_wait3A] : memref<10000xf32, #tpu.memory_space<vmem_shared>> -> memref<128xf32, #tpu.memory_space<vmem_shared>>
        %dma_wait3A_1774 = arith.constant 0 : i32
        %dma_wait3A_1775 = tpu.memref_slice %arg16[%dma_wait3A_1774] : memref<10000xf32, #tpu.memory_space<vmem_shared>> -> memref<128xf32, #tpu.memory_space<vmem_shared>>
        tpu.wait_dma2 semaphore(%arg21 : memref<!tpu.dma_semaphore, #tpu.memory_space<semaphore_mem>>) src(%arg13 : memref<128xf32, #tpu.memory_space<vmem>>) dst(%dma_wait3A_1775 : memref<128xf32, #tpu.memory_space<vmem_shared>>)
      } else {
      }
      %ge3A_661 = arith.constant 0 : i32
      %ge3A_662 = arith.cmpi sge, %sub3A_478, %ge3A_661 : i32
      %mul3A_663 = arith.constant 16 : i32
      %mul3A_664 = arith.muli %sub3A_478, %mul3A_663 : i32
      %add3A_665 = arith.constant 15 : i32
      %add3A_666 = arith.addi %mul3A_664, %add3A_665 : i32
      %lt3A_667 = arith.constant 2500 : i32
      %lt3A_668 = arith.cmpi slt, %add3A_666, %lt3A_667 : i32
      %and3A_669 = arith.andi %ge3A_662, %lt3A_668 : i1
      %convert_element_type3A_670 = arith.extui %and3A_669 : i1 to i32
      %cond3A_671 = arith.constant 0 : i32
      %cond3A_672 = arith.cmpi ne, %convert_element_type3A_670, %cond3A_671 : i32
      scf.if %cond3A_672 {
        %dma_wait3A = arith.constant 0 : i32
        %dma_wait3A_1773 = tpu.memref_slice %arg16[%dma_wait3A] : memref<10000xf32, #tpu.memory_space<vmem_shared>> -> memref<128xf32, #tpu.memory_space<vmem_shared>>
        %dma_wait3A_1774 = arith.constant 0 : i32
        %dma_wait3A_1775 = tpu.memref_slice %arg16[%dma_wait3A_1774] : memref<10000xf32, #tpu.memory_space<vmem_shared>> -> memref<128xf32, #tpu.memory_space<vmem_shared>>
        tpu.wait_dma2 semaphore(%arg21 : memref<!tpu.dma_semaphore, #tpu.memory_space<semaphore_mem>>) src(%arg13 : memref<128xf32, #tpu.memory_space<vmem>>) dst(%dma_wait3A_1775 : memref<128xf32, #tpu.memory_space<vmem_shared>>)
      } else {
      }
      %mul3A_673 = arith.constant 16 : i32
      %mul3A_674 = arith.muli %add3A_470, %mul3A_673 : i32
      %add3A_675 = arith.constant 0 : i32
      %add3A_676 = arith.addi %mul3A_674, %add3A_675 : i32
      %lt3A_677 = arith.constant 2500 : i32
      %lt3A_678 = arith.cmpi slt, %add3A_676, %lt3A_677 : i32
      %convert_element_type3A_679 = arith.extui %lt3A_678 : i1 to i32
      %cond3A_680 = arith.constant 0 : i32
      %cond3A_681 = arith.cmpi ne, %convert_element_type3A_679, %cond3A_680 : i32
      scf.if %cond3A_681 {
        %dma_wait3A = arith.constant 0 : i32
        %dma_wait3A_1773 = arith.constant 0 : i32
        %dma_wait3A_1774 = tpu.memref_slice %arg2[%dma_wait3A, %dma_wait3A_1773] : memref<10000x128xf32, #tpu.memory_space<hbm>> -> memref<128x128xf32, #tpu.memory_space<hbm>>
        %dma_wait3A_1775 = arith.constant 0 : i32
        %dma_wait3A_1776 = arith.constant 0 : i32
        %dma_wait3A_1777 = tpu.memref_slice %arg2[%dma_wait3A_1775, %dma_wait3A_1776] : memref<10000x128xf32, #tpu.memory_space<hbm>> -> memref<128x128xf32, #tpu.memory_space<hbm>>
        tpu.wait_dma2 semaphore(%arg19 : memref<!tpu.dma_semaphore, #tpu.memory_space<semaphore_mem>>) src(%dma_wait3A_1777 : memref<128x128xf32, #tpu.memory_space<hbm>>) dst(%arg11 : memref<128x128xf32, #tpu.memory_space<vmem>>)
      } else {
      }
      %mul3A_682 = arith.constant 16 : i32
      %mul3A_683 = arith.muli %add3A_470, %mul3A_682 : i32
      %add3A_684 = arith.constant 0 : i32
      %add3A_685 = arith.addi %mul3A_683, %add3A_684 : i32
      %lt3A_686 = arith.constant 2500 : i32
      %lt3A_687 = arith.cmpi slt, %add3A_685, %lt3A_686 : i32
      %convert_element_type3A_688 = arith.extui %lt3A_687 : i1 to i32
      %cond3A_689 = arith.constant 0 : i32
      %cond3A_690 = arith.cmpi ne, %convert_element_type3A_688, %cond3A_689 : i32
      scf.if %cond3A_690 {
        %dma_start3A = arith.constant 0 : i32
        %dma_start3A_1773 = arith.constant 0 : i32
        %dma_start3A_1774 = tpu.memref_slice %arg9[%dma_start3A, %dma_start3A_1773] : memref<16x128xi32, #tpu.memory_space<vmem>> -> memref<1x128xi32, #tpu.memory_space<vmem>>
        %dma_start3A_1775 = tpu.memref_squeeze %dma_start3A_1774 : memref<1x128xi32, #tpu.memory_space<vmem>> -> memref<128xi32, #tpu.memory_space<vmem>>
        %dma_start3A_1776 = arith.constant 0 : i32
        %dma_start3A_1777 = tpu.memref_slice %arg16[%dma_start3A_1776] : memref<10000xf32, #tpu.memory_space<vmem_shared>> -> memref<10000xf32, #tpu.memory_space<vmem_shared>>
        tpu.enqueue_indirect_dma source(%arg13 : memref<128xf32, #tpu.memory_space<vmem>>) target(%dma_start3A_1777 : memref<10000xf32, #tpu.memory_space<vmem_shared>>) offsets(%dma_start3A_1775 : memref<128xi32, #tpu.memory_space<vmem>>) semaphore(%arg21 : memref<!tpu.dma_semaphore, #tpu.memory_space<semaphore_mem>>) {add = true}
        %run_scoped3A = arith.constant 0 : i32
        "tpu.region"() ({
          %run_scoped3A_1778 = tpu.sem_alloc : memref<!tpu.dma_semaphore, #tpu.memory_space<semaphore_mem>>
          %dma_start3A_1779 = arith.constant 0 : i32
          %dma_start3A_1780 = tpu.memref_slice %arg9[%run_scoped3A, %dma_start3A_1779] : memref<16x128xi32, #tpu.memory_space<vmem>> -> memref<1x128xi32, #tpu.memory_space<vmem>>
          %dma_start3A_1781 = tpu.memref_squeeze %dma_start3A_1780 : memref<1x128xi32, #tpu.memory_space<vmem>> -> memref<128xi32, #tpu.memory_space<vmem>>
          %dma_start3A_1782 = arith.constant 0 : i32
          %dma_start3A_1783 = arith.constant 0 : i32
          %dma_start3A_1784 = tpu.memref_slice %arg15[%dma_start3A_1782, %dma_start3A_1783] : memref<10000x128xf32, #tpu.memory_space<vmem_shared>> -> memref<10000x128xf32, #tpu.memory_space<vmem_shared>>
          tpu.enqueue_indirect_dma source(%arg11 : memref<128x128xf32, #tpu.memory_space<vmem>>) target(%dma_start3A_1784 : memref<10000x128xf32, #tpu.memory_space<vmem_shared>>) offsets(%dma_start3A_1781 : memref<128xi32, #tpu.memory_space<vmem>>) semaphore(%run_scoped3A_1778 : memref<!tpu.dma_semaphore, #tpu.memory_space<semaphore_mem>>) {add = true}
          %dma_wait3A = arith.constant 0 : i32
          %dma_wait3A_1785 = tpu.memref_slice %arg9[%run_scoped3A, %dma_wait3A] : memref<16x128xi32, #tpu.memory_space<vmem>> -> memref<1x128xi32, #tpu.memory_space<vmem>>
          %dma_wait3A_1786 = tpu.memref_squeeze %dma_wait3A_1785 : memref<1x128xi32, #tpu.memory_space<vmem>> -> memref<128xi32, #tpu.memory_space<vmem>>
          %dma_wait3A_1787 = arith.constant 0 : i32
          %dma_wait3A_1788 = arith.constant 0 : i32
          %dma_wait3A_1789 = tpu.memref_slice %arg15[%dma_wait3A_1787, %dma_wait3A_1788] : memref<10000x128xf32, #tpu.memory_space<vmem_shared>> -> memref<10000x128xf32, #tpu.memory_space<vmem_shared>>
          tpu.wait_indirect_dma semaphore(%run_scoped3A_1778 : memref<!tpu.dma_semaphore, #tpu.memory_space<semaphore_mem>>) src(%arg11 : memref<128x128xf32, #tpu.memory_space<vmem>>) dst(%dma_wait3A_1789 : memref<10000x128xf32, #tpu.memory_space<vmem_shared>>)
          tpu.yield
        }) : () -> ()
      } else {
      }
      %mul3A_691 = arith.constant 16 : i32
      %mul3A_692 = arith.muli %add3A_470, %mul3A_691 : i32
      %add3A_693 = arith.constant 2 : i32
      %add3A_694 = arith.addi %mul3A_692, %add3A_693 : i32
      %lt3A_695 = arith.constant 2500 : i32
      %lt3A_696 = arith.cmpi slt, %add3A_694, %lt3A_695 : i32
      %convert_element_type3A_697 = arith.extui %lt3A_696 : i1 to i32
      %cond3A_698 = arith.constant 0 : i32
      %cond3A_699 = arith.cmpi ne, %convert_element_type3A_697, %cond3A_698 : i32
      scf.if %cond3A_699 {
        %dma_start3A = arith.constant 2 : i32
        %dma_start3A_1773 = arith.constant 0 : i32
        %dma_start3A_1774 = tpu.memref_slice %arg7[%dma_start3A, %dma_start3A_1773] : memref<16x128xi32, #tpu.memory_space<vmem>> -> memref<1x128xi32, #tpu.memory_space<vmem>>
        %dma_start3A_1775 = tpu.memref_squeeze %dma_start3A_1774 : memref<1x128xi32, #tpu.memory_space<vmem>> -> memref<128xi32, #tpu.memory_space<vmem>>
        %dma_start3A_1776 = arith.constant 0 : i32
        %dma_start3A_1777 = arith.constant 0 : i32
        %dma_start3A_1778 = tpu.memref_slice %arg2[%dma_start3A_1776, %dma_start3A_1777] : memref<10000x128xf32, #tpu.memory_space<hbm>> -> memref<10000x128xf32, #tpu.memory_space<hbm>>
        tpu.enqueue_indirect_dma source(%dma_start3A_1778 : memref<10000x128xf32, #tpu.memory_space<hbm>>) target(%arg11 : memref<128x128xf32, #tpu.memory_space<vmem>>) offsets(%dma_start3A_1775 : memref<128xi32, #tpu.memory_space<vmem>>) semaphore(%arg19 : memref<!tpu.dma_semaphore, #tpu.memory_space<semaphore_mem>>)
      } else {
      }
      %mul3A_700 = arith.constant 16 : i32
      %mul3A_701 = arith.muli %add3A_470, %mul3A_700 : i32
      %add3A_702 = arith.constant 1 : i32
      %add3A_703 = arith.addi %mul3A_701, %add3A_702 : i32
      %lt3A_704 = arith.constant 2500 : i32
      %lt3A_705 = arith.cmpi slt, %add3A_703, %lt3A_704 : i32
      %convert_element_type3A_706 = arith.extui %lt3A_705 : i1 to i32
      %cond3A_707 = arith.constant 0 : i32
      %cond3A_708 = arith.cmpi ne, %convert_element_type3A_706, %cond3A_707 : i32
      scf.if %cond3A_708 {
        %dma_wait3A = arith.constant 0 : i32
        %dma_wait3A_1773 = arith.constant 0 : i32
        %dma_wait3A_1774 = tpu.memref_slice %arg2[%dma_wait3A, %dma_wait3A_1773] : memref<10000x128xf32, #tpu.memory_space<hbm>> -> memref<128x128xf32, #tpu.memory_space<hbm>>
        %dma_wait3A_1775 = arith.constant 0 : i32
        %dma_wait3A_1776 = arith.constant 0 : i32
        %dma_wait3A_1777 = tpu.memref_slice %arg2[%dma_wait3A_1775, %dma_wait3A_1776] : memref<10000x128xf32, #tpu.memory_space<hbm>> -> memref<128x128xf32, #tpu.memory_space<hbm>>
        tpu.wait_dma2 semaphore(%arg20 : memref<!tpu.dma_semaphore, #tpu.memory_space<semaphore_mem>>) src(%dma_wait3A_1777 : memref<128x128xf32, #tpu.memory_space<hbm>>) dst(%arg12 : memref<128x128xf32, #tpu.memory_space<vmem>>)
      } else {
      }
      %mul3A_709 = arith.constant 16 : i32
      %mul3A_710 = arith.muli %add3A_470, %mul3A_709 : i32
      %add3A_711 = arith.constant 1 : i32
      %add3A_712 = arith.addi %mul3A_710, %add3A_711 : i32
      %lt3A_713 = arith.constant 2500 : i32
      %lt3A_714 = arith.cmpi slt, %add3A_712, %lt3A_713 : i32
      %convert_element_type3A_715 = arith.extui %lt3A_714 : i1 to i32
      %cond3A_716 = arith.constant 0 : i32
      %cond3A_717 = arith.cmpi ne, %convert_element_type3A_715, %cond3A_716 : i32
      scf.if %cond3A_717 {
        %dma_start3A = arith.constant 1 : i32
        %dma_start3A_1773 = arith.constant 0 : i32
        %dma_start3A_1774 = tpu.memref_slice %arg9[%dma_start3A, %dma_start3A_1773] : memref<16x128xi32, #tpu.memory_space<vmem>> -> memref<1x128xi32, #tpu.memory_space<vmem>>
        %dma_start3A_1775 = tpu.memref_squeeze %dma_start3A_1774 : memref<1x128xi32, #tpu.memory_space<vmem>> -> memref<128xi32, #tpu.memory_space<vmem>>
        %dma_start3A_1776 = arith.constant 0 : i32
        %dma_start3A_1777 = tpu.memref_slice %arg16[%dma_start3A_1776] : memref<10000xf32, #tpu.memory_space<vmem_shared>> -> memref<10000xf32, #tpu.memory_space<vmem_shared>>
        tpu.enqueue_indirect_dma source(%arg13 : memref<128xf32, #tpu.memory_space<vmem>>) target(%dma_start3A_1777 : memref<10000xf32, #tpu.memory_space<vmem_shared>>) offsets(%dma_start3A_1775 : memref<128xi32, #tpu.memory_space<vmem>>) semaphore(%arg21 : memref<!tpu.dma_semaphore, #tpu.memory_space<semaphore_mem>>) {add = true}
        %run_scoped3A = arith.constant 1 : i32
        "tpu.region"() ({
          %run_scoped3A_1778 = tpu.sem_alloc : memref<!tpu.dma_semaphore, #tpu.memory_space<semaphore_mem>>
          %dma_start3A_1779 = arith.constant 0 : i32
          %dma_start3A_1780 = tpu.memref_slice %arg9[%run_scoped3A, %dma_start3A_1779] : memref<16x128xi32, #tpu.memory_space<vmem>> -> memref<1x128xi32, #tpu.memory_space<vmem>>
          %dma_start3A_1781 = tpu.memref_squeeze %dma_start3A_1780 : memref<1x128xi32, #tpu.memory_space<vmem>> -> memref<128xi32, #tpu.memory_space<vmem>>
          %dma_start3A_1782 = arith.constant 0 : i32
          %dma_start3A_1783 = arith.constant 0 : i32
          %dma_start3A_1784 = tpu.memref_slice %arg15[%dma_start3A_1782, %dma_start3A_1783] : memref<10000x128xf32, #tpu.memory_space<vmem_shared>> -> memref<10000x128xf32, #tpu.memory_space<vmem_shared>>
          tpu.enqueue_indirect_dma source(%arg12 : memref<128x128xf32, #tpu.memory_space<vmem>>) target(%dma_start3A_1784 : memref<10000x128xf32, #tpu.memory_space<vmem_shared>>) offsets(%dma_start3A_1781 : memref<128xi32, #tpu.memory_space<vmem>>) semaphore(%run_scoped3A_1778 : memref<!tpu.dma_semaphore, #tpu.memory_space<semaphore_mem>>) {add = true}
          %dma_wait3A = arith.constant 0 : i32
          %dma_wait3A_1785 = tpu.memref_slice %arg9[%run_scoped3A, %dma_wait3A] : memref<16x128xi32, #tpu.memory_space<vmem>> -> memref<1x128xi32, #tpu.memory_space<vmem>>
          %dma_wait3A_1786 = tpu.memref_squeeze %dma_wait3A_1785 : memref<1x128xi32, #tpu.memory_space<vmem>> -> memref<128xi32, #tpu.memory_space<vmem>>
          %dma_wait3A_1787 = arith.constant 0 : i32
          %dma_wait3A_1788 = arith.constant 0 : i32
          %dma_wait3A_1789 = tpu.memref_slice %arg15[%dma_wait3A_1787, %dma_wait3A_1788] : memref<10000x128xf32, #tpu.memory_space<vmem_shared>> -> memref<10000x128xf32, #tpu.memory_space<vmem_shared>>
          tpu.wait_indirect_dma semaphore(%run_scoped3A_1778 : memref<!tpu.dma_semaphore, #tpu.memory_space<semaphore_mem>>) src(%arg12 : memref<128x128xf32, #tpu.memory_space<vmem>>) dst(%dma_wait3A_1789 : memref<10000x128xf32, #tpu.memory_space<vmem_shared>>)
          tpu.yield
        }) : () -> ()
      } else {
      }
      %lt3A_718 = arith.constant 156 : i32
      %lt3A_719 = arith.cmpi slt, %add3A_480, %lt3A_718 : i32
      %convert_element_type3A_720 = arith.extui %lt3A_719 : i1 to i32
      %cond3A_721 = arith.constant 0 : i32
      %cond3A_722 = arith.cmpi ne, %convert_element_type3A_720, %cond3A_721 : i32
      scf.if %cond3A_722 {
        %mul3A_1773 = arith.constant 16 : i32
        %mul3A_1774 = arith.muli %add3A_480, %mul3A_1773 : i32
        %dma_start3A = arith.constant 0 : i32
        %dma_start3A_1775 = tpu.memref_slice %arg3[%mul3A_1774, %dma_start3A] : memref<2500x128xi32, #tpu.memory_space<hbm>> -> memref<16x128xi32, #tpu.memory_space<hbm>>
        %dma_start3A_1776 = arith.constant 0 : i32
        %dma_start3A_1777 = tpu.memref_slice %arg3[%mul3A_1774, %dma_start3A_1776] : memref<2500x128xi32, #tpu.memory_space<hbm>> -> memref<16x128xi32, #tpu.memory_space<hbm>>
        tpu.enqueue_dma source(%dma_start3A_1777 : memref<16x128xi32, #tpu.memory_space<hbm>>) target(%arg8 : memref<16x128xi32, #tpu.memory_space<vmem>>) target_semaphore(%arg18 : memref<!tpu.dma_semaphore, #tpu.memory_space<semaphore_mem>>)
        %mul3A_1778 = arith.constant 16 : i32
        %mul3A_1779 = arith.muli %add3A_480, %mul3A_1778 : i32
        %dma_start3A_1780 = arith.constant 0 : i32
        %dma_start3A_1781 = tpu.memref_slice %arg4[%mul3A_1779, %dma_start3A_1780] : memref<2500x128xi32, #tpu.memory_space<hbm>> -> memref<16x128xi32, #tpu.memory_space<hbm>>
        %dma_start3A_1782 = arith.constant 0 : i32
        %dma_start3A_1783 = tpu.memref_slice %arg4[%mul3A_1779, %dma_start3A_1782] : memref<2500x128xi32, #tpu.memory_space<hbm>> -> memref<16x128xi32, #tpu.memory_space<hbm>>
        tpu.enqueue_dma source(%dma_start3A_1783 : memref<16x128xi32, #tpu.memory_space<hbm>>) target(%arg10 : memref<16x128xi32, #tpu.memory_space<vmem>>) target_semaphore(%arg18 : memref<!tpu.dma_semaphore, #tpu.memory_space<semaphore_mem>>)
      } else {
      }
      %eq3A_723 = arith.constant 156 : i32
      %eq3A_724 = arith.cmpi eq, %add3A_480, %eq3A_723 : i32
      %convert_element_type3A_725 = arith.extui %eq3A_724 : i1 to i32
      %cond3A_726 = arith.constant 0 : i32
      %cond3A_727 = arith.cmpi ne, %convert_element_type3A_725, %cond3A_726 : i32
      scf.if %cond3A_727 {
        %mul3A_1773 = arith.constant 16 : i32
        %mul3A_1774 = arith.muli %add3A_480, %mul3A_1773 : i32
        %dma_start3A = arith.constant 0 : i32
        %dma_start3A_1775 = arith.constant 0 : i32
        %dma_start3A_1776 = tpu.memref_slice %arg8[%dma_start3A, %dma_start3A_1775] : memref<16x128xi32, #tpu.memory_space<vmem>> -> memref<4x128xi32, #tpu.memory_space<vmem>>
        %dma_start3A_1777 = arith.constant 0 : i32
        %dma_start3A_1778 = tpu.memref_slice %arg3[%mul3A_1774, %dma_start3A_1777] : memref<2500x128xi32, #tpu.memory_space<hbm>> -> memref<4x128xi32, #tpu.memory_space<hbm>>
        %dma_start3A_1779 = arith.constant 0 : i32
        %dma_start3A_1780 = arith.constant 0 : i32
        %dma_start3A_1781 = tpu.memref_slice %arg8[%dma_start3A_1779, %dma_start3A_1780] : memref<16x128xi32, #tpu.memory_space<vmem>> -> memref<4x128xi32, #tpu.memory_space<vmem>>
        %dma_start3A_1782 = arith.constant 0 : i32
        %dma_start3A_1783 = tpu.memref_slice %arg3[%mul3A_1774, %dma_start3A_1782] : memref<2500x128xi32, #tpu.memory_space<hbm>> -> memref<4x128xi32, #tpu.memory_space<hbm>>
        tpu.enqueue_dma source(%dma_start3A_1783 : memref<4x128xi32, #tpu.memory_space<hbm>>) target(%dma_start3A_1781 : memref<4x128xi32, #tpu.memory_space<vmem>>) target_semaphore(%arg18 : memref<!tpu.dma_semaphore, #tpu.memory_space<semaphore_mem>>)
        %mul3A_1784 = arith.constant 16 : i32
        %mul3A_1785 = arith.muli %add3A_480, %mul3A_1784 : i32
        %dma_start3A_1786 = arith.constant 0 : i32
        %dma_start3A_1787 = arith.constant 0 : i32
        %dma_start3A_1788 = tpu.memref_slice %arg10[%dma_start3A_1786, %dma_start3A_1787] : memref<16x128xi32, #tpu.memory_space<vmem>> -> memref<4x128xi32, #tpu.memory_space<vmem>>
        %dma_start3A_1789 = arith.constant 0 : i32
        %dma_start3A_1790 = tpu.memref_slice %arg4[%mul3A_1785, %dma_start3A_1789] : memref<2500x128xi32, #tpu.memory_space<hbm>> -> memref<4x128xi32, #tpu.memory_space<hbm>>
        %dma_start3A_1791 = arith.constant 0 : i32
        %dma_start3A_1792 = arith.constant 0 : i32
        %dma_start3A_1793 = tpu.memref_slice %arg10[%dma_start3A_1791, %dma_start3A_1792] : memref<16x128xi32, #tpu.memory_space<vmem>> -> memref<4x128xi32, #tpu.memory_space<vmem>>
        %dma_start3A_1794 = arith.constant 0 : i32
        %dma_start3A_1795 = tpu.memref_slice %arg4[%mul3A_1785, %dma_start3A_1794] : memref<2500x128xi32, #tpu.memory_space<hbm>> -> memref<4x128xi32, #tpu.memory_space<hbm>>
        tpu.enqueue_dma source(%dma_start3A_1795 : memref<4x128xi32, #tpu.memory_space<hbm>>) target(%dma_start3A_1793 : memref<4x128xi32, #tpu.memory_space<vmem>>) target_semaphore(%arg18 : memref<!tpu.dma_semaphore, #tpu.memory_space<semaphore_mem>>)
      } else {
      }
      %mul3A_728 = arith.constant 16 : i32
      %mul3A_729 = arith.muli %add3A_470, %mul3A_728 : i32
      %add3A_730 = arith.constant 3 : i32
      %add3A_731 = arith.addi %mul3A_729, %add3A_730 : i32
      %lt3A_732 = arith.constant 2500 : i32
      %lt3A_733 = arith.cmpi slt, %add3A_731, %lt3A_732 : i32
      %convert_element_type3A_734 = arith.extui %lt3A_733 : i1 to i32
      %cond3A_735 = arith.constant 0 : i32
      %cond3A_736 = arith.cmpi ne, %convert_element_type3A_734, %cond3A_735 : i32
      scf.if %cond3A_736 {
        %dma_start3A = arith.constant 3 : i32
        %dma_start3A_1773 = arith.constant 0 : i32
        %dma_start3A_1774 = tpu.memref_slice %arg7[%dma_start3A, %dma_start3A_1773] : memref<16x128xi32, #tpu.memory_space<vmem>> -> memref<1x128xi32, #tpu.memory_space<vmem>>
        %dma_start3A_1775 = tpu.memref_squeeze %dma_start3A_1774 : memref<1x128xi32, #tpu.memory_space<vmem>> -> memref<128xi32, #tpu.memory_space<vmem>>
        %dma_start3A_1776 = arith.constant 0 : i32
        %dma_start3A_1777 = arith.constant 0 : i32
        %dma_start3A_1778 = tpu.memref_slice %arg2[%dma_start3A_1776, %dma_start3A_1777] : memref<10000x128xf32, #tpu.memory_space<hbm>> -> memref<10000x128xf32, #tpu.memory_space<hbm>>
        tpu.enqueue_indirect_dma source(%dma_start3A_1778 : memref<10000x128xf32, #tpu.memory_space<hbm>>) target(%arg12 : memref<128x128xf32, #tpu.memory_space<vmem>>) offsets(%dma_start3A_1775 : memref<128xi32, #tpu.memory_space<vmem>>) semaphore(%arg20 : memref<!tpu.dma_semaphore, #tpu.memory_space<semaphore_mem>>)
      } else {
      }
      %mul3A_737 = arith.constant 16 : i32
      %mul3A_738 = arith.muli %add3A_470, %mul3A_737 : i32
      %add3A_739 = arith.constant 2 : i32
      %add3A_740 = arith.addi %mul3A_738, %add3A_739 : i32
      %lt3A_741 = arith.constant 2500 : i32
      %lt3A_742 = arith.cmpi slt, %add3A_740, %lt3A_741 : i32
      %convert_element_type3A_743 = arith.extui %lt3A_742 : i1 to i32
      %cond3A_744 = arith.constant 0 : i32
      %cond3A_745 = arith.cmpi ne, %convert_element_type3A_743, %cond3A_744 : i32
      scf.if %cond3A_745 {
        %dma_wait3A = arith.constant 0 : i32
        %dma_wait3A_1773 = arith.constant 0 : i32
        %dma_wait3A_1774 = tpu.memref_slice %arg2[%dma_wait3A, %dma_wait3A_1773] : memref<10000x128xf32, #tpu.memory_space<hbm>> -> memref<128x128xf32, #tpu.memory_space<hbm>>
        %dma_wait3A_1775 = arith.constant 0 : i32
        %dma_wait3A_1776 = arith.constant 0 : i32
        %dma_wait3A_1777 = tpu.memref_slice %arg2[%dma_wait3A_1775, %dma_wait3A_1776] : memref<10000x128xf32, #tpu.memory_space<hbm>> -> memref<128x128xf32, #tpu.memory_space<hbm>>
        tpu.wait_dma2 semaphore(%arg19 : memref<!tpu.dma_semaphore, #tpu.memory_space<semaphore_mem>>) src(%dma_wait3A_1777 : memref<128x128xf32, #tpu.memory_space<hbm>>) dst(%arg11 : memref<128x128xf32, #tpu.memory_space<vmem>>)
      } else {
      }
      %mul3A_746 = arith.constant 16 : i32
      %mul3A_747 = arith.muli %add3A_470, %mul3A_746 : i32
      %add3A_748 = arith.constant 2 : i32
      %add3A_749 = arith.addi %mul3A_747, %add3A_748 : i32
      %lt3A_750 = arith.constant 2500 : i32
      %lt3A_751 = arith.cmpi slt, %add3A_749, %lt3A_750 : i32
      %convert_element_type3A_752 = arith.extui %lt3A_751 : i1 to i32
      %cond3A_753 = arith.constant 0 : i32
      %cond3A_754 = arith.cmpi ne, %convert_element_type3A_752, %cond3A_753 : i32
      scf.if %cond3A_754 {
        %dma_start3A = arith.constant 2 : i32
        %dma_start3A_1773 = arith.constant 0 : i32
        %dma_start3A_1774 = tpu.memref_slice %arg9[%dma_start3A, %dma_start3A_1773] : memref<16x128xi32, #tpu.memory_space<vmem>> -> memref<1x128xi32, #tpu.memory_space<vmem>>
        %dma_start3A_1775 = tpu.memref_squeeze %dma_start3A_1774 : memref<1x128xi32, #tpu.memory_space<vmem>> -> memref<128xi32, #tpu.memory_space<vmem>>
        %dma_start3A_1776 = arith.constant 0 : i32
        %dma_start3A_1777 = tpu.memref_slice %arg16[%dma_start3A_1776] : memref<10000xf32, #tpu.memory_space<vmem_shared>> -> memref<10000xf32, #tpu.memory_space<vmem_shared>>
        tpu.enqueue_indirect_dma source(%arg13 : memref<128xf32, #tpu.memory_space<vmem>>) target(%dma_start3A_1777 : memref<10000xf32, #tpu.memory_space<vmem_shared>>) offsets(%dma_start3A_1775 : memref<128xi32, #tpu.memory_space<vmem>>) semaphore(%arg21 : memref<!tpu.dma_semaphore, #tpu.memory_space<semaphore_mem>>) {add = true}
        %run_scoped3A = arith.constant 2 : i32
        "tpu.region"() ({
          %run_scoped3A_1778 = tpu.sem_alloc : memref<!tpu.dma_semaphore, #tpu.memory_space<semaphore_mem>>
          %dma_start3A_1779 = arith.constant 0 : i32
          %dma_start3A_1780 = tpu.memref_slice %arg9[%run_scoped3A, %dma_start3A_1779] : memref<16x128xi32, #tpu.memory_space<vmem>> -> memref<1x128xi32, #tpu.memory_space<vmem>>
          %dma_start3A_1781 = tpu.memref_squeeze %dma_start3A_1780 : memref<1x128xi32, #tpu.memory_space<vmem>> -> memref<128xi32, #tpu.memory_space<vmem>>
          %dma_start3A_1782 = arith.constant 0 : i32
          %dma_start3A_1783 = arith.constant 0 : i32
          %dma_start3A_1784 = tpu.memref_slice %arg15[%dma_start3A_1782, %dma_start3A_1783] : memref<10000x128xf32, #tpu.memory_space<vmem_shared>> -> memref<10000x128xf32, #tpu.memory_space<vmem_shared>>
          tpu.enqueue_indirect_dma source(%arg11 : memref<128x128xf32, #tpu.memory_space<vmem>>) target(%dma_start3A_1784 : memref<10000x128xf32, #tpu.memory_space<vmem_shared>>) offsets(%dma_start3A_1781 : memref<128xi32, #tpu.memory_space<vmem>>) semaphore(%run_scoped3A_1778 : memref<!tpu.dma_semaphore, #tpu.memory_space<semaphore_mem>>) {add = true}
          %dma_wait3A = arith.constant 0 : i32
          %dma_wait3A_1785 = tpu.memref_slice %arg9[%run_scoped3A, %dma_wait3A] : memref<16x128xi32, #tpu.memory_space<vmem>> -> memref<1x128xi32, #tpu.memory_space<vmem>>
          %dma_wait3A_1786 = tpu.memref_squeeze %dma_wait3A_1785 : memref<1x128xi32, #tpu.memory_space<vmem>> -> memref<128xi32, #tpu.memory_space<vmem>>
          %dma_wait3A_1787 = arith.constant 0 : i32
          %dma_wait3A_1788 = arith.constant 0 : i32
          %dma_wait3A_1789 = tpu.memref_slice %arg15[%dma_wait3A_1787, %dma_wait3A_1788] : memref<10000x128xf32, #tpu.memory_space<vmem_shared>> -> memref<10000x128xf32, #tpu.memory_space<vmem_shared>>
          tpu.wait_indirect_dma semaphore(%run_scoped3A_1778 : memref<!tpu.dma_semaphore, #tpu.memory_space<semaphore_mem>>) src(%arg11 : memref<128x128xf32, #tpu.memory_space<vmem>>) dst(%dma_wait3A_1789 : memref<10000x128xf32, #tpu.memory_space<vmem_shared>>)
          tpu.yield
        }) : () -> ()
      } else {
      }
      %mul3A_755 = arith.constant 16 : i32
      %mul3A_756 = arith.muli %add3A_470, %mul3A_755 : i32
      %add3A_757 = arith.constant 4 : i32
      %add3A_758 = arith.addi %mul3A_756, %add3A_757 : i32
      %lt3A_759 = arith.constant 2500 : i32
      %lt3A_760 = arith.cmpi slt, %add3A_758, %lt3A_759 : i32
      %convert_element_type3A_761 = arith.extui %lt3A_760 : i1 to i32
      %cond3A_762 = arith.constant 0 : i32
      %cond3A_763 = arith.cmpi ne, %convert_element_type3A_761, %cond3A_762 : i32
      scf.if %cond3A_763 {
        %dma_start3A = arith.constant 4 : i32
        %dma_start3A_1773 = arith.constant 0 : i32
        %dma_start3A_1774 = tpu.memref_slice %arg7[%dma_start3A, %dma_start3A_1773] : memref<16x128xi32, #tpu.memory_space<vmem>> -> memref<1x128xi32, #tpu.memory_space<vmem>>
        %dma_start3A_1775 = tpu.memref_squeeze %dma_start3A_1774 : memref<1x128xi32, #tpu.memory_space<vmem>> -> memref<128xi32, #tpu.memory_space<vmem>>
        %dma_start3A_1776 = arith.constant 0 : i32
        %dma_start3A_1777 = arith.constant 0 : i32
        %dma_start3A_1778 = tpu.memref_slice %arg2[%dma_start3A_1776, %dma_start3A_1777] : memref<10000x128xf32, #tpu.memory_space<hbm>> -> memref<10000x128xf32, #tpu.memory_space<hbm>>
        tpu.enqueue_indirect_dma source(%dma_start3A_1778 : memref<10000x128xf32, #tpu.memory_space<hbm>>) target(%arg11 : memref<128x128xf32, #tpu.memory_space<vmem>>) offsets(%dma_start3A_1775 : memref<128xi32, #tpu.memory_space<vmem>>) semaphore(%arg19 : memref<!tpu.dma_semaphore, #tpu.memory_space<semaphore_mem>>)
      } else {
      }
      %mul3A_764 = arith.constant 16 : i32
      %mul3A_765 = arith.muli %add3A_470, %mul3A_764 : i32
      %add3A_766 = arith.constant 3 : i32
      %add3A_767 = arith.addi %mul3A_765, %add3A_766 : i32
      %lt3A_768 = arith.constant 2500 : i32
      %lt3A_769 = arith.cmpi slt, %add3A_767, %lt3A_768 : i32
      %convert_element_type3A_770 = arith.extui %lt3A_769 : i1 to i32
      %cond3A_771 = arith.constant 0 : i32
      %cond3A_772 = arith.cmpi ne, %convert_element_type3A_770, %cond3A_771 : i32
      scf.if %cond3A_772 {
        %dma_wait3A = arith.constant 0 : i32
        %dma_wait3A_1773 = arith.constant 0 : i32
        %dma_wait3A_1774 = tpu.memref_slice %arg2[%dma_wait3A, %dma_wait3A_1773] : memref<10000x128xf32, #tpu.memory_space<hbm>> -> memref<128x128xf32, #tpu.memory_space<hbm>>
        %dma_wait3A_1775 = arith.constant 0 : i32
        %dma_wait3A_1776 = arith.constant 0 : i32
        %dma_wait3A_1777 = tpu.memref_slice %arg2[%dma_wait3A_1775, %dma_wait3A_1776] : memref<10000x128xf32, #tpu.memory_space<hbm>> -> memref<128x128xf32, #tpu.memory_space<hbm>>
        tpu.wait_dma2 semaphore(%arg20 : memref<!tpu.dma_semaphore, #tpu.memory_space<semaphore_mem>>) src(%dma_wait3A_1777 : memref<128x128xf32, #tpu.memory_space<hbm>>) dst(%arg12 : memref<128x128xf32, #tpu.memory_space<vmem>>)
      } else {
      }
      %mul3A_773 = arith.constant 16 : i32
      %mul3A_774 = arith.muli %add3A_470, %mul3A_773 : i32
      %add3A_775 = arith.constant 3 : i32
      %add3A_776 = arith.addi %mul3A_774, %add3A_775 : i32
      %lt3A_777 = arith.constant 2500 : i32
      %lt3A_778 = arith.cmpi slt, %add3A_776, %lt3A_777 : i32
      %convert_element_type3A_779 = arith.extui %lt3A_778 : i1 to i32
      %cond3A_780 = arith.constant 0 : i32
      %cond3A_781 = arith.cmpi ne, %convert_element_type3A_779, %cond3A_780 : i32
      scf.if %cond3A_781 {
        %dma_start3A = arith.constant 3 : i32
        %dma_start3A_1773 = arith.constant 0 : i32
        %dma_start3A_1774 = tpu.memref_slice %arg9[%dma_start3A, %dma_start3A_1773] : memref<16x128xi32, #tpu.memory_space<vmem>> -> memref<1x128xi32, #tpu.memory_space<vmem>>
        %dma_start3A_1775 = tpu.memref_squeeze %dma_start3A_1774 : memref<1x128xi32, #tpu.memory_space<vmem>> -> memref<128xi32, #tpu.memory_space<vmem>>
        %dma_start3A_1776 = arith.constant 0 : i32
        %dma_start3A_1777 = tpu.memref_slice %arg16[%dma_start3A_1776] : memref<10000xf32, #tpu.memory_space<vmem_shared>> -> memref<10000xf32, #tpu.memory_space<vmem_shared>>
        tpu.enqueue_indirect_dma source(%arg13 : memref<128xf32, #tpu.memory_space<vmem>>) target(%dma_start3A_1777 : memref<10000xf32, #tpu.memory_space<vmem_shared>>) offsets(%dma_start3A_1775 : memref<128xi32, #tpu.memory_space<vmem>>) semaphore(%arg21 : memref<!tpu.dma_semaphore, #tpu.memory_space<semaphore_mem>>) {add = true}
        %run_scoped3A = arith.constant 3 : i32
        "tpu.region"() ({
          %run_scoped3A_1778 = tpu.sem_alloc : memref<!tpu.dma_semaphore, #tpu.memory_space<semaphore_mem>>
          %dma_start3A_1779 = arith.constant 0 : i32
          %dma_start3A_1780 = tpu.memref_slice %arg9[%run_scoped3A, %dma_start3A_1779] : memref<16x128xi32, #tpu.memory_space<vmem>> -> memref<1x128xi32, #tpu.memory_space<vmem>>
          %dma_start3A_1781 = tpu.memref_squeeze %dma_start3A_1780 : memref<1x128xi32, #tpu.memory_space<vmem>> -> memref<128xi32, #tpu.memory_space<vmem>>
          %dma_start3A_1782 = arith.constant 0 : i32
          %dma_start3A_1783 = arith.constant 0 : i32
          %dma_start3A_1784 = tpu.memref_slice %arg15[%dma_start3A_1782, %dma_start3A_1783] : memref<10000x128xf32, #tpu.memory_space<vmem_shared>> -> memref<10000x128xf32, #tpu.memory_space<vmem_shared>>
          tpu.enqueue_indirect_dma source(%arg12 : memref<128x128xf32, #tpu.memory_space<vmem>>) target(%dma_start3A_1784 : memref<10000x128xf32, #tpu.memory_space<vmem_shared>>) offsets(%dma_start3A_1781 : memref<128xi32, #tpu.memory_space<vmem>>) semaphore(%run_scoped3A_1778 : memref<!tpu.dma_semaphore, #tpu.memory_space<semaphore_mem>>) {add = true}
          %dma_wait3A = arith.constant 0 : i32
          %dma_wait3A_1785 = tpu.memref_slice %arg9[%run_scoped3A, %dma_wait3A] : memref<16x128xi32, #tpu.memory_space<vmem>> -> memref<1x128xi32, #tpu.memory_space<vmem>>
          %dma_wait3A_1786 = tpu.memref_squeeze %dma_wait3A_1785 : memref<1x128xi32, #tpu.memory_space<vmem>> -> memref<128xi32, #tpu.memory_space<vmem>>
          %dma_wait3A_1787 = arith.constant 0 : i32
          %dma_wait3A_1788 = arith.constant 0 : i32
          %dma_wait3A_1789 = tpu.memref_slice %arg15[%dma_wait3A_1787, %dma_wait3A_1788] : memref<10000x128xf32, #tpu.memory_space<vmem_shared>> -> memref<10000x128xf32, #tpu.memory_space<vmem_shared>>
          tpu.wait_indirect_dma semaphore(%run_scoped3A_1778 : memref<!tpu.dma_semaphore, #tpu.memory_space<semaphore_mem>>) src(%arg12 : memref<128x128xf32, #tpu.memory_space<vmem>>) dst(%dma_wait3A_1789 : memref<10000x128xf32, #tpu.memory_space<vmem_shared>>)
          tpu.yield
        }) : () -> ()
      } else {
      }
      %mul3A_782 = arith.constant 16 : i32
      %mul3A_783 = arith.muli %add3A_470, %mul3A_782 : i32
      %add3A_784 = arith.constant 5 : i32
      %add3A_785 = arith.addi %mul3A_783, %add3A_784 : i32
      %lt3A_786 = arith.constant 2500 : i32
      %lt3A_787 = arith.cmpi slt, %add3A_785, %lt3A_786 : i32
      %convert_element_type3A_788 = arith.extui %lt3A_787 : i1 to i32
      %cond3A_789 = arith.constant 0 : i32
      %cond3A_790 = arith.cmpi ne, %convert_element_type3A_788, %cond3A_789 : i32
      scf.if %cond3A_790 {
        %dma_start3A = arith.constant 5 : i32
        %dma_start3A_1773 = arith.constant 0 : i32
        %dma_start3A_1774 = tpu.memref_slice %arg7[%dma_start3A, %dma_start3A_1773] : memref<16x128xi32, #tpu.memory_space<vmem>> -> memref<1x128xi32, #tpu.memory_space<vmem>>
        %dma_start3A_1775 = tpu.memref_squeeze %dma_start3A_1774 : memref<1x128xi32, #tpu.memory_space<vmem>> -> memref<128xi32, #tpu.memory_space<vmem>>
        %dma_start3A_1776 = arith.constant 0 : i32
        %dma_start3A_1777 = arith.constant 0 : i32
        %dma_start3A_1778 = tpu.memref_slice %arg2[%dma_start3A_1776, %dma_start3A_1777] : memref<10000x128xf32, #tpu.memory_space<hbm>> -> memref<10000x128xf32, #tpu.memory_space<hbm>>
        tpu.enqueue_indirect_dma source(%dma_start3A_1778 : memref<10000x128xf32, #tpu.memory_space<hbm>>) target(%arg12 : memref<128x128xf32, #tpu.memory_space<vmem>>) offsets(%dma_start3A_1775 : memref<128xi32, #tpu.memory_space<vmem>>) semaphore(%arg20 : memref<!tpu.dma_semaphore, #tpu.memory_space<semaphore_mem>>)
      } else {
      }
      %mul3A_791 = arith.constant 16 : i32
      %mul3A_792 = arith.muli %add3A_470, %mul3A_791 : i32
      %add3A_793 = arith.constant 4 : i32
      %add3A_794 = arith.addi %mul3A_792, %add3A_793 : i32
      %lt3A_795 = arith.constant 2500 : i32
      %lt3A_796 = arith.cmpi slt, %add3A_794, %lt3A_795 : i32
      %convert_element_type3A_797 = arith.extui %lt3A_796 : i1 to i32
      %cond3A_798 = arith.constant 0 : i32
      %cond3A_799 = arith.cmpi ne, %convert_element_type3A_797, %cond3A_798 : i32
      scf.if %cond3A_799 {
        %dma_wait3A = arith.constant 0 : i32
        %dma_wait3A_1773 = arith.constant 0 : i32
        %dma_wait3A_1774 = tpu.memref_slice %arg2[%dma_wait3A, %dma_wait3A_1773] : memref<10000x128xf32, #tpu.memory_space<hbm>> -> memref<128x128xf32, #tpu.memory_space<hbm>>
        %dma_wait3A_1775 = arith.constant 0 : i32
        %dma_wait3A_1776 = arith.constant 0 : i32
        %dma_wait3A_1777 = tpu.memref_slice %arg2[%dma_wait3A_1775, %dma_wait3A_1776] : memref<10000x128xf32, #tpu.memory_space<hbm>> -> memref<128x128xf32, #tpu.memory_space<hbm>>
        tpu.wait_dma2 semaphore(%arg19 : memref<!tpu.dma_semaphore, #tpu.memory_space<semaphore_mem>>) src(%dma_wait3A_1777 : memref<128x128xf32, #tpu.memory_space<hbm>>) dst(%arg11 : memref<128x128xf32, #tpu.memory_space<vmem>>)
      } else {
      }
      %mul3A_800 = arith.constant 16 : i32
      %mul3A_801 = arith.muli %add3A_470, %mul3A_800 : i32
      %add3A_802 = arith.constant 4 : i32
      %add3A_803 = arith.addi %mul3A_801, %add3A_802 : i32
      %lt3A_804 = arith.constant 2500 : i32
      %lt3A_805 = arith.cmpi slt, %add3A_803, %lt3A_804 : i32
      %convert_element_type3A_806 = arith.extui %lt3A_805 : i1 to i32
      %cond3A_807 = arith.constant 0 : i32
      %cond3A_808 = arith.cmpi ne, %convert_element_type3A_806, %cond3A_807 : i32
      scf.if %cond3A_808 {
        %dma_start3A = arith.constant 4 : i32
        %dma_start3A_1773 = arith.constant 0 : i32
        %dma_start3A_1774 = tpu.memref_slice %arg9[%dma_start3A, %dma_start3A_1773] : memref<16x128xi32, #tpu.memory_space<vmem>> -> memref<1x128xi32, #tpu.memory_space<vmem>>
        %dma_start3A_1775 = tpu.memref_squeeze %dma_start3A_1774 : memref<1x128xi32, #tpu.memory_space<vmem>> -> memref<128xi32, #tpu.memory_space<vmem>>
        %dma_start3A_1776 = arith.constant 0 : i32
        %dma_start3A_1777 = tpu.memref_slice %arg16[%dma_start3A_1776] : memref<10000xf32, #tpu.memory_space<vmem_shared>> -> memref<10000xf32, #tpu.memory_space<vmem_shared>>
        tpu.enqueue_indirect_dma source(%arg13 : memref<128xf32, #tpu.memory_space<vmem>>) target(%dma_start3A_1777 : memref<10000xf32, #tpu.memory_space<vmem_shared>>) offsets(%dma_start3A_1775 : memref<128xi32, #tpu.memory_space<vmem>>) semaphore(%arg21 : memref<!tpu.dma_semaphore, #tpu.memory_space<semaphore_mem>>) {add = true}
        %run_scoped3A = arith.constant 4 : i32
        "tpu.region"() ({
          %run_scoped3A_1778 = tpu.sem_alloc : memref<!tpu.dma_semaphore, #tpu.memory_space<semaphore_mem>>
          %dma_start3A_1779 = arith.constant 0 : i32
          %dma_start3A_1780 = tpu.memref_slice %arg9[%run_scoped3A, %dma_start3A_1779] : memref<16x128xi32, #tpu.memory_space<vmem>> -> memref<1x128xi32, #tpu.memory_space<vmem>>
          %dma_start3A_1781 = tpu.memref_squeeze %dma_start3A_1780 : memref<1x128xi32, #tpu.memory_space<vmem>> -> memref<128xi32, #tpu.memory_space<vmem>>
          %dma_start3A_1782 = arith.constant 0 : i32
          %dma_start3A_1783 = arith.constant 0 : i32
          %dma_start3A_1784 = tpu.memref_slice %arg15[%dma_start3A_1782, %dma_start3A_1783] : memref<10000x128xf32, #tpu.memory_space<vmem_shared>> -> memref<10000x128xf32, #tpu.memory_space<vmem_shared>>
          tpu.enqueue_indirect_dma source(%arg11 : memref<128x128xf32, #tpu.memory_space<vmem>>) target(%dma_start3A_1784 : memref<10000x128xf32, #tpu.memory_space<vmem_shared>>) offsets(%dma_start3A_1781 : memref<128xi32, #tpu.memory_space<vmem>>) semaphore(%run_scoped3A_1778 : memref<!tpu.dma_semaphore, #tpu.memory_space<semaphore_mem>>) {add = true}
          %dma_wait3A = arith.constant 0 : i32
          %dma_wait3A_1785 = tpu.memref_slice %arg9[%run_scoped3A, %dma_wait3A] : memref<16x128xi32, #tpu.memory_space<vmem>> -> memref<1x128xi32, #tpu.memory_space<vmem>>
          %dma_wait3A_1786 = tpu.memref_squeeze %dma_wait3A_1785 : memref<1x128xi32, #tpu.memory_space<vmem>> -> memref<128xi32, #tpu.memory_space<vmem>>
          %dma_wait3A_1787 = arith.constant 0 : i32
          %dma_wait3A_1788 = arith.constant 0 : i32
          %dma_wait3A_1789 = tpu.memref_slice %arg15[%dma_wait3A_1787, %dma_wait3A_1788] : memref<10000x128xf32, #tpu.memory_space<vmem_shared>> -> memref<10000x128xf32, #tpu.memory_space<vmem_shared>>
          tpu.wait_indirect_dma semaphore(%run_scoped3A_1778 : memref<!tpu.dma_semaphore, #tpu.memory_space<semaphore_mem>>) src(%arg11 : memref<128x128xf32, #tpu.memory_space<vmem>>) dst(%dma_wait3A_1789 : memref<10000x128xf32, #tpu.memory_space<vmem_shared>>)
          tpu.yield
        }) : () -> ()
      } else {
      }
      %mul3A_809 = arith.constant 16 : i32
      %mul3A_810 = arith.muli %add3A_470, %mul3A_809 : i32
      %add3A_811 = arith.constant 6 : i32
      %add3A_812 = arith.addi %mul3A_810, %add3A_811 : i32
      %lt3A_813 = arith.constant 2500 : i32
      %lt3A_814 = arith.cmpi slt, %add3A_812, %lt3A_813 : i32
      %convert_element_type3A_815 = arith.extui %lt3A_814 : i1 to i32
      %cond3A_816 = arith.constant 0 : i32
      %cond3A_817 = arith.cmpi ne, %convert_element_type3A_815, %cond3A_816 : i32
      scf.if %cond3A_817 {
        %dma_start3A = arith.constant 6 : i32
        %dma_start3A_1773 = arith.constant 0 : i32
        %dma_start3A_1774 = tpu.memref_slice %arg7[%dma_start3A, %dma_start3A_1773] : memref<16x128xi32, #tpu.memory_space<vmem>> -> memref<1x128xi32, #tpu.memory_space<vmem>>
        %dma_start3A_1775 = tpu.memref_squeeze %dma_start3A_1774 : memref<1x128xi32, #tpu.memory_space<vmem>> -> memref<128xi32, #tpu.memory_space<vmem>>
        %dma_start3A_1776 = arith.constant 0 : i32
        %dma_start3A_1777 = arith.constant 0 : i32
        %dma_start3A_1778 = tpu.memref_slice %arg2[%dma_start3A_1776, %dma_start3A_1777] : memref<10000x128xf32, #tpu.memory_space<hbm>> -> memref<10000x128xf32, #tpu.memory_space<hbm>>
        tpu.enqueue_indirect_dma source(%dma_start3A_1778 : memref<10000x128xf32, #tpu.memory_space<hbm>>) target(%arg11 : memref<128x128xf32, #tpu.memory_space<vmem>>) offsets(%dma_start3A_1775 : memref<128xi32, #tpu.memory_space<vmem>>) semaphore(%arg19 : memref<!tpu.dma_semaphore, #tpu.memory_space<semaphore_mem>>)
      } else {
      }
      %mul3A_818 = arith.constant 16 : i32
      %mul3A_819 = arith.muli %add3A_470, %mul3A_818 : i32
      %add3A_820 = arith.constant 5 : i32
      %add3A_821 = arith.addi %mul3A_819, %add3A_820 : i32
      %lt3A_822 = arith.constant 2500 : i32
      %lt3A_823 = arith.cmpi slt, %add3A_821, %lt3A_822 : i32
      %convert_element_type3A_824 = arith.extui %lt3A_823 : i1 to i32
      %cond3A_825 = arith.constant 0 : i32
      %cond3A_826 = arith.cmpi ne, %convert_element_type3A_824, %cond3A_825 : i32
      scf.if %cond3A_826 {
        %dma_wait3A = arith.constant 0 : i32
        %dma_wait3A_1773 = arith.constant 0 : i32
        %dma_wait3A_1774 = tpu.memref_slice %arg2[%dma_wait3A, %dma_wait3A_1773] : memref<10000x128xf32, #tpu.memory_space<hbm>> -> memref<128x128xf32, #tpu.memory_space<hbm>>
        %dma_wait3A_1775 = arith.constant 0 : i32
        %dma_wait3A_1776 = arith.constant 0 : i32
        %dma_wait3A_1777 = tpu.memref_slice %arg2[%dma_wait3A_1775, %dma_wait3A_1776] : memref<10000x128xf32, #tpu.memory_space<hbm>> -> memref<128x128xf32, #tpu.memory_space<hbm>>
        tpu.wait_dma2 semaphore(%arg20 : memref<!tpu.dma_semaphore, #tpu.memory_space<semaphore_mem>>) src(%dma_wait3A_1777 : memref<128x128xf32, #tpu.memory_space<hbm>>) dst(%arg12 : memref<128x128xf32, #tpu.memory_space<vmem>>)
      } else {
      }
      %mul3A_827 = arith.constant 16 : i32
      %mul3A_828 = arith.muli %add3A_470, %mul3A_827 : i32
      %add3A_829 = arith.constant 5 : i32
      %add3A_830 = arith.addi %mul3A_828, %add3A_829 : i32
      %lt3A_831 = arith.constant 2500 : i32
      %lt3A_832 = arith.cmpi slt, %add3A_830, %lt3A_831 : i32
      %convert_element_type3A_833 = arith.extui %lt3A_832 : i1 to i32
      %cond3A_834 = arith.constant 0 : i32
      %cond3A_835 = arith.cmpi ne, %convert_element_type3A_833, %cond3A_834 : i32
      scf.if %cond3A_835 {
        %dma_start3A = arith.constant 5 : i32
        %dma_start3A_1773 = arith.constant 0 : i32
        %dma_start3A_1774 = tpu.memref_slice %arg9[%dma_start3A, %dma_start3A_1773] : memref<16x128xi32, #tpu.memory_space<vmem>> -> memref<1x128xi32, #tpu.memory_space<vmem>>
        %dma_start3A_1775 = tpu.memref_squeeze %dma_start3A_1774 : memref<1x128xi32, #tpu.memory_space<vmem>> -> memref<128xi32, #tpu.memory_space<vmem>>
        %dma_start3A_1776 = arith.constant 0 : i32
        %dma_start3A_1777 = tpu.memref_slice %arg16[%dma_start3A_1776] : memref<10000xf32, #tpu.memory_space<vmem_shared>> -> memref<10000xf32, #tpu.memory_space<vmem_shared>>
        tpu.enqueue_indirect_dma source(%arg13 : memref<128xf32, #tpu.memory_space<vmem>>) target(%dma_start3A_1777 : memref<10000xf32, #tpu.memory_space<vmem_shared>>) offsets(%dma_start3A_1775 : memref<128xi32, #tpu.memory_space<vmem>>) semaphore(%arg21 : memref<!tpu.dma_semaphore, #tpu.memory_space<semaphore_mem>>) {add = true}
        %run_scoped3A = arith.constant 5 : i32
        "tpu.region"() ({
          %run_scoped3A_1778 = tpu.sem_alloc : memref<!tpu.dma_semaphore, #tpu.memory_space<semaphore_mem>>
          %dma_start3A_1779 = arith.constant 0 : i32
          %dma_start3A_1780 = tpu.memref_slice %arg9[%run_scoped3A, %dma_start3A_1779] : memref<16x128xi32, #tpu.memory_space<vmem>> -> memref<1x128xi32, #tpu.memory_space<vmem>>
          %dma_start3A_1781 = tpu.memref_squeeze %dma_start3A_1780 : memref<1x128xi32, #tpu.memory_space<vmem>> -> memref<128xi32, #tpu.memory_space<vmem>>
          %dma_start3A_1782 = arith.constant 0 : i32
          %dma_start3A_1783 = arith.constant 0 : i32
          %dma_start3A_1784 = tpu.memref_slice %arg15[%dma_start3A_1782, %dma_start3A_1783] : memref<10000x128xf32, #tpu.memory_space<vmem_shared>> -> memref<10000x128xf32, #tpu.memory_space<vmem_shared>>
          tpu.enqueue_indirect_dma source(%arg12 : memref<128x128xf32, #tpu.memory_space<vmem>>) target(%dma_start3A_1784 : memref<10000x128xf32, #tpu.memory_space<vmem_shared>>) offsets(%dma_start3A_1781 : memref<128xi32, #tpu.memory_space<vmem>>) semaphore(%run_scoped3A_1778 : memref<!tpu.dma_semaphore, #tpu.memory_space<semaphore_mem>>) {add = true}
          %dma_wait3A = arith.constant 0 : i32
          %dma_wait3A_1785 = tpu.memref_slice %arg9[%run_scoped3A, %dma_wait3A] : memref<16x128xi32, #tpu.memory_space<vmem>> -> memref<1x128xi32, #tpu.memory_space<vmem>>
          %dma_wait3A_1786 = tpu.memref_squeeze %dma_wait3A_1785 : memref<1x128xi32, #tpu.memory_space<vmem>> -> memref<128xi32, #tpu.memory_space<vmem>>
          %dma_wait3A_1787 = arith.constant 0 : i32
          %dma_wait3A_1788 = arith.constant 0 : i32
          %dma_wait3A_1789 = tpu.memref_slice %arg15[%dma_wait3A_1787, %dma_wait3A_1788] : memref<10000x128xf32, #tpu.memory_space<vmem_shared>> -> memref<10000x128xf32, #tpu.memory_space<vmem_shared>>
          tpu.wait_indirect_dma semaphore(%run_scoped3A_1778 : memref<!tpu.dma_semaphore, #tpu.memory_space<semaphore_mem>>) src(%arg12 : memref<128x128xf32, #tpu.memory_space<vmem>>) dst(%dma_wait3A_1789 : memref<10000x128xf32, #tpu.memory_space<vmem_shared>>)
          tpu.yield
        }) : () -> ()
      } else {
      }
      %lt3A_836 = arith.constant 156 : i32
      %lt3A_837 = arith.cmpi slt, %add3A_480, %lt3A_836 : i32
      %convert_element_type3A_838 = arith.extui %lt3A_837 : i1 to i32
      %cond3A_839 = arith.constant 0 : i32
      %cond3A_840 = arith.cmpi ne, %convert_element_type3A_838, %cond3A_839 : i32
      scf.if %cond3A_840 {
        %dma_wait3A = arith.constant 0 : i32
        %dma_wait3A_1773 = arith.constant 0 : i32
        %dma_wait3A_1774 = tpu.memref_slice %arg3[%dma_wait3A, %dma_wait3A_1773] : memref<2500x128xi32, #tpu.memory_space<hbm>> -> memref<16x128xi32, #tpu.memory_space<hbm>>
        %dma_wait3A_1775 = arith.constant 0 : i32
        %dma_wait3A_1776 = arith.constant 0 : i32
        %dma_wait3A_1777 = tpu.memref_slice %arg3[%dma_wait3A_1775, %dma_wait3A_1776] : memref<2500x128xi32, #tpu.memory_space<hbm>> -> memref<16x128xi32, #tpu.memory_space<hbm>>
        tpu.wait_dma2 semaphore(%arg18 : memref<!tpu.dma_semaphore, #tpu.memory_space<semaphore_mem>>) src(%dma_wait3A_1777 : memref<16x128xi32, #tpu.memory_space<hbm>>) dst(%arg8 : memref<16x128xi32, #tpu.memory_space<vmem>>)
        %dma_wait3A_1778 = arith.constant 0 : i32
        %dma_wait3A_1779 = arith.constant 0 : i32
        %dma_wait3A_1780 = tpu.memref_slice %arg3[%dma_wait3A_1778, %dma_wait3A_1779] : memref<2500x128xi32, #tpu.memory_space<hbm>> -> memref<16x128xi32, #tpu.memory_space<hbm>>
        %dma_wait3A_1781 = arith.constant 0 : i32
        %dma_wait3A_1782 = arith.constant 0 : i32
        %dma_wait3A_1783 = tpu.memref_slice %arg3[%dma_wait3A_1781, %dma_wait3A_1782] : memref<2500x128xi32, #tpu.memory_space<hbm>> -> memref<16x128xi32, #tpu.memory_space<hbm>>
        tpu.wait_dma2 semaphore(%arg18 : memref<!tpu.dma_semaphore, #tpu.memory_space<semaphore_mem>>) src(%dma_wait3A_1783 : memref<16x128xi32, #tpu.memory_space<hbm>>) dst(%arg10 : memref<16x128xi32, #tpu.memory_space<vmem>>)
      } else {
      }
      %eq3A_841 = arith.constant 156 : i32
      %eq3A_842 = arith.cmpi eq, %add3A_480, %eq3A_841 : i32
      %convert_element_type3A_843 = arith.extui %eq3A_842 : i1 to i32
      %cond3A_844 = arith.constant 0 : i32
      %cond3A_845 = arith.cmpi ne, %convert_element_type3A_843, %cond3A_844 : i32
      scf.if %cond3A_845 {
        %dma_wait3A = arith.constant 0 : i32
        %dma_wait3A_1773 = arith.constant 0 : i32
        %dma_wait3A_1774 = tpu.memref_slice %arg8[%dma_wait3A, %dma_wait3A_1773] : memref<16x128xi32, #tpu.memory_space<vmem>> -> memref<4x128xi32, #tpu.memory_space<vmem>>
        %dma_wait3A_1775 = arith.constant 0 : i32
        %dma_wait3A_1776 = arith.constant 0 : i32
        %dma_wait3A_1777 = tpu.memref_slice %arg3[%dma_wait3A_1775, %dma_wait3A_1776] : memref<2500x128xi32, #tpu.memory_space<hbm>> -> memref<4x128xi32, #tpu.memory_space<hbm>>
        %dma_wait3A_1778 = arith.constant 0 : i32
        %dma_wait3A_1779 = arith.constant 0 : i32
        %dma_wait3A_1780 = tpu.memref_slice %arg8[%dma_wait3A_1778, %dma_wait3A_1779] : memref<16x128xi32, #tpu.memory_space<vmem>> -> memref<4x128xi32, #tpu.memory_space<vmem>>
        %dma_wait3A_1781 = arith.constant 0 : i32
        %dma_wait3A_1782 = arith.constant 0 : i32
        %dma_wait3A_1783 = tpu.memref_slice %arg3[%dma_wait3A_1781, %dma_wait3A_1782] : memref<2500x128xi32, #tpu.memory_space<hbm>> -> memref<4x128xi32, #tpu.memory_space<hbm>>
        tpu.wait_dma2 semaphore(%arg18 : memref<!tpu.dma_semaphore, #tpu.memory_space<semaphore_mem>>) src(%dma_wait3A_1783 : memref<4x128xi32, #tpu.memory_space<hbm>>) dst(%dma_wait3A_1780 : memref<4x128xi32, #tpu.memory_space<vmem>>)
        %dma_wait3A_1784 = arith.constant 0 : i32
        %dma_wait3A_1785 = arith.constant 0 : i32
        %dma_wait3A_1786 = tpu.memref_slice %arg10[%dma_wait3A_1784, %dma_wait3A_1785] : memref<16x128xi32, #tpu.memory_space<vmem>> -> memref<4x128xi32, #tpu.memory_space<vmem>>
        %dma_wait3A_1787 = arith.constant 0 : i32
        %dma_wait3A_1788 = arith.constant 0 : i32
        %dma_wait3A_1789 = tpu.memref_slice %arg3[%dma_wait3A_1787, %dma_wait3A_1788] : memref<2500x128xi32, #tpu.memory_space<hbm>> -> memref<4x128xi32, #tpu.memory_space<hbm>>
        %dma_wait3A_1790 = arith.constant 0 : i32
        %dma_wait3A_1791 = arith.constant 0 : i32
        %dma_wait3A_1792 = tpu.memref_slice %arg10[%dma_wait3A_1790, %dma_wait3A_1791] : memref<16x128xi32, #tpu.memory_space<vmem>> -> memref<4x128xi32, #tpu.memory_space<vmem>>
        %dma_wait3A_1793 = arith.constant 0 : i32
        %dma_wait3A_1794 = arith.constant 0 : i32
        %dma_wait3A_1795 = tpu.memref_slice %arg3[%dma_wait3A_1793, %dma_wait3A_1794] : memref<2500x128xi32, #tpu.memory_space<hbm>> -> memref<4x128xi32, #tpu.memory_space<hbm>>
        tpu.wait_dma2 semaphore(%arg18 : memref<!tpu.dma_semaphore, #tpu.memory_space<semaphore_mem>>) src(%dma_wait3A_1795 : memref<4x128xi32, #tpu.memory_space<hbm>>) dst(%dma_wait3A_1792 : memref<4x128xi32, #tpu.memory_space<vmem>>)
      } else {
      }
      %mul3A_846 = arith.constant 16 : i32
      %mul3A_847 = arith.muli %add3A_470, %mul3A_846 : i32
      %add3A_848 = arith.constant 7 : i32
      %add3A_849 = arith.addi %mul3A_847, %add3A_848 : i32
      %lt3A_850 = arith.constant 2500 : i32
      %lt3A_851 = arith.cmpi slt, %add3A_849, %lt3A_850 : i32
      %convert_element_type3A_852 = arith.extui %lt3A_851 : i1 to i32
      %cond3A_853 = arith.constant 0 : i32
      %cond3A_854 = arith.cmpi ne, %convert_element_type3A_852, %cond3A_853 : i32
      scf.if %cond3A_854 {
        %dma_start3A = arith.constant 7 : i32
        %dma_start3A_1773 = arith.constant 0 : i32
        %dma_start3A_1774 = tpu.memref_slice %arg7[%dma_start3A, %dma_start3A_1773] : memref<16x128xi32, #tpu.memory_space<vmem>> -> memref<1x128xi32, #tpu.memory_space<vmem>>
        %dma_start3A_1775 = tpu.memref_squeeze %dma_start3A_1774 : memref<1x128xi32, #tpu.memory_space<vmem>> -> memref<128xi32, #tpu.memory_space<vmem>>
        %dma_start3A_1776 = arith.constant 0 : i32
        %dma_start3A_1777 = arith.constant 0 : i32
        %dma_start3A_1778 = tpu.memref_slice %arg2[%dma_start3A_1776, %dma_start3A_1777] : memref<10000x128xf32, #tpu.memory_space<hbm>> -> memref<10000x128xf32, #tpu.memory_space<hbm>>
        tpu.enqueue_indirect_dma source(%dma_start3A_1778 : memref<10000x128xf32, #tpu.memory_space<hbm>>) target(%arg12 : memref<128x128xf32, #tpu.memory_space<vmem>>) offsets(%dma_start3A_1775 : memref<128xi32, #tpu.memory_space<vmem>>) semaphore(%arg20 : memref<!tpu.dma_semaphore, #tpu.memory_space<semaphore_mem>>)
      } else {
      }
      %mul3A_855 = arith.constant 16 : i32
      %mul3A_856 = arith.muli %add3A_470, %mul3A_855 : i32
      %add3A_857 = arith.constant 6 : i32
      %add3A_858 = arith.addi %mul3A_856, %add3A_857 : i32
      %lt3A_859 = arith.constant 2500 : i32
      %lt3A_860 = arith.cmpi slt, %add3A_858, %lt3A_859 : i32
      %convert_element_type3A_861 = arith.extui %lt3A_860 : i1 to i32
      %cond3A_862 = arith.constant 0 : i32
      %cond3A_863 = arith.cmpi ne, %convert_element_type3A_861, %cond3A_862 : i32
      scf.if %cond3A_863 {
        %dma_wait3A = arith.constant 0 : i32
        %dma_wait3A_1773 = arith.constant 0 : i32
        %dma_wait3A_1774 = tpu.memref_slice %arg2[%dma_wait3A, %dma_wait3A_1773] : memref<10000x128xf32, #tpu.memory_space<hbm>> -> memref<128x128xf32, #tpu.memory_space<hbm>>
        %dma_wait3A_1775 = arith.constant 0 : i32
        %dma_wait3A_1776 = arith.constant 0 : i32
        %dma_wait3A_1777 = tpu.memref_slice %arg2[%dma_wait3A_1775, %dma_wait3A_1776] : memref<10000x128xf32, #tpu.memory_space<hbm>> -> memref<128x128xf32, #tpu.memory_space<hbm>>
        tpu.wait_dma2 semaphore(%arg19 : memref<!tpu.dma_semaphore, #tpu.memory_space<semaphore_mem>>) src(%dma_wait3A_1777 : memref<128x128xf32, #tpu.memory_space<hbm>>) dst(%arg11 : memref<128x128xf32, #tpu.memory_space<vmem>>)
      } else {
      }
      %mul3A_864 = arith.constant 16 : i32
      %mul3A_865 = arith.muli %add3A_470, %mul3A_864 : i32
      %add3A_866 = arith.constant 6 : i32
      %add3A_867 = arith.addi %mul3A_865, %add3A_866 : i32
      %lt3A_868 = arith.constant 2500 : i32
      %lt3A_869 = arith.cmpi slt, %add3A_867, %lt3A_868 : i32
      %convert_element_type3A_870 = arith.extui %lt3A_869 : i1 to i32
      %cond3A_871 = arith.constant 0 : i32
      %cond3A_872 = arith.cmpi ne, %convert_element_type3A_870, %cond3A_871 : i32
      scf.if %cond3A_872 {
        %dma_start3A = arith.constant 6 : i32
        %dma_start3A_1773 = arith.constant 0 : i32
        %dma_start3A_1774 = tpu.memref_slice %arg9[%dma_start3A, %dma_start3A_1773] : memref<16x128xi32, #tpu.memory_space<vmem>> -> memref<1x128xi32, #tpu.memory_space<vmem>>
        %dma_start3A_1775 = tpu.memref_squeeze %dma_start3A_1774 : memref<1x128xi32, #tpu.memory_space<vmem>> -> memref<128xi32, #tpu.memory_space<vmem>>
        %dma_start3A_1776 = arith.constant 0 : i32
        %dma_start3A_1777 = tpu.memref_slice %arg16[%dma_start3A_1776] : memref<10000xf32, #tpu.memory_space<vmem_shared>> -> memref<10000xf32, #tpu.memory_space<vmem_shared>>
        tpu.enqueue_indirect_dma source(%arg13 : memref<128xf32, #tpu.memory_space<vmem>>) target(%dma_start3A_1777 : memref<10000xf32, #tpu.memory_space<vmem_shared>>) offsets(%dma_start3A_1775 : memref<128xi32, #tpu.memory_space<vmem>>) semaphore(%arg21 : memref<!tpu.dma_semaphore, #tpu.memory_space<semaphore_mem>>) {add = true}
        %run_scoped3A = arith.constant 6 : i32
        "tpu.region"() ({
          %run_scoped3A_1778 = tpu.sem_alloc : memref<!tpu.dma_semaphore, #tpu.memory_space<semaphore_mem>>
          %dma_start3A_1779 = arith.constant 0 : i32
          %dma_start3A_1780 = tpu.memref_slice %arg9[%run_scoped3A, %dma_start3A_1779] : memref<16x128xi32, #tpu.memory_space<vmem>> -> memref<1x128xi32, #tpu.memory_space<vmem>>
          %dma_start3A_1781 = tpu.memref_squeeze %dma_start3A_1780 : memref<1x128xi32, #tpu.memory_space<vmem>> -> memref<128xi32, #tpu.memory_space<vmem>>
          %dma_start3A_1782 = arith.constant 0 : i32
          %dma_start3A_1783 = arith.constant 0 : i32
          %dma_start3A_1784 = tpu.memref_slice %arg15[%dma_start3A_1782, %dma_start3A_1783] : memref<10000x128xf32, #tpu.memory_space<vmem_shared>> -> memref<10000x128xf32, #tpu.memory_space<vmem_shared>>
          tpu.enqueue_indirect_dma source(%arg11 : memref<128x128xf32, #tpu.memory_space<vmem>>) target(%dma_start3A_1784 : memref<10000x128xf32, #tpu.memory_space<vmem_shared>>) offsets(%dma_start3A_1781 : memref<128xi32, #tpu.memory_space<vmem>>) semaphore(%run_scoped3A_1778 : memref<!tpu.dma_semaphore, #tpu.memory_space<semaphore_mem>>) {add = true}
          %dma_wait3A = arith.constant 0 : i32
          %dma_wait3A_1785 = tpu.memref_slice %arg9[%run_scoped3A, %dma_wait3A] : memref<16x128xi32, #tpu.memory_space<vmem>> -> memref<1x128xi32, #tpu.memory_space<vmem>>
          %dma_wait3A_1786 = tpu.memref_squeeze %dma_wait3A_1785 : memref<1x128xi32, #tpu.memory_space<vmem>> -> memref<128xi32, #tpu.memory_space<vmem>>
          %dma_wait3A_1787 = arith.constant 0 : i32
          %dma_wait3A_1788 = arith.constant 0 : i32
          %dma_wait3A_1789 = tpu.memref_slice %arg15[%dma_wait3A_1787, %dma_wait3A_1788] : memref<10000x128xf32, #tpu.memory_space<vmem_shared>> -> memref<10000x128xf32, #tpu.memory_space<vmem_shared>>
          tpu.wait_indirect_dma semaphore(%run_scoped3A_1778 : memref<!tpu.dma_semaphore, #tpu.memory_space<semaphore_mem>>) src(%arg11 : memref<128x128xf32, #tpu.memory_space<vmem>>) dst(%dma_wait3A_1789 : memref<10000x128xf32, #tpu.memory_space<vmem_shared>>)
          tpu.yield
        }) : () -> ()
      } else {
      }
      %mul3A_873 = arith.constant 16 : i32
      %mul3A_874 = arith.muli %add3A_470, %mul3A_873 : i32
      %add3A_875 = arith.constant 8 : i32
      %add3A_876 = arith.addi %mul3A_874, %add3A_875 : i32
      %lt3A_877 = arith.constant 2500 : i32
      %lt3A_878 = arith.cmpi slt, %add3A_876, %lt3A_877 : i32
      %convert_element_type3A_879 = arith.extui %lt3A_878 : i1 to i32
      %cond3A_880 = arith.constant 0 : i32
      %cond3A_881 = arith.cmpi ne, %convert_element_type3A_879, %cond3A_880 : i32
      scf.if %cond3A_881 {
        %dma_start3A = arith.constant 8 : i32
        %dma_start3A_1773 = arith.constant 0 : i32
        %dma_start3A_1774 = tpu.memref_slice %arg7[%dma_start3A, %dma_start3A_1773] : memref<16x128xi32, #tpu.memory_space<vmem>> -> memref<1x128xi32, #tpu.memory_space<vmem>>
        %dma_start3A_1775 = tpu.memref_squeeze %dma_start3A_1774 : memref<1x128xi32, #tpu.memory_space<vmem>> -> memref<128xi32, #tpu.memory_space<vmem>>
        %dma_start3A_1776 = arith.constant 0 : i32
        %dma_start3A_1777 = arith.constant 0 : i32
        %dma_start3A_1778 = tpu.memref_slice %arg2[%dma_start3A_1776, %dma_start3A_1777] : memref<10000x128xf32, #tpu.memory_space<hbm>> -> memref<10000x128xf32, #tpu.memory_space<hbm>>
        tpu.enqueue_indirect_dma source(%dma_start3A_1778 : memref<10000x128xf32, #tpu.memory_space<hbm>>) target(%arg11 : memref<128x128xf32, #tpu.memory_space<vmem>>) offsets(%dma_start3A_1775 : memref<128xi32, #tpu.memory_space<vmem>>) semaphore(%arg19 : memref<!tpu.dma_semaphore, #tpu.memory_space<semaphore_mem>>)
      } else {
      }
      %mul3A_882 = arith.constant 16 : i32
      %mul3A_883 = arith.muli %add3A_470, %mul3A_882 : i32
      %add3A_884 = arith.constant 7 : i32
      %add3A_885 = arith.addi %mul3A_883, %add3A_884 : i32
      %lt3A_886 = arith.constant 2500 : i32
      %lt3A_887 = arith.cmpi slt, %add3A_885, %lt3A_886 : i32
      %convert_element_type3A_888 = arith.extui %lt3A_887 : i1 to i32
      %cond3A_889 = arith.constant 0 : i32
      %cond3A_890 = arith.cmpi ne, %convert_element_type3A_888, %cond3A_889 : i32
      scf.if %cond3A_890 {
        %dma_wait3A = arith.constant 0 : i32
        %dma_wait3A_1773 = arith.constant 0 : i32
        %dma_wait3A_1774 = tpu.memref_slice %arg2[%dma_wait3A, %dma_wait3A_1773] : memref<10000x128xf32, #tpu.memory_space<hbm>> -> memref<128x128xf32, #tpu.memory_space<hbm>>
        %dma_wait3A_1775 = arith.constant 0 : i32
        %dma_wait3A_1776 = arith.constant 0 : i32
        %dma_wait3A_1777 = tpu.memref_slice %arg2[%dma_wait3A_1775, %dma_wait3A_1776] : memref<10000x128xf32, #tpu.memory_space<hbm>> -> memref<128x128xf32, #tpu.memory_space<hbm>>
        tpu.wait_dma2 semaphore(%arg20 : memref<!tpu.dma_semaphore, #tpu.memory_space<semaphore_mem>>) src(%dma_wait3A_1777 : memref<128x128xf32, #tpu.memory_space<hbm>>) dst(%arg12 : memref<128x128xf32, #tpu.memory_space<vmem>>)
      } else {
      }
      %mul3A_891 = arith.constant 16 : i32
      %mul3A_892 = arith.muli %add3A_470, %mul3A_891 : i32
      %add3A_893 = arith.constant 7 : i32
      %add3A_894 = arith.addi %mul3A_892, %add3A_893 : i32
      %lt3A_895 = arith.constant 2500 : i32
      %lt3A_896 = arith.cmpi slt, %add3A_894, %lt3A_895 : i32
      %convert_element_type3A_897 = arith.extui %lt3A_896 : i1 to i32
      %cond3A_898 = arith.constant 0 : i32
      %cond3A_899 = arith.cmpi ne, %convert_element_type3A_897, %cond3A_898 : i32
      scf.if %cond3A_899 {
        %dma_start3A = arith.constant 7 : i32
        %dma_start3A_1773 = arith.constant 0 : i32
        %dma_start3A_1774 = tpu.memref_slice %arg9[%dma_start3A, %dma_start3A_1773] : memref<16x128xi32, #tpu.memory_space<vmem>> -> memref<1x128xi32, #tpu.memory_space<vmem>>
        %dma_start3A_1775 = tpu.memref_squeeze %dma_start3A_1774 : memref<1x128xi32, #tpu.memory_space<vmem>> -> memref<128xi32, #tpu.memory_space<vmem>>
        %dma_start3A_1776 = arith.constant 0 : i32
        %dma_start3A_1777 = tpu.memref_slice %arg16[%dma_start3A_1776] : memref<10000xf32, #tpu.memory_space<vmem_shared>> -> memref<10000xf32, #tpu.memory_space<vmem_shared>>
        tpu.enqueue_indirect_dma source(%arg13 : memref<128xf32, #tpu.memory_space<vmem>>) target(%dma_start3A_1777 : memref<10000xf32, #tpu.memory_space<vmem_shared>>) offsets(%dma_start3A_1775 : memref<128xi32, #tpu.memory_space<vmem>>) semaphore(%arg21 : memref<!tpu.dma_semaphore, #tpu.memory_space<semaphore_mem>>) {add = true}
        %run_scoped3A = arith.constant 7 : i32
        "tpu.region"() ({
          %run_scoped3A_1778 = tpu.sem_alloc : memref<!tpu.dma_semaphore, #tpu.memory_space<semaphore_mem>>
          %dma_start3A_1779 = arith.constant 0 : i32
          %dma_start3A_1780 = tpu.memref_slice %arg9[%run_scoped3A, %dma_start3A_1779] : memref<16x128xi32, #tpu.memory_space<vmem>> -> memref<1x128xi32, #tpu.memory_space<vmem>>
          %dma_start3A_1781 = tpu.memref_squeeze %dma_start3A_1780 : memref<1x128xi32, #tpu.memory_space<vmem>> -> memref<128xi32, #tpu.memory_space<vmem>>
          %dma_start3A_1782 = arith.constant 0 : i32
          %dma_start3A_1783 = arith.constant 0 : i32
          %dma_start3A_1784 = tpu.memref_slice %arg15[%dma_start3A_1782, %dma_start3A_1783] : memref<10000x128xf32, #tpu.memory_space<vmem_shared>> -> memref<10000x128xf32, #tpu.memory_space<vmem_shared>>
          tpu.enqueue_indirect_dma source(%arg12 : memref<128x128xf32, #tpu.memory_space<vmem>>) target(%dma_start3A_1784 : memref<10000x128xf32, #tpu.memory_space<vmem_shared>>) offsets(%dma_start3A_1781 : memref<128xi32, #tpu.memory_space<vmem>>) semaphore(%run_scoped3A_1778 : memref<!tpu.dma_semaphore, #tpu.memory_space<semaphore_mem>>) {add = true}
          %dma_wait3A = arith.constant 0 : i32
          %dma_wait3A_1785 = tpu.memref_slice %arg9[%run_scoped3A, %dma_wait3A] : memref<16x128xi32, #tpu.memory_space<vmem>> -> memref<1x128xi32, #tpu.memory_space<vmem>>
          %dma_wait3A_1786 = tpu.memref_squeeze %dma_wait3A_1785 : memref<1x128xi32, #tpu.memory_space<vmem>> -> memref<128xi32, #tpu.memory_space<vmem>>
          %dma_wait3A_1787 = arith.constant 0 : i32
          %dma_wait3A_1788 = arith.constant 0 : i32
          %dma_wait3A_1789 = tpu.memref_slice %arg15[%dma_wait3A_1787, %dma_wait3A_1788] : memref<10000x128xf32, #tpu.memory_space<vmem_shared>> -> memref<10000x128xf32, #tpu.memory_space<vmem_shared>>
          tpu.wait_indirect_dma semaphore(%run_scoped3A_1778 : memref<!tpu.dma_semaphore, #tpu.memory_space<semaphore_mem>>) src(%arg12 : memref<128x128xf32, #tpu.memory_space<vmem>>) dst(%dma_wait3A_1789 : memref<10000x128xf32, #tpu.memory_space<vmem_shared>>)
          tpu.yield
        }) : () -> ()
      } else {
      }
      %mul3A_900 = arith.constant 16 : i32
      %mul3A_901 = arith.muli %add3A_470, %mul3A_900 : i32
      %add3A_902 = arith.constant 9 : i32
      %add3A_903 = arith.addi %mul3A_901, %add3A_902 : i32
      %lt3A_904 = arith.constant 2500 : i32
      %lt3A_905 = arith.cmpi slt, %add3A_903, %lt3A_904 : i32
      %convert_element_type3A_906 = arith.extui %lt3A_905 : i1 to i32
      %cond3A_907 = arith.constant 0 : i32
      %cond3A_908 = arith.cmpi ne, %convert_element_type3A_906, %cond3A_907 : i32
      scf.if %cond3A_908 {
        %dma_start3A = arith.constant 9 : i32
        %dma_start3A_1773 = arith.constant 0 : i32
        %dma_start3A_1774 = tpu.memref_slice %arg7[%dma_start3A, %dma_start3A_1773] : memref<16x128xi32, #tpu.memory_space<vmem>> -> memref<1x128xi32, #tpu.memory_space<vmem>>
        %dma_start3A_1775 = tpu.memref_squeeze %dma_start3A_1774 : memref<1x128xi32, #tpu.memory_space<vmem>> -> memref<128xi32, #tpu.memory_space<vmem>>
        %dma_start3A_1776 = arith.constant 0 : i32
        %dma_start3A_1777 = arith.constant 0 : i32
        %dma_start3A_1778 = tpu.memref_slice %arg2[%dma_start3A_1776, %dma_start3A_1777] : memref<10000x128xf32, #tpu.memory_space<hbm>> -> memref<10000x128xf32, #tpu.memory_space<hbm>>
        tpu.enqueue_indirect_dma source(%dma_start3A_1778 : memref<10000x128xf32, #tpu.memory_space<hbm>>) target(%arg12 : memref<128x128xf32, #tpu.memory_space<vmem>>) offsets(%dma_start3A_1775 : memref<128xi32, #tpu.memory_space<vmem>>) semaphore(%arg20 : memref<!tpu.dma_semaphore, #tpu.memory_space<semaphore_mem>>)
      } else {
      }
      %mul3A_909 = arith.constant 16 : i32
      %mul3A_910 = arith.muli %add3A_470, %mul3A_909 : i32
      %add3A_911 = arith.constant 8 : i32
      %add3A_912 = arith.addi %mul3A_910, %add3A_911 : i32
      %lt3A_913 = arith.constant 2500 : i32
      %lt3A_914 = arith.cmpi slt, %add3A_912, %lt3A_913 : i32
      %convert_element_type3A_915 = arith.extui %lt3A_914 : i1 to i32
      %cond3A_916 = arith.constant 0 : i32
      %cond3A_917 = arith.cmpi ne, %convert_element_type3A_915, %cond3A_916 : i32
      scf.if %cond3A_917 {
        %dma_wait3A = arith.constant 0 : i32
        %dma_wait3A_1773 = arith.constant 0 : i32
        %dma_wait3A_1774 = tpu.memref_slice %arg2[%dma_wait3A, %dma_wait3A_1773] : memref<10000x128xf32, #tpu.memory_space<hbm>> -> memref<128x128xf32, #tpu.memory_space<hbm>>
        %dma_wait3A_1775 = arith.constant 0 : i32
        %dma_wait3A_1776 = arith.constant 0 : i32
        %dma_wait3A_1777 = tpu.memref_slice %arg2[%dma_wait3A_1775, %dma_wait3A_1776] : memref<10000x128xf32, #tpu.memory_space<hbm>> -> memref<128x128xf32, #tpu.memory_space<hbm>>
        tpu.wait_dma2 semaphore(%arg19 : memref<!tpu.dma_semaphore, #tpu.memory_space<semaphore_mem>>) src(%dma_wait3A_1777 : memref<128x128xf32, #tpu.memory_space<hbm>>) dst(%arg11 : memref<128x128xf32, #tpu.memory_space<vmem>>)
      } else {
      }
      %mul3A_918 = arith.constant 16 : i32
      %mul3A_919 = arith.muli %add3A_470, %mul3A_918 : i32
      %add3A_920 = arith.constant 8 : i32
      %add3A_921 = arith.addi %mul3A_919, %add3A_920 : i32
      %lt3A_922 = arith.constant 2500 : i32
      %lt3A_923 = arith.cmpi slt, %add3A_921, %lt3A_922 : i32
      %convert_element_type3A_924 = arith.extui %lt3A_923 : i1 to i32
      %cond3A_925 = arith.constant 0 : i32
      %cond3A_926 = arith.cmpi ne, %convert_element_type3A_924, %cond3A_925 : i32
      scf.if %cond3A_926 {
        %dma_start3A = arith.constant 8 : i32
        %dma_start3A_1773 = arith.constant 0 : i32
        %dma_start3A_1774 = tpu.memref_slice %arg9[%dma_start3A, %dma_start3A_1773] : memref<16x128xi32, #tpu.memory_space<vmem>> -> memref<1x128xi32, #tpu.memory_space<vmem>>
        %dma_start3A_1775 = tpu.memref_squeeze %dma_start3A_1774 : memref<1x128xi32, #tpu.memory_space<vmem>> -> memref<128xi32, #tpu.memory_space<vmem>>
        %dma_start3A_1776 = arith.constant 0 : i32
        %dma_start3A_1777 = tpu.memref_slice %arg16[%dma_start3A_1776] : memref<10000xf32, #tpu.memory_space<vmem_shared>> -> memref<10000xf32, #tpu.memory_space<vmem_shared>>
        tpu.enqueue_indirect_dma source(%arg13 : memref<128xf32, #tpu.memory_space<vmem>>) target(%dma_start3A_1777 : memref<10000xf32, #tpu.memory_space<vmem_shared>>) offsets(%dma_start3A_1775 : memref<128xi32, #tpu.memory_space<vmem>>) semaphore(%arg21 : memref<!tpu.dma_semaphore, #tpu.memory_space<semaphore_mem>>) {add = true}
        %run_scoped3A = arith.constant 8 : i32
        "tpu.region"() ({
          %run_scoped3A_1778 = tpu.sem_alloc : memref<!tpu.dma_semaphore, #tpu.memory_space<semaphore_mem>>
          %dma_start3A_1779 = arith.constant 0 : i32
          %dma_start3A_1780 = tpu.memref_slice %arg9[%run_scoped3A, %dma_start3A_1779] : memref<16x128xi32, #tpu.memory_space<vmem>> -> memref<1x128xi32, #tpu.memory_space<vmem>>
          %dma_start3A_1781 = tpu.memref_squeeze %dma_start3A_1780 : memref<1x128xi32, #tpu.memory_space<vmem>> -> memref<128xi32, #tpu.memory_space<vmem>>
          %dma_start3A_1782 = arith.constant 0 : i32
          %dma_start3A_1783 = arith.constant 0 : i32
          %dma_start3A_1784 = tpu.memref_slice %arg15[%dma_start3A_1782, %dma_start3A_1783] : memref<10000x128xf32, #tpu.memory_space<vmem_shared>> -> memref<10000x128xf32, #tpu.memory_space<vmem_shared>>
          tpu.enqueue_indirect_dma source(%arg11 : memref<128x128xf32, #tpu.memory_space<vmem>>) target(%dma_start3A_1784 : memref<10000x128xf32, #tpu.memory_space<vmem_shared>>) offsets(%dma_start3A_1781 : memref<128xi32, #tpu.memory_space<vmem>>) semaphore(%run_scoped3A_1778 : memref<!tpu.dma_semaphore, #tpu.memory_space<semaphore_mem>>) {add = true}
          %dma_wait3A = arith.constant 0 : i32
          %dma_wait3A_1785 = tpu.memref_slice %arg9[%run_scoped3A, %dma_wait3A] : memref<16x128xi32, #tpu.memory_space<vmem>> -> memref<1x128xi32, #tpu.memory_space<vmem>>
          %dma_wait3A_1786 = tpu.memref_squeeze %dma_wait3A_1785 : memref<1x128xi32, #tpu.memory_space<vmem>> -> memref<128xi32, #tpu.memory_space<vmem>>
          %dma_wait3A_1787 = arith.constant 0 : i32
          %dma_wait3A_1788 = arith.constant 0 : i32
          %dma_wait3A_1789 = tpu.memref_slice %arg15[%dma_wait3A_1787, %dma_wait3A_1788] : memref<10000x128xf32, #tpu.memory_space<vmem_shared>> -> memref<10000x128xf32, #tpu.memory_space<vmem_shared>>
          tpu.wait_indirect_dma semaphore(%run_scoped3A_1778 : memref<!tpu.dma_semaphore, #tpu.memory_space<semaphore_mem>>) src(%arg11 : memref<128x128xf32, #tpu.memory_space<vmem>>) dst(%dma_wait3A_1789 : memref<10000x128xf32, #tpu.memory_space<vmem_shared>>)
          tpu.yield
        }) : () -> ()
      } else {
      }
      %mul3A_927 = arith.constant 16 : i32
      %mul3A_928 = arith.muli %add3A_470, %mul3A_927 : i32
      %add3A_929 = arith.constant 10 : i32
      %add3A_930 = arith.addi %mul3A_928, %add3A_929 : i32
      %lt3A_931 = arith.constant 2500 : i32
      %lt3A_932 = arith.cmpi slt, %add3A_930, %lt3A_931 : i32
      %convert_element_type3A_933 = arith.extui %lt3A_932 : i1 to i32
      %cond3A_934 = arith.constant 0 : i32
      %cond3A_935 = arith.cmpi ne, %convert_element_type3A_933, %cond3A_934 : i32
      scf.if %cond3A_935 {
        %dma_start3A = arith.constant 10 : i32
        %dma_start3A_1773 = arith.constant 0 : i32
        %dma_start3A_1774 = tpu.memref_slice %arg7[%dma_start3A, %dma_start3A_1773] : memref<16x128xi32, #tpu.memory_space<vmem>> -> memref<1x128xi32, #tpu.memory_space<vmem>>
        %dma_start3A_1775 = tpu.memref_squeeze %dma_start3A_1774 : memref<1x128xi32, #tpu.memory_space<vmem>> -> memref<128xi32, #tpu.memory_space<vmem>>
        %dma_start3A_1776 = arith.constant 0 : i32
        %dma_start3A_1777 = arith.constant 0 : i32
        %dma_start3A_1778 = tpu.memref_slice %arg2[%dma_start3A_1776, %dma_start3A_1777] : memref<10000x128xf32, #tpu.memory_space<hbm>> -> memref<10000x128xf32, #tpu.memory_space<hbm>>
        tpu.enqueue_indirect_dma source(%dma_start3A_1778 : memref<10000x128xf32, #tpu.memory_space<hbm>>) target(%arg11 : memref<128x128xf32, #tpu.memory_space<vmem>>) offsets(%dma_start3A_1775 : memref<128xi32, #tpu.memory_space<vmem>>) semaphore(%arg19 : memref<!tpu.dma_semaphore, #tpu.memory_space<semaphore_mem>>)
      } else {
      }
      %mul3A_936 = arith.constant 16 : i32
      %mul3A_937 = arith.muli %add3A_470, %mul3A_936 : i32
      %add3A_938 = arith.constant 9 : i32
      %add3A_939 = arith.addi %mul3A_937, %add3A_938 : i32
      %lt3A_940 = arith.constant 2500 : i32
      %lt3A_941 = arith.cmpi slt, %add3A_939, %lt3A_940 : i32
      %convert_element_type3A_942 = arith.extui %lt3A_941 : i1 to i32
      %cond3A_943 = arith.constant 0 : i32
      %cond3A_944 = arith.cmpi ne, %convert_element_type3A_942, %cond3A_943 : i32
      scf.if %cond3A_944 {
        %dma_wait3A = arith.constant 0 : i32
        %dma_wait3A_1773 = arith.constant 0 : i32
        %dma_wait3A_1774 = tpu.memref_slice %arg2[%dma_wait3A, %dma_wait3A_1773] : memref<10000x128xf32, #tpu.memory_space<hbm>> -> memref<128x128xf32, #tpu.memory_space<hbm>>
        %dma_wait3A_1775 = arith.constant 0 : i32
        %dma_wait3A_1776 = arith.constant 0 : i32
        %dma_wait3A_1777 = tpu.memref_slice %arg2[%dma_wait3A_1775, %dma_wait3A_1776] : memref<10000x128xf32, #tpu.memory_space<hbm>> -> memref<128x128xf32, #tpu.memory_space<hbm>>
        tpu.wait_dma2 semaphore(%arg20 : memref<!tpu.dma_semaphore, #tpu.memory_space<semaphore_mem>>) src(%dma_wait3A_1777 : memref<128x128xf32, #tpu.memory_space<hbm>>) dst(%arg12 : memref<128x128xf32, #tpu.memory_space<vmem>>)
      } else {
      }
      %mul3A_945 = arith.constant 16 : i32
      %mul3A_946 = arith.muli %add3A_470, %mul3A_945 : i32
      %add3A_947 = arith.constant 9 : i32
      %add3A_948 = arith.addi %mul3A_946, %add3A_947 : i32
      %lt3A_949 = arith.constant 2500 : i32
      %lt3A_950 = arith.cmpi slt, %add3A_948, %lt3A_949 : i32
      %convert_element_type3A_951 = arith.extui %lt3A_950 : i1 to i32
      %cond3A_952 = arith.constant 0 : i32
      %cond3A_953 = arith.cmpi ne, %convert_element_type3A_951, %cond3A_952 : i32
      scf.if %cond3A_953 {
        %dma_start3A = arith.constant 9 : i32
        %dma_start3A_1773 = arith.constant 0 : i32
        %dma_start3A_1774 = tpu.memref_slice %arg9[%dma_start3A, %dma_start3A_1773] : memref<16x128xi32, #tpu.memory_space<vmem>> -> memref<1x128xi32, #tpu.memory_space<vmem>>
        %dma_start3A_1775 = tpu.memref_squeeze %dma_start3A_1774 : memref<1x128xi32, #tpu.memory_space<vmem>> -> memref<128xi32, #tpu.memory_space<vmem>>
        %dma_start3A_1776 = arith.constant 0 : i32
        %dma_start3A_1777 = tpu.memref_slice %arg16[%dma_start3A_1776] : memref<10000xf32, #tpu.memory_space<vmem_shared>> -> memref<10000xf32, #tpu.memory_space<vmem_shared>>
        tpu.enqueue_indirect_dma source(%arg13 : memref<128xf32, #tpu.memory_space<vmem>>) target(%dma_start3A_1777 : memref<10000xf32, #tpu.memory_space<vmem_shared>>) offsets(%dma_start3A_1775 : memref<128xi32, #tpu.memory_space<vmem>>) semaphore(%arg21 : memref<!tpu.dma_semaphore, #tpu.memory_space<semaphore_mem>>) {add = true}
        %run_scoped3A = arith.constant 9 : i32
        "tpu.region"() ({
          %run_scoped3A_1778 = tpu.sem_alloc : memref<!tpu.dma_semaphore, #tpu.memory_space<semaphore_mem>>
          %dma_start3A_1779 = arith.constant 0 : i32
          %dma_start3A_1780 = tpu.memref_slice %arg9[%run_scoped3A, %dma_start3A_1779] : memref<16x128xi32, #tpu.memory_space<vmem>> -> memref<1x128xi32, #tpu.memory_space<vmem>>
          %dma_start3A_1781 = tpu.memref_squeeze %dma_start3A_1780 : memref<1x128xi32, #tpu.memory_space<vmem>> -> memref<128xi32, #tpu.memory_space<vmem>>
          %dma_start3A_1782 = arith.constant 0 : i32
          %dma_start3A_1783 = arith.constant 0 : i32
          %dma_start3A_1784 = tpu.memref_slice %arg15[%dma_start3A_1782, %dma_start3A_1783] : memref<10000x128xf32, #tpu.memory_space<vmem_shared>> -> memref<10000x128xf32, #tpu.memory_space<vmem_shared>>
          tpu.enqueue_indirect_dma source(%arg12 : memref<128x128xf32, #tpu.memory_space<vmem>>) target(%dma_start3A_1784 : memref<10000x128xf32, #tpu.memory_space<vmem_shared>>) offsets(%dma_start3A_1781 : memref<128xi32, #tpu.memory_space<vmem>>) semaphore(%run_scoped3A_1778 : memref<!tpu.dma_semaphore, #tpu.memory_space<semaphore_mem>>) {add = true}
          %dma_wait3A = arith.constant 0 : i32
          %dma_wait3A_1785 = tpu.memref_slice %arg9[%run_scoped3A, %dma_wait3A] : memref<16x128xi32, #tpu.memory_space<vmem>> -> memref<1x128xi32, #tpu.memory_space<vmem>>
          %dma_wait3A_1786 = tpu.memref_squeeze %dma_wait3A_1785 : memref<1x128xi32, #tpu.memory_space<vmem>> -> memref<128xi32, #tpu.memory_space<vmem>>
          %dma_wait3A_1787 = arith.constant 0 : i32
          %dma_wait3A_1788 = arith.constant 0 : i32
          %dma_wait3A_1789 = tpu.memref_slice %arg15[%dma_wait3A_1787, %dma_wait3A_1788] : memref<10000x128xf32, #tpu.memory_space<vmem_shared>> -> memref<10000x128xf32, #tpu.memory_space<vmem_shared>>
          tpu.wait_indirect_dma semaphore(%run_scoped3A_1778 : memref<!tpu.dma_semaphore, #tpu.memory_space<semaphore_mem>>) src(%arg12 : memref<128x128xf32, #tpu.memory_space<vmem>>) dst(%dma_wait3A_1789 : memref<10000x128xf32, #tpu.memory_space<vmem_shared>>)
          tpu.yield
        }) : () -> ()
      } else {
      }
      %mul3A_954 = arith.constant 16 : i32
      %mul3A_955 = arith.muli %add3A_470, %mul3A_954 : i32
      %add3A_956 = arith.constant 11 : i32
      %add3A_957 = arith.addi %mul3A_955, %add3A_956 : i32
      %lt3A_958 = arith.constant 2500 : i32
      %lt3A_959 = arith.cmpi slt, %add3A_957, %lt3A_958 : i32
      %convert_element_type3A_960 = arith.extui %lt3A_959 : i1 to i32
      %cond3A_961 = arith.constant 0 : i32
      %cond3A_962 = arith.cmpi ne, %convert_element_type3A_960, %cond3A_961 : i32
      scf.if %cond3A_962 {
        %dma_start3A = arith.constant 11 : i32
        %dma_start3A_1773 = arith.constant 0 : i32
        %dma_start3A_1774 = tpu.memref_slice %arg7[%dma_start3A, %dma_start3A_1773] : memref<16x128xi32, #tpu.memory_space<vmem>> -> memref<1x128xi32, #tpu.memory_space<vmem>>
        %dma_start3A_1775 = tpu.memref_squeeze %dma_start3A_1774 : memref<1x128xi32, #tpu.memory_space<vmem>> -> memref<128xi32, #tpu.memory_space<vmem>>
        %dma_start3A_1776 = arith.constant 0 : i32
        %dma_start3A_1777 = arith.constant 0 : i32
        %dma_start3A_1778 = tpu.memref_slice %arg2[%dma_start3A_1776, %dma_start3A_1777] : memref<10000x128xf32, #tpu.memory_space<hbm>> -> memref<10000x128xf32, #tpu.memory_space<hbm>>
        tpu.enqueue_indirect_dma source(%dma_start3A_1778 : memref<10000x128xf32, #tpu.memory_space<hbm>>) target(%arg12 : memref<128x128xf32, #tpu.memory_space<vmem>>) offsets(%dma_start3A_1775 : memref<128xi32, #tpu.memory_space<vmem>>) semaphore(%arg20 : memref<!tpu.dma_semaphore, #tpu.memory_space<semaphore_mem>>)
      } else {
      }
      %mul3A_963 = arith.constant 16 : i32
      %mul3A_964 = arith.muli %add3A_470, %mul3A_963 : i32
      %add3A_965 = arith.constant 10 : i32
      %add3A_966 = arith.addi %mul3A_964, %add3A_965 : i32
      %lt3A_967 = arith.constant 2500 : i32
      %lt3A_968 = arith.cmpi slt, %add3A_966, %lt3A_967 : i32
      %convert_element_type3A_969 = arith.extui %lt3A_968 : i1 to i32
      %cond3A_970 = arith.constant 0 : i32
      %cond3A_971 = arith.cmpi ne, %convert_element_type3A_969, %cond3A_970 : i32
      scf.if %cond3A_971 {
        %dma_wait3A = arith.constant 0 : i32
        %dma_wait3A_1773 = arith.constant 0 : i32
        %dma_wait3A_1774 = tpu.memref_slice %arg2[%dma_wait3A, %dma_wait3A_1773] : memref<10000x128xf32, #tpu.memory_space<hbm>> -> memref<128x128xf32, #tpu.memory_space<hbm>>
        %dma_wait3A_1775 = arith.constant 0 : i32
        %dma_wait3A_1776 = arith.constant 0 : i32
        %dma_wait3A_1777 = tpu.memref_slice %arg2[%dma_wait3A_1775, %dma_wait3A_1776] : memref<10000x128xf32, #tpu.memory_space<hbm>> -> memref<128x128xf32, #tpu.memory_space<hbm>>
        tpu.wait_dma2 semaphore(%arg19 : memref<!tpu.dma_semaphore, #tpu.memory_space<semaphore_mem>>) src(%dma_wait3A_1777 : memref<128x128xf32, #tpu.memory_space<hbm>>) dst(%arg11 : memref<128x128xf32, #tpu.memory_space<vmem>>)
      } else {
      }
      %mul3A_972 = arith.constant 16 : i32
      %mul3A_973 = arith.muli %add3A_470, %mul3A_972 : i32
      %add3A_974 = arith.constant 10 : i32
      %add3A_975 = arith.addi %mul3A_973, %add3A_974 : i32
      %lt3A_976 = arith.constant 2500 : i32
      %lt3A_977 = arith.cmpi slt, %add3A_975, %lt3A_976 : i32
      %convert_element_type3A_978 = arith.extui %lt3A_977 : i1 to i32
      %cond3A_979 = arith.constant 0 : i32
      %cond3A_980 = arith.cmpi ne, %convert_element_type3A_978, %cond3A_979 : i32
      scf.if %cond3A_980 {
        %dma_start3A = arith.constant 10 : i32
        %dma_start3A_1773 = arith.constant 0 : i32
        %dma_start3A_1774 = tpu.memref_slice %arg9[%dma_start3A, %dma_start3A_1773] : memref<16x128xi32, #tpu.memory_space<vmem>> -> memref<1x128xi32, #tpu.memory_space<vmem>>
        %dma_start3A_1775 = tpu.memref_squeeze %dma_start3A_1774 : memref<1x128xi32, #tpu.memory_space<vmem>> -> memref<128xi32, #tpu.memory_space<vmem>>
        %dma_start3A_1776 = arith.constant 0 : i32
        %dma_start3A_1777 = tpu.memref_slice %arg16[%dma_start3A_1776] : memref<10000xf32, #tpu.memory_space<vmem_shared>> -> memref<10000xf32, #tpu.memory_space<vmem_shared>>
        tpu.enqueue_indirect_dma source(%arg13 : memref<128xf32, #tpu.memory_space<vmem>>) target(%dma_start3A_1777 : memref<10000xf32, #tpu.memory_space<vmem_shared>>) offsets(%dma_start3A_1775 : memref<128xi32, #tpu.memory_space<vmem>>) semaphore(%arg21 : memref<!tpu.dma_semaphore, #tpu.memory_space<semaphore_mem>>) {add = true}
        %run_scoped3A = arith.constant 10 : i32
        "tpu.region"() ({
          %run_scoped3A_1778 = tpu.sem_alloc : memref<!tpu.dma_semaphore, #tpu.memory_space<semaphore_mem>>
          %dma_start3A_1779 = arith.constant 0 : i32
          %dma_start3A_1780 = tpu.memref_slice %arg9[%run_scoped3A, %dma_start3A_1779] : memref<16x128xi32, #tpu.memory_space<vmem>> -> memref<1x128xi32, #tpu.memory_space<vmem>>
          %dma_start3A_1781 = tpu.memref_squeeze %dma_start3A_1780 : memref<1x128xi32, #tpu.memory_space<vmem>> -> memref<128xi32, #tpu.memory_space<vmem>>
          %dma_start3A_1782 = arith.constant 0 : i32
          %dma_start3A_1783 = arith.constant 0 : i32
          %dma_start3A_1784 = tpu.memref_slice %arg15[%dma_start3A_1782, %dma_start3A_1783] : memref<10000x128xf32, #tpu.memory_space<vmem_shared>> -> memref<10000x128xf32, #tpu.memory_space<vmem_shared>>
          tpu.enqueue_indirect_dma source(%arg11 : memref<128x128xf32, #tpu.memory_space<vmem>>) target(%dma_start3A_1784 : memref<10000x128xf32, #tpu.memory_space<vmem_shared>>) offsets(%dma_start3A_1781 : memref<128xi32, #tpu.memory_space<vmem>>) semaphore(%run_scoped3A_1778 : memref<!tpu.dma_semaphore, #tpu.memory_space<semaphore_mem>>) {add = true}
          %dma_wait3A = arith.constant 0 : i32
          %dma_wait3A_1785 = tpu.memref_slice %arg9[%run_scoped3A, %dma_wait3A] : memref<16x128xi32, #tpu.memory_space<vmem>> -> memref<1x128xi32, #tpu.memory_space<vmem>>
          %dma_wait3A_1786 = tpu.memref_squeeze %dma_wait3A_1785 : memref<1x128xi32, #tpu.memory_space<vmem>> -> memref<128xi32, #tpu.memory_space<vmem>>
          %dma_wait3A_1787 = arith.constant 0 : i32
          %dma_wait3A_1788 = arith.constant 0 : i32
          %dma_wait3A_1789 = tpu.memref_slice %arg15[%dma_wait3A_1787, %dma_wait3A_1788] : memref<10000x128xf32, #tpu.memory_space<vmem_shared>> -> memref<10000x128xf32, #tpu.memory_space<vmem_shared>>
          tpu.wait_indirect_dma semaphore(%run_scoped3A_1778 : memref<!tpu.dma_semaphore, #tpu.memory_space<semaphore_mem>>) src(%arg11 : memref<128x128xf32, #tpu.memory_space<vmem>>) dst(%dma_wait3A_1789 : memref<10000x128xf32, #tpu.memory_space<vmem_shared>>)
          tpu.yield
        }) : () -> ()
      } else {
      }
      %mul3A_981 = arith.constant 16 : i32
      %mul3A_982 = arith.muli %add3A_470, %mul3A_981 : i32
      %add3A_983 = arith.constant 12 : i32
      %add3A_984 = arith.addi %mul3A_982, %add3A_983 : i32
      %lt3A_985 = arith.constant 2500 : i32
      %lt3A_986 = arith.cmpi slt, %add3A_984, %lt3A_985 : i32
      %convert_element_type3A_987 = arith.extui %lt3A_986 : i1 to i32
      %cond3A_988 = arith.constant 0 : i32
      %cond3A_989 = arith.cmpi ne, %convert_element_type3A_987, %cond3A_988 : i32
      scf.if %cond3A_989 {
        %dma_start3A = arith.constant 12 : i32
        %dma_start3A_1773 = arith.constant 0 : i32
        %dma_start3A_1774 = tpu.memref_slice %arg7[%dma_start3A, %dma_start3A_1773] : memref<16x128xi32, #tpu.memory_space<vmem>> -> memref<1x128xi32, #tpu.memory_space<vmem>>
        %dma_start3A_1775 = tpu.memref_squeeze %dma_start3A_1774 : memref<1x128xi32, #tpu.memory_space<vmem>> -> memref<128xi32, #tpu.memory_space<vmem>>
        %dma_start3A_1776 = arith.constant 0 : i32
        %dma_start3A_1777 = arith.constant 0 : i32
        %dma_start3A_1778 = tpu.memref_slice %arg2[%dma_start3A_1776, %dma_start3A_1777] : memref<10000x128xf32, #tpu.memory_space<hbm>> -> memref<10000x128xf32, #tpu.memory_space<hbm>>
        tpu.enqueue_indirect_dma source(%dma_start3A_1778 : memref<10000x128xf32, #tpu.memory_space<hbm>>) target(%arg11 : memref<128x128xf32, #tpu.memory_space<vmem>>) offsets(%dma_start3A_1775 : memref<128xi32, #tpu.memory_space<vmem>>) semaphore(%arg19 : memref<!tpu.dma_semaphore, #tpu.memory_space<semaphore_mem>>)
      } else {
      }
      %mul3A_990 = arith.constant 16 : i32
      %mul3A_991 = arith.muli %add3A_470, %mul3A_990 : i32
      %add3A_992 = arith.constant 11 : i32
      %add3A_993 = arith.addi %mul3A_991, %add3A_992 : i32
      %lt3A_994 = arith.constant 2500 : i32
      %lt3A_995 = arith.cmpi slt, %add3A_993, %lt3A_994 : i32
      %convert_element_type3A_996 = arith.extui %lt3A_995 : i1 to i32
      %cond3A_997 = arith.constant 0 : i32
      %cond3A_998 = arith.cmpi ne, %convert_element_type3A_996, %cond3A_997 : i32
      scf.if %cond3A_998 {
        %dma_wait3A = arith.constant 0 : i32
        %dma_wait3A_1773 = arith.constant 0 : i32
        %dma_wait3A_1774 = tpu.memref_slice %arg2[%dma_wait3A, %dma_wait3A_1773] : memref<10000x128xf32, #tpu.memory_space<hbm>> -> memref<128x128xf32, #tpu.memory_space<hbm>>
        %dma_wait3A_1775 = arith.constant 0 : i32
        %dma_wait3A_1776 = arith.constant 0 : i32
        %dma_wait3A_1777 = tpu.memref_slice %arg2[%dma_wait3A_1775, %dma_wait3A_1776] : memref<10000x128xf32, #tpu.memory_space<hbm>> -> memref<128x128xf32, #tpu.memory_space<hbm>>
        tpu.wait_dma2 semaphore(%arg20 : memref<!tpu.dma_semaphore, #tpu.memory_space<semaphore_mem>>) src(%dma_wait3A_1777 : memref<128x128xf32, #tpu.memory_space<hbm>>) dst(%arg12 : memref<128x128xf32, #tpu.memory_space<vmem>>)
      } else {
      }
      %mul3A_999 = arith.constant 16 : i32
      %mul3A_1000 = arith.muli %add3A_470, %mul3A_999 : i32
      %add3A_1001 = arith.constant 11 : i32
      %add3A_1002 = arith.addi %mul3A_1000, %add3A_1001 : i32
      %lt3A_1003 = arith.constant 2500 : i32
      %lt3A_1004 = arith.cmpi slt, %add3A_1002, %lt3A_1003 : i32
      %convert_element_type3A_1005 = arith.extui %lt3A_1004 : i1 to i32
      %cond3A_1006 = arith.constant 0 : i32
      %cond3A_1007 = arith.cmpi ne, %convert_element_type3A_1005, %cond3A_1006 : i32
      scf.if %cond3A_1007 {
        %dma_start3A = arith.constant 11 : i32
        %dma_start3A_1773 = arith.constant 0 : i32
        %dma_start3A_1774 = tpu.memref_slice %arg9[%dma_start3A, %dma_start3A_1773] : memref<16x128xi32, #tpu.memory_space<vmem>> -> memref<1x128xi32, #tpu.memory_space<vmem>>
        %dma_start3A_1775 = tpu.memref_squeeze %dma_start3A_1774 : memref<1x128xi32, #tpu.memory_space<vmem>> -> memref<128xi32, #tpu.memory_space<vmem>>
        %dma_start3A_1776 = arith.constant 0 : i32
        %dma_start3A_1777 = tpu.memref_slice %arg16[%dma_start3A_1776] : memref<10000xf32, #tpu.memory_space<vmem_shared>> -> memref<10000xf32, #tpu.memory_space<vmem_shared>>
        tpu.enqueue_indirect_dma source(%arg13 : memref<128xf32, #tpu.memory_space<vmem>>) target(%dma_start3A_1777 : memref<10000xf32, #tpu.memory_space<vmem_shared>>) offsets(%dma_start3A_1775 : memref<128xi32, #tpu.memory_space<vmem>>) semaphore(%arg21 : memref<!tpu.dma_semaphore, #tpu.memory_space<semaphore_mem>>) {add = true}
        %run_scoped3A = arith.constant 11 : i32
        "tpu.region"() ({
          %run_scoped3A_1778 = tpu.sem_alloc : memref<!tpu.dma_semaphore, #tpu.memory_space<semaphore_mem>>
          %dma_start3A_1779 = arith.constant 0 : i32
          %dma_start3A_1780 = tpu.memref_slice %arg9[%run_scoped3A, %dma_start3A_1779] : memref<16x128xi32, #tpu.memory_space<vmem>> -> memref<1x128xi32, #tpu.memory_space<vmem>>
          %dma_start3A_1781 = tpu.memref_squeeze %dma_start3A_1780 : memref<1x128xi32, #tpu.memory_space<vmem>> -> memref<128xi32, #tpu.memory_space<vmem>>
          %dma_start3A_1782 = arith.constant 0 : i32
          %dma_start3A_1783 = arith.constant 0 : i32
          %dma_start3A_1784 = tpu.memref_slice %arg15[%dma_start3A_1782, %dma_start3A_1783] : memref<10000x128xf32, #tpu.memory_space<vmem_shared>> -> memref<10000x128xf32, #tpu.memory_space<vmem_shared>>
          tpu.enqueue_indirect_dma source(%arg12 : memref<128x128xf32, #tpu.memory_space<vmem>>) target(%dma_start3A_1784 : memref<10000x128xf32, #tpu.memory_space<vmem_shared>>) offsets(%dma_start3A_1781 : memref<128xi32, #tpu.memory_space<vmem>>) semaphore(%run_scoped3A_1778 : memref<!tpu.dma_semaphore, #tpu.memory_space<semaphore_mem>>) {add = true}
          %dma_wait3A = arith.constant 0 : i32
          %dma_wait3A_1785 = tpu.memref_slice %arg9[%run_scoped3A, %dma_wait3A] : memref<16x128xi32, #tpu.memory_space<vmem>> -> memref<1x128xi32, #tpu.memory_space<vmem>>
          %dma_wait3A_1786 = tpu.memref_squeeze %dma_wait3A_1785 : memref<1x128xi32, #tpu.memory_space<vmem>> -> memref<128xi32, #tpu.memory_space<vmem>>
          %dma_wait3A_1787 = arith.constant 0 : i32
          %dma_wait3A_1788 = arith.constant 0 : i32
          %dma_wait3A_1789 = tpu.memref_slice %arg15[%dma_wait3A_1787, %dma_wait3A_1788] : memref<10000x128xf32, #tpu.memory_space<vmem_shared>> -> memref<10000x128xf32, #tpu.memory_space<vmem_shared>>
          tpu.wait_indirect_dma semaphore(%run_scoped3A_1778 : memref<!tpu.dma_semaphore, #tpu.memory_space<semaphore_mem>>) src(%arg12 : memref<128x128xf32, #tpu.memory_space<vmem>>) dst(%dma_wait3A_1789 : memref<10000x128xf32, #tpu.memory_space<vmem_shared>>)
          tpu.yield
        }) : () -> ()
      } else {
      }
      %mul3A_1008 = arith.constant 16 : i32
      %mul3A_1009 = arith.muli %add3A_470, %mul3A_1008 : i32
      %add3A_1010 = arith.constant 13 : i32
      %add3A_1011 = arith.addi %mul3A_1009, %add3A_1010 : i32
      %lt3A_1012 = arith.constant 2500 : i32
      %lt3A_1013 = arith.cmpi slt, %add3A_1011, %lt3A_1012 : i32
      %convert_element_type3A_1014 = arith.extui %lt3A_1013 : i1 to i32
      %cond3A_1015 = arith.constant 0 : i32
      %cond3A_1016 = arith.cmpi ne, %convert_element_type3A_1014, %cond3A_1015 : i32
      scf.if %cond3A_1016 {
        %dma_start3A = arith.constant 13 : i32
        %dma_start3A_1773 = arith.constant 0 : i32
        %dma_start3A_1774 = tpu.memref_slice %arg7[%dma_start3A, %dma_start3A_1773] : memref<16x128xi32, #tpu.memory_space<vmem>> -> memref<1x128xi32, #tpu.memory_space<vmem>>
        %dma_start3A_1775 = tpu.memref_squeeze %dma_start3A_1774 : memref<1x128xi32, #tpu.memory_space<vmem>> -> memref<128xi32, #tpu.memory_space<vmem>>
        %dma_start3A_1776 = arith.constant 0 : i32
        %dma_start3A_1777 = arith.constant 0 : i32
        %dma_start3A_1778 = tpu.memref_slice %arg2[%dma_start3A_1776, %dma_start3A_1777] : memref<10000x128xf32, #tpu.memory_space<hbm>> -> memref<10000x128xf32, #tpu.memory_space<hbm>>
        tpu.enqueue_indirect_dma source(%dma_start3A_1778 : memref<10000x128xf32, #tpu.memory_space<hbm>>) target(%arg12 : memref<128x128xf32, #tpu.memory_space<vmem>>) offsets(%dma_start3A_1775 : memref<128xi32, #tpu.memory_space<vmem>>) semaphore(%arg20 : memref<!tpu.dma_semaphore, #tpu.memory_space<semaphore_mem>>)
      } else {
      }
      %mul3A_1017 = arith.constant 16 : i32
      %mul3A_1018 = arith.muli %add3A_470, %mul3A_1017 : i32
      %add3A_1019 = arith.constant 12 : i32
      %add3A_1020 = arith.addi %mul3A_1018, %add3A_1019 : i32
      %lt3A_1021 = arith.constant 2500 : i32
      %lt3A_1022 = arith.cmpi slt, %add3A_1020, %lt3A_1021 : i32
      %convert_element_type3A_1023 = arith.extui %lt3A_1022 : i1 to i32
      %cond3A_1024 = arith.constant 0 : i32
      %cond3A_1025 = arith.cmpi ne, %convert_element_type3A_1023, %cond3A_1024 : i32
      scf.if %cond3A_1025 {
        %dma_wait3A = arith.constant 0 : i32
        %dma_wait3A_1773 = arith.constant 0 : i32
        %dma_wait3A_1774 = tpu.memref_slice %arg2[%dma_wait3A, %dma_wait3A_1773] : memref<10000x128xf32, #tpu.memory_space<hbm>> -> memref<128x128xf32, #tpu.memory_space<hbm>>
        %dma_wait3A_1775 = arith.constant 0 : i32
        %dma_wait3A_1776 = arith.constant 0 : i32
        %dma_wait3A_1777 = tpu.memref_slice %arg2[%dma_wait3A_1775, %dma_wait3A_1776] : memref<10000x128xf32, #tpu.memory_space<hbm>> -> memref<128x128xf32, #tpu.memory_space<hbm>>
        tpu.wait_dma2 semaphore(%arg19 : memref<!tpu.dma_semaphore, #tpu.memory_space<semaphore_mem>>) src(%dma_wait3A_1777 : memref<128x128xf32, #tpu.memory_space<hbm>>) dst(%arg11 : memref<128x128xf32, #tpu.memory_space<vmem>>)
      } else {
      }
      %mul3A_1026 = arith.constant 16 : i32
      %mul3A_1027 = arith.muli %add3A_470, %mul3A_1026 : i32
      %add3A_1028 = arith.constant 12 : i32
      %add3A_1029 = arith.addi %mul3A_1027, %add3A_1028 : i32
      %lt3A_1030 = arith.constant 2500 : i32
      %lt3A_1031 = arith.cmpi slt, %add3A_1029, %lt3A_1030 : i32
      %convert_element_type3A_1032 = arith.extui %lt3A_1031 : i1 to i32
      %cond3A_1033 = arith.constant 0 : i32
      %cond3A_1034 = arith.cmpi ne, %convert_element_type3A_1032, %cond3A_1033 : i32
      scf.if %cond3A_1034 {
        %dma_start3A = arith.constant 12 : i32
        %dma_start3A_1773 = arith.constant 0 : i32
        %dma_start3A_1774 = tpu.memref_slice %arg9[%dma_start3A, %dma_start3A_1773] : memref<16x128xi32, #tpu.memory_space<vmem>> -> memref<1x128xi32, #tpu.memory_space<vmem>>
        %dma_start3A_1775 = tpu.memref_squeeze %dma_start3A_1774 : memref<1x128xi32, #tpu.memory_space<vmem>> -> memref<128xi32, #tpu.memory_space<vmem>>
        %dma_start3A_1776 = arith.constant 0 : i32
        %dma_start3A_1777 = tpu.memref_slice %arg16[%dma_start3A_1776] : memref<10000xf32, #tpu.memory_space<vmem_shared>> -> memref<10000xf32, #tpu.memory_space<vmem_shared>>
        tpu.enqueue_indirect_dma source(%arg13 : memref<128xf32, #tpu.memory_space<vmem>>) target(%dma_start3A_1777 : memref<10000xf32, #tpu.memory_space<vmem_shared>>) offsets(%dma_start3A_1775 : memref<128xi32, #tpu.memory_space<vmem>>) semaphore(%arg21 : memref<!tpu.dma_semaphore, #tpu.memory_space<semaphore_mem>>) {add = true}
        %run_scoped3A = arith.constant 12 : i32
        "tpu.region"() ({
          %run_scoped3A_1778 = tpu.sem_alloc : memref<!tpu.dma_semaphore, #tpu.memory_space<semaphore_mem>>
          %dma_start3A_1779 = arith.constant 0 : i32
          %dma_start3A_1780 = tpu.memref_slice %arg9[%run_scoped3A, %dma_start3A_1779] : memref<16x128xi32, #tpu.memory_space<vmem>> -> memref<1x128xi32, #tpu.memory_space<vmem>>
          %dma_start3A_1781 = tpu.memref_squeeze %dma_start3A_1780 : memref<1x128xi32, #tpu.memory_space<vmem>> -> memref<128xi32, #tpu.memory_space<vmem>>
          %dma_start3A_1782 = arith.constant 0 : i32
          %dma_start3A_1783 = arith.constant 0 : i32
          %dma_start3A_1784 = tpu.memref_slice %arg15[%dma_start3A_1782, %dma_start3A_1783] : memref<10000x128xf32, #tpu.memory_space<vmem_shared>> -> memref<10000x128xf32, #tpu.memory_space<vmem_shared>>
          tpu.enqueue_indirect_dma source(%arg11 : memref<128x128xf32, #tpu.memory_space<vmem>>) target(%dma_start3A_1784 : memref<10000x128xf32, #tpu.memory_space<vmem_shared>>) offsets(%dma_start3A_1781 : memref<128xi32, #tpu.memory_space<vmem>>) semaphore(%run_scoped3A_1778 : memref<!tpu.dma_semaphore, #tpu.memory_space<semaphore_mem>>) {add = true}
          %dma_wait3A = arith.constant 0 : i32
          %dma_wait3A_1785 = tpu.memref_slice %arg9[%run_scoped3A, %dma_wait3A] : memref<16x128xi32, #tpu.memory_space<vmem>> -> memref<1x128xi32, #tpu.memory_space<vmem>>
          %dma_wait3A_1786 = tpu.memref_squeeze %dma_wait3A_1785 : memref<1x128xi32, #tpu.memory_space<vmem>> -> memref<128xi32, #tpu.memory_space<vmem>>
          %dma_wait3A_1787 = arith.constant 0 : i32
          %dma_wait3A_1788 = arith.constant 0 : i32
          %dma_wait3A_1789 = tpu.memref_slice %arg15[%dma_wait3A_1787, %dma_wait3A_1788] : memref<10000x128xf32, #tpu.memory_space<vmem_shared>> -> memref<10000x128xf32, #tpu.memory_space<vmem_shared>>
          tpu.wait_indirect_dma semaphore(%run_scoped3A_1778 : memref<!tpu.dma_semaphore, #tpu.memory_space<semaphore_mem>>) src(%arg11 : memref<128x128xf32, #tpu.memory_space<vmem>>) dst(%dma_wait3A_1789 : memref<10000x128xf32, #tpu.memory_space<vmem_shared>>)
          tpu.yield
        }) : () -> ()
      } else {
      }
      %mul3A_1035 = arith.constant 16 : i32
      %mul3A_1036 = arith.muli %add3A_470, %mul3A_1035 : i32
      %add3A_1037 = arith.constant 14 : i32
      %add3A_1038 = arith.addi %mul3A_1036, %add3A_1037 : i32
      %lt3A_1039 = arith.constant 2500 : i32
      %lt3A_1040 = arith.cmpi slt, %add3A_1038, %lt3A_1039 : i32
      %convert_element_type3A_1041 = arith.extui %lt3A_1040 : i1 to i32
      %cond3A_1042 = arith.constant 0 : i32
      %cond3A_1043 = arith.cmpi ne, %convert_element_type3A_1041, %cond3A_1042 : i32
      scf.if %cond3A_1043 {
        %dma_start3A = arith.constant 14 : i32
        %dma_start3A_1773 = arith.constant 0 : i32
        %dma_start3A_1774 = tpu.memref_slice %arg7[%dma_start3A, %dma_start3A_1773] : memref<16x128xi32, #tpu.memory_space<vmem>> -> memref<1x128xi32, #tpu.memory_space<vmem>>
        %dma_start3A_1775 = tpu.memref_squeeze %dma_start3A_1774 : memref<1x128xi32, #tpu.memory_space<vmem>> -> memref<128xi32, #tpu.memory_space<vmem>>
        %dma_start3A_1776 = arith.constant 0 : i32
        %dma_start3A_1777 = arith.constant 0 : i32
        %dma_start3A_1778 = tpu.memref_slice %arg2[%dma_start3A_1776, %dma_start3A_1777] : memref<10000x128xf32, #tpu.memory_space<hbm>> -> memref<10000x128xf32, #tpu.memory_space<hbm>>
        tpu.enqueue_indirect_dma source(%dma_start3A_1778 : memref<10000x128xf32, #tpu.memory_space<hbm>>) target(%arg11 : memref<128x128xf32, #tpu.memory_space<vmem>>) offsets(%dma_start3A_1775 : memref<128xi32, #tpu.memory_space<vmem>>) semaphore(%arg19 : memref<!tpu.dma_semaphore, #tpu.memory_space<semaphore_mem>>)
      } else {
      }
      %mul3A_1044 = arith.constant 16 : i32
      %mul3A_1045 = arith.muli %add3A_470, %mul3A_1044 : i32
      %add3A_1046 = arith.constant 13 : i32
      %add3A_1047 = arith.addi %mul3A_1045, %add3A_1046 : i32
      %lt3A_1048 = arith.constant 2500 : i32
      %lt3A_1049 = arith.cmpi slt, %add3A_1047, %lt3A_1048 : i32
      %convert_element_type3A_1050 = arith.extui %lt3A_1049 : i1 to i32
      %cond3A_1051 = arith.constant 0 : i32
      %cond3A_1052 = arith.cmpi ne, %convert_element_type3A_1050, %cond3A_1051 : i32
      scf.if %cond3A_1052 {
        %dma_wait3A = arith.constant 0 : i32
        %dma_wait3A_1773 = arith.constant 0 : i32
        %dma_wait3A_1774 = tpu.memref_slice %arg2[%dma_wait3A, %dma_wait3A_1773] : memref<10000x128xf32, #tpu.memory_space<hbm>> -> memref<128x128xf32, #tpu.memory_space<hbm>>
        %dma_wait3A_1775 = arith.constant 0 : i32
        %dma_wait3A_1776 = arith.constant 0 : i32
        %dma_wait3A_1777 = tpu.memref_slice %arg2[%dma_wait3A_1775, %dma_wait3A_1776] : memref<10000x128xf32, #tpu.memory_space<hbm>> -> memref<128x128xf32, #tpu.memory_space<hbm>>
        tpu.wait_dma2 semaphore(%arg20 : memref<!tpu.dma_semaphore, #tpu.memory_space<semaphore_mem>>) src(%dma_wait3A_1777 : memref<128x128xf32, #tpu.memory_space<hbm>>) dst(%arg12 : memref<128x128xf32, #tpu.memory_space<vmem>>)
      } else {
      }
      %mul3A_1053 = arith.constant 16 : i32
      %mul3A_1054 = arith.muli %add3A_470, %mul3A_1053 : i32
      %add3A_1055 = arith.constant 13 : i32
      %add3A_1056 = arith.addi %mul3A_1054, %add3A_1055 : i32
      %lt3A_1057 = arith.constant 2500 : i32
      %lt3A_1058 = arith.cmpi slt, %add3A_1056, %lt3A_1057 : i32
      %convert_element_type3A_1059 = arith.extui %lt3A_1058 : i1 to i32
      %cond3A_1060 = arith.constant 0 : i32
      %cond3A_1061 = arith.cmpi ne, %convert_element_type3A_1059, %cond3A_1060 : i32
      scf.if %cond3A_1061 {
        %dma_start3A = arith.constant 13 : i32
        %dma_start3A_1773 = arith.constant 0 : i32
        %dma_start3A_1774 = tpu.memref_slice %arg9[%dma_start3A, %dma_start3A_1773] : memref<16x128xi32, #tpu.memory_space<vmem>> -> memref<1x128xi32, #tpu.memory_space<vmem>>
        %dma_start3A_1775 = tpu.memref_squeeze %dma_start3A_1774 : memref<1x128xi32, #tpu.memory_space<vmem>> -> memref<128xi32, #tpu.memory_space<vmem>>
        %dma_start3A_1776 = arith.constant 0 : i32
        %dma_start3A_1777 = tpu.memref_slice %arg16[%dma_start3A_1776] : memref<10000xf32, #tpu.memory_space<vmem_shared>> -> memref<10000xf32, #tpu.memory_space<vmem_shared>>
        tpu.enqueue_indirect_dma source(%arg13 : memref<128xf32, #tpu.memory_space<vmem>>) target(%dma_start3A_1777 : memref<10000xf32, #tpu.memory_space<vmem_shared>>) offsets(%dma_start3A_1775 : memref<128xi32, #tpu.memory_space<vmem>>) semaphore(%arg21 : memref<!tpu.dma_semaphore, #tpu.memory_space<semaphore_mem>>) {add = true}
        %run_scoped3A = arith.constant 13 : i32
        "tpu.region"() ({
          %run_scoped3A_1778 = tpu.sem_alloc : memref<!tpu.dma_semaphore, #tpu.memory_space<semaphore_mem>>
          %dma_start3A_1779 = arith.constant 0 : i32
          %dma_start3A_1780 = tpu.memref_slice %arg9[%run_scoped3A, %dma_start3A_1779] : memref<16x128xi32, #tpu.memory_space<vmem>> -> memref<1x128xi32, #tpu.memory_space<vmem>>
          %dma_start3A_1781 = tpu.memref_squeeze %dma_start3A_1780 : memref<1x128xi32, #tpu.memory_space<vmem>> -> memref<128xi32, #tpu.memory_space<vmem>>
          %dma_start3A_1782 = arith.constant 0 : i32
          %dma_start3A_1783 = arith.constant 0 : i32
          %dma_start3A_1784 = tpu.memref_slice %arg15[%dma_start3A_1782, %dma_start3A_1783] : memref<10000x128xf32, #tpu.memory_space<vmem_shared>> -> memref<10000x128xf32, #tpu.memory_space<vmem_shared>>
          tpu.enqueue_indirect_dma source(%arg12 : memref<128x128xf32, #tpu.memory_space<vmem>>) target(%dma_start3A_1784 : memref<10000x128xf32, #tpu.memory_space<vmem_shared>>) offsets(%dma_start3A_1781 : memref<128xi32, #tpu.memory_space<vmem>>) semaphore(%run_scoped3A_1778 : memref<!tpu.dma_semaphore, #tpu.memory_space<semaphore_mem>>) {add = true}
          %dma_wait3A = arith.constant 0 : i32
          %dma_wait3A_1785 = tpu.memref_slice %arg9[%run_scoped3A, %dma_wait3A] : memref<16x128xi32, #tpu.memory_space<vmem>> -> memref<1x128xi32, #tpu.memory_space<vmem>>
          %dma_wait3A_1786 = tpu.memref_squeeze %dma_wait3A_1785 : memref<1x128xi32, #tpu.memory_space<vmem>> -> memref<128xi32, #tpu.memory_space<vmem>>
          %dma_wait3A_1787 = arith.constant 0 : i32
          %dma_wait3A_1788 = arith.constant 0 : i32
          %dma_wait3A_1789 = tpu.memref_slice %arg15[%dma_wait3A_1787, %dma_wait3A_1788] : memref<10000x128xf32, #tpu.memory_space<vmem_shared>> -> memref<10000x128xf32, #tpu.memory_space<vmem_shared>>
          tpu.wait_indirect_dma semaphore(%run_scoped3A_1778 : memref<!tpu.dma_semaphore, #tpu.memory_space<semaphore_mem>>) src(%arg12 : memref<128x128xf32, #tpu.memory_space<vmem>>) dst(%dma_wait3A_1789 : memref<10000x128xf32, #tpu.memory_space<vmem_shared>>)
          tpu.yield
        }) : () -> ()
      } else {
      }
      %mul3A_1062 = arith.constant 16 : i32
      %mul3A_1063 = arith.muli %add3A_470, %mul3A_1062 : i32
      %add3A_1064 = arith.constant 15 : i32
      %add3A_1065 = arith.addi %mul3A_1063, %add3A_1064 : i32
      %lt3A_1066 = arith.constant 2500 : i32
      %lt3A_1067 = arith.cmpi slt, %add3A_1065, %lt3A_1066 : i32
      %convert_element_type3A_1068 = arith.extui %lt3A_1067 : i1 to i32
      %cond3A_1069 = arith.constant 0 : i32
      %cond3A_1070 = arith.cmpi ne, %convert_element_type3A_1068, %cond3A_1069 : i32
      scf.if %cond3A_1070 {
        %dma_start3A = arith.constant 15 : i32
        %dma_start3A_1773 = arith.constant 0 : i32
        %dma_start3A_1774 = tpu.memref_slice %arg7[%dma_start3A, %dma_start3A_1773] : memref<16x128xi32, #tpu.memory_space<vmem>> -> memref<1x128xi32, #tpu.memory_space<vmem>>
        %dma_start3A_1775 = tpu.memref_squeeze %dma_start3A_1774 : memref<1x128xi32, #tpu.memory_space<vmem>> -> memref<128xi32, #tpu.memory_space<vmem>>
        %dma_start3A_1776 = arith.constant 0 : i32
        %dma_start3A_1777 = arith.constant 0 : i32
        %dma_start3A_1778 = tpu.memref_slice %arg2[%dma_start3A_1776, %dma_start3A_1777] : memref<10000x128xf32, #tpu.memory_space<hbm>> -> memref<10000x128xf32, #tpu.memory_space<hbm>>
        tpu.enqueue_indirect_dma source(%dma_start3A_1778 : memref<10000x128xf32, #tpu.memory_space<hbm>>) target(%arg12 : memref<128x128xf32, #tpu.memory_space<vmem>>) offsets(%dma_start3A_1775 : memref<128xi32, #tpu.memory_space<vmem>>) semaphore(%arg20 : memref<!tpu.dma_semaphore, #tpu.memory_space<semaphore_mem>>)
      } else {
      }
      %mul3A_1071 = arith.constant 16 : i32
      %mul3A_1072 = arith.muli %add3A_470, %mul3A_1071 : i32
      %add3A_1073 = arith.constant 14 : i32
      %add3A_1074 = arith.addi %mul3A_1072, %add3A_1073 : i32
      %lt3A_1075 = arith.constant 2500 : i32
      %lt3A_1076 = arith.cmpi slt, %add3A_1074, %lt3A_1075 : i32
      %convert_element_type3A_1077 = arith.extui %lt3A_1076 : i1 to i32
      %cond3A_1078 = arith.constant 0 : i32
      %cond3A_1079 = arith.cmpi ne, %convert_element_type3A_1077, %cond3A_1078 : i32
      scf.if %cond3A_1079 {
        %dma_wait3A = arith.constant 0 : i32
        %dma_wait3A_1773 = arith.constant 0 : i32
        %dma_wait3A_1774 = tpu.memref_slice %arg2[%dma_wait3A, %dma_wait3A_1773] : memref<10000x128xf32, #tpu.memory_space<hbm>> -> memref<128x128xf32, #tpu.memory_space<hbm>>
        %dma_wait3A_1775 = arith.constant 0 : i32
        %dma_wait3A_1776 = arith.constant 0 : i32
        %dma_wait3A_1777 = tpu.memref_slice %arg2[%dma_wait3A_1775, %dma_wait3A_1776] : memref<10000x128xf32, #tpu.memory_space<hbm>> -> memref<128x128xf32, #tpu.memory_space<hbm>>
        tpu.wait_dma2 semaphore(%arg19 : memref<!tpu.dma_semaphore, #tpu.memory_space<semaphore_mem>>) src(%dma_wait3A_1777 : memref<128x128xf32, #tpu.memory_space<hbm>>) dst(%arg11 : memref<128x128xf32, #tpu.memory_space<vmem>>)
      } else {
      }
      %mul3A_1080 = arith.constant 16 : i32
      %mul3A_1081 = arith.muli %add3A_470, %mul3A_1080 : i32
      %add3A_1082 = arith.constant 14 : i32
      %add3A_1083 = arith.addi %mul3A_1081, %add3A_1082 : i32
      %lt3A_1084 = arith.constant 2500 : i32
      %lt3A_1085 = arith.cmpi slt, %add3A_1083, %lt3A_1084 : i32
      %convert_element_type3A_1086 = arith.extui %lt3A_1085 : i1 to i32
      %cond3A_1087 = arith.constant 0 : i32
      %cond3A_1088 = arith.cmpi ne, %convert_element_type3A_1086, %cond3A_1087 : i32
      scf.if %cond3A_1088 {
        %dma_start3A = arith.constant 14 : i32
        %dma_start3A_1773 = arith.constant 0 : i32
        %dma_start3A_1774 = tpu.memref_slice %arg9[%dma_start3A, %dma_start3A_1773] : memref<16x128xi32, #tpu.memory_space<vmem>> -> memref<1x128xi32, #tpu.memory_space<vmem>>
        %dma_start3A_1775 = tpu.memref_squeeze %dma_start3A_1774 : memref<1x128xi32, #tpu.memory_space<vmem>> -> memref<128xi32, #tpu.memory_space<vmem>>
        %dma_start3A_1776 = arith.constant 0 : i32
        %dma_start3A_1777 = tpu.memref_slice %arg16[%dma_start3A_1776] : memref<10000xf32, #tpu.memory_space<vmem_shared>> -> memref<10000xf32, #tpu.memory_space<vmem_shared>>
        tpu.enqueue_indirect_dma source(%arg13 : memref<128xf32, #tpu.memory_space<vmem>>) target(%dma_start3A_1777 : memref<10000xf32, #tpu.memory_space<vmem_shared>>) offsets(%dma_start3A_1775 : memref<128xi32, #tpu.memory_space<vmem>>) semaphore(%arg21 : memref<!tpu.dma_semaphore, #tpu.memory_space<semaphore_mem>>) {add = true}
        %run_scoped3A = arith.constant 14 : i32
        "tpu.region"() ({
          %run_scoped3A_1778 = tpu.sem_alloc : memref<!tpu.dma_semaphore, #tpu.memory_space<semaphore_mem>>
          %dma_start3A_1779 = arith.constant 0 : i32
          %dma_start3A_1780 = tpu.memref_slice %arg9[%run_scoped3A, %dma_start3A_1779] : memref<16x128xi32, #tpu.memory_space<vmem>> -> memref<1x128xi32, #tpu.memory_space<vmem>>
          %dma_start3A_1781 = tpu.memref_squeeze %dma_start3A_1780 : memref<1x128xi32, #tpu.memory_space<vmem>> -> memref<128xi32, #tpu.memory_space<vmem>>
          %dma_start3A_1782 = arith.constant 0 : i32
          %dma_start3A_1783 = arith.constant 0 : i32
          %dma_start3A_1784 = tpu.memref_slice %arg15[%dma_start3A_1782, %dma_start3A_1783] : memref<10000x128xf32, #tpu.memory_space<vmem_shared>> -> memref<10000x128xf32, #tpu.memory_space<vmem_shared>>
          tpu.enqueue_indirect_dma source(%arg11 : memref<128x128xf32, #tpu.memory_space<vmem>>) target(%dma_start3A_1784 : memref<10000x128xf32, #tpu.memory_space<vmem_shared>>) offsets(%dma_start3A_1781 : memref<128xi32, #tpu.memory_space<vmem>>) semaphore(%run_scoped3A_1778 : memref<!tpu.dma_semaphore, #tpu.memory_space<semaphore_mem>>) {add = true}
          %dma_wait3A = arith.constant 0 : i32
          %dma_wait3A_1785 = tpu.memref_slice %arg9[%run_scoped3A, %dma_wait3A] : memref<16x128xi32, #tpu.memory_space<vmem>> -> memref<1x128xi32, #tpu.memory_space<vmem>>
          %dma_wait3A_1786 = tpu.memref_squeeze %dma_wait3A_1785 : memref<1x128xi32, #tpu.memory_space<vmem>> -> memref<128xi32, #tpu.memory_space<vmem>>
          %dma_wait3A_1787 = arith.constant 0 : i32
          %dma_wait3A_1788 = arith.constant 0 : i32
          %dma_wait3A_1789 = tpu.memref_slice %arg15[%dma_wait3A_1787, %dma_wait3A_1788] : memref<10000x128xf32, #tpu.memory_space<vmem_shared>> -> memref<10000x128xf32, #tpu.memory_space<vmem_shared>>
          tpu.wait_indirect_dma semaphore(%run_scoped3A_1778 : memref<!tpu.dma_semaphore, #tpu.memory_space<semaphore_mem>>) src(%arg11 : memref<128x128xf32, #tpu.memory_space<vmem>>) dst(%dma_wait3A_1789 : memref<10000x128xf32, #tpu.memory_space<vmem_shared>>)
          tpu.yield
        }) : () -> ()
      } else {
      }
      %mul3A_1089 = arith.constant 16 : i32
      %mul3A_1090 = arith.muli %add3A_480, %mul3A_1089 : i32
      %add3A_1091 = arith.constant 0 : i32
      %add3A_1092 = arith.addi %mul3A_1090, %add3A_1091 : i32
      %lt3A_1093 = arith.constant 2500 : i32
      %lt3A_1094 = arith.cmpi slt, %add3A_1092, %lt3A_1093 : i32
      %convert_element_type3A_1095 = arith.extui %lt3A_1094 : i1 to i32
      %cond3A_1096 = arith.constant 0 : i32
      %cond3A_1097 = arith.cmpi ne, %convert_element_type3A_1095, %cond3A_1096 : i32
      scf.if %cond3A_1097 {
        %dma_start3A = arith.constant 0 : i32
        %dma_start3A_1773 = arith.constant 0 : i32
        %dma_start3A_1774 = tpu.memref_slice %arg8[%dma_start3A, %dma_start3A_1773] : memref<16x128xi32, #tpu.memory_space<vmem>> -> memref<1x128xi32, #tpu.memory_space<vmem>>
        %dma_start3A_1775 = tpu.memref_squeeze %dma_start3A_1774 : memref<1x128xi32, #tpu.memory_space<vmem>> -> memref<128xi32, #tpu.memory_space<vmem>>
        %dma_start3A_1776 = arith.constant 0 : i32
        %dma_start3A_1777 = arith.constant 0 : i32
        %dma_start3A_1778 = tpu.memref_slice %arg2[%dma_start3A_1776, %dma_start3A_1777] : memref<10000x128xf32, #tpu.memory_space<hbm>> -> memref<10000x128xf32, #tpu.memory_space<hbm>>
        tpu.enqueue_indirect_dma source(%dma_start3A_1778 : memref<10000x128xf32, #tpu.memory_space<hbm>>) target(%arg11 : memref<128x128xf32, #tpu.memory_space<vmem>>) offsets(%dma_start3A_1775 : memref<128xi32, #tpu.memory_space<vmem>>) semaphore(%arg19 : memref<!tpu.dma_semaphore, #tpu.memory_space<semaphore_mem>>)
      } else {
      }
      %mul3A_1098 = arith.constant 16 : i32
      %mul3A_1099 = arith.muli %add3A_470, %mul3A_1098 : i32
      %add3A_1100 = arith.constant 15 : i32
      %add3A_1101 = arith.addi %mul3A_1099, %add3A_1100 : i32
      %lt3A_1102 = arith.constant 2500 : i32
      %lt3A_1103 = arith.cmpi slt, %add3A_1101, %lt3A_1102 : i32
      %convert_element_type3A_1104 = arith.extui %lt3A_1103 : i1 to i32
      %cond3A_1105 = arith.constant 0 : i32
      %cond3A_1106 = arith.cmpi ne, %convert_element_type3A_1104, %cond3A_1105 : i32
      scf.if %cond3A_1106 {
        %dma_wait3A = arith.constant 0 : i32
        %dma_wait3A_1773 = arith.constant 0 : i32
        %dma_wait3A_1774 = tpu.memref_slice %arg2[%dma_wait3A, %dma_wait3A_1773] : memref<10000x128xf32, #tpu.memory_space<hbm>> -> memref<128x128xf32, #tpu.memory_space<hbm>>
        %dma_wait3A_1775 = arith.constant 0 : i32
        %dma_wait3A_1776 = arith.constant 0 : i32
        %dma_wait3A_1777 = tpu.memref_slice %arg2[%dma_wait3A_1775, %dma_wait3A_1776] : memref<10000x128xf32, #tpu.memory_space<hbm>> -> memref<128x128xf32, #tpu.memory_space<hbm>>
        tpu.wait_dma2 semaphore(%arg20 : memref<!tpu.dma_semaphore, #tpu.memory_space<semaphore_mem>>) src(%dma_wait3A_1777 : memref<128x128xf32, #tpu.memory_space<hbm>>) dst(%arg12 : memref<128x128xf32, #tpu.memory_space<vmem>>)
      } else {
      }
      %mul3A_1107 = arith.constant 16 : i32
      %mul3A_1108 = arith.muli %add3A_470, %mul3A_1107 : i32
      %add3A_1109 = arith.constant 15 : i32
      %add3A_1110 = arith.addi %mul3A_1108, %add3A_1109 : i32
      %lt3A_1111 = arith.constant 2500 : i32
      %lt3A_1112 = arith.cmpi slt, %add3A_1110, %lt3A_1111 : i32
      %convert_element_type3A_1113 = arith.extui %lt3A_1112 : i1 to i32
      %cond3A_1114 = arith.constant 0 : i32
      %cond3A_1115 = arith.cmpi ne, %convert_element_type3A_1113, %cond3A_1114 : i32
      scf.if %cond3A_1115 {
        %dma_start3A = arith.constant 15 : i32
        %dma_start3A_1773 = arith.constant 0 : i32
        %dma_start3A_1774 = tpu.memref_slice %arg9[%dma_start3A, %dma_start3A_1773] : memref<16x128xi32, #tpu.memory_space<vmem>> -> memref<1x128xi32, #tpu.memory_space<vmem>>
        %dma_start3A_1775 = tpu.memref_squeeze %dma_start3A_1774 : memref<1x128xi32, #tpu.memory_space<vmem>> -> memref<128xi32, #tpu.memory_space<vmem>>
        %dma_start3A_1776 = arith.constant 0 : i32
        %dma_start3A_1777 = tpu.memref_slice %arg16[%dma_start3A_1776] : memref<10000xf32, #tpu.memory_space<vmem_shared>> -> memref<10000xf32, #tpu.memory_space<vmem_shared>>
        tpu.enqueue_indirect_dma source(%arg13 : memref<128xf32, #tpu.memory_space<vmem>>) target(%dma_start3A_1777 : memref<10000xf32, #tpu.memory_space<vmem_shared>>) offsets(%dma_start3A_1775 : memref<128xi32, #tpu.memory_space<vmem>>) semaphore(%arg21 : memref<!tpu.dma_semaphore, #tpu.memory_space<semaphore_mem>>) {add = true}
        %run_scoped3A = arith.constant 15 : i32
        "tpu.region"() ({
          %run_scoped3A_1778 = tpu.sem_alloc : memref<!tpu.dma_semaphore, #tpu.memory_space<semaphore_mem>>
          %dma_start3A_1779 = arith.constant 0 : i32
          %dma_start3A_1780 = tpu.memref_slice %arg9[%run_scoped3A, %dma_start3A_1779] : memref<16x128xi32, #tpu.memory_space<vmem>> -> memref<1x128xi32, #tpu.memory_space<vmem>>
          %dma_start3A_1781 = tpu.memref_squeeze %dma_start3A_1780 : memref<1x128xi32, #tpu.memory_space<vmem>> -> memref<128xi32, #tpu.memory_space<vmem>>
          %dma_start3A_1782 = arith.constant 0 : i32
          %dma_start3A_1783 = arith.constant 0 : i32
          %dma_start3A_1784 = tpu.memref_slice %arg15[%dma_start3A_1782, %dma_start3A_1783] : memref<10000x128xf32, #tpu.memory_space<vmem_shared>> -> memref<10000x128xf32, #tpu.memory_space<vmem_shared>>
          tpu.enqueue_indirect_dma source(%arg12 : memref<128x128xf32, #tpu.memory_space<vmem>>) target(%dma_start3A_1784 : memref<10000x128xf32, #tpu.memory_space<vmem_shared>>) offsets(%dma_start3A_1781 : memref<128xi32, #tpu.memory_space<vmem>>) semaphore(%run_scoped3A_1778 : memref<!tpu.dma_semaphore, #tpu.memory_space<semaphore_mem>>) {add = true}
          %dma_wait3A = arith.constant 0 : i32
          %dma_wait3A_1785 = tpu.memref_slice %arg9[%run_scoped3A, %dma_wait3A] : memref<16x128xi32, #tpu.memory_space<vmem>> -> memref<1x128xi32, #tpu.memory_space<vmem>>
          %dma_wait3A_1786 = tpu.memref_squeeze %dma_wait3A_1785 : memref<1x128xi32, #tpu.memory_space<vmem>> -> memref<128xi32, #tpu.memory_space<vmem>>
          %dma_wait3A_1787 = arith.constant 0 : i32
          %dma_wait3A_1788 = arith.constant 0 : i32
          %dma_wait3A_1789 = tpu.memref_slice %arg15[%dma_wait3A_1787, %dma_wait3A_1788] : memref<10000x128xf32, #tpu.memory_space<vmem_shared>> -> memref<10000x128xf32, #tpu.memory_space<vmem_shared>>
          tpu.wait_indirect_dma semaphore(%run_scoped3A_1778 : memref<!tpu.dma_semaphore, #tpu.memory_space<semaphore_mem>>) src(%arg12 : memref<128x128xf32, #tpu.memory_space<vmem>>) dst(%dma_wait3A_1789 : memref<10000x128xf32, #tpu.memory_space<vmem_shared>>)
          tpu.yield
        }) : () -> ()
      } else {
      }
      %mul3A_1116 = arith.constant 16 : i32
      %mul3A_1117 = arith.muli %add3A_480, %mul3A_1116 : i32
      %add3A_1118 = arith.constant 1 : i32
      %add3A_1119 = arith.addi %mul3A_1117, %add3A_1118 : i32
      %lt3A_1120 = arith.constant 2500 : i32
      %lt3A_1121 = arith.cmpi slt, %add3A_1119, %lt3A_1120 : i32
      %convert_element_type3A_1122 = arith.extui %lt3A_1121 : i1 to i32
      %cond3A_1123 = arith.constant 0 : i32
      %cond3A_1124 = arith.cmpi ne, %convert_element_type3A_1122, %cond3A_1123 : i32
      scf.if %cond3A_1124 {
        %dma_start3A = arith.constant 1 : i32
        %dma_start3A_1773 = arith.constant 0 : i32
        %dma_start3A_1774 = tpu.memref_slice %arg8[%dma_start3A, %dma_start3A_1773] : memref<16x128xi32, #tpu.memory_space<vmem>> -> memref<1x128xi32, #tpu.memory_space<vmem>>
        %dma_start3A_1775 = tpu.memref_squeeze %dma_start3A_1774 : memref<1x128xi32, #tpu.memory_space<vmem>> -> memref<128xi32, #tpu.memory_space<vmem>>
        %dma_start3A_1776 = arith.constant 0 : i32
        %dma_start3A_1777 = arith.constant 0 : i32
        %dma_start3A_1778 = tpu.memref_slice %arg2[%dma_start3A_1776, %dma_start3A_1777] : memref<10000x128xf32, #tpu.memory_space<hbm>> -> memref<10000x128xf32, #tpu.memory_space<hbm>>
        tpu.enqueue_indirect_dma source(%dma_start3A_1778 : memref<10000x128xf32, #tpu.memory_space<hbm>>) target(%arg12 : memref<128x128xf32, #tpu.memory_space<vmem>>) offsets(%dma_start3A_1775 : memref<128xi32, #tpu.memory_space<vmem>>) semaphore(%arg20 : memref<!tpu.dma_semaphore, #tpu.memory_space<semaphore_mem>>)
      } else {
      }
      %sub3A_1125 = arith.constant 32 : i32
      %sub3A_1126 = arith.subi %add3A_477, %sub3A_1125 : i32
      %add3A_1127 = arith.constant 32 : i32
      %add3A_1128 = arith.addi %add3A_477, %add3A_1127 : i32
      %ge3A_1129 = arith.constant 0 : i32
      %ge3A_1130 = arith.cmpi sge, %sub3A_1126, %ge3A_1129 : i32
      %mul3A_1131 = arith.constant 16 : i32
      %mul3A_1132 = arith.muli %sub3A_1126, %mul3A_1131 : i32
      %add3A_1133 = arith.constant 0 : i32
      %add3A_1134 = arith.addi %mul3A_1132, %add3A_1133 : i32
      %lt3A_1135 = arith.constant 2500 : i32
      %lt3A_1136 = arith.cmpi slt, %add3A_1134, %lt3A_1135 : i32
      %and3A_1137 = arith.andi %ge3A_1130, %lt3A_1136 : i1
      %convert_element_type3A_1138 = arith.extui %and3A_1137 : i1 to i32
      %cond3A_1139 = arith.constant 0 : i32
      %cond3A_1140 = arith.cmpi ne, %convert_element_type3A_1138, %cond3A_1139 : i32
      scf.if %cond3A_1140 {
        %dma_wait3A = arith.constant 0 : i32
        %dma_wait3A_1773 = tpu.memref_slice %arg16[%dma_wait3A] : memref<10000xf32, #tpu.memory_space<vmem_shared>> -> memref<128xf32, #tpu.memory_space<vmem_shared>>
        %dma_wait3A_1774 = arith.constant 0 : i32
        %dma_wait3A_1775 = tpu.memref_slice %arg16[%dma_wait3A_1774] : memref<10000xf32, #tpu.memory_space<vmem_shared>> -> memref<128xf32, #tpu.memory_space<vmem_shared>>
        tpu.wait_dma2 semaphore(%arg21 : memref<!tpu.dma_semaphore, #tpu.memory_space<semaphore_mem>>) src(%arg13 : memref<128xf32, #tpu.memory_space<vmem>>) dst(%dma_wait3A_1775 : memref<128xf32, #tpu.memory_space<vmem_shared>>)
      } else {
      }
      %ge3A_1141 = arith.constant 0 : i32
      %ge3A_1142 = arith.cmpi sge, %sub3A_1126, %ge3A_1141 : i32
      %mul3A_1143 = arith.constant 16 : i32
      %mul3A_1144 = arith.muli %sub3A_1126, %mul3A_1143 : i32
      %add3A_1145 = arith.constant 1 : i32
      %add3A_1146 = arith.addi %mul3A_1144, %add3A_1145 : i32
      %lt3A_1147 = arith.constant 2500 : i32
      %lt3A_1148 = arith.cmpi slt, %add3A_1146, %lt3A_1147 : i32
      %and3A_1149 = arith.andi %ge3A_1142, %lt3A_1148 : i1
      %convert_element_type3A_1150 = arith.extui %and3A_1149 : i1 to i32
      %cond3A_1151 = arith.constant 0 : i32
      %cond3A_1152 = arith.cmpi ne, %convert_element_type3A_1150, %cond3A_1151 : i32
      scf.if %cond3A_1152 {
        %dma_wait3A = arith.constant 0 : i32
        %dma_wait3A_1773 = tpu.memref_slice %arg16[%dma_wait3A] : memref<10000xf32, #tpu.memory_space<vmem_shared>> -> memref<128xf32, #tpu.memory_space<vmem_shared>>
        %dma_wait3A_1774 = arith.constant 0 : i32
        %dma_wait3A_1775 = tpu.memref_slice %arg16[%dma_wait3A_1774] : memref<10000xf32, #tpu.memory_space<vmem_shared>> -> memref<128xf32, #tpu.memory_space<vmem_shared>>
        tpu.wait_dma2 semaphore(%arg21 : memref<!tpu.dma_semaphore, #tpu.memory_space<semaphore_mem>>) src(%arg13 : memref<128xf32, #tpu.memory_space<vmem>>) dst(%dma_wait3A_1775 : memref<128xf32, #tpu.memory_space<vmem_shared>>)
      } else {
      }
      %ge3A_1153 = arith.constant 0 : i32
      %ge3A_1154 = arith.cmpi sge, %sub3A_1126, %ge3A_1153 : i32
      %mul3A_1155 = arith.constant 16 : i32
      %mul3A_1156 = arith.muli %sub3A_1126, %mul3A_1155 : i32
      %add3A_1157 = arith.constant 2 : i32
      %add3A_1158 = arith.addi %mul3A_1156, %add3A_1157 : i32
      %lt3A_1159 = arith.constant 2500 : i32
      %lt3A_1160 = arith.cmpi slt, %add3A_1158, %lt3A_1159 : i32
      %and3A_1161 = arith.andi %ge3A_1154, %lt3A_1160 : i1
      %convert_element_type3A_1162 = arith.extui %and3A_1161 : i1 to i32
      %cond3A_1163 = arith.constant 0 : i32
      %cond3A_1164 = arith.cmpi ne, %convert_element_type3A_1162, %cond3A_1163 : i32
      scf.if %cond3A_1164 {
        %dma_wait3A = arith.constant 0 : i32
        %dma_wait3A_1773 = tpu.memref_slice %arg16[%dma_wait3A] : memref<10000xf32, #tpu.memory_space<vmem_shared>> -> memref<128xf32, #tpu.memory_space<vmem_shared>>
        %dma_wait3A_1774 = arith.constant 0 : i32
        %dma_wait3A_1775 = tpu.memref_slice %arg16[%dma_wait3A_1774] : memref<10000xf32, #tpu.memory_space<vmem_shared>> -> memref<128xf32, #tpu.memory_space<vmem_shared>>
        tpu.wait_dma2 semaphore(%arg21 : memref<!tpu.dma_semaphore, #tpu.memory_space<semaphore_mem>>) src(%arg13 : memref<128xf32, #tpu.memory_space<vmem>>) dst(%dma_wait3A_1775 : memref<128xf32, #tpu.memory_space<vmem_shared>>)
      } else {
      }
      %ge3A_1165 = arith.constant 0 : i32
      %ge3A_1166 = arith.cmpi sge, %sub3A_1126, %ge3A_1165 : i32
      %mul3A_1167 = arith.constant 16 : i32
      %mul3A_1168 = arith.muli %sub3A_1126, %mul3A_1167 : i32
      %add3A_1169 = arith.constant 3 : i32
      %add3A_1170 = arith.addi %mul3A_1168, %add3A_1169 : i32
      %lt3A_1171 = arith.constant 2500 : i32
      %lt3A_1172 = arith.cmpi slt, %add3A_1170, %lt3A_1171 : i32
      %and3A_1173 = arith.andi %ge3A_1166, %lt3A_1172 : i1
      %convert_element_type3A_1174 = arith.extui %and3A_1173 : i1 to i32
      %cond3A_1175 = arith.constant 0 : i32
      %cond3A_1176 = arith.cmpi ne, %convert_element_type3A_1174, %cond3A_1175 : i32
      scf.if %cond3A_1176 {
        %dma_wait3A = arith.constant 0 : i32
        %dma_wait3A_1773 = tpu.memref_slice %arg16[%dma_wait3A] : memref<10000xf32, #tpu.memory_space<vmem_shared>> -> memref<128xf32, #tpu.memory_space<vmem_shared>>
        %dma_wait3A_1774 = arith.constant 0 : i32
        %dma_wait3A_1775 = tpu.memref_slice %arg16[%dma_wait3A_1774] : memref<10000xf32, #tpu.memory_space<vmem_shared>> -> memref<128xf32, #tpu.memory_space<vmem_shared>>
        tpu.wait_dma2 semaphore(%arg21 : memref<!tpu.dma_semaphore, #tpu.memory_space<semaphore_mem>>) src(%arg13 : memref<128xf32, #tpu.memory_space<vmem>>) dst(%dma_wait3A_1775 : memref<128xf32, #tpu.memory_space<vmem_shared>>)
      } else {
      }
      %ge3A_1177 = arith.constant 0 : i32
      %ge3A_1178 = arith.cmpi sge, %sub3A_1126, %ge3A_1177 : i32
      %mul3A_1179 = arith.constant 16 : i32
      %mul3A_1180 = arith.muli %sub3A_1126, %mul3A_1179 : i32
      %add3A_1181 = arith.constant 4 : i32
      %add3A_1182 = arith.addi %mul3A_1180, %add3A_1181 : i32
      %lt3A_1183 = arith.constant 2500 : i32
      %lt3A_1184 = arith.cmpi slt, %add3A_1182, %lt3A_1183 : i32
      %and3A_1185 = arith.andi %ge3A_1178, %lt3A_1184 : i1
      %convert_element_type3A_1186 = arith.extui %and3A_1185 : i1 to i32
      %cond3A_1187 = arith.constant 0 : i32
      %cond3A_1188 = arith.cmpi ne, %convert_element_type3A_1186, %cond3A_1187 : i32
      scf.if %cond3A_1188 {
        %dma_wait3A = arith.constant 0 : i32
        %dma_wait3A_1773 = tpu.memref_slice %arg16[%dma_wait3A] : memref<10000xf32, #tpu.memory_space<vmem_shared>> -> memref<128xf32, #tpu.memory_space<vmem_shared>>
        %dma_wait3A_1774 = arith.constant 0 : i32
        %dma_wait3A_1775 = tpu.memref_slice %arg16[%dma_wait3A_1774] : memref<10000xf32, #tpu.memory_space<vmem_shared>> -> memref<128xf32, #tpu.memory_space<vmem_shared>>
        tpu.wait_dma2 semaphore(%arg21 : memref<!tpu.dma_semaphore, #tpu.memory_space<semaphore_mem>>) src(%arg13 : memref<128xf32, #tpu.memory_space<vmem>>) dst(%dma_wait3A_1775 : memref<128xf32, #tpu.memory_space<vmem_shared>>)
      } else {
      }
      %ge3A_1189 = arith.constant 0 : i32
      %ge3A_1190 = arith.cmpi sge, %sub3A_1126, %ge3A_1189 : i32
      %mul3A_1191 = arith.constant 16 : i32
      %mul3A_1192 = arith.muli %sub3A_1126, %mul3A_1191 : i32
      %add3A_1193 = arith.constant 5 : i32
      %add3A_1194 = arith.addi %mul3A_1192, %add3A_1193 : i32
      %lt3A_1195 = arith.constant 2500 : i32
      %lt3A_1196 = arith.cmpi slt, %add3A_1194, %lt3A_1195 : i32
      %and3A_1197 = arith.andi %ge3A_1190, %lt3A_1196 : i1
      %convert_element_type3A_1198 = arith.extui %and3A_1197 : i1 to i32
      %cond3A_1199 = arith.constant 0 : i32
      %cond3A_1200 = arith.cmpi ne, %convert_element_type3A_1198, %cond3A_1199 : i32
      scf.if %cond3A_1200 {
        %dma_wait3A = arith.constant 0 : i32
        %dma_wait3A_1773 = tpu.memref_slice %arg16[%dma_wait3A] : memref<10000xf32, #tpu.memory_space<vmem_shared>> -> memref<128xf32, #tpu.memory_space<vmem_shared>>
        %dma_wait3A_1774 = arith.constant 0 : i32
        %dma_wait3A_1775 = tpu.memref_slice %arg16[%dma_wait3A_1774] : memref<10000xf32, #tpu.memory_space<vmem_shared>> -> memref<128xf32, #tpu.memory_space<vmem_shared>>
        tpu.wait_dma2 semaphore(%arg21 : memref<!tpu.dma_semaphore, #tpu.memory_space<semaphore_mem>>) src(%arg13 : memref<128xf32, #tpu.memory_space<vmem>>) dst(%dma_wait3A_1775 : memref<128xf32, #tpu.memory_space<vmem_shared>>)
      } else {
      }
      %ge3A_1201 = arith.constant 0 : i32
      %ge3A_1202 = arith.cmpi sge, %sub3A_1126, %ge3A_1201 : i32
      %mul3A_1203 = arith.constant 16 : i32
      %mul3A_1204 = arith.muli %sub3A_1126, %mul3A_1203 : i32
      %add3A_1205 = arith.constant 6 : i32
      %add3A_1206 = arith.addi %mul3A_1204, %add3A_1205 : i32
      %lt3A_1207 = arith.constant 2500 : i32
      %lt3A_1208 = arith.cmpi slt, %add3A_1206, %lt3A_1207 : i32
      %and3A_1209 = arith.andi %ge3A_1202, %lt3A_1208 : i1
      %convert_element_type3A_1210 = arith.extui %and3A_1209 : i1 to i32
      %cond3A_1211 = arith.constant 0 : i32
      %cond3A_1212 = arith.cmpi ne, %convert_element_type3A_1210, %cond3A_1211 : i32
      scf.if %cond3A_1212 {
        %dma_wait3A = arith.constant 0 : i32
        %dma_wait3A_1773 = tpu.memref_slice %arg16[%dma_wait3A] : memref<10000xf32, #tpu.memory_space<vmem_shared>> -> memref<128xf32, #tpu.memory_space<vmem_shared>>
        %dma_wait3A_1774 = arith.constant 0 : i32
        %dma_wait3A_1775 = tpu.memref_slice %arg16[%dma_wait3A_1774] : memref<10000xf32, #tpu.memory_space<vmem_shared>> -> memref<128xf32, #tpu.memory_space<vmem_shared>>
        tpu.wait_dma2 semaphore(%arg21 : memref<!tpu.dma_semaphore, #tpu.memory_space<semaphore_mem>>) src(%arg13 : memref<128xf32, #tpu.memory_space<vmem>>) dst(%dma_wait3A_1775 : memref<128xf32, #tpu.memory_space<vmem_shared>>)
      } else {
      }
      %ge3A_1213 = arith.constant 0 : i32
      %ge3A_1214 = arith.cmpi sge, %sub3A_1126, %ge3A_1213 : i32
      %mul3A_1215 = arith.constant 16 : i32
      %mul3A_1216 = arith.muli %sub3A_1126, %mul3A_1215 : i32
      %add3A_1217 = arith.constant 7 : i32
      %add3A_1218 = arith.addi %mul3A_1216, %add3A_1217 : i32
      %lt3A_1219 = arith.constant 2500 : i32
      %lt3A_1220 = arith.cmpi slt, %add3A_1218, %lt3A_1219 : i32
      %and3A_1221 = arith.andi %ge3A_1214, %lt3A_1220 : i1
      %convert_element_type3A_1222 = arith.extui %and3A_1221 : i1 to i32
      %cond3A_1223 = arith.constant 0 : i32
      %cond3A_1224 = arith.cmpi ne, %convert_element_type3A_1222, %cond3A_1223 : i32
      scf.if %cond3A_1224 {
        %dma_wait3A = arith.constant 0 : i32
        %dma_wait3A_1773 = tpu.memref_slice %arg16[%dma_wait3A] : memref<10000xf32, #tpu.memory_space<vmem_shared>> -> memref<128xf32, #tpu.memory_space<vmem_shared>>
        %dma_wait3A_1774 = arith.constant 0 : i32
        %dma_wait3A_1775 = tpu.memref_slice %arg16[%dma_wait3A_1774] : memref<10000xf32, #tpu.memory_space<vmem_shared>> -> memref<128xf32, #tpu.memory_space<vmem_shared>>
        tpu.wait_dma2 semaphore(%arg21 : memref<!tpu.dma_semaphore, #tpu.memory_space<semaphore_mem>>) src(%arg13 : memref<128xf32, #tpu.memory_space<vmem>>) dst(%dma_wait3A_1775 : memref<128xf32, #tpu.memory_space<vmem_shared>>)
      } else {
      }
      %ge3A_1225 = arith.constant 0 : i32
      %ge3A_1226 = arith.cmpi sge, %sub3A_1126, %ge3A_1225 : i32
      %mul3A_1227 = arith.constant 16 : i32
      %mul3A_1228 = arith.muli %sub3A_1126, %mul3A_1227 : i32
      %add3A_1229 = arith.constant 8 : i32
      %add3A_1230 = arith.addi %mul3A_1228, %add3A_1229 : i32
      %lt3A_1231 = arith.constant 2500 : i32
      %lt3A_1232 = arith.cmpi slt, %add3A_1230, %lt3A_1231 : i32
      %and3A_1233 = arith.andi %ge3A_1226, %lt3A_1232 : i1
      %convert_element_type3A_1234 = arith.extui %and3A_1233 : i1 to i32
      %cond3A_1235 = arith.constant 0 : i32
      %cond3A_1236 = arith.cmpi ne, %convert_element_type3A_1234, %cond3A_1235 : i32
      scf.if %cond3A_1236 {
        %dma_wait3A = arith.constant 0 : i32
        %dma_wait3A_1773 = tpu.memref_slice %arg16[%dma_wait3A] : memref<10000xf32, #tpu.memory_space<vmem_shared>> -> memref<128xf32, #tpu.memory_space<vmem_shared>>
        %dma_wait3A_1774 = arith.constant 0 : i32
        %dma_wait3A_1775 = tpu.memref_slice %arg16[%dma_wait3A_1774] : memref<10000xf32, #tpu.memory_space<vmem_shared>> -> memref<128xf32, #tpu.memory_space<vmem_shared>>
        tpu.wait_dma2 semaphore(%arg21 : memref<!tpu.dma_semaphore, #tpu.memory_space<semaphore_mem>>) src(%arg13 : memref<128xf32, #tpu.memory_space<vmem>>) dst(%dma_wait3A_1775 : memref<128xf32, #tpu.memory_space<vmem_shared>>)
      } else {
      }
      %ge3A_1237 = arith.constant 0 : i32
      %ge3A_1238 = arith.cmpi sge, %sub3A_1126, %ge3A_1237 : i32
      %mul3A_1239 = arith.constant 16 : i32
      %mul3A_1240 = arith.muli %sub3A_1126, %mul3A_1239 : i32
      %add3A_1241 = arith.constant 9 : i32
      %add3A_1242 = arith.addi %mul3A_1240, %add3A_1241 : i32
      %lt3A_1243 = arith.constant 2500 : i32
      %lt3A_1244 = arith.cmpi slt, %add3A_1242, %lt3A_1243 : i32
      %and3A_1245 = arith.andi %ge3A_1238, %lt3A_1244 : i1
      %convert_element_type3A_1246 = arith.extui %and3A_1245 : i1 to i32
      %cond3A_1247 = arith.constant 0 : i32
      %cond3A_1248 = arith.cmpi ne, %convert_element_type3A_1246, %cond3A_1247 : i32
      scf.if %cond3A_1248 {
        %dma_wait3A = arith.constant 0 : i32
        %dma_wait3A_1773 = tpu.memref_slice %arg16[%dma_wait3A] : memref<10000xf32, #tpu.memory_space<vmem_shared>> -> memref<128xf32, #tpu.memory_space<vmem_shared>>
        %dma_wait3A_1774 = arith.constant 0 : i32
        %dma_wait3A_1775 = tpu.memref_slice %arg16[%dma_wait3A_1774] : memref<10000xf32, #tpu.memory_space<vmem_shared>> -> memref<128xf32, #tpu.memory_space<vmem_shared>>
        tpu.wait_dma2 semaphore(%arg21 : memref<!tpu.dma_semaphore, #tpu.memory_space<semaphore_mem>>) src(%arg13 : memref<128xf32, #tpu.memory_space<vmem>>) dst(%dma_wait3A_1775 : memref<128xf32, #tpu.memory_space<vmem_shared>>)
      } else {
      }
      %ge3A_1249 = arith.constant 0 : i32
      %ge3A_1250 = arith.cmpi sge, %sub3A_1126, %ge3A_1249 : i32
      %mul3A_1251 = arith.constant 16 : i32
      %mul3A_1252 = arith.muli %sub3A_1126, %mul3A_1251 : i32
      %add3A_1253 = arith.constant 10 : i32
      %add3A_1254 = arith.addi %mul3A_1252, %add3A_1253 : i32
      %lt3A_1255 = arith.constant 2500 : i32
      %lt3A_1256 = arith.cmpi slt, %add3A_1254, %lt3A_1255 : i32
      %and3A_1257 = arith.andi %ge3A_1250, %lt3A_1256 : i1
      %convert_element_type3A_1258 = arith.extui %and3A_1257 : i1 to i32
      %cond3A_1259 = arith.constant 0 : i32
      %cond3A_1260 = arith.cmpi ne, %convert_element_type3A_1258, %cond3A_1259 : i32
      scf.if %cond3A_1260 {
        %dma_wait3A = arith.constant 0 : i32
        %dma_wait3A_1773 = tpu.memref_slice %arg16[%dma_wait3A] : memref<10000xf32, #tpu.memory_space<vmem_shared>> -> memref<128xf32, #tpu.memory_space<vmem_shared>>
        %dma_wait3A_1774 = arith.constant 0 : i32
        %dma_wait3A_1775 = tpu.memref_slice %arg16[%dma_wait3A_1774] : memref<10000xf32, #tpu.memory_space<vmem_shared>> -> memref<128xf32, #tpu.memory_space<vmem_shared>>
        tpu.wait_dma2 semaphore(%arg21 : memref<!tpu.dma_semaphore, #tpu.memory_space<semaphore_mem>>) src(%arg13 : memref<128xf32, #tpu.memory_space<vmem>>) dst(%dma_wait3A_1775 : memref<128xf32, #tpu.memory_space<vmem_shared>>)
      } else {
      }
      %ge3A_1261 = arith.constant 0 : i32
      %ge3A_1262 = arith.cmpi sge, %sub3A_1126, %ge3A_1261 : i32
      %mul3A_1263 = arith.constant 16 : i32
      %mul3A_1264 = arith.muli %sub3A_1126, %mul3A_1263 : i32
      %add3A_1265 = arith.constant 11 : i32
      %add3A_1266 = arith.addi %mul3A_1264, %add3A_1265 : i32
      %lt3A_1267 = arith.constant 2500 : i32
      %lt3A_1268 = arith.cmpi slt, %add3A_1266, %lt3A_1267 : i32
      %and3A_1269 = arith.andi %ge3A_1262, %lt3A_1268 : i1
      %convert_element_type3A_1270 = arith.extui %and3A_1269 : i1 to i32
      %cond3A_1271 = arith.constant 0 : i32
      %cond3A_1272 = arith.cmpi ne, %convert_element_type3A_1270, %cond3A_1271 : i32
      scf.if %cond3A_1272 {
        %dma_wait3A = arith.constant 0 : i32
        %dma_wait3A_1773 = tpu.memref_slice %arg16[%dma_wait3A] : memref<10000xf32, #tpu.memory_space<vmem_shared>> -> memref<128xf32, #tpu.memory_space<vmem_shared>>
        %dma_wait3A_1774 = arith.constant 0 : i32
        %dma_wait3A_1775 = tpu.memref_slice %arg16[%dma_wait3A_1774] : memref<10000xf32, #tpu.memory_space<vmem_shared>> -> memref<128xf32, #tpu.memory_space<vmem_shared>>
        tpu.wait_dma2 semaphore(%arg21 : memref<!tpu.dma_semaphore, #tpu.memory_space<semaphore_mem>>) src(%arg13 : memref<128xf32, #tpu.memory_space<vmem>>) dst(%dma_wait3A_1775 : memref<128xf32, #tpu.memory_space<vmem_shared>>)
      } else {
      }
      %ge3A_1273 = arith.constant 0 : i32
      %ge3A_1274 = arith.cmpi sge, %sub3A_1126, %ge3A_1273 : i32
      %mul3A_1275 = arith.constant 16 : i32
      %mul3A_1276 = arith.muli %sub3A_1126, %mul3A_1275 : i32
      %add3A_1277 = arith.constant 12 : i32
      %add3A_1278 = arith.addi %mul3A_1276, %add3A_1277 : i32
      %lt3A_1279 = arith.constant 2500 : i32
      %lt3A_1280 = arith.cmpi slt, %add3A_1278, %lt3A_1279 : i32
      %and3A_1281 = arith.andi %ge3A_1274, %lt3A_1280 : i1
      %convert_element_type3A_1282 = arith.extui %and3A_1281 : i1 to i32
      %cond3A_1283 = arith.constant 0 : i32
      %cond3A_1284 = arith.cmpi ne, %convert_element_type3A_1282, %cond3A_1283 : i32
      scf.if %cond3A_1284 {
        %dma_wait3A = arith.constant 0 : i32
        %dma_wait3A_1773 = tpu.memref_slice %arg16[%dma_wait3A] : memref<10000xf32, #tpu.memory_space<vmem_shared>> -> memref<128xf32, #tpu.memory_space<vmem_shared>>
        %dma_wait3A_1774 = arith.constant 0 : i32
        %dma_wait3A_1775 = tpu.memref_slice %arg16[%dma_wait3A_1774] : memref<10000xf32, #tpu.memory_space<vmem_shared>> -> memref<128xf32, #tpu.memory_space<vmem_shared>>
        tpu.wait_dma2 semaphore(%arg21 : memref<!tpu.dma_semaphore, #tpu.memory_space<semaphore_mem>>) src(%arg13 : memref<128xf32, #tpu.memory_space<vmem>>) dst(%dma_wait3A_1775 : memref<128xf32, #tpu.memory_space<vmem_shared>>)
      } else {
      }
      %ge3A_1285 = arith.constant 0 : i32
      %ge3A_1286 = arith.cmpi sge, %sub3A_1126, %ge3A_1285 : i32
      %mul3A_1287 = arith.constant 16 : i32
      %mul3A_1288 = arith.muli %sub3A_1126, %mul3A_1287 : i32
      %add3A_1289 = arith.constant 13 : i32
      %add3A_1290 = arith.addi %mul3A_1288, %add3A_1289 : i32
      %lt3A_1291 = arith.constant 2500 : i32
      %lt3A_1292 = arith.cmpi slt, %add3A_1290, %lt3A_1291 : i32
      %and3A_1293 = arith.andi %ge3A_1286, %lt3A_1292 : i1
      %convert_element_type3A_1294 = arith.extui %and3A_1293 : i1 to i32
      %cond3A_1295 = arith.constant 0 : i32
      %cond3A_1296 = arith.cmpi ne, %convert_element_type3A_1294, %cond3A_1295 : i32
      scf.if %cond3A_1296 {
        %dma_wait3A = arith.constant 0 : i32
        %dma_wait3A_1773 = tpu.memref_slice %arg16[%dma_wait3A] : memref<10000xf32, #tpu.memory_space<vmem_shared>> -> memref<128xf32, #tpu.memory_space<vmem_shared>>
        %dma_wait3A_1774 = arith.constant 0 : i32
        %dma_wait3A_1775 = tpu.memref_slice %arg16[%dma_wait3A_1774] : memref<10000xf32, #tpu.memory_space<vmem_shared>> -> memref<128xf32, #tpu.memory_space<vmem_shared>>
        tpu.wait_dma2 semaphore(%arg21 : memref<!tpu.dma_semaphore, #tpu.memory_space<semaphore_mem>>) src(%arg13 : memref<128xf32, #tpu.memory_space<vmem>>) dst(%dma_wait3A_1775 : memref<128xf32, #tpu.memory_space<vmem_shared>>)
      } else {
      }
      %ge3A_1297 = arith.constant 0 : i32
      %ge3A_1298 = arith.cmpi sge, %sub3A_1126, %ge3A_1297 : i32
      %mul3A_1299 = arith.constant 16 : i32
      %mul3A_1300 = arith.muli %sub3A_1126, %mul3A_1299 : i32
      %add3A_1301 = arith.constant 14 : i32
      %add3A_1302 = arith.addi %mul3A_1300, %add3A_1301 : i32
      %lt3A_1303 = arith.constant 2500 : i32
      %lt3A_1304 = arith.cmpi slt, %add3A_1302, %lt3A_1303 : i32
      %and3A_1305 = arith.andi %ge3A_1298, %lt3A_1304 : i1
      %convert_element_type3A_1306 = arith.extui %and3A_1305 : i1 to i32
      %cond3A_1307 = arith.constant 0 : i32
      %cond3A_1308 = arith.cmpi ne, %convert_element_type3A_1306, %cond3A_1307 : i32
      scf.if %cond3A_1308 {
        %dma_wait3A = arith.constant 0 : i32
        %dma_wait3A_1773 = tpu.memref_slice %arg16[%dma_wait3A] : memref<10000xf32, #tpu.memory_space<vmem_shared>> -> memref<128xf32, #tpu.memory_space<vmem_shared>>
        %dma_wait3A_1774 = arith.constant 0 : i32
        %dma_wait3A_1775 = tpu.memref_slice %arg16[%dma_wait3A_1774] : memref<10000xf32, #tpu.memory_space<vmem_shared>> -> memref<128xf32, #tpu.memory_space<vmem_shared>>
        tpu.wait_dma2 semaphore(%arg21 : memref<!tpu.dma_semaphore, #tpu.memory_space<semaphore_mem>>) src(%arg13 : memref<128xf32, #tpu.memory_space<vmem>>) dst(%dma_wait3A_1775 : memref<128xf32, #tpu.memory_space<vmem_shared>>)
      } else {
      }
      %ge3A_1309 = arith.constant 0 : i32
      %ge3A_1310 = arith.cmpi sge, %sub3A_1126, %ge3A_1309 : i32
      %mul3A_1311 = arith.constant 16 : i32
      %mul3A_1312 = arith.muli %sub3A_1126, %mul3A_1311 : i32
      %add3A_1313 = arith.constant 15 : i32
      %add3A_1314 = arith.addi %mul3A_1312, %add3A_1313 : i32
      %lt3A_1315 = arith.constant 2500 : i32
      %lt3A_1316 = arith.cmpi slt, %add3A_1314, %lt3A_1315 : i32
      %and3A_1317 = arith.andi %ge3A_1310, %lt3A_1316 : i1
      %convert_element_type3A_1318 = arith.extui %and3A_1317 : i1 to i32
      %cond3A_1319 = arith.constant 0 : i32
      %cond3A_1320 = arith.cmpi ne, %convert_element_type3A_1318, %cond3A_1319 : i32
      scf.if %cond3A_1320 {
        %dma_wait3A = arith.constant 0 : i32
        %dma_wait3A_1773 = tpu.memref_slice %arg16[%dma_wait3A] : memref<10000xf32, #tpu.memory_space<vmem_shared>> -> memref<128xf32, #tpu.memory_space<vmem_shared>>
        %dma_wait3A_1774 = arith.constant 0 : i32
        %dma_wait3A_1775 = tpu.memref_slice %arg16[%dma_wait3A_1774] : memref<10000xf32, #tpu.memory_space<vmem_shared>> -> memref<128xf32, #tpu.memory_space<vmem_shared>>
        tpu.wait_dma2 semaphore(%arg21 : memref<!tpu.dma_semaphore, #tpu.memory_space<semaphore_mem>>) src(%arg13 : memref<128xf32, #tpu.memory_space<vmem>>) dst(%dma_wait3A_1775 : memref<128xf32, #tpu.memory_space<vmem_shared>>)
      } else {
      }
      %mul3A_1321 = arith.constant 16 : i32
      %mul3A_1322 = arith.muli %add3A_477, %mul3A_1321 : i32
      %add3A_1323 = arith.constant 0 : i32
      %add3A_1324 = arith.addi %mul3A_1322, %add3A_1323 : i32
      %lt3A_1325 = arith.constant 2500 : i32
      %lt3A_1326 = arith.cmpi slt, %add3A_1324, %lt3A_1325 : i32
      %convert_element_type3A_1327 = arith.extui %lt3A_1326 : i1 to i32
      %cond3A_1328 = arith.constant 0 : i32
      %cond3A_1329 = arith.cmpi ne, %convert_element_type3A_1327, %cond3A_1328 : i32
      scf.if %cond3A_1329 {
        %dma_wait3A = arith.constant 0 : i32
        %dma_wait3A_1773 = arith.constant 0 : i32
        %dma_wait3A_1774 = tpu.memref_slice %arg2[%dma_wait3A, %dma_wait3A_1773] : memref<10000x128xf32, #tpu.memory_space<hbm>> -> memref<128x128xf32, #tpu.memory_space<hbm>>
        %dma_wait3A_1775 = arith.constant 0 : i32
        %dma_wait3A_1776 = arith.constant 0 : i32
        %dma_wait3A_1777 = tpu.memref_slice %arg2[%dma_wait3A_1775, %dma_wait3A_1776] : memref<10000x128xf32, #tpu.memory_space<hbm>> -> memref<128x128xf32, #tpu.memory_space<hbm>>
        tpu.wait_dma2 semaphore(%arg19 : memref<!tpu.dma_semaphore, #tpu.memory_space<semaphore_mem>>) src(%dma_wait3A_1777 : memref<128x128xf32, #tpu.memory_space<hbm>>) dst(%arg11 : memref<128x128xf32, #tpu.memory_space<vmem>>)
      } else {
      }
      %mul3A_1330 = arith.constant 16 : i32
      %mul3A_1331 = arith.muli %add3A_477, %mul3A_1330 : i32
      %add3A_1332 = arith.constant 0 : i32
      %add3A_1333 = arith.addi %mul3A_1331, %add3A_1332 : i32
      %lt3A_1334 = arith.constant 2500 : i32
      %lt3A_1335 = arith.cmpi slt, %add3A_1333, %lt3A_1334 : i32
      %convert_element_type3A_1336 = arith.extui %lt3A_1335 : i1 to i32
      %cond3A_1337 = arith.constant 0 : i32
      %cond3A_1338 = arith.cmpi ne, %convert_element_type3A_1336, %cond3A_1337 : i32
      scf.if %cond3A_1338 {
        %dma_start3A = arith.constant 0 : i32
        %dma_start3A_1773 = arith.constant 0 : i32
        %dma_start3A_1774 = tpu.memref_slice %arg10[%dma_start3A, %dma_start3A_1773] : memref<16x128xi32, #tpu.memory_space<vmem>> -> memref<1x128xi32, #tpu.memory_space<vmem>>
        %dma_start3A_1775 = tpu.memref_squeeze %dma_start3A_1774 : memref<1x128xi32, #tpu.memory_space<vmem>> -> memref<128xi32, #tpu.memory_space<vmem>>
        %dma_start3A_1776 = arith.constant 0 : i32
        %dma_start3A_1777 = tpu.memref_slice %arg16[%dma_start3A_1776] : memref<10000xf32, #tpu.memory_space<vmem_shared>> -> memref<10000xf32, #tpu.memory_space<vmem_shared>>
        tpu.enqueue_indirect_dma source(%arg13 : memref<128xf32, #tpu.memory_space<vmem>>) target(%dma_start3A_1777 : memref<10000xf32, #tpu.memory_space<vmem_shared>>) offsets(%dma_start3A_1775 : memref<128xi32, #tpu.memory_space<vmem>>) semaphore(%arg21 : memref<!tpu.dma_semaphore, #tpu.memory_space<semaphore_mem>>) {add = true}
        %run_scoped3A = arith.constant 0 : i32
        "tpu.region"() ({
          %run_scoped3A_1778 = tpu.sem_alloc : memref<!tpu.dma_semaphore, #tpu.memory_space<semaphore_mem>>
          %dma_start3A_1779 = arith.constant 0 : i32
          %dma_start3A_1780 = tpu.memref_slice %arg10[%run_scoped3A, %dma_start3A_1779] : memref<16x128xi32, #tpu.memory_space<vmem>> -> memref<1x128xi32, #tpu.memory_space<vmem>>
          %dma_start3A_1781 = tpu.memref_squeeze %dma_start3A_1780 : memref<1x128xi32, #tpu.memory_space<vmem>> -> memref<128xi32, #tpu.memory_space<vmem>>
          %dma_start3A_1782 = arith.constant 0 : i32
          %dma_start3A_1783 = arith.constant 0 : i32
          %dma_start3A_1784 = tpu.memref_slice %arg15[%dma_start3A_1782, %dma_start3A_1783] : memref<10000x128xf32, #tpu.memory_space<vmem_shared>> -> memref<10000x128xf32, #tpu.memory_space<vmem_shared>>
          tpu.enqueue_indirect_dma source(%arg11 : memref<128x128xf32, #tpu.memory_space<vmem>>) target(%dma_start3A_1784 : memref<10000x128xf32, #tpu.memory_space<vmem_shared>>) offsets(%dma_start3A_1781 : memref<128xi32, #tpu.memory_space<vmem>>) semaphore(%run_scoped3A_1778 : memref<!tpu.dma_semaphore, #tpu.memory_space<semaphore_mem>>) {add = true}
          %dma_wait3A = arith.constant 0 : i32
          %dma_wait3A_1785 = tpu.memref_slice %arg10[%run_scoped3A, %dma_wait3A] : memref<16x128xi32, #tpu.memory_space<vmem>> -> memref<1x128xi32, #tpu.memory_space<vmem>>
          %dma_wait3A_1786 = tpu.memref_squeeze %dma_wait3A_1785 : memref<1x128xi32, #tpu.memory_space<vmem>> -> memref<128xi32, #tpu.memory_space<vmem>>
          %dma_wait3A_1787 = arith.constant 0 : i32
          %dma_wait3A_1788 = arith.constant 0 : i32
          %dma_wait3A_1789 = tpu.memref_slice %arg15[%dma_wait3A_1787, %dma_wait3A_1788] : memref<10000x128xf32, #tpu.memory_space<vmem_shared>> -> memref<10000x128xf32, #tpu.memory_space<vmem_shared>>
          tpu.wait_indirect_dma semaphore(%run_scoped3A_1778 : memref<!tpu.dma_semaphore, #tpu.memory_space<semaphore_mem>>) src(%arg11 : memref<128x128xf32, #tpu.memory_space<vmem>>) dst(%dma_wait3A_1789 : memref<10000x128xf32, #tpu.memory_space<vmem_shared>>)
          tpu.yield
        }) : () -> ()
      } else {
      }
      %mul3A_1339 = arith.constant 16 : i32
      %mul3A_1340 = arith.muli %add3A_477, %mul3A_1339 : i32
      %add3A_1341 = arith.constant 2 : i32
      %add3A_1342 = arith.addi %mul3A_1340, %add3A_1341 : i32
      %lt3A_1343 = arith.constant 2500 : i32
      %lt3A_1344 = arith.cmpi slt, %add3A_1342, %lt3A_1343 : i32
      %convert_element_type3A_1345 = arith.extui %lt3A_1344 : i1 to i32
      %cond3A_1346 = arith.constant 0 : i32
      %cond3A_1347 = arith.cmpi ne, %convert_element_type3A_1345, %cond3A_1346 : i32
      scf.if %cond3A_1347 {
        %dma_start3A = arith.constant 2 : i32
        %dma_start3A_1773 = arith.constant 0 : i32
        %dma_start3A_1774 = tpu.memref_slice %arg8[%dma_start3A, %dma_start3A_1773] : memref<16x128xi32, #tpu.memory_space<vmem>> -> memref<1x128xi32, #tpu.memory_space<vmem>>
        %dma_start3A_1775 = tpu.memref_squeeze %dma_start3A_1774 : memref<1x128xi32, #tpu.memory_space<vmem>> -> memref<128xi32, #tpu.memory_space<vmem>>
        %dma_start3A_1776 = arith.constant 0 : i32
        %dma_start3A_1777 = arith.constant 0 : i32
        %dma_start3A_1778 = tpu.memref_slice %arg2[%dma_start3A_1776, %dma_start3A_1777] : memref<10000x128xf32, #tpu.memory_space<hbm>> -> memref<10000x128xf32, #tpu.memory_space<hbm>>
        tpu.enqueue_indirect_dma source(%dma_start3A_1778 : memref<10000x128xf32, #tpu.memory_space<hbm>>) target(%arg11 : memref<128x128xf32, #tpu.memory_space<vmem>>) offsets(%dma_start3A_1775 : memref<128xi32, #tpu.memory_space<vmem>>) semaphore(%arg19 : memref<!tpu.dma_semaphore, #tpu.memory_space<semaphore_mem>>)
      } else {
      }
      %mul3A_1348 = arith.constant 16 : i32
      %mul3A_1349 = arith.muli %add3A_477, %mul3A_1348 : i32
      %add3A_1350 = arith.constant 1 : i32
      %add3A_1351 = arith.addi %mul3A_1349, %add3A_1350 : i32
      %lt3A_1352 = arith.constant 2500 : i32
      %lt3A_1353 = arith.cmpi slt, %add3A_1351, %lt3A_1352 : i32
      %convert_element_type3A_1354 = arith.extui %lt3A_1353 : i1 to i32
      %cond3A_1355 = arith.constant 0 : i32
      %cond3A_1356 = arith.cmpi ne, %convert_element_type3A_1354, %cond3A_1355 : i32
      scf.if %cond3A_1356 {
        %dma_wait3A = arith.constant 0 : i32
        %dma_wait3A_1773 = arith.constant 0 : i32
        %dma_wait3A_1774 = tpu.memref_slice %arg2[%dma_wait3A, %dma_wait3A_1773] : memref<10000x128xf32, #tpu.memory_space<hbm>> -> memref<128x128xf32, #tpu.memory_space<hbm>>
        %dma_wait3A_1775 = arith.constant 0 : i32
        %dma_wait3A_1776 = arith.constant 0 : i32
        %dma_wait3A_1777 = tpu.memref_slice %arg2[%dma_wait3A_1775, %dma_wait3A_1776] : memref<10000x128xf32, #tpu.memory_space<hbm>> -> memref<128x128xf32, #tpu.memory_space<hbm>>
        tpu.wait_dma2 semaphore(%arg20 : memref<!tpu.dma_semaphore, #tpu.memory_space<semaphore_mem>>) src(%dma_wait3A_1777 : memref<128x128xf32, #tpu.memory_space<hbm>>) dst(%arg12 : memref<128x128xf32, #tpu.memory_space<vmem>>)
      } else {
      }
      %mul3A_1357 = arith.constant 16 : i32
      %mul3A_1358 = arith.muli %add3A_477, %mul3A_1357 : i32
      %add3A_1359 = arith.constant 1 : i32
      %add3A_1360 = arith.addi %mul3A_1358, %add3A_1359 : i32
      %lt3A_1361 = arith.constant 2500 : i32
      %lt3A_1362 = arith.cmpi slt, %add3A_1360, %lt3A_1361 : i32
      %convert_element_type3A_1363 = arith.extui %lt3A_1362 : i1 to i32
      %cond3A_1364 = arith.constant 0 : i32
      %cond3A_1365 = arith.cmpi ne, %convert_element_type3A_1363, %cond3A_1364 : i32
      scf.if %cond3A_1365 {
        %dma_start3A = arith.constant 1 : i32
        %dma_start3A_1773 = arith.constant 0 : i32
        %dma_start3A_1774 = tpu.memref_slice %arg10[%dma_start3A, %dma_start3A_1773] : memref<16x128xi32, #tpu.memory_space<vmem>> -> memref<1x128xi32, #tpu.memory_space<vmem>>
        %dma_start3A_1775 = tpu.memref_squeeze %dma_start3A_1774 : memref<1x128xi32, #tpu.memory_space<vmem>> -> memref<128xi32, #tpu.memory_space<vmem>>
        %dma_start3A_1776 = arith.constant 0 : i32
        %dma_start3A_1777 = tpu.memref_slice %arg16[%dma_start3A_1776] : memref<10000xf32, #tpu.memory_space<vmem_shared>> -> memref<10000xf32, #tpu.memory_space<vmem_shared>>
        tpu.enqueue_indirect_dma source(%arg13 : memref<128xf32, #tpu.memory_space<vmem>>) target(%dma_start3A_1777 : memref<10000xf32, #tpu.memory_space<vmem_shared>>) offsets(%dma_start3A_1775 : memref<128xi32, #tpu.memory_space<vmem>>) semaphore(%arg21 : memref<!tpu.dma_semaphore, #tpu.memory_space<semaphore_mem>>) {add = true}
        %run_scoped3A = arith.constant 1 : i32
        "tpu.region"() ({
          %run_scoped3A_1778 = tpu.sem_alloc : memref<!tpu.dma_semaphore, #tpu.memory_space<semaphore_mem>>
          %dma_start3A_1779 = arith.constant 0 : i32
          %dma_start3A_1780 = tpu.memref_slice %arg10[%run_scoped3A, %dma_start3A_1779] : memref<16x128xi32, #tpu.memory_space<vmem>> -> memref<1x128xi32, #tpu.memory_space<vmem>>
          %dma_start3A_1781 = tpu.memref_squeeze %dma_start3A_1780 : memref<1x128xi32, #tpu.memory_space<vmem>> -> memref<128xi32, #tpu.memory_space<vmem>>
          %dma_start3A_1782 = arith.constant 0 : i32
          %dma_start3A_1783 = arith.constant 0 : i32
          %dma_start3A_1784 = tpu.memref_slice %arg15[%dma_start3A_1782, %dma_start3A_1783] : memref<10000x128xf32, #tpu.memory_space<vmem_shared>> -> memref<10000x128xf32, #tpu.memory_space<vmem_shared>>
          tpu.enqueue_indirect_dma source(%arg12 : memref<128x128xf32, #tpu.memory_space<vmem>>) target(%dma_start3A_1784 : memref<10000x128xf32, #tpu.memory_space<vmem_shared>>) offsets(%dma_start3A_1781 : memref<128xi32, #tpu.memory_space<vmem>>) semaphore(%run_scoped3A_1778 : memref<!tpu.dma_semaphore, #tpu.memory_space<semaphore_mem>>) {add = true}
          %dma_wait3A = arith.constant 0 : i32
          %dma_wait3A_1785 = tpu.memref_slice %arg10[%run_scoped3A, %dma_wait3A] : memref<16x128xi32, #tpu.memory_space<vmem>> -> memref<1x128xi32, #tpu.memory_space<vmem>>
          %dma_wait3A_1786 = tpu.memref_squeeze %dma_wait3A_1785 : memref<1x128xi32, #tpu.memory_space<vmem>> -> memref<128xi32, #tpu.memory_space<vmem>>
          %dma_wait3A_1787 = arith.constant 0 : i32
          %dma_wait3A_1788 = arith.constant 0 : i32
          %dma_wait3A_1789 = tpu.memref_slice %arg15[%dma_wait3A_1787, %dma_wait3A_1788] : memref<10000x128xf32, #tpu.memory_space<vmem_shared>> -> memref<10000x128xf32, #tpu.memory_space<vmem_shared>>
          tpu.wait_indirect_dma semaphore(%run_scoped3A_1778 : memref<!tpu.dma_semaphore, #tpu.memory_space<semaphore_mem>>) src(%arg12 : memref<128x128xf32, #tpu.memory_space<vmem>>) dst(%dma_wait3A_1789 : memref<10000x128xf32, #tpu.memory_space<vmem_shared>>)
          tpu.yield
        }) : () -> ()
      } else {
      }
      %lt3A_1366 = arith.constant 156 : i32
      %lt3A_1367 = arith.cmpi slt, %add3A_1128, %lt3A_1366 : i32
      %convert_element_type3A_1368 = arith.extui %lt3A_1367 : i1 to i32
      %cond3A_1369 = arith.constant 0 : i32
      %cond3A_1370 = arith.cmpi ne, %convert_element_type3A_1368, %cond3A_1369 : i32
      scf.if %cond3A_1370 {
        %mul3A_1773 = arith.constant 16 : i32
        %mul3A_1774 = arith.muli %add3A_1128, %mul3A_1773 : i32
        %dma_start3A = arith.constant 0 : i32
        %dma_start3A_1775 = tpu.memref_slice %arg3[%mul3A_1774, %dma_start3A] : memref<2500x128xi32, #tpu.memory_space<hbm>> -> memref<16x128xi32, #tpu.memory_space<hbm>>
        %dma_start3A_1776 = arith.constant 0 : i32
        %dma_start3A_1777 = tpu.memref_slice %arg3[%mul3A_1774, %dma_start3A_1776] : memref<2500x128xi32, #tpu.memory_space<hbm>> -> memref<16x128xi32, #tpu.memory_space<hbm>>
        tpu.enqueue_dma source(%dma_start3A_1777 : memref<16x128xi32, #tpu.memory_space<hbm>>) target(%arg7 : memref<16x128xi32, #tpu.memory_space<vmem>>) target_semaphore(%arg17 : memref<!tpu.dma_semaphore, #tpu.memory_space<semaphore_mem>>)
        %mul3A_1778 = arith.constant 16 : i32
        %mul3A_1779 = arith.muli %add3A_1128, %mul3A_1778 : i32
        %dma_start3A_1780 = arith.constant 0 : i32
        %dma_start3A_1781 = tpu.memref_slice %arg4[%mul3A_1779, %dma_start3A_1780] : memref<2500x128xi32, #tpu.memory_space<hbm>> -> memref<16x128xi32, #tpu.memory_space<hbm>>
        %dma_start3A_1782 = arith.constant 0 : i32
        %dma_start3A_1783 = tpu.memref_slice %arg4[%mul3A_1779, %dma_start3A_1782] : memref<2500x128xi32, #tpu.memory_space<hbm>> -> memref<16x128xi32, #tpu.memory_space<hbm>>
        tpu.enqueue_dma source(%dma_start3A_1783 : memref<16x128xi32, #tpu.memory_space<hbm>>) target(%arg9 : memref<16x128xi32, #tpu.memory_space<vmem>>) target_semaphore(%arg17 : memref<!tpu.dma_semaphore, #tpu.memory_space<semaphore_mem>>)
      } else {
      }
      %eq3A_1371 = arith.constant 156 : i32
      %eq3A_1372 = arith.cmpi eq, %add3A_1128, %eq3A_1371 : i32
      %convert_element_type3A_1373 = arith.extui %eq3A_1372 : i1 to i32
      %cond3A_1374 = arith.constant 0 : i32
      %cond3A_1375 = arith.cmpi ne, %convert_element_type3A_1373, %cond3A_1374 : i32
      scf.if %cond3A_1375 {
        %mul3A_1773 = arith.constant 16 : i32
        %mul3A_1774 = arith.muli %add3A_1128, %mul3A_1773 : i32
        %dma_start3A = arith.constant 0 : i32
        %dma_start3A_1775 = arith.constant 0 : i32
        %dma_start3A_1776 = tpu.memref_slice %arg7[%dma_start3A, %dma_start3A_1775] : memref<16x128xi32, #tpu.memory_space<vmem>> -> memref<4x128xi32, #tpu.memory_space<vmem>>
        %dma_start3A_1777 = arith.constant 0 : i32
        %dma_start3A_1778 = tpu.memref_slice %arg3[%mul3A_1774, %dma_start3A_1777] : memref<2500x128xi32, #tpu.memory_space<hbm>> -> memref<4x128xi32, #tpu.memory_space<hbm>>
        %dma_start3A_1779 = arith.constant 0 : i32
        %dma_start3A_1780 = arith.constant 0 : i32
        %dma_start3A_1781 = tpu.memref_slice %arg7[%dma_start3A_1779, %dma_start3A_1780] : memref<16x128xi32, #tpu.memory_space<vmem>> -> memref<4x128xi32, #tpu.memory_space<vmem>>
        %dma_start3A_1782 = arith.constant 0 : i32
        %dma_start3A_1783 = tpu.memref_slice %arg3[%mul3A_1774, %dma_start3A_1782] : memref<2500x128xi32, #tpu.memory_space<hbm>> -> memref<4x128xi32, #tpu.memory_space<hbm>>
        tpu.enqueue_dma source(%dma_start3A_1783 : memref<4x128xi32, #tpu.memory_space<hbm>>) target(%dma_start3A_1781 : memref<4x128xi32, #tpu.memory_space<vmem>>) target_semaphore(%arg17 : memref<!tpu.dma_semaphore, #tpu.memory_space<semaphore_mem>>)
        %mul3A_1784 = arith.constant 16 : i32
        %mul3A_1785 = arith.muli %add3A_1128, %mul3A_1784 : i32
        %dma_start3A_1786 = arith.constant 0 : i32
        %dma_start3A_1787 = arith.constant 0 : i32
        %dma_start3A_1788 = tpu.memref_slice %arg9[%dma_start3A_1786, %dma_start3A_1787] : memref<16x128xi32, #tpu.memory_space<vmem>> -> memref<4x128xi32, #tpu.memory_space<vmem>>
        %dma_start3A_1789 = arith.constant 0 : i32
        %dma_start3A_1790 = tpu.memref_slice %arg4[%mul3A_1785, %dma_start3A_1789] : memref<2500x128xi32, #tpu.memory_space<hbm>> -> memref<4x128xi32, #tpu.memory_space<hbm>>
        %dma_start3A_1791 = arith.constant 0 : i32
        %dma_start3A_1792 = arith.constant 0 : i32
        %dma_start3A_1793 = tpu.memref_slice %arg9[%dma_start3A_1791, %dma_start3A_1792] : memref<16x128xi32, #tpu.memory_space<vmem>> -> memref<4x128xi32, #tpu.memory_space<vmem>>
        %dma_start3A_1794 = arith.constant 0 : i32
        %dma_start3A_1795 = tpu.memref_slice %arg4[%mul3A_1785, %dma_start3A_1794] : memref<2500x128xi32, #tpu.memory_space<hbm>> -> memref<4x128xi32, #tpu.memory_space<hbm>>
        tpu.enqueue_dma source(%dma_start3A_1795 : memref<4x128xi32, #tpu.memory_space<hbm>>) target(%dma_start3A_1793 : memref<4x128xi32, #tpu.memory_space<vmem>>) target_semaphore(%arg17 : memref<!tpu.dma_semaphore, #tpu.memory_space<semaphore_mem>>)
      } else {
      }
      %mul3A_1376 = arith.constant 16 : i32
      %mul3A_1377 = arith.muli %add3A_477, %mul3A_1376 : i32
      %add3A_1378 = arith.constant 3 : i32
      %add3A_1379 = arith.addi %mul3A_1377, %add3A_1378 : i32
      %lt3A_1380 = arith.constant 2500 : i32
      %lt3A_1381 = arith.cmpi slt, %add3A_1379, %lt3A_1380 : i32
      %convert_element_type3A_1382 = arith.extui %lt3A_1381 : i1 to i32
      %cond3A_1383 = arith.constant 0 : i32
      %cond3A_1384 = arith.cmpi ne, %convert_element_type3A_1382, %cond3A_1383 : i32
      scf.if %cond3A_1384 {
        %dma_start3A = arith.constant 3 : i32
        %dma_start3A_1773 = arith.constant 0 : i32
        %dma_start3A_1774 = tpu.memref_slice %arg8[%dma_start3A, %dma_start3A_1773] : memref<16x128xi32, #tpu.memory_space<vmem>> -> memref<1x128xi32, #tpu.memory_space<vmem>>
        %dma_start3A_1775 = tpu.memref_squeeze %dma_start3A_1774 : memref<1x128xi32, #tpu.memory_space<vmem>> -> memref<128xi32, #tpu.memory_space<vmem>>
        %dma_start3A_1776 = arith.constant 0 : i32
        %dma_start3A_1777 = arith.constant 0 : i32
        %dma_start3A_1778 = tpu.memref_slice %arg2[%dma_start3A_1776, %dma_start3A_1777] : memref<10000x128xf32, #tpu.memory_space<hbm>> -> memref<10000x128xf32, #tpu.memory_space<hbm>>
        tpu.enqueue_indirect_dma source(%dma_start3A_1778 : memref<10000x128xf32, #tpu.memory_space<hbm>>) target(%arg12 : memref<128x128xf32, #tpu.memory_space<vmem>>) offsets(%dma_start3A_1775 : memref<128xi32, #tpu.memory_space<vmem>>) semaphore(%arg20 : memref<!tpu.dma_semaphore, #tpu.memory_space<semaphore_mem>>)
      } else {
      }
      %mul3A_1385 = arith.constant 16 : i32
      %mul3A_1386 = arith.muli %add3A_477, %mul3A_1385 : i32
      %add3A_1387 = arith.constant 2 : i32
      %add3A_1388 = arith.addi %mul3A_1386, %add3A_1387 : i32
      %lt3A_1389 = arith.constant 2500 : i32
      %lt3A_1390 = arith.cmpi slt, %add3A_1388, %lt3A_1389 : i32
      %convert_element_type3A_1391 = arith.extui %lt3A_1390 : i1 to i32
      %cond3A_1392 = arith.constant 0 : i32
      %cond3A_1393 = arith.cmpi ne, %convert_element_type3A_1391, %cond3A_1392 : i32
      scf.if %cond3A_1393 {
        %dma_wait3A = arith.constant 0 : i32
        %dma_wait3A_1773 = arith.constant 0 : i32
        %dma_wait3A_1774 = tpu.memref_slice %arg2[%dma_wait3A, %dma_wait3A_1773] : memref<10000x128xf32, #tpu.memory_space<hbm>> -> memref<128x128xf32, #tpu.memory_space<hbm>>
        %dma_wait3A_1775 = arith.constant 0 : i32
        %dma_wait3A_1776 = arith.constant 0 : i32
        %dma_wait3A_1777 = tpu.memref_slice %arg2[%dma_wait3A_1775, %dma_wait3A_1776] : memref<10000x128xf32, #tpu.memory_space<hbm>> -> memref<128x128xf32, #tpu.memory_space<hbm>>
        tpu.wait_dma2 semaphore(%arg19 : memref<!tpu.dma_semaphore, #tpu.memory_space<semaphore_mem>>) src(%dma_wait3A_1777 : memref<128x128xf32, #tpu.memory_space<hbm>>) dst(%arg11 : memref<128x128xf32, #tpu.memory_space<vmem>>)
      } else {
      }
      %mul3A_1394 = arith.constant 16 : i32
      %mul3A_1395 = arith.muli %add3A_477, %mul3A_1394 : i32
      %add3A_1396 = arith.constant 2 : i32
      %add3A_1397 = arith.addi %mul3A_1395, %add3A_1396 : i32
      %lt3A_1398 = arith.constant 2500 : i32
      %lt3A_1399 = arith.cmpi slt, %add3A_1397, %lt3A_1398 : i32
      %convert_element_type3A_1400 = arith.extui %lt3A_1399 : i1 to i32
      %cond3A_1401 = arith.constant 0 : i32
      %cond3A_1402 = arith.cmpi ne, %convert_element_type3A_1400, %cond3A_1401 : i32
      scf.if %cond3A_1402 {
        %dma_start3A = arith.constant 2 : i32
        %dma_start3A_1773 = arith.constant 0 : i32
        %dma_start3A_1774 = tpu.memref_slice %arg10[%dma_start3A, %dma_start3A_1773] : memref<16x128xi32, #tpu.memory_space<vmem>> -> memref<1x128xi32, #tpu.memory_space<vmem>>
        %dma_start3A_1775 = tpu.memref_squeeze %dma_start3A_1774 : memref<1x128xi32, #tpu.memory_space<vmem>> -> memref<128xi32, #tpu.memory_space<vmem>>
        %dma_start3A_1776 = arith.constant 0 : i32
        %dma_start3A_1777 = tpu.memref_slice %arg16[%dma_start3A_1776] : memref<10000xf32, #tpu.memory_space<vmem_shared>> -> memref<10000xf32, #tpu.memory_space<vmem_shared>>
        tpu.enqueue_indirect_dma source(%arg13 : memref<128xf32, #tpu.memory_space<vmem>>) target(%dma_start3A_1777 : memref<10000xf32, #tpu.memory_space<vmem_shared>>) offsets(%dma_start3A_1775 : memref<128xi32, #tpu.memory_space<vmem>>) semaphore(%arg21 : memref<!tpu.dma_semaphore, #tpu.memory_space<semaphore_mem>>) {add = true}
        %run_scoped3A = arith.constant 2 : i32
        "tpu.region"() ({
          %run_scoped3A_1778 = tpu.sem_alloc : memref<!tpu.dma_semaphore, #tpu.memory_space<semaphore_mem>>
          %dma_start3A_1779 = arith.constant 0 : i32
          %dma_start3A_1780 = tpu.memref_slice %arg10[%run_scoped3A, %dma_start3A_1779] : memref<16x128xi32, #tpu.memory_space<vmem>> -> memref<1x128xi32, #tpu.memory_space<vmem>>
          %dma_start3A_1781 = tpu.memref_squeeze %dma_start3A_1780 : memref<1x128xi32, #tpu.memory_space<vmem>> -> memref<128xi32, #tpu.memory_space<vmem>>
          %dma_start3A_1782 = arith.constant 0 : i32
          %dma_start3A_1783 = arith.constant 0 : i32
          %dma_start3A_1784 = tpu.memref_slice %arg15[%dma_start3A_1782, %dma_start3A_1783] : memref<10000x128xf32, #tpu.memory_space<vmem_shared>> -> memref<10000x128xf32, #tpu.memory_space<vmem_shared>>
          tpu.enqueue_indirect_dma source(%arg11 : memref<128x128xf32, #tpu.memory_space<vmem>>) target(%dma_start3A_1784 : memref<10000x128xf32, #tpu.memory_space<vmem_shared>>) offsets(%dma_start3A_1781 : memref<128xi32, #tpu.memory_space<vmem>>) semaphore(%run_scoped3A_1778 : memref<!tpu.dma_semaphore, #tpu.memory_space<semaphore_mem>>) {add = true}
          %dma_wait3A = arith.constant 0 : i32
          %dma_wait3A_1785 = tpu.memref_slice %arg10[%run_scoped3A, %dma_wait3A] : memref<16x128xi32, #tpu.memory_space<vmem>> -> memref<1x128xi32, #tpu.memory_space<vmem>>
          %dma_wait3A_1786 = tpu.memref_squeeze %dma_wait3A_1785 : memref<1x128xi32, #tpu.memory_space<vmem>> -> memref<128xi32, #tpu.memory_space<vmem>>
          %dma_wait3A_1787 = arith.constant 0 : i32
          %dma_wait3A_1788 = arith.constant 0 : i32
          %dma_wait3A_1789 = tpu.memref_slice %arg15[%dma_wait3A_1787, %dma_wait3A_1788] : memref<10000x128xf32, #tpu.memory_space<vmem_shared>> -> memref<10000x128xf32, #tpu.memory_space<vmem_shared>>
          tpu.wait_indirect_dma semaphore(%run_scoped3A_1778 : memref<!tpu.dma_semaphore, #tpu.memory_space<semaphore_mem>>) src(%arg11 : memref<128x128xf32, #tpu.memory_space<vmem>>) dst(%dma_wait3A_1789 : memref<10000x128xf32, #tpu.memory_space<vmem_shared>>)
          tpu.yield
        }) : () -> ()
      } else {
      }
      %mul3A_1403 = arith.constant 16 : i32
      %mul3A_1404 = arith.muli %add3A_477, %mul3A_1403 : i32
      %add3A_1405 = arith.constant 4 : i32
      %add3A_1406 = arith.addi %mul3A_1404, %add3A_1405 : i32
      %lt3A_1407 = arith.constant 2500 : i32
      %lt3A_1408 = arith.cmpi slt, %add3A_1406, %lt3A_1407 : i32
      %convert_element_type3A_1409 = arith.extui %lt3A_1408 : i1 to i32
      %cond3A_1410 = arith.constant 0 : i32
      %cond3A_1411 = arith.cmpi ne, %convert_element_type3A_1409, %cond3A_1410 : i32
      scf.if %cond3A_1411 {
        %dma_start3A = arith.constant 4 : i32
        %dma_start3A_1773 = arith.constant 0 : i32
        %dma_start3A_1774 = tpu.memref_slice %arg8[%dma_start3A, %dma_start3A_1773] : memref<16x128xi32, #tpu.memory_space<vmem>> -> memref<1x128xi32, #tpu.memory_space<vmem>>
        %dma_start3A_1775 = tpu.memref_squeeze %dma_start3A_1774 : memref<1x128xi32, #tpu.memory_space<vmem>> -> memref<128xi32, #tpu.memory_space<vmem>>
        %dma_start3A_1776 = arith.constant 0 : i32
        %dma_start3A_1777 = arith.constant 0 : i32
        %dma_start3A_1778 = tpu.memref_slice %arg2[%dma_start3A_1776, %dma_start3A_1777] : memref<10000x128xf32, #tpu.memory_space<hbm>> -> memref<10000x128xf32, #tpu.memory_space<hbm>>
        tpu.enqueue_indirect_dma source(%dma_start3A_1778 : memref<10000x128xf32, #tpu.memory_space<hbm>>) target(%arg11 : memref<128x128xf32, #tpu.memory_space<vmem>>) offsets(%dma_start3A_1775 : memref<128xi32, #tpu.memory_space<vmem>>) semaphore(%arg19 : memref<!tpu.dma_semaphore, #tpu.memory_space<semaphore_mem>>)
      } else {
      }
      %mul3A_1412 = arith.constant 16 : i32
      %mul3A_1413 = arith.muli %add3A_477, %mul3A_1412 : i32
      %add3A_1414 = arith.constant 3 : i32
      %add3A_1415 = arith.addi %mul3A_1413, %add3A_1414 : i32
      %lt3A_1416 = arith.constant 2500 : i32
      %lt3A_1417 = arith.cmpi slt, %add3A_1415, %lt3A_1416 : i32
      %convert_element_type3A_1418 = arith.extui %lt3A_1417 : i1 to i32
      %cond3A_1419 = arith.constant 0 : i32
      %cond3A_1420 = arith.cmpi ne, %convert_element_type3A_1418, %cond3A_1419 : i32
      scf.if %cond3A_1420 {
        %dma_wait3A = arith.constant 0 : i32
        %dma_wait3A_1773 = arith.constant 0 : i32
        %dma_wait3A_1774 = tpu.memref_slice %arg2[%dma_wait3A, %dma_wait3A_1773] : memref<10000x128xf32, #tpu.memory_space<hbm>> -> memref<128x128xf32, #tpu.memory_space<hbm>>
        %dma_wait3A_1775 = arith.constant 0 : i32
        %dma_wait3A_1776 = arith.constant 0 : i32
        %dma_wait3A_1777 = tpu.memref_slice %arg2[%dma_wait3A_1775, %dma_wait3A_1776] : memref<10000x128xf32, #tpu.memory_space<hbm>> -> memref<128x128xf32, #tpu.memory_space<hbm>>
        tpu.wait_dma2 semaphore(%arg20 : memref<!tpu.dma_semaphore, #tpu.memory_space<semaphore_mem>>) src(%dma_wait3A_1777 : memref<128x128xf32, #tpu.memory_space<hbm>>) dst(%arg12 : memref<128x128xf32, #tpu.memory_space<vmem>>)
      } else {
      }
      %mul3A_1421 = arith.constant 16 : i32
      %mul3A_1422 = arith.muli %add3A_477, %mul3A_1421 : i32
      %add3A_1423 = arith.constant 3 : i32
      %add3A_1424 = arith.addi %mul3A_1422, %add3A_1423 : i32
      %lt3A_1425 = arith.constant 2500 : i32
      %lt3A_1426 = arith.cmpi slt, %add3A_1424, %lt3A_1425 : i32
      %convert_element_type3A_1427 = arith.extui %lt3A_1426 : i1 to i32
      %cond3A_1428 = arith.constant 0 : i32
      %cond3A_1429 = arith.cmpi ne, %convert_element_type3A_1427, %cond3A_1428 : i32
      scf.if %cond3A_1429 {
        %dma_start3A = arith.constant 3 : i32
        %dma_start3A_1773 = arith.constant 0 : i32
        %dma_start3A_1774 = tpu.memref_slice %arg10[%dma_start3A, %dma_start3A_1773] : memref<16x128xi32, #tpu.memory_space<vmem>> -> memref<1x128xi32, #tpu.memory_space<vmem>>
        %dma_start3A_1775 = tpu.memref_squeeze %dma_start3A_1774 : memref<1x128xi32, #tpu.memory_space<vmem>> -> memref<128xi32, #tpu.memory_space<vmem>>
        %dma_start3A_1776 = arith.constant 0 : i32
        %dma_start3A_1777 = tpu.memref_slice %arg16[%dma_start3A_1776] : memref<10000xf32, #tpu.memory_space<vmem_shared>> -> memref<10000xf32, #tpu.memory_space<vmem_shared>>
        tpu.enqueue_indirect_dma source(%arg13 : memref<128xf32, #tpu.memory_space<vmem>>) target(%dma_start3A_1777 : memref<10000xf32, #tpu.memory_space<vmem_shared>>) offsets(%dma_start3A_1775 : memref<128xi32, #tpu.memory_space<vmem>>) semaphore(%arg21 : memref<!tpu.dma_semaphore, #tpu.memory_space<semaphore_mem>>) {add = true}
        %run_scoped3A = arith.constant 3 : i32
        "tpu.region"() ({
          %run_scoped3A_1778 = tpu.sem_alloc : memref<!tpu.dma_semaphore, #tpu.memory_space<semaphore_mem>>
          %dma_start3A_1779 = arith.constant 0 : i32
          %dma_start3A_1780 = tpu.memref_slice %arg10[%run_scoped3A, %dma_start3A_1779] : memref<16x128xi32, #tpu.memory_space<vmem>> -> memref<1x128xi32, #tpu.memory_space<vmem>>
          %dma_start3A_1781 = tpu.memref_squeeze %dma_start3A_1780 : memref<1x128xi32, #tpu.memory_space<vmem>> -> memref<128xi32, #tpu.memory_space<vmem>>
          %dma_start3A_1782 = arith.constant 0 : i32
          %dma_start3A_1783 = arith.constant 0 : i32
          %dma_start3A_1784 = tpu.memref_slice %arg15[%dma_start3A_1782, %dma_start3A_1783] : memref<10000x128xf32, #tpu.memory_space<vmem_shared>> -> memref<10000x128xf32, #tpu.memory_space<vmem_shared>>
          tpu.enqueue_indirect_dma source(%arg12 : memref<128x128xf32, #tpu.memory_space<vmem>>) target(%dma_start3A_1784 : memref<10000x128xf32, #tpu.memory_space<vmem_shared>>) offsets(%dma_start3A_1781 : memref<128xi32, #tpu.memory_space<vmem>>) semaphore(%run_scoped3A_1778 : memref<!tpu.dma_semaphore, #tpu.memory_space<semaphore_mem>>) {add = true}
          %dma_wait3A = arith.constant 0 : i32
          %dma_wait3A_1785 = tpu.memref_slice %arg10[%run_scoped3A, %dma_wait3A] : memref<16x128xi32, #tpu.memory_space<vmem>> -> memref<1x128xi32, #tpu.memory_space<vmem>>
          %dma_wait3A_1786 = tpu.memref_squeeze %dma_wait3A_1785 : memref<1x128xi32, #tpu.memory_space<vmem>> -> memref<128xi32, #tpu.memory_space<vmem>>
          %dma_wait3A_1787 = arith.constant 0 : i32
          %dma_wait3A_1788 = arith.constant 0 : i32
          %dma_wait3A_1789 = tpu.memref_slice %arg15[%dma_wait3A_1787, %dma_wait3A_1788] : memref<10000x128xf32, #tpu.memory_space<vmem_shared>> -> memref<10000x128xf32, #tpu.memory_space<vmem_shared>>
          tpu.wait_indirect_dma semaphore(%run_scoped3A_1778 : memref<!tpu.dma_semaphore, #tpu.memory_space<semaphore_mem>>) src(%arg12 : memref<128x128xf32, #tpu.memory_space<vmem>>) dst(%dma_wait3A_1789 : memref<10000x128xf32, #tpu.memory_space<vmem_shared>>)
          tpu.yield
        }) : () -> ()
      } else {
      }
      %mul3A_1430 = arith.constant 16 : i32
      %mul3A_1431 = arith.muli %add3A_477, %mul3A_1430 : i32
      %add3A_1432 = arith.constant 5 : i32
      %add3A_1433 = arith.addi %mul3A_1431, %add3A_1432 : i32
      %lt3A_1434 = arith.constant 2500 : i32
      %lt3A_1435 = arith.cmpi slt, %add3A_1433, %lt3A_1434 : i32
      %convert_element_type3A_1436 = arith.extui %lt3A_1435 : i1 to i32
      %cond3A_1437 = arith.constant 0 : i32
      %cond3A_1438 = arith.cmpi ne, %convert_element_type3A_1436, %cond3A_1437 : i32
      scf.if %cond3A_1438 {
        %dma_start3A = arith.constant 5 : i32
        %dma_start3A_1773 = arith.constant 0 : i32
        %dma_start3A_1774 = tpu.memref_slice %arg8[%dma_start3A, %dma_start3A_1773] : memref<16x128xi32, #tpu.memory_space<vmem>> -> memref<1x128xi32, #tpu.memory_space<vmem>>
        %dma_start3A_1775 = tpu.memref_squeeze %dma_start3A_1774 : memref<1x128xi32, #tpu.memory_space<vmem>> -> memref<128xi32, #tpu.memory_space<vmem>>
        %dma_start3A_1776 = arith.constant 0 : i32
        %dma_start3A_1777 = arith.constant 0 : i32
        %dma_start3A_1778 = tpu.memref_slice %arg2[%dma_start3A_1776, %dma_start3A_1777] : memref<10000x128xf32, #tpu.memory_space<hbm>> -> memref<10000x128xf32, #tpu.memory_space<hbm>>
        tpu.enqueue_indirect_dma source(%dma_start3A_1778 : memref<10000x128xf32, #tpu.memory_space<hbm>>) target(%arg12 : memref<128x128xf32, #tpu.memory_space<vmem>>) offsets(%dma_start3A_1775 : memref<128xi32, #tpu.memory_space<vmem>>) semaphore(%arg20 : memref<!tpu.dma_semaphore, #tpu.memory_space<semaphore_mem>>)
      } else {
      }
      %mul3A_1439 = arith.constant 16 : i32
      %mul3A_1440 = arith.muli %add3A_477, %mul3A_1439 : i32
      %add3A_1441 = arith.constant 4 : i32
      %add3A_1442 = arith.addi %mul3A_1440, %add3A_1441 : i32
      %lt3A_1443 = arith.constant 2500 : i32
      %lt3A_1444 = arith.cmpi slt, %add3A_1442, %lt3A_1443 : i32
      %convert_element_type3A_1445 = arith.extui %lt3A_1444 : i1 to i32
      %cond3A_1446 = arith.constant 0 : i32
      %cond3A_1447 = arith.cmpi ne, %convert_element_type3A_1445, %cond3A_1446 : i32
      scf.if %cond3A_1447 {
        %dma_wait3A = arith.constant 0 : i32
        %dma_wait3A_1773 = arith.constant 0 : i32
        %dma_wait3A_1774 = tpu.memref_slice %arg2[%dma_wait3A, %dma_wait3A_1773] : memref<10000x128xf32, #tpu.memory_space<hbm>> -> memref<128x128xf32, #tpu.memory_space<hbm>>
        %dma_wait3A_1775 = arith.constant 0 : i32
        %dma_wait3A_1776 = arith.constant 0 : i32
        %dma_wait3A_1777 = tpu.memref_slice %arg2[%dma_wait3A_1775, %dma_wait3A_1776] : memref<10000x128xf32, #tpu.memory_space<hbm>> -> memref<128x128xf32, #tpu.memory_space<hbm>>
        tpu.wait_dma2 semaphore(%arg19 : memref<!tpu.dma_semaphore, #tpu.memory_space<semaphore_mem>>) src(%dma_wait3A_1777 : memref<128x128xf32, #tpu.memory_space<hbm>>) dst(%arg11 : memref<128x128xf32, #tpu.memory_space<vmem>>)
      } else {
      }
      %mul3A_1448 = arith.constant 16 : i32
      %mul3A_1449 = arith.muli %add3A_477, %mul3A_1448 : i32
      %add3A_1450 = arith.constant 4 : i32
      %add3A_1451 = arith.addi %mul3A_1449, %add3A_1450 : i32
      %lt3A_1452 = arith.constant 2500 : i32
      %lt3A_1453 = arith.cmpi slt, %add3A_1451, %lt3A_1452 : i32
      %convert_element_type3A_1454 = arith.extui %lt3A_1453 : i1 to i32
      %cond3A_1455 = arith.constant 0 : i32
      %cond3A_1456 = arith.cmpi ne, %convert_element_type3A_1454, %cond3A_1455 : i32
      scf.if %cond3A_1456 {
        %dma_start3A = arith.constant 4 : i32
        %dma_start3A_1773 = arith.constant 0 : i32
        %dma_start3A_1774 = tpu.memref_slice %arg10[%dma_start3A, %dma_start3A_1773] : memref<16x128xi32, #tpu.memory_space<vmem>> -> memref<1x128xi32, #tpu.memory_space<vmem>>
        %dma_start3A_1775 = tpu.memref_squeeze %dma_start3A_1774 : memref<1x128xi32, #tpu.memory_space<vmem>> -> memref<128xi32, #tpu.memory_space<vmem>>
        %dma_start3A_1776 = arith.constant 0 : i32
        %dma_start3A_1777 = tpu.memref_slice %arg16[%dma_start3A_1776] : memref<10000xf32, #tpu.memory_space<vmem_shared>> -> memref<10000xf32, #tpu.memory_space<vmem_shared>>
        tpu.enqueue_indirect_dma source(%arg13 : memref<128xf32, #tpu.memory_space<vmem>>) target(%dma_start3A_1777 : memref<10000xf32, #tpu.memory_space<vmem_shared>>) offsets(%dma_start3A_1775 : memref<128xi32, #tpu.memory_space<vmem>>) semaphore(%arg21 : memref<!tpu.dma_semaphore, #tpu.memory_space<semaphore_mem>>) {add = true}
        %run_scoped3A = arith.constant 4 : i32
        "tpu.region"() ({
          %run_scoped3A_1778 = tpu.sem_alloc : memref<!tpu.dma_semaphore, #tpu.memory_space<semaphore_mem>>
          %dma_start3A_1779 = arith.constant 0 : i32
          %dma_start3A_1780 = tpu.memref_slice %arg10[%run_scoped3A, %dma_start3A_1779] : memref<16x128xi32, #tpu.memory_space<vmem>> -> memref<1x128xi32, #tpu.memory_space<vmem>>
          %dma_start3A_1781 = tpu.memref_squeeze %dma_start3A_1780 : memref<1x128xi32, #tpu.memory_space<vmem>> -> memref<128xi32, #tpu.memory_space<vmem>>
          %dma_start3A_1782 = arith.constant 0 : i32
          %dma_start3A_1783 = arith.constant 0 : i32
          %dma_start3A_1784 = tpu.memref_slice %arg15[%dma_start3A_1782, %dma_start3A_1783] : memref<10000x128xf32, #tpu.memory_space<vmem_shared>> -> memref<10000x128xf32, #tpu.memory_space<vmem_shared>>
          tpu.enqueue_indirect_dma source(%arg11 : memref<128x128xf32, #tpu.memory_space<vmem>>) target(%dma_start3A_1784 : memref<10000x128xf32, #tpu.memory_space<vmem_shared>>) offsets(%dma_start3A_1781 : memref<128xi32, #tpu.memory_space<vmem>>) semaphore(%run_scoped3A_1778 : memref<!tpu.dma_semaphore, #tpu.memory_space<semaphore_mem>>) {add = true}
          %dma_wait3A = arith.constant 0 : i32
          %dma_wait3A_1785 = tpu.memref_slice %arg10[%run_scoped3A, %dma_wait3A] : memref<16x128xi32, #tpu.memory_space<vmem>> -> memref<1x128xi32, #tpu.memory_space<vmem>>
          %dma_wait3A_1786 = tpu.memref_squeeze %dma_wait3A_1785 : memref<1x128xi32, #tpu.memory_space<vmem>> -> memref<128xi32, #tpu.memory_space<vmem>>
          %dma_wait3A_1787 = arith.constant 0 : i32
          %dma_wait3A_1788 = arith.constant 0 : i32
          %dma_wait3A_1789 = tpu.memref_slice %arg15[%dma_wait3A_1787, %dma_wait3A_1788] : memref<10000x128xf32, #tpu.memory_space<vmem_shared>> -> memref<10000x128xf32, #tpu.memory_space<vmem_shared>>
          tpu.wait_indirect_dma semaphore(%run_scoped3A_1778 : memref<!tpu.dma_semaphore, #tpu.memory_space<semaphore_mem>>) src(%arg11 : memref<128x128xf32, #tpu.memory_space<vmem>>) dst(%dma_wait3A_1789 : memref<10000x128xf32, #tpu.memory_space<vmem_shared>>)
          tpu.yield
        }) : () -> ()
      } else {
      }
      %mul3A_1457 = arith.constant 16 : i32
      %mul3A_1458 = arith.muli %add3A_477, %mul3A_1457 : i32
      %add3A_1459 = arith.constant 6 : i32
      %add3A_1460 = arith.addi %mul3A_1458, %add3A_1459 : i32
      %lt3A_1461 = arith.constant 2500 : i32
      %lt3A_1462 = arith.cmpi slt, %add3A_1460, %lt3A_1461 : i32
      %convert_element_type3A_1463 = arith.extui %lt3A_1462 : i1 to i32
      %cond3A_1464 = arith.constant 0 : i32
      %cond3A_1465 = arith.cmpi ne, %convert_element_type3A_1463, %cond3A_1464 : i32
      scf.if %cond3A_1465 {
        %dma_start3A = arith.constant 6 : i32
        %dma_start3A_1773 = arith.constant 0 : i32
        %dma_start3A_1774 = tpu.memref_slice %arg8[%dma_start3A, %dma_start3A_1773] : memref<16x128xi32, #tpu.memory_space<vmem>> -> memref<1x128xi32, #tpu.memory_space<vmem>>
        %dma_start3A_1775 = tpu.memref_squeeze %dma_start3A_1774 : memref<1x128xi32, #tpu.memory_space<vmem>> -> memref<128xi32, #tpu.memory_space<vmem>>
        %dma_start3A_1776 = arith.constant 0 : i32
        %dma_start3A_1777 = arith.constant 0 : i32
        %dma_start3A_1778 = tpu.memref_slice %arg2[%dma_start3A_1776, %dma_start3A_1777] : memref<10000x128xf32, #tpu.memory_space<hbm>> -> memref<10000x128xf32, #tpu.memory_space<hbm>>
        tpu.enqueue_indirect_dma source(%dma_start3A_1778 : memref<10000x128xf32, #tpu.memory_space<hbm>>) target(%arg11 : memref<128x128xf32, #tpu.memory_space<vmem>>) offsets(%dma_start3A_1775 : memref<128xi32, #tpu.memory_space<vmem>>) semaphore(%arg19 : memref<!tpu.dma_semaphore, #tpu.memory_space<semaphore_mem>>)
      } else {
      }
      %mul3A_1466 = arith.constant 16 : i32
      %mul3A_1467 = arith.muli %add3A_477, %mul3A_1466 : i32
      %add3A_1468 = arith.constant 5 : i32
      %add3A_1469 = arith.addi %mul3A_1467, %add3A_1468 : i32
      %lt3A_1470 = arith.constant 2500 : i32
      %lt3A_1471 = arith.cmpi slt, %add3A_1469, %lt3A_1470 : i32
      %convert_element_type3A_1472 = arith.extui %lt3A_1471 : i1 to i32
      %cond3A_1473 = arith.constant 0 : i32
      %cond3A_1474 = arith.cmpi ne, %convert_element_type3A_1472, %cond3A_1473 : i32
      scf.if %cond3A_1474 {
        %dma_wait3A = arith.constant 0 : i32
        %dma_wait3A_1773 = arith.constant 0 : i32
        %dma_wait3A_1774 = tpu.memref_slice %arg2[%dma_wait3A, %dma_wait3A_1773] : memref<10000x128xf32, #tpu.memory_space<hbm>> -> memref<128x128xf32, #tpu.memory_space<hbm>>
        %dma_wait3A_1775 = arith.constant 0 : i32
        %dma_wait3A_1776 = arith.constant 0 : i32
        %dma_wait3A_1777 = tpu.memref_slice %arg2[%dma_wait3A_1775, %dma_wait3A_1776] : memref<10000x128xf32, #tpu.memory_space<hbm>> -> memref<128x128xf32, #tpu.memory_space<hbm>>
        tpu.wait_dma2 semaphore(%arg20 : memref<!tpu.dma_semaphore, #tpu.memory_space<semaphore_mem>>) src(%dma_wait3A_1777 : memref<128x128xf32, #tpu.memory_space<hbm>>) dst(%arg12 : memref<128x128xf32, #tpu.memory_space<vmem>>)
      } else {
      }
      %mul3A_1475 = arith.constant 16 : i32
      %mul3A_1476 = arith.muli %add3A_477, %mul3A_1475 : i32
      %add3A_1477 = arith.constant 5 : i32
      %add3A_1478 = arith.addi %mul3A_1476, %add3A_1477 : i32
      %lt3A_1479 = arith.constant 2500 : i32
      %lt3A_1480 = arith.cmpi slt, %add3A_1478, %lt3A_1479 : i32
      %convert_element_type3A_1481 = arith.extui %lt3A_1480 : i1 to i32
      %cond3A_1482 = arith.constant 0 : i32
      %cond3A_1483 = arith.cmpi ne, %convert_element_type3A_1481, %cond3A_1482 : i32
      scf.if %cond3A_1483 {
        %dma_start3A = arith.constant 5 : i32
        %dma_start3A_1773 = arith.constant 0 : i32
        %dma_start3A_1774 = tpu.memref_slice %arg10[%dma_start3A, %dma_start3A_1773] : memref<16x128xi32, #tpu.memory_space<vmem>> -> memref<1x128xi32, #tpu.memory_space<vmem>>
        %dma_start3A_1775 = tpu.memref_squeeze %dma_start3A_1774 : memref<1x128xi32, #tpu.memory_space<vmem>> -> memref<128xi32, #tpu.memory_space<vmem>>
        %dma_start3A_1776 = arith.constant 0 : i32
        %dma_start3A_1777 = tpu.memref_slice %arg16[%dma_start3A_1776] : memref<10000xf32, #tpu.memory_space<vmem_shared>> -> memref<10000xf32, #tpu.memory_space<vmem_shared>>
        tpu.enqueue_indirect_dma source(%arg13 : memref<128xf32, #tpu.memory_space<vmem>>) target(%dma_start3A_1777 : memref<10000xf32, #tpu.memory_space<vmem_shared>>) offsets(%dma_start3A_1775 : memref<128xi32, #tpu.memory_space<vmem>>) semaphore(%arg21 : memref<!tpu.dma_semaphore, #tpu.memory_space<semaphore_mem>>) {add = true}
        %run_scoped3A = arith.constant 5 : i32
        "tpu.region"() ({
          %run_scoped3A_1778 = tpu.sem_alloc : memref<!tpu.dma_semaphore, #tpu.memory_space<semaphore_mem>>
          %dma_start3A_1779 = arith.constant 0 : i32
          %dma_start3A_1780 = tpu.memref_slice %arg10[%run_scoped3A, %dma_start3A_1779] : memref<16x128xi32, #tpu.memory_space<vmem>> -> memref<1x128xi32, #tpu.memory_space<vmem>>
          %dma_start3A_1781 = tpu.memref_squeeze %dma_start3A_1780 : memref<1x128xi32, #tpu.memory_space<vmem>> -> memref<128xi32, #tpu.memory_space<vmem>>
          %dma_start3A_1782 = arith.constant 0 : i32
          %dma_start3A_1783 = arith.constant 0 : i32
          %dma_start3A_1784 = tpu.memref_slice %arg15[%dma_start3A_1782, %dma_start3A_1783] : memref<10000x128xf32, #tpu.memory_space<vmem_shared>> -> memref<10000x128xf32, #tpu.memory_space<vmem_shared>>
          tpu.enqueue_indirect_dma source(%arg12 : memref<128x128xf32, #tpu.memory_space<vmem>>) target(%dma_start3A_1784 : memref<10000x128xf32, #tpu.memory_space<vmem_shared>>) offsets(%dma_start3A_1781 : memref<128xi32, #tpu.memory_space<vmem>>) semaphore(%run_scoped3A_1778 : memref<!tpu.dma_semaphore, #tpu.memory_space<semaphore_mem>>) {add = true}
          %dma_wait3A = arith.constant 0 : i32
          %dma_wait3A_1785 = tpu.memref_slice %arg10[%run_scoped3A, %dma_wait3A] : memref<16x128xi32, #tpu.memory_space<vmem>> -> memref<1x128xi32, #tpu.memory_space<vmem>>
          %dma_wait3A_1786 = tpu.memref_squeeze %dma_wait3A_1785 : memref<1x128xi32, #tpu.memory_space<vmem>> -> memref<128xi32, #tpu.memory_space<vmem>>
          %dma_wait3A_1787 = arith.constant 0 : i32
          %dma_wait3A_1788 = arith.constant 0 : i32
          %dma_wait3A_1789 = tpu.memref_slice %arg15[%dma_wait3A_1787, %dma_wait3A_1788] : memref<10000x128xf32, #tpu.memory_space<vmem_shared>> -> memref<10000x128xf32, #tpu.memory_space<vmem_shared>>
          tpu.wait_indirect_dma semaphore(%run_scoped3A_1778 : memref<!tpu.dma_semaphore, #tpu.memory_space<semaphore_mem>>) src(%arg12 : memref<128x128xf32, #tpu.memory_space<vmem>>) dst(%dma_wait3A_1789 : memref<10000x128xf32, #tpu.memory_space<vmem_shared>>)
          tpu.yield
        }) : () -> ()
      } else {
      }
      %lt3A_1484 = arith.constant 156 : i32
      %lt3A_1485 = arith.cmpi slt, %add3A_1128, %lt3A_1484 : i32
      %convert_element_type3A_1486 = arith.extui %lt3A_1485 : i1 to i32
      %cond3A_1487 = arith.constant 0 : i32
      %cond3A_1488 = arith.cmpi ne, %convert_element_type3A_1486, %cond3A_1487 : i32
      scf.if %cond3A_1488 {
        %dma_wait3A = arith.constant 0 : i32
        %dma_wait3A_1773 = arith.constant 0 : i32
        %dma_wait3A_1774 = tpu.memref_slice %arg3[%dma_wait3A, %dma_wait3A_1773] : memref<2500x128xi32, #tpu.memory_space<hbm>> -> memref<16x128xi32, #tpu.memory_space<hbm>>
        %dma_wait3A_1775 = arith.constant 0 : i32
        %dma_wait3A_1776 = arith.constant 0 : i32
        %dma_wait3A_1777 = tpu.memref_slice %arg3[%dma_wait3A_1775, %dma_wait3A_1776] : memref<2500x128xi32, #tpu.memory_space<hbm>> -> memref<16x128xi32, #tpu.memory_space<hbm>>
        tpu.wait_dma2 semaphore(%arg17 : memref<!tpu.dma_semaphore, #tpu.memory_space<semaphore_mem>>) src(%dma_wait3A_1777 : memref<16x128xi32, #tpu.memory_space<hbm>>) dst(%arg7 : memref<16x128xi32, #tpu.memory_space<vmem>>)
        %dma_wait3A_1778 = arith.constant 0 : i32
        %dma_wait3A_1779 = arith.constant 0 : i32
        %dma_wait3A_1780 = tpu.memref_slice %arg3[%dma_wait3A_1778, %dma_wait3A_1779] : memref<2500x128xi32, #tpu.memory_space<hbm>> -> memref<16x128xi32, #tpu.memory_space<hbm>>
        %dma_wait3A_1781 = arith.constant 0 : i32
        %dma_wait3A_1782 = arith.constant 0 : i32
        %dma_wait3A_1783 = tpu.memref_slice %arg3[%dma_wait3A_1781, %dma_wait3A_1782] : memref<2500x128xi32, #tpu.memory_space<hbm>> -> memref<16x128xi32, #tpu.memory_space<hbm>>
        tpu.wait_dma2 semaphore(%arg17 : memref<!tpu.dma_semaphore, #tpu.memory_space<semaphore_mem>>) src(%dma_wait3A_1783 : memref<16x128xi32, #tpu.memory_space<hbm>>) dst(%arg9 : memref<16x128xi32, #tpu.memory_space<vmem>>)
      } else {
      }
      %eq3A_1489 = arith.constant 156 : i32
      %eq3A_1490 = arith.cmpi eq, %add3A_1128, %eq3A_1489 : i32
      %convert_element_type3A_1491 = arith.extui %eq3A_1490 : i1 to i32
      %cond3A_1492 = arith.constant 0 : i32
      %cond3A_1493 = arith.cmpi ne, %convert_element_type3A_1491, %cond3A_1492 : i32
      scf.if %cond3A_1493 {
        %dma_wait3A = arith.constant 0 : i32
        %dma_wait3A_1773 = arith.constant 0 : i32
        %dma_wait3A_1774 = tpu.memref_slice %arg7[%dma_wait3A, %dma_wait3A_1773] : memref<16x128xi32, #tpu.memory_space<vmem>> -> memref<4x128xi32, #tpu.memory_space<vmem>>
        %dma_wait3A_1775 = arith.constant 0 : i32
        %dma_wait3A_1776 = arith.constant 0 : i32
        %dma_wait3A_1777 = tpu.memref_slice %arg3[%dma_wait3A_1775, %dma_wait3A_1776] : memref<2500x128xi32, #tpu.memory_space<hbm>> -> memref<4x128xi32, #tpu.memory_space<hbm>>
        %dma_wait3A_1778 = arith.constant 0 : i32
        %dma_wait3A_1779 = arith.constant 0 : i32
        %dma_wait3A_1780 = tpu.memref_slice %arg7[%dma_wait3A_1778, %dma_wait3A_1779] : memref<16x128xi32, #tpu.memory_space<vmem>> -> memref<4x128xi32, #tpu.memory_space<vmem>>
        %dma_wait3A_1781 = arith.constant 0 : i32
        %dma_wait3A_1782 = arith.constant 0 : i32
        %dma_wait3A_1783 = tpu.memref_slice %arg3[%dma_wait3A_1781, %dma_wait3A_1782] : memref<2500x128xi32, #tpu.memory_space<hbm>> -> memref<4x128xi32, #tpu.memory_space<hbm>>
        tpu.wait_dma2 semaphore(%arg17 : memref<!tpu.dma_semaphore, #tpu.memory_space<semaphore_mem>>) src(%dma_wait3A_1783 : memref<4x128xi32, #tpu.memory_space<hbm>>) dst(%dma_wait3A_1780 : memref<4x128xi32, #tpu.memory_space<vmem>>)
        %dma_wait3A_1784 = arith.constant 0 : i32
        %dma_wait3A_1785 = arith.constant 0 : i32
        %dma_wait3A_1786 = tpu.memref_slice %arg9[%dma_wait3A_1784, %dma_wait3A_1785] : memref<16x128xi32, #tpu.memory_space<vmem>> -> memref<4x128xi32, #tpu.memory_space<vmem>>
        %dma_wait3A_1787 = arith.constant 0 : i32
        %dma_wait3A_1788 = arith.constant 0 : i32
        %dma_wait3A_1789 = tpu.memref_slice %arg3[%dma_wait3A_1787, %dma_wait3A_1788] : memref<2500x128xi32, #tpu.memory_space<hbm>> -> memref<4x128xi32, #tpu.memory_space<hbm>>
        %dma_wait3A_1790 = arith.constant 0 : i32
        %dma_wait3A_1791 = arith.constant 0 : i32
        %dma_wait3A_1792 = tpu.memref_slice %arg9[%dma_wait3A_1790, %dma_wait3A_1791] : memref<16x128xi32, #tpu.memory_space<vmem>> -> memref<4x128xi32, #tpu.memory_space<vmem>>
        %dma_wait3A_1793 = arith.constant 0 : i32
        %dma_wait3A_1794 = arith.constant 0 : i32
        %dma_wait3A_1795 = tpu.memref_slice %arg3[%dma_wait3A_1793, %dma_wait3A_1794] : memref<2500x128xi32, #tpu.memory_space<hbm>> -> memref<4x128xi32, #tpu.memory_space<hbm>>
        tpu.wait_dma2 semaphore(%arg17 : memref<!tpu.dma_semaphore, #tpu.memory_space<semaphore_mem>>) src(%dma_wait3A_1795 : memref<4x128xi32, #tpu.memory_space<hbm>>) dst(%dma_wait3A_1792 : memref<4x128xi32, #tpu.memory_space<vmem>>)
      } else {
      }
      %mul3A_1494 = arith.constant 16 : i32
      %mul3A_1495 = arith.muli %add3A_477, %mul3A_1494 : i32
      %add3A_1496 = arith.constant 7 : i32
      %add3A_1497 = arith.addi %mul3A_1495, %add3A_1496 : i32
      %lt3A_1498 = arith.constant 2500 : i32
      %lt3A_1499 = arith.cmpi slt, %add3A_1497, %lt3A_1498 : i32
      %convert_element_type3A_1500 = arith.extui %lt3A_1499 : i1 to i32
      %cond3A_1501 = arith.constant 0 : i32
      %cond3A_1502 = arith.cmpi ne, %convert_element_type3A_1500, %cond3A_1501 : i32
      scf.if %cond3A_1502 {
        %dma_start3A = arith.constant 7 : i32
        %dma_start3A_1773 = arith.constant 0 : i32
        %dma_start3A_1774 = tpu.memref_slice %arg8[%dma_start3A, %dma_start3A_1773] : memref<16x128xi32, #tpu.memory_space<vmem>> -> memref<1x128xi32, #tpu.memory_space<vmem>>
        %dma_start3A_1775 = tpu.memref_squeeze %dma_start3A_1774 : memref<1x128xi32, #tpu.memory_space<vmem>> -> memref<128xi32, #tpu.memory_space<vmem>>
        %dma_start3A_1776 = arith.constant 0 : i32
        %dma_start3A_1777 = arith.constant 0 : i32
        %dma_start3A_1778 = tpu.memref_slice %arg2[%dma_start3A_1776, %dma_start3A_1777] : memref<10000x128xf32, #tpu.memory_space<hbm>> -> memref<10000x128xf32, #tpu.memory_space<hbm>>
        tpu.enqueue_indirect_dma source(%dma_start3A_1778 : memref<10000x128xf32, #tpu.memory_space<hbm>>) target(%arg12 : memref<128x128xf32, #tpu.memory_space<vmem>>) offsets(%dma_start3A_1775 : memref<128xi32, #tpu.memory_space<vmem>>) semaphore(%arg20 : memref<!tpu.dma_semaphore, #tpu.memory_space<semaphore_mem>>)
      } else {
      }
      %mul3A_1503 = arith.constant 16 : i32
      %mul3A_1504 = arith.muli %add3A_477, %mul3A_1503 : i32
      %add3A_1505 = arith.constant 6 : i32
      %add3A_1506 = arith.addi %mul3A_1504, %add3A_1505 : i32
      %lt3A_1507 = arith.constant 2500 : i32
      %lt3A_1508 = arith.cmpi slt, %add3A_1506, %lt3A_1507 : i32
      %convert_element_type3A_1509 = arith.extui %lt3A_1508 : i1 to i32
      %cond3A_1510 = arith.constant 0 : i32
      %cond3A_1511 = arith.cmpi ne, %convert_element_type3A_1509, %cond3A_1510 : i32
      scf.if %cond3A_1511 {
        %dma_wait3A = arith.constant 0 : i32
        %dma_wait3A_1773 = arith.constant 0 : i32
        %dma_wait3A_1774 = tpu.memref_slice %arg2[%dma_wait3A, %dma_wait3A_1773] : memref<10000x128xf32, #tpu.memory_space<hbm>> -> memref<128x128xf32, #tpu.memory_space<hbm>>
        %dma_wait3A_1775 = arith.constant 0 : i32
        %dma_wait3A_1776 = arith.constant 0 : i32
        %dma_wait3A_1777 = tpu.memref_slice %arg2[%dma_wait3A_1775, %dma_wait3A_1776] : memref<10000x128xf32, #tpu.memory_space<hbm>> -> memref<128x128xf32, #tpu.memory_space<hbm>>
        tpu.wait_dma2 semaphore(%arg19 : memref<!tpu.dma_semaphore, #tpu.memory_space<semaphore_mem>>) src(%dma_wait3A_1777 : memref<128x128xf32, #tpu.memory_space<hbm>>) dst(%arg11 : memref<128x128xf32, #tpu.memory_space<vmem>>)
      } else {
      }
      %mul3A_1512 = arith.constant 16 : i32
      %mul3A_1513 = arith.muli %add3A_477, %mul3A_1512 : i32
      %add3A_1514 = arith.constant 6 : i32
      %add3A_1515 = arith.addi %mul3A_1513, %add3A_1514 : i32
      %lt3A_1516 = arith.constant 2500 : i32
      %lt3A_1517 = arith.cmpi slt, %add3A_1515, %lt3A_1516 : i32
      %convert_element_type3A_1518 = arith.extui %lt3A_1517 : i1 to i32
      %cond3A_1519 = arith.constant 0 : i32
      %cond3A_1520 = arith.cmpi ne, %convert_element_type3A_1518, %cond3A_1519 : i32
      scf.if %cond3A_1520 {
        %dma_start3A = arith.constant 6 : i32
        %dma_start3A_1773 = arith.constant 0 : i32
        %dma_start3A_1774 = tpu.memref_slice %arg10[%dma_start3A, %dma_start3A_1773] : memref<16x128xi32, #tpu.memory_space<vmem>> -> memref<1x128xi32, #tpu.memory_space<vmem>>
        %dma_start3A_1775 = tpu.memref_squeeze %dma_start3A_1774 : memref<1x128xi32, #tpu.memory_space<vmem>> -> memref<128xi32, #tpu.memory_space<vmem>>
        %dma_start3A_1776 = arith.constant 0 : i32
        %dma_start3A_1777 = tpu.memref_slice %arg16[%dma_start3A_1776] : memref<10000xf32, #tpu.memory_space<vmem_shared>> -> memref<10000xf32, #tpu.memory_space<vmem_shared>>
        tpu.enqueue_indirect_dma source(%arg13 : memref<128xf32, #tpu.memory_space<vmem>>) target(%dma_start3A_1777 : memref<10000xf32, #tpu.memory_space<vmem_shared>>) offsets(%dma_start3A_1775 : memref<128xi32, #tpu.memory_space<vmem>>) semaphore(%arg21 : memref<!tpu.dma_semaphore, #tpu.memory_space<semaphore_mem>>) {add = true}
        %run_scoped3A = arith.constant 6 : i32
        "tpu.region"() ({
          %run_scoped3A_1778 = tpu.sem_alloc : memref<!tpu.dma_semaphore, #tpu.memory_space<semaphore_mem>>
          %dma_start3A_1779 = arith.constant 0 : i32
          %dma_start3A_1780 = tpu.memref_slice %arg10[%run_scoped3A, %dma_start3A_1779] : memref<16x128xi32, #tpu.memory_space<vmem>> -> memref<1x128xi32, #tpu.memory_space<vmem>>
          %dma_start3A_1781 = tpu.memref_squeeze %dma_start3A_1780 : memref<1x128xi32, #tpu.memory_space<vmem>> -> memref<128xi32, #tpu.memory_space<vmem>>
          %dma_start3A_1782 = arith.constant 0 : i32
          %dma_start3A_1783 = arith.constant 0 : i32
          %dma_start3A_1784 = tpu.memref_slice %arg15[%dma_start3A_1782, %dma_start3A_1783] : memref<10000x128xf32, #tpu.memory_space<vmem_shared>> -> memref<10000x128xf32, #tpu.memory_space<vmem_shared>>
          tpu.enqueue_indirect_dma source(%arg11 : memref<128x128xf32, #tpu.memory_space<vmem>>) target(%dma_start3A_1784 : memref<10000x128xf32, #tpu.memory_space<vmem_shared>>) offsets(%dma_start3A_1781 : memref<128xi32, #tpu.memory_space<vmem>>) semaphore(%run_scoped3A_1778 : memref<!tpu.dma_semaphore, #tpu.memory_space<semaphore_mem>>) {add = true}
          %dma_wait3A = arith.constant 0 : i32
          %dma_wait3A_1785 = tpu.memref_slice %arg10[%run_scoped3A, %dma_wait3A] : memref<16x128xi32, #tpu.memory_space<vmem>> -> memref<1x128xi32, #tpu.memory_space<vmem>>
          %dma_wait3A_1786 = tpu.memref_squeeze %dma_wait3A_1785 : memref<1x128xi32, #tpu.memory_space<vmem>> -> memref<128xi32, #tpu.memory_space<vmem>>
          %dma_wait3A_1787 = arith.constant 0 : i32
          %dma_wait3A_1788 = arith.constant 0 : i32
          %dma_wait3A_1789 = tpu.memref_slice %arg15[%dma_wait3A_1787, %dma_wait3A_1788] : memref<10000x128xf32, #tpu.memory_space<vmem_shared>> -> memref<10000x128xf32, #tpu.memory_space<vmem_shared>>
          tpu.wait_indirect_dma semaphore(%run_scoped3A_1778 : memref<!tpu.dma_semaphore, #tpu.memory_space<semaphore_mem>>) src(%arg11 : memref<128x128xf32, #tpu.memory_space<vmem>>) dst(%dma_wait3A_1789 : memref<10000x128xf32, #tpu.memory_space<vmem_shared>>)
          tpu.yield
        }) : () -> ()
      } else {
      }
      %mul3A_1521 = arith.constant 16 : i32
      %mul3A_1522 = arith.muli %add3A_477, %mul3A_1521 : i32
      %add3A_1523 = arith.constant 8 : i32
      %add3A_1524 = arith.addi %mul3A_1522, %add3A_1523 : i32
      %lt3A_1525 = arith.constant 2500 : i32
      %lt3A_1526 = arith.cmpi slt, %add3A_1524, %lt3A_1525 : i32
      %convert_element_type3A_1527 = arith.extui %lt3A_1526 : i1 to i32
      %cond3A_1528 = arith.constant 0 : i32
      %cond3A_1529 = arith.cmpi ne, %convert_element_type3A_1527, %cond3A_1528 : i32
      scf.if %cond3A_1529 {
        %dma_start3A = arith.constant 8 : i32
        %dma_start3A_1773 = arith.constant 0 : i32
        %dma_start3A_1774 = tpu.memref_slice %arg8[%dma_start3A, %dma_start3A_1773] : memref<16x128xi32, #tpu.memory_space<vmem>> -> memref<1x128xi32, #tpu.memory_space<vmem>>
        %dma_start3A_1775 = tpu.memref_squeeze %dma_start3A_1774 : memref<1x128xi32, #tpu.memory_space<vmem>> -> memref<128xi32, #tpu.memory_space<vmem>>
        %dma_start3A_1776 = arith.constant 0 : i32
        %dma_start3A_1777 = arith.constant 0 : i32
        %dma_start3A_1778 = tpu.memref_slice %arg2[%dma_start3A_1776, %dma_start3A_1777] : memref<10000x128xf32, #tpu.memory_space<hbm>> -> memref<10000x128xf32, #tpu.memory_space<hbm>>
        tpu.enqueue_indirect_dma source(%dma_start3A_1778 : memref<10000x128xf32, #tpu.memory_space<hbm>>) target(%arg11 : memref<128x128xf32, #tpu.memory_space<vmem>>) offsets(%dma_start3A_1775 : memref<128xi32, #tpu.memory_space<vmem>>) semaphore(%arg19 : memref<!tpu.dma_semaphore, #tpu.memory_space<semaphore_mem>>)
      } else {
      }
      %mul3A_1530 = arith.constant 16 : i32
      %mul3A_1531 = arith.muli %add3A_477, %mul3A_1530 : i32
      %add3A_1532 = arith.constant 7 : i32
      %add3A_1533 = arith.addi %mul3A_1531, %add3A_1532 : i32
      %lt3A_1534 = arith.constant 2500 : i32
      %lt3A_1535 = arith.cmpi slt, %add3A_1533, %lt3A_1534 : i32
      %convert_element_type3A_1536 = arith.extui %lt3A_1535 : i1 to i32
      %cond3A_1537 = arith.constant 0 : i32
      %cond3A_1538 = arith.cmpi ne, %convert_element_type3A_1536, %cond3A_1537 : i32
      scf.if %cond3A_1538 {
        %dma_wait3A = arith.constant 0 : i32
        %dma_wait3A_1773 = arith.constant 0 : i32
        %dma_wait3A_1774 = tpu.memref_slice %arg2[%dma_wait3A, %dma_wait3A_1773] : memref<10000x128xf32, #tpu.memory_space<hbm>> -> memref<128x128xf32, #tpu.memory_space<hbm>>
        %dma_wait3A_1775 = arith.constant 0 : i32
        %dma_wait3A_1776 = arith.constant 0 : i32
        %dma_wait3A_1777 = tpu.memref_slice %arg2[%dma_wait3A_1775, %dma_wait3A_1776] : memref<10000x128xf32, #tpu.memory_space<hbm>> -> memref<128x128xf32, #tpu.memory_space<hbm>>
        tpu.wait_dma2 semaphore(%arg20 : memref<!tpu.dma_semaphore, #tpu.memory_space<semaphore_mem>>) src(%dma_wait3A_1777 : memref<128x128xf32, #tpu.memory_space<hbm>>) dst(%arg12 : memref<128x128xf32, #tpu.memory_space<vmem>>)
      } else {
      }
      %mul3A_1539 = arith.constant 16 : i32
      %mul3A_1540 = arith.muli %add3A_477, %mul3A_1539 : i32
      %add3A_1541 = arith.constant 7 : i32
      %add3A_1542 = arith.addi %mul3A_1540, %add3A_1541 : i32
      %lt3A_1543 = arith.constant 2500 : i32
      %lt3A_1544 = arith.cmpi slt, %add3A_1542, %lt3A_1543 : i32
      %convert_element_type3A_1545 = arith.extui %lt3A_1544 : i1 to i32
      %cond3A_1546 = arith.constant 0 : i32
      %cond3A_1547 = arith.cmpi ne, %convert_element_type3A_1545, %cond3A_1546 : i32
      scf.if %cond3A_1547 {
        %dma_start3A = arith.constant 7 : i32
        %dma_start3A_1773 = arith.constant 0 : i32
        %dma_start3A_1774 = tpu.memref_slice %arg10[%dma_start3A, %dma_start3A_1773] : memref<16x128xi32, #tpu.memory_space<vmem>> -> memref<1x128xi32, #tpu.memory_space<vmem>>
        %dma_start3A_1775 = tpu.memref_squeeze %dma_start3A_1774 : memref<1x128xi32, #tpu.memory_space<vmem>> -> memref<128xi32, #tpu.memory_space<vmem>>
        %dma_start3A_1776 = arith.constant 0 : i32
        %dma_start3A_1777 = tpu.memref_slice %arg16[%dma_start3A_1776] : memref<10000xf32, #tpu.memory_space<vmem_shared>> -> memref<10000xf32, #tpu.memory_space<vmem_shared>>
        tpu.enqueue_indirect_dma source(%arg13 : memref<128xf32, #tpu.memory_space<vmem>>) target(%dma_start3A_1777 : memref<10000xf32, #tpu.memory_space<vmem_shared>>) offsets(%dma_start3A_1775 : memref<128xi32, #tpu.memory_space<vmem>>) semaphore(%arg21 : memref<!tpu.dma_semaphore, #tpu.memory_space<semaphore_mem>>) {add = true}
        %run_scoped3A = arith.constant 7 : i32
        "tpu.region"() ({
          %run_scoped3A_1778 = tpu.sem_alloc : memref<!tpu.dma_semaphore, #tpu.memory_space<semaphore_mem>>
          %dma_start3A_1779 = arith.constant 0 : i32
          %dma_start3A_1780 = tpu.memref_slice %arg10[%run_scoped3A, %dma_start3A_1779] : memref<16x128xi32, #tpu.memory_space<vmem>> -> memref<1x128xi32, #tpu.memory_space<vmem>>
          %dma_start3A_1781 = tpu.memref_squeeze %dma_start3A_1780 : memref<1x128xi32, #tpu.memory_space<vmem>> -> memref<128xi32, #tpu.memory_space<vmem>>
          %dma_start3A_1782 = arith.constant 0 : i32
          %dma_start3A_1783 = arith.constant 0 : i32
          %dma_start3A_1784 = tpu.memref_slice %arg15[%dma_start3A_1782, %dma_start3A_1783] : memref<10000x128xf32, #tpu.memory_space<vmem_shared>> -> memref<10000x128xf32, #tpu.memory_space<vmem_shared>>
          tpu.enqueue_indirect_dma source(%arg12 : memref<128x128xf32, #tpu.memory_space<vmem>>) target(%dma_start3A_1784 : memref<10000x128xf32, #tpu.memory_space<vmem_shared>>) offsets(%dma_start3A_1781 : memref<128xi32, #tpu.memory_space<vmem>>) semaphore(%run_scoped3A_1778 : memref<!tpu.dma_semaphore, #tpu.memory_space<semaphore_mem>>) {add = true}
          %dma_wait3A = arith.constant 0 : i32
          %dma_wait3A_1785 = tpu.memref_slice %arg10[%run_scoped3A, %dma_wait3A] : memref<16x128xi32, #tpu.memory_space<vmem>> -> memref<1x128xi32, #tpu.memory_space<vmem>>
          %dma_wait3A_1786 = tpu.memref_squeeze %dma_wait3A_1785 : memref<1x128xi32, #tpu.memory_space<vmem>> -> memref<128xi32, #tpu.memory_space<vmem>>
          %dma_wait3A_1787 = arith.constant 0 : i32
          %dma_wait3A_1788 = arith.constant 0 : i32
          %dma_wait3A_1789 = tpu.memref_slice %arg15[%dma_wait3A_1787, %dma_wait3A_1788] : memref<10000x128xf32, #tpu.memory_space<vmem_shared>> -> memref<10000x128xf32, #tpu.memory_space<vmem_shared>>
          tpu.wait_indirect_dma semaphore(%run_scoped3A_1778 : memref<!tpu.dma_semaphore, #tpu.memory_space<semaphore_mem>>) src(%arg12 : memref<128x128xf32, #tpu.memory_space<vmem>>) dst(%dma_wait3A_1789 : memref<10000x128xf32, #tpu.memory_space<vmem_shared>>)
          tpu.yield
        }) : () -> ()
      } else {
      }
      %mul3A_1548 = arith.constant 16 : i32
      %mul3A_1549 = arith.muli %add3A_477, %mul3A_1548 : i32
      %add3A_1550 = arith.constant 9 : i32
      %add3A_1551 = arith.addi %mul3A_1549, %add3A_1550 : i32
      %lt3A_1552 = arith.constant 2500 : i32
      %lt3A_1553 = arith.cmpi slt, %add3A_1551, %lt3A_1552 : i32
      %convert_element_type3A_1554 = arith.extui %lt3A_1553 : i1 to i32
      %cond3A_1555 = arith.constant 0 : i32
      %cond3A_1556 = arith.cmpi ne, %convert_element_type3A_1554, %cond3A_1555 : i32
      scf.if %cond3A_1556 {
        %dma_start3A = arith.constant 9 : i32
        %dma_start3A_1773 = arith.constant 0 : i32
        %dma_start3A_1774 = tpu.memref_slice %arg8[%dma_start3A, %dma_start3A_1773] : memref<16x128xi32, #tpu.memory_space<vmem>> -> memref<1x128xi32, #tpu.memory_space<vmem>>
        %dma_start3A_1775 = tpu.memref_squeeze %dma_start3A_1774 : memref<1x128xi32, #tpu.memory_space<vmem>> -> memref<128xi32, #tpu.memory_space<vmem>>
        %dma_start3A_1776 = arith.constant 0 : i32
        %dma_start3A_1777 = arith.constant 0 : i32
        %dma_start3A_1778 = tpu.memref_slice %arg2[%dma_start3A_1776, %dma_start3A_1777] : memref<10000x128xf32, #tpu.memory_space<hbm>> -> memref<10000x128xf32, #tpu.memory_space<hbm>>
        tpu.enqueue_indirect_dma source(%dma_start3A_1778 : memref<10000x128xf32, #tpu.memory_space<hbm>>) target(%arg12 : memref<128x128xf32, #tpu.memory_space<vmem>>) offsets(%dma_start3A_1775 : memref<128xi32, #tpu.memory_space<vmem>>) semaphore(%arg20 : memref<!tpu.dma_semaphore, #tpu.memory_space<semaphore_mem>>)
      } else {
      }
      %mul3A_1557 = arith.constant 16 : i32
      %mul3A_1558 = arith.muli %add3A_477, %mul3A_1557 : i32
      %add3A_1559 = arith.constant 8 : i32
      %add3A_1560 = arith.addi %mul3A_1558, %add3A_1559 : i32
      %lt3A_1561 = arith.constant 2500 : i32
      %lt3A_1562 = arith.cmpi slt, %add3A_1560, %lt3A_1561 : i32
      %convert_element_type3A_1563 = arith.extui %lt3A_1562 : i1 to i32
      %cond3A_1564 = arith.constant 0 : i32
      %cond3A_1565 = arith.cmpi ne, %convert_element_type3A_1563, %cond3A_1564 : i32
      scf.if %cond3A_1565 {
        %dma_wait3A = arith.constant 0 : i32
        %dma_wait3A_1773 = arith.constant 0 : i32
        %dma_wait3A_1774 = tpu.memref_slice %arg2[%dma_wait3A, %dma_wait3A_1773] : memref<10000x128xf32, #tpu.memory_space<hbm>> -> memref<128x128xf32, #tpu.memory_space<hbm>>
        %dma_wait3A_1775 = arith.constant 0 : i32
        %dma_wait3A_1776 = arith.constant 0 : i32
        %dma_wait3A_1777 = tpu.memref_slice %arg2[%dma_wait3A_1775, %dma_wait3A_1776] : memref<10000x128xf32, #tpu.memory_space<hbm>> -> memref<128x128xf32, #tpu.memory_space<hbm>>
        tpu.wait_dma2 semaphore(%arg19 : memref<!tpu.dma_semaphore, #tpu.memory_space<semaphore_mem>>) src(%dma_wait3A_1777 : memref<128x128xf32, #tpu.memory_space<hbm>>) dst(%arg11 : memref<128x128xf32, #tpu.memory_space<vmem>>)
      } else {
      }
      %mul3A_1566 = arith.constant 16 : i32
      %mul3A_1567 = arith.muli %add3A_477, %mul3A_1566 : i32
      %add3A_1568 = arith.constant 8 : i32
      %add3A_1569 = arith.addi %mul3A_1567, %add3A_1568 : i32
      %lt3A_1570 = arith.constant 2500 : i32
      %lt3A_1571 = arith.cmpi slt, %add3A_1569, %lt3A_1570 : i32
      %convert_element_type3A_1572 = arith.extui %lt3A_1571 : i1 to i32
      %cond3A_1573 = arith.constant 0 : i32
      %cond3A_1574 = arith.cmpi ne, %convert_element_type3A_1572, %cond3A_1573 : i32
      scf.if %cond3A_1574 {
        %dma_start3A = arith.constant 8 : i32
        %dma_start3A_1773 = arith.constant 0 : i32
        %dma_start3A_1774 = tpu.memref_slice %arg10[%dma_start3A, %dma_start3A_1773] : memref<16x128xi32, #tpu.memory_space<vmem>> -> memref<1x128xi32, #tpu.memory_space<vmem>>
        %dma_start3A_1775 = tpu.memref_squeeze %dma_start3A_1774 : memref<1x128xi32, #tpu.memory_space<vmem>> -> memref<128xi32, #tpu.memory_space<vmem>>
        %dma_start3A_1776 = arith.constant 0 : i32
        %dma_start3A_1777 = tpu.memref_slice %arg16[%dma_start3A_1776] : memref<10000xf32, #tpu.memory_space<vmem_shared>> -> memref<10000xf32, #tpu.memory_space<vmem_shared>>
        tpu.enqueue_indirect_dma source(%arg13 : memref<128xf32, #tpu.memory_space<vmem>>) target(%dma_start3A_1777 : memref<10000xf32, #tpu.memory_space<vmem_shared>>) offsets(%dma_start3A_1775 : memref<128xi32, #tpu.memory_space<vmem>>) semaphore(%arg21 : memref<!tpu.dma_semaphore, #tpu.memory_space<semaphore_mem>>) {add = true}
        %run_scoped3A = arith.constant 8 : i32
        "tpu.region"() ({
          %run_scoped3A_1778 = tpu.sem_alloc : memref<!tpu.dma_semaphore, #tpu.memory_space<semaphore_mem>>
          %dma_start3A_1779 = arith.constant 0 : i32
          %dma_start3A_1780 = tpu.memref_slice %arg10[%run_scoped3A, %dma_start3A_1779] : memref<16x128xi32, #tpu.memory_space<vmem>> -> memref<1x128xi32, #tpu.memory_space<vmem>>
          %dma_start3A_1781 = tpu.memref_squeeze %dma_start3A_1780 : memref<1x128xi32, #tpu.memory_space<vmem>> -> memref<128xi32, #tpu.memory_space<vmem>>
          %dma_start3A_1782 = arith.constant 0 : i32
          %dma_start3A_1783 = arith.constant 0 : i32
          %dma_start3A_1784 = tpu.memref_slice %arg15[%dma_start3A_1782, %dma_start3A_1783] : memref<10000x128xf32, #tpu.memory_space<vmem_shared>> -> memref<10000x128xf32, #tpu.memory_space<vmem_shared>>
          tpu.enqueue_indirect_dma source(%arg11 : memref<128x128xf32, #tpu.memory_space<vmem>>) target(%dma_start3A_1784 : memref<10000x128xf32, #tpu.memory_space<vmem_shared>>) offsets(%dma_start3A_1781 : memref<128xi32, #tpu.memory_space<vmem>>) semaphore(%run_scoped3A_1778 : memref<!tpu.dma_semaphore, #tpu.memory_space<semaphore_mem>>) {add = true}
          %dma_wait3A = arith.constant 0 : i32
          %dma_wait3A_1785 = tpu.memref_slice %arg10[%run_scoped3A, %dma_wait3A] : memref<16x128xi32, #tpu.memory_space<vmem>> -> memref<1x128xi32, #tpu.memory_space<vmem>>
          %dma_wait3A_1786 = tpu.memref_squeeze %dma_wait3A_1785 : memref<1x128xi32, #tpu.memory_space<vmem>> -> memref<128xi32, #tpu.memory_space<vmem>>
          %dma_wait3A_1787 = arith.constant 0 : i32
          %dma_wait3A_1788 = arith.constant 0 : i32
          %dma_wait3A_1789 = tpu.memref_slice %arg15[%dma_wait3A_1787, %dma_wait3A_1788] : memref<10000x128xf32, #tpu.memory_space<vmem_shared>> -> memref<10000x128xf32, #tpu.memory_space<vmem_shared>>
          tpu.wait_indirect_dma semaphore(%run_scoped3A_1778 : memref<!tpu.dma_semaphore, #tpu.memory_space<semaphore_mem>>) src(%arg11 : memref<128x128xf32, #tpu.memory_space<vmem>>) dst(%dma_wait3A_1789 : memref<10000x128xf32, #tpu.memory_space<vmem_shared>>)
          tpu.yield
        }) : () -> ()
      } else {
      }
      %mul3A_1575 = arith.constant 16 : i32
      %mul3A_1576 = arith.muli %add3A_477, %mul3A_1575 : i32
      %add3A_1577 = arith.constant 10 : i32
      %add3A_1578 = arith.addi %mul3A_1576, %add3A_1577 : i32
      %lt3A_1579 = arith.constant 2500 : i32
      %lt3A_1580 = arith.cmpi slt, %add3A_1578, %lt3A_1579 : i32
      %convert_element_type3A_1581 = arith.extui %lt3A_1580 : i1 to i32
      %cond3A_1582 = arith.constant 0 : i32
      %cond3A_1583 = arith.cmpi ne, %convert_element_type3A_1581, %cond3A_1582 : i32
      scf.if %cond3A_1583 {
        %dma_start3A = arith.constant 10 : i32
        %dma_start3A_1773 = arith.constant 0 : i32
        %dma_start3A_1774 = tpu.memref_slice %arg8[%dma_start3A, %dma_start3A_1773] : memref<16x128xi32, #tpu.memory_space<vmem>> -> memref<1x128xi32, #tpu.memory_space<vmem>>
        %dma_start3A_1775 = tpu.memref_squeeze %dma_start3A_1774 : memref<1x128xi32, #tpu.memory_space<vmem>> -> memref<128xi32, #tpu.memory_space<vmem>>
        %dma_start3A_1776 = arith.constant 0 : i32
        %dma_start3A_1777 = arith.constant 0 : i32
        %dma_start3A_1778 = tpu.memref_slice %arg2[%dma_start3A_1776, %dma_start3A_1777] : memref<10000x128xf32, #tpu.memory_space<hbm>> -> memref<10000x128xf32, #tpu.memory_space<hbm>>
        tpu.enqueue_indirect_dma source(%dma_start3A_1778 : memref<10000x128xf32, #tpu.memory_space<hbm>>) target(%arg11 : memref<128x128xf32, #tpu.memory_space<vmem>>) offsets(%dma_start3A_1775 : memref<128xi32, #tpu.memory_space<vmem>>) semaphore(%arg19 : memref<!tpu.dma_semaphore, #tpu.memory_space<semaphore_mem>>)
      } else {
      }
      %mul3A_1584 = arith.constant 16 : i32
      %mul3A_1585 = arith.muli %add3A_477, %mul3A_1584 : i32
      %add3A_1586 = arith.constant 9 : i32
      %add3A_1587 = arith.addi %mul3A_1585, %add3A_1586 : i32
      %lt3A_1588 = arith.constant 2500 : i32
      %lt3A_1589 = arith.cmpi slt, %add3A_1587, %lt3A_1588 : i32
      %convert_element_type3A_1590 = arith.extui %lt3A_1589 : i1 to i32
      %cond3A_1591 = arith.constant 0 : i32
      %cond3A_1592 = arith.cmpi ne, %convert_element_type3A_1590, %cond3A_1591 : i32
      scf.if %cond3A_1592 {
        %dma_wait3A = arith.constant 0 : i32
        %dma_wait3A_1773 = arith.constant 0 : i32
        %dma_wait3A_1774 = tpu.memref_slice %arg2[%dma_wait3A, %dma_wait3A_1773] : memref<10000x128xf32, #tpu.memory_space<hbm>> -> memref<128x128xf32, #tpu.memory_space<hbm>>
        %dma_wait3A_1775 = arith.constant 0 : i32
        %dma_wait3A_1776 = arith.constant 0 : i32
        %dma_wait3A_1777 = tpu.memref_slice %arg2[%dma_wait3A_1775, %dma_wait3A_1776] : memref<10000x128xf32, #tpu.memory_space<hbm>> -> memref<128x128xf32, #tpu.memory_space<hbm>>
        tpu.wait_dma2 semaphore(%arg20 : memref<!tpu.dma_semaphore, #tpu.memory_space<semaphore_mem>>) src(%dma_wait3A_1777 : memref<128x128xf32, #tpu.memory_space<hbm>>) dst(%arg12 : memref<128x128xf32, #tpu.memory_space<vmem>>)
      } else {
      }
      %mul3A_1593 = arith.constant 16 : i32
      %mul3A_1594 = arith.muli %add3A_477, %mul3A_1593 : i32
      %add3A_1595 = arith.constant 9 : i32
      %add3A_1596 = arith.addi %mul3A_1594, %add3A_1595 : i32
      %lt3A_1597 = arith.constant 2500 : i32
      %lt3A_1598 = arith.cmpi slt, %add3A_1596, %lt3A_1597 : i32
      %convert_element_type3A_1599 = arith.extui %lt3A_1598 : i1 to i32
      %cond3A_1600 = arith.constant 0 : i32
      %cond3A_1601 = arith.cmpi ne, %convert_element_type3A_1599, %cond3A_1600 : i32
      scf.if %cond3A_1601 {
        %dma_start3A = arith.constant 9 : i32
        %dma_start3A_1773 = arith.constant 0 : i32
        %dma_start3A_1774 = tpu.memref_slice %arg10[%dma_start3A, %dma_start3A_1773] : memref<16x128xi32, #tpu.memory_space<vmem>> -> memref<1x128xi32, #tpu.memory_space<vmem>>
        %dma_start3A_1775 = tpu.memref_squeeze %dma_start3A_1774 : memref<1x128xi32, #tpu.memory_space<vmem>> -> memref<128xi32, #tpu.memory_space<vmem>>
        %dma_start3A_1776 = arith.constant 0 : i32
        %dma_start3A_1777 = tpu.memref_slice %arg16[%dma_start3A_1776] : memref<10000xf32, #tpu.memory_space<vmem_shared>> -> memref<10000xf32, #tpu.memory_space<vmem_shared>>
        tpu.enqueue_indirect_dma source(%arg13 : memref<128xf32, #tpu.memory_space<vmem>>) target(%dma_start3A_1777 : memref<10000xf32, #tpu.memory_space<vmem_shared>>) offsets(%dma_start3A_1775 : memref<128xi32, #tpu.memory_space<vmem>>) semaphore(%arg21 : memref<!tpu.dma_semaphore, #tpu.memory_space<semaphore_mem>>) {add = true}
        %run_scoped3A = arith.constant 9 : i32
        "tpu.region"() ({
          %run_scoped3A_1778 = tpu.sem_alloc : memref<!tpu.dma_semaphore, #tpu.memory_space<semaphore_mem>>
          %dma_start3A_1779 = arith.constant 0 : i32
          %dma_start3A_1780 = tpu.memref_slice %arg10[%run_scoped3A, %dma_start3A_1779] : memref<16x128xi32, #tpu.memory_space<vmem>> -> memref<1x128xi32, #tpu.memory_space<vmem>>
          %dma_start3A_1781 = tpu.memref_squeeze %dma_start3A_1780 : memref<1x128xi32, #tpu.memory_space<vmem>> -> memref<128xi32, #tpu.memory_space<vmem>>
          %dma_start3A_1782 = arith.constant 0 : i32
          %dma_start3A_1783 = arith.constant 0 : i32
          %dma_start3A_1784 = tpu.memref_slice %arg15[%dma_start3A_1782, %dma_start3A_1783] : memref<10000x128xf32, #tpu.memory_space<vmem_shared>> -> memref<10000x128xf32, #tpu.memory_space<vmem_shared>>
          tpu.enqueue_indirect_dma source(%arg12 : memref<128x128xf32, #tpu.memory_space<vmem>>) target(%dma_start3A_1784 : memref<10000x128xf32, #tpu.memory_space<vmem_shared>>) offsets(%dma_start3A_1781 : memref<128xi32, #tpu.memory_space<vmem>>) semaphore(%run_scoped3A_1778 : memref<!tpu.dma_semaphore, #tpu.memory_space<semaphore_mem>>) {add = true}
          %dma_wait3A = arith.constant 0 : i32
          %dma_wait3A_1785 = tpu.memref_slice %arg10[%run_scoped3A, %dma_wait3A] : memref<16x128xi32, #tpu.memory_space<vmem>> -> memref<1x128xi32, #tpu.memory_space<vmem>>
          %dma_wait3A_1786 = tpu.memref_squeeze %dma_wait3A_1785 : memref<1x128xi32, #tpu.memory_space<vmem>> -> memref<128xi32, #tpu.memory_space<vmem>>
          %dma_wait3A_1787 = arith.constant 0 : i32
          %dma_wait3A_1788 = arith.constant 0 : i32
          %dma_wait3A_1789 = tpu.memref_slice %arg15[%dma_wait3A_1787, %dma_wait3A_1788] : memref<10000x128xf32, #tpu.memory_space<vmem_shared>> -> memref<10000x128xf32, #tpu.memory_space<vmem_shared>>
          tpu.wait_indirect_dma semaphore(%run_scoped3A_1778 : memref<!tpu.dma_semaphore, #tpu.memory_space<semaphore_mem>>) src(%arg12 : memref<128x128xf32, #tpu.memory_space<vmem>>) dst(%dma_wait3A_1789 : memref<10000x128xf32, #tpu.memory_space<vmem_shared>>)
          tpu.yield
        }) : () -> ()
      } else {
      }
      %mul3A_1602 = arith.constant 16 : i32
      %mul3A_1603 = arith.muli %add3A_477, %mul3A_1602 : i32
      %add3A_1604 = arith.constant 11 : i32
      %add3A_1605 = arith.addi %mul3A_1603, %add3A_1604 : i32
      %lt3A_1606 = arith.constant 2500 : i32
      %lt3A_1607 = arith.cmpi slt, %add3A_1605, %lt3A_1606 : i32
      %convert_element_type3A_1608 = arith.extui %lt3A_1607 : i1 to i32
      %cond3A_1609 = arith.constant 0 : i32
      %cond3A_1610 = arith.cmpi ne, %convert_element_type3A_1608, %cond3A_1609 : i32
      scf.if %cond3A_1610 {
        %dma_start3A = arith.constant 11 : i32
        %dma_start3A_1773 = arith.constant 0 : i32
        %dma_start3A_1774 = tpu.memref_slice %arg8[%dma_start3A, %dma_start3A_1773] : memref<16x128xi32, #tpu.memory_space<vmem>> -> memref<1x128xi32, #tpu.memory_space<vmem>>
        %dma_start3A_1775 = tpu.memref_squeeze %dma_start3A_1774 : memref<1x128xi32, #tpu.memory_space<vmem>> -> memref<128xi32, #tpu.memory_space<vmem>>
        %dma_start3A_1776 = arith.constant 0 : i32
        %dma_start3A_1777 = arith.constant 0 : i32
        %dma_start3A_1778 = tpu.memref_slice %arg2[%dma_start3A_1776, %dma_start3A_1777] : memref<10000x128xf32, #tpu.memory_space<hbm>> -> memref<10000x128xf32, #tpu.memory_space<hbm>>
        tpu.enqueue_indirect_dma source(%dma_start3A_1778 : memref<10000x128xf32, #tpu.memory_space<hbm>>) target(%arg12 : memref<128x128xf32, #tpu.memory_space<vmem>>) offsets(%dma_start3A_1775 : memref<128xi32, #tpu.memory_space<vmem>>) semaphore(%arg20 : memref<!tpu.dma_semaphore, #tpu.memory_space<semaphore_mem>>)
      } else {
      }
      %mul3A_1611 = arith.constant 16 : i32
      %mul3A_1612 = arith.muli %add3A_477, %mul3A_1611 : i32
      %add3A_1613 = arith.constant 10 : i32
      %add3A_1614 = arith.addi %mul3A_1612, %add3A_1613 : i32
      %lt3A_1615 = arith.constant 2500 : i32
      %lt3A_1616 = arith.cmpi slt, %add3A_1614, %lt3A_1615 : i32
      %convert_element_type3A_1617 = arith.extui %lt3A_1616 : i1 to i32
      %cond3A_1618 = arith.constant 0 : i32
      %cond3A_1619 = arith.cmpi ne, %convert_element_type3A_1617, %cond3A_1618 : i32
      scf.if %cond3A_1619 {
        %dma_wait3A = arith.constant 0 : i32
        %dma_wait3A_1773 = arith.constant 0 : i32
        %dma_wait3A_1774 = tpu.memref_slice %arg2[%dma_wait3A, %dma_wait3A_1773] : memref<10000x128xf32, #tpu.memory_space<hbm>> -> memref<128x128xf32, #tpu.memory_space<hbm>>
        %dma_wait3A_1775 = arith.constant 0 : i32
        %dma_wait3A_1776 = arith.constant 0 : i32
        %dma_wait3A_1777 = tpu.memref_slice %arg2[%dma_wait3A_1775, %dma_wait3A_1776] : memref<10000x128xf32, #tpu.memory_space<hbm>> -> memref<128x128xf32, #tpu.memory_space<hbm>>
        tpu.wait_dma2 semaphore(%arg19 : memref<!tpu.dma_semaphore, #tpu.memory_space<semaphore_mem>>) src(%dma_wait3A_1777 : memref<128x128xf32, #tpu.memory_space<hbm>>) dst(%arg11 : memref<128x128xf32, #tpu.memory_space<vmem>>)
      } else {
      }
      %mul3A_1620 = arith.constant 16 : i32
      %mul3A_1621 = arith.muli %add3A_477, %mul3A_1620 : i32
      %add3A_1622 = arith.constant 10 : i32
      %add3A_1623 = arith.addi %mul3A_1621, %add3A_1622 : i32
      %lt3A_1624 = arith.constant 2500 : i32
      %lt3A_1625 = arith.cmpi slt, %add3A_1623, %lt3A_1624 : i32
      %convert_element_type3A_1626 = arith.extui %lt3A_1625 : i1 to i32
      %cond3A_1627 = arith.constant 0 : i32
      %cond3A_1628 = arith.cmpi ne, %convert_element_type3A_1626, %cond3A_1627 : i32
      scf.if %cond3A_1628 {
        %dma_start3A = arith.constant 10 : i32
        %dma_start3A_1773 = arith.constant 0 : i32
        %dma_start3A_1774 = tpu.memref_slice %arg10[%dma_start3A, %dma_start3A_1773] : memref<16x128xi32, #tpu.memory_space<vmem>> -> memref<1x128xi32, #tpu.memory_space<vmem>>
        %dma_start3A_1775 = tpu.memref_squeeze %dma_start3A_1774 : memref<1x128xi32, #tpu.memory_space<vmem>> -> memref<128xi32, #tpu.memory_space<vmem>>
        %dma_start3A_1776 = arith.constant 0 : i32
        %dma_start3A_1777 = tpu.memref_slice %arg16[%dma_start3A_1776] : memref<10000xf32, #tpu.memory_space<vmem_shared>> -> memref<10000xf32, #tpu.memory_space<vmem_shared>>
        tpu.enqueue_indirect_dma source(%arg13 : memref<128xf32, #tpu.memory_space<vmem>>) target(%dma_start3A_1777 : memref<10000xf32, #tpu.memory_space<vmem_shared>>) offsets(%dma_start3A_1775 : memref<128xi32, #tpu.memory_space<vmem>>) semaphore(%arg21 : memref<!tpu.dma_semaphore, #tpu.memory_space<semaphore_mem>>) {add = true}
        %run_scoped3A = arith.constant 10 : i32
        "tpu.region"() ({
          %run_scoped3A_1778 = tpu.sem_alloc : memref<!tpu.dma_semaphore, #tpu.memory_space<semaphore_mem>>
          %dma_start3A_1779 = arith.constant 0 : i32
          %dma_start3A_1780 = tpu.memref_slice %arg10[%run_scoped3A, %dma_start3A_1779] : memref<16x128xi32, #tpu.memory_space<vmem>> -> memref<1x128xi32, #tpu.memory_space<vmem>>
          %dma_start3A_1781 = tpu.memref_squeeze %dma_start3A_1780 : memref<1x128xi32, #tpu.memory_space<vmem>> -> memref<128xi32, #tpu.memory_space<vmem>>
          %dma_start3A_1782 = arith.constant 0 : i32
          %dma_start3A_1783 = arith.constant 0 : i32
          %dma_start3A_1784 = tpu.memref_slice %arg15[%dma_start3A_1782, %dma_start3A_1783] : memref<10000x128xf32, #tpu.memory_space<vmem_shared>> -> memref<10000x128xf32, #tpu.memory_space<vmem_shared>>
          tpu.enqueue_indirect_dma source(%arg11 : memref<128x128xf32, #tpu.memory_space<vmem>>) target(%dma_start3A_1784 : memref<10000x128xf32, #tpu.memory_space<vmem_shared>>) offsets(%dma_start3A_1781 : memref<128xi32, #tpu.memory_space<vmem>>) semaphore(%run_scoped3A_1778 : memref<!tpu.dma_semaphore, #tpu.memory_space<semaphore_mem>>) {add = true}
          %dma_wait3A = arith.constant 0 : i32
          %dma_wait3A_1785 = tpu.memref_slice %arg10[%run_scoped3A, %dma_wait3A] : memref<16x128xi32, #tpu.memory_space<vmem>> -> memref<1x128xi32, #tpu.memory_space<vmem>>
          %dma_wait3A_1786 = tpu.memref_squeeze %dma_wait3A_1785 : memref<1x128xi32, #tpu.memory_space<vmem>> -> memref<128xi32, #tpu.memory_space<vmem>>
          %dma_wait3A_1787 = arith.constant 0 : i32
          %dma_wait3A_1788 = arith.constant 0 : i32
          %dma_wait3A_1789 = tpu.memref_slice %arg15[%dma_wait3A_1787, %dma_wait3A_1788] : memref<10000x128xf32, #tpu.memory_space<vmem_shared>> -> memref<10000x128xf32, #tpu.memory_space<vmem_shared>>
          tpu.wait_indirect_dma semaphore(%run_scoped3A_1778 : memref<!tpu.dma_semaphore, #tpu.memory_space<semaphore_mem>>) src(%arg11 : memref<128x128xf32, #tpu.memory_space<vmem>>) dst(%dma_wait3A_1789 : memref<10000x128xf32, #tpu.memory_space<vmem_shared>>)
          tpu.yield
        }) : () -> ()
      } else {
      }
      %mul3A_1629 = arith.constant 16 : i32
      %mul3A_1630 = arith.muli %add3A_477, %mul3A_1629 : i32
      %add3A_1631 = arith.constant 12 : i32
      %add3A_1632 = arith.addi %mul3A_1630, %add3A_1631 : i32
      %lt3A_1633 = arith.constant 2500 : i32
      %lt3A_1634 = arith.cmpi slt, %add3A_1632, %lt3A_1633 : i32
      %convert_element_type3A_1635 = arith.extui %lt3A_1634 : i1 to i32
      %cond3A_1636 = arith.constant 0 : i32
      %cond3A_1637 = arith.cmpi ne, %convert_element_type3A_1635, %cond3A_1636 : i32
      scf.if %cond3A_1637 {
        %dma_start3A = arith.constant 12 : i32
        %dma_start3A_1773 = arith.constant 0 : i32
        %dma_start3A_1774 = tpu.memref_slice %arg8[%dma_start3A, %dma_start3A_1773] : memref<16x128xi32, #tpu.memory_space<vmem>> -> memref<1x128xi32, #tpu.memory_space<vmem>>
        %dma_start3A_1775 = tpu.memref_squeeze %dma_start3A_1774 : memref<1x128xi32, #tpu.memory_space<vmem>> -> memref<128xi32, #tpu.memory_space<vmem>>
        %dma_start3A_1776 = arith.constant 0 : i32
        %dma_start3A_1777 = arith.constant 0 : i32
        %dma_start3A_1778 = tpu.memref_slice %arg2[%dma_start3A_1776, %dma_start3A_1777] : memref<10000x128xf32, #tpu.memory_space<hbm>> -> memref<10000x128xf32, #tpu.memory_space<hbm>>
        tpu.enqueue_indirect_dma source(%dma_start3A_1778 : memref<10000x128xf32, #tpu.memory_space<hbm>>) target(%arg11 : memref<128x128xf32, #tpu.memory_space<vmem>>) offsets(%dma_start3A_1775 : memref<128xi32, #tpu.memory_space<vmem>>) semaphore(%arg19 : memref<!tpu.dma_semaphore, #tpu.memory_space<semaphore_mem>>)
      } else {
      }
      %mul3A_1638 = arith.constant 16 : i32
      %mul3A_1639 = arith.muli %add3A_477, %mul3A_1638 : i32
      %add3A_1640 = arith.constant 11 : i32
      %add3A_1641 = arith.addi %mul3A_1639, %add3A_1640 : i32
      %lt3A_1642 = arith.constant 2500 : i32
      %lt3A_1643 = arith.cmpi slt, %add3A_1641, %lt3A_1642 : i32
      %convert_element_type3A_1644 = arith.extui %lt3A_1643 : i1 to i32
      %cond3A_1645 = arith.constant 0 : i32
      %cond3A_1646 = arith.cmpi ne, %convert_element_type3A_1644, %cond3A_1645 : i32
      scf.if %cond3A_1646 {
        %dma_wait3A = arith.constant 0 : i32
        %dma_wait3A_1773 = arith.constant 0 : i32
        %dma_wait3A_1774 = tpu.memref_slice %arg2[%dma_wait3A, %dma_wait3A_1773] : memref<10000x128xf32, #tpu.memory_space<hbm>> -> memref<128x128xf32, #tpu.memory_space<hbm>>
        %dma_wait3A_1775 = arith.constant 0 : i32
        %dma_wait3A_1776 = arith.constant 0 : i32
        %dma_wait3A_1777 = tpu.memref_slice %arg2[%dma_wait3A_1775, %dma_wait3A_1776] : memref<10000x128xf32, #tpu.memory_space<hbm>> -> memref<128x128xf32, #tpu.memory_space<hbm>>
        tpu.wait_dma2 semaphore(%arg20 : memref<!tpu.dma_semaphore, #tpu.memory_space<semaphore_mem>>) src(%dma_wait3A_1777 : memref<128x128xf32, #tpu.memory_space<hbm>>) dst(%arg12 : memref<128x128xf32, #tpu.memory_space<vmem>>)
      } else {
      }
      %mul3A_1647 = arith.constant 16 : i32
      %mul3A_1648 = arith.muli %add3A_477, %mul3A_1647 : i32
      %add3A_1649 = arith.constant 11 : i32
      %add3A_1650 = arith.addi %mul3A_1648, %add3A_1649 : i32
      %lt3A_1651 = arith.constant 2500 : i32
      %lt3A_1652 = arith.cmpi slt, %add3A_1650, %lt3A_1651 : i32
      %convert_element_type3A_1653 = arith.extui %lt3A_1652 : i1 to i32
      %cond3A_1654 = arith.constant 0 : i32
      %cond3A_1655 = arith.cmpi ne, %convert_element_type3A_1653, %cond3A_1654 : i32
      scf.if %cond3A_1655 {
        %dma_start3A = arith.constant 11 : i32
        %dma_start3A_1773 = arith.constant 0 : i32
        %dma_start3A_1774 = tpu.memref_slice %arg10[%dma_start3A, %dma_start3A_1773] : memref<16x128xi32, #tpu.memory_space<vmem>> -> memref<1x128xi32, #tpu.memory_space<vmem>>
        %dma_start3A_1775 = tpu.memref_squeeze %dma_start3A_1774 : memref<1x128xi32, #tpu.memory_space<vmem>> -> memref<128xi32, #tpu.memory_space<vmem>>
        %dma_start3A_1776 = arith.constant 0 : i32
        %dma_start3A_1777 = tpu.memref_slice %arg16[%dma_start3A_1776] : memref<10000xf32, #tpu.memory_space<vmem_shared>> -> memref<10000xf32, #tpu.memory_space<vmem_shared>>
        tpu.enqueue_indirect_dma source(%arg13 : memref<128xf32, #tpu.memory_space<vmem>>) target(%dma_start3A_1777 : memref<10000xf32, #tpu.memory_space<vmem_shared>>) offsets(%dma_start3A_1775 : memref<128xi32, #tpu.memory_space<vmem>>) semaphore(%arg21 : memref<!tpu.dma_semaphore, #tpu.memory_space<semaphore_mem>>) {add = true}
        %run_scoped3A = arith.constant 11 : i32
        "tpu.region"() ({
          %run_scoped3A_1778 = tpu.sem_alloc : memref<!tpu.dma_semaphore, #tpu.memory_space<semaphore_mem>>
          %dma_start3A_1779 = arith.constant 0 : i32
          %dma_start3A_1780 = tpu.memref_slice %arg10[%run_scoped3A, %dma_start3A_1779] : memref<16x128xi32, #tpu.memory_space<vmem>> -> memref<1x128xi32, #tpu.memory_space<vmem>>
          %dma_start3A_1781 = tpu.memref_squeeze %dma_start3A_1780 : memref<1x128xi32, #tpu.memory_space<vmem>> -> memref<128xi32, #tpu.memory_space<vmem>>
          %dma_start3A_1782 = arith.constant 0 : i32
          %dma_start3A_1783 = arith.constant 0 : i32
          %dma_start3A_1784 = tpu.memref_slice %arg15[%dma_start3A_1782, %dma_start3A_1783] : memref<10000x128xf32, #tpu.memory_space<vmem_shared>> -> memref<10000x128xf32, #tpu.memory_space<vmem_shared>>
          tpu.enqueue_indirect_dma source(%arg12 : memref<128x128xf32, #tpu.memory_space<vmem>>) target(%dma_start3A_1784 : memref<10000x128xf32, #tpu.memory_space<vmem_shared>>) offsets(%dma_start3A_1781 : memref<128xi32, #tpu.memory_space<vmem>>) semaphore(%run_scoped3A_1778 : memref<!tpu.dma_semaphore, #tpu.memory_space<semaphore_mem>>) {add = true}
          %dma_wait3A = arith.constant 0 : i32
          %dma_wait3A_1785 = tpu.memref_slice %arg10[%run_scoped3A, %dma_wait3A] : memref<16x128xi32, #tpu.memory_space<vmem>> -> memref<1x128xi32, #tpu.memory_space<vmem>>
          %dma_wait3A_1786 = tpu.memref_squeeze %dma_wait3A_1785 : memref<1x128xi32, #tpu.memory_space<vmem>> -> memref<128xi32, #tpu.memory_space<vmem>>
          %dma_wait3A_1787 = arith.constant 0 : i32
          %dma_wait3A_1788 = arith.constant 0 : i32
          %dma_wait3A_1789 = tpu.memref_slice %arg15[%dma_wait3A_1787, %dma_wait3A_1788] : memref<10000x128xf32, #tpu.memory_space<vmem_shared>> -> memref<10000x128xf32, #tpu.memory_space<vmem_shared>>
          tpu.wait_indirect_dma semaphore(%run_scoped3A_1778 : memref<!tpu.dma_semaphore, #tpu.memory_space<semaphore_mem>>) src(%arg12 : memref<128x128xf32, #tpu.memory_space<vmem>>) dst(%dma_wait3A_1789 : memref<10000x128xf32, #tpu.memory_space<vmem_shared>>)
          tpu.yield
        }) : () -> ()
      } else {
      }
      %mul3A_1656 = arith.constant 16 : i32
      %mul3A_1657 = arith.muli %add3A_477, %mul3A_1656 : i32
      %add3A_1658 = arith.constant 13 : i32
      %add3A_1659 = arith.addi %mul3A_1657, %add3A_1658 : i32
      %lt3A_1660 = arith.constant 2500 : i32
      %lt3A_1661 = arith.cmpi slt, %add3A_1659, %lt3A_1660 : i32
      %convert_element_type3A_1662 = arith.extui %lt3A_1661 : i1 to i32
      %cond3A_1663 = arith.constant 0 : i32
      %cond3A_1664 = arith.cmpi ne, %convert_element_type3A_1662, %cond3A_1663 : i32
      scf.if %cond3A_1664 {
        %dma_start3A = arith.constant 13 : i32
        %dma_start3A_1773 = arith.constant 0 : i32
        %dma_start3A_1774 = tpu.memref_slice %arg8[%dma_start3A, %dma_start3A_1773] : memref<16x128xi32, #tpu.memory_space<vmem>> -> memref<1x128xi32, #tpu.memory_space<vmem>>
        %dma_start3A_1775 = tpu.memref_squeeze %dma_start3A_1774 : memref<1x128xi32, #tpu.memory_space<vmem>> -> memref<128xi32, #tpu.memory_space<vmem>>
        %dma_start3A_1776 = arith.constant 0 : i32
        %dma_start3A_1777 = arith.constant 0 : i32
        %dma_start3A_1778 = tpu.memref_slice %arg2[%dma_start3A_1776, %dma_start3A_1777] : memref<10000x128xf32, #tpu.memory_space<hbm>> -> memref<10000x128xf32, #tpu.memory_space<hbm>>
        tpu.enqueue_indirect_dma source(%dma_start3A_1778 : memref<10000x128xf32, #tpu.memory_space<hbm>>) target(%arg12 : memref<128x128xf32, #tpu.memory_space<vmem>>) offsets(%dma_start3A_1775 : memref<128xi32, #tpu.memory_space<vmem>>) semaphore(%arg20 : memref<!tpu.dma_semaphore, #tpu.memory_space<semaphore_mem>>)
      } else {
      }
      %mul3A_1665 = arith.constant 16 : i32
      %mul3A_1666 = arith.muli %add3A_477, %mul3A_1665 : i32
      %add3A_1667 = arith.constant 12 : i32
      %add3A_1668 = arith.addi %mul3A_1666, %add3A_1667 : i32
      %lt3A_1669 = arith.constant 2500 : i32
      %lt3A_1670 = arith.cmpi slt, %add3A_1668, %lt3A_1669 : i32
      %convert_element_type3A_1671 = arith.extui %lt3A_1670 : i1 to i32
      %cond3A_1672 = arith.constant 0 : i32
      %cond3A_1673 = arith.cmpi ne, %convert_element_type3A_1671, %cond3A_1672 : i32
      scf.if %cond3A_1673 {
        %dma_wait3A = arith.constant 0 : i32
        %dma_wait3A_1773 = arith.constant 0 : i32
        %dma_wait3A_1774 = tpu.memref_slice %arg2[%dma_wait3A, %dma_wait3A_1773] : memref<10000x128xf32, #tpu.memory_space<hbm>> -> memref<128x128xf32, #tpu.memory_space<hbm>>
        %dma_wait3A_1775 = arith.constant 0 : i32
        %dma_wait3A_1776 = arith.constant 0 : i32
        %dma_wait3A_1777 = tpu.memref_slice %arg2[%dma_wait3A_1775, %dma_wait3A_1776] : memref<10000x128xf32, #tpu.memory_space<hbm>> -> memref<128x128xf32, #tpu.memory_space<hbm>>
        tpu.wait_dma2 semaphore(%arg19 : memref<!tpu.dma_semaphore, #tpu.memory_space<semaphore_mem>>) src(%dma_wait3A_1777 : memref<128x128xf32, #tpu.memory_space<hbm>>) dst(%arg11 : memref<128x128xf32, #tpu.memory_space<vmem>>)
      } else {
      }
      %mul3A_1674 = arith.constant 16 : i32
      %mul3A_1675 = arith.muli %add3A_477, %mul3A_1674 : i32
      %add3A_1676 = arith.constant 12 : i32
      %add3A_1677 = arith.addi %mul3A_1675, %add3A_1676 : i32
      %lt3A_1678 = arith.constant 2500 : i32
      %lt3A_1679 = arith.cmpi slt, %add3A_1677, %lt3A_1678 : i32
      %convert_element_type3A_1680 = arith.extui %lt3A_1679 : i1 to i32
      %cond3A_1681 = arith.constant 0 : i32
      %cond3A_1682 = arith.cmpi ne, %convert_element_type3A_1680, %cond3A_1681 : i32
      scf.if %cond3A_1682 {
        %dma_start3A = arith.constant 12 : i32
        %dma_start3A_1773 = arith.constant 0 : i32
        %dma_start3A_1774 = tpu.memref_slice %arg10[%dma_start3A, %dma_start3A_1773] : memref<16x128xi32, #tpu.memory_space<vmem>> -> memref<1x128xi32, #tpu.memory_space<vmem>>
        %dma_start3A_1775 = tpu.memref_squeeze %dma_start3A_1774 : memref<1x128xi32, #tpu.memory_space<vmem>> -> memref<128xi32, #tpu.memory_space<vmem>>
        %dma_start3A_1776 = arith.constant 0 : i32
        %dma_start3A_1777 = tpu.memref_slice %arg16[%dma_start3A_1776] : memref<10000xf32, #tpu.memory_space<vmem_shared>> -> memref<10000xf32, #tpu.memory_space<vmem_shared>>
        tpu.enqueue_indirect_dma source(%arg13 : memref<128xf32, #tpu.memory_space<vmem>>) target(%dma_start3A_1777 : memref<10000xf32, #tpu.memory_space<vmem_shared>>) offsets(%dma_start3A_1775 : memref<128xi32, #tpu.memory_space<vmem>>) semaphore(%arg21 : memref<!tpu.dma_semaphore, #tpu.memory_space<semaphore_mem>>) {add = true}
        %run_scoped3A = arith.constant 12 : i32
        "tpu.region"() ({
          %run_scoped3A_1778 = tpu.sem_alloc : memref<!tpu.dma_semaphore, #tpu.memory_space<semaphore_mem>>
          %dma_start3A_1779 = arith.constant 0 : i32
          %dma_start3A_1780 = tpu.memref_slice %arg10[%run_scoped3A, %dma_start3A_1779] : memref<16x128xi32, #tpu.memory_space<vmem>> -> memref<1x128xi32, #tpu.memory_space<vmem>>
          %dma_start3A_1781 = tpu.memref_squeeze %dma_start3A_1780 : memref<1x128xi32, #tpu.memory_space<vmem>> -> memref<128xi32, #tpu.memory_space<vmem>>
          %dma_start3A_1782 = arith.constant 0 : i32
          %dma_start3A_1783 = arith.constant 0 : i32
          %dma_start3A_1784 = tpu.memref_slice %arg15[%dma_start3A_1782, %dma_start3A_1783] : memref<10000x128xf32, #tpu.memory_space<vmem_shared>> -> memref<10000x128xf32, #tpu.memory_space<vmem_shared>>
          tpu.enqueue_indirect_dma source(%arg11 : memref<128x128xf32, #tpu.memory_space<vmem>>) target(%dma_start3A_1784 : memref<10000x128xf32, #tpu.memory_space<vmem_shared>>) offsets(%dma_start3A_1781 : memref<128xi32, #tpu.memory_space<vmem>>) semaphore(%run_scoped3A_1778 : memref<!tpu.dma_semaphore, #tpu.memory_space<semaphore_mem>>) {add = true}
          %dma_wait3A = arith.constant 0 : i32
          %dma_wait3A_1785 = tpu.memref_slice %arg10[%run_scoped3A, %dma_wait3A] : memref<16x128xi32, #tpu.memory_space<vmem>> -> memref<1x128xi32, #tpu.memory_space<vmem>>
          %dma_wait3A_1786 = tpu.memref_squeeze %dma_wait3A_1785 : memref<1x128xi32, #tpu.memory_space<vmem>> -> memref<128xi32, #tpu.memory_space<vmem>>
          %dma_wait3A_1787 = arith.constant 0 : i32
          %dma_wait3A_1788 = arith.constant 0 : i32
          %dma_wait3A_1789 = tpu.memref_slice %arg15[%dma_wait3A_1787, %dma_wait3A_1788] : memref<10000x128xf32, #tpu.memory_space<vmem_shared>> -> memref<10000x128xf32, #tpu.memory_space<vmem_shared>>
          tpu.wait_indirect_dma semaphore(%run_scoped3A_1778 : memref<!tpu.dma_semaphore, #tpu.memory_space<semaphore_mem>>) src(%arg11 : memref<128x128xf32, #tpu.memory_space<vmem>>) dst(%dma_wait3A_1789 : memref<10000x128xf32, #tpu.memory_space<vmem_shared>>)
          tpu.yield
        }) : () -> ()
      } else {
      }
      %mul3A_1683 = arith.constant 16 : i32
      %mul3A_1684 = arith.muli %add3A_477, %mul3A_1683 : i32
      %add3A_1685 = arith.constant 14 : i32
      %add3A_1686 = arith.addi %mul3A_1684, %add3A_1685 : i32
      %lt3A_1687 = arith.constant 2500 : i32
      %lt3A_1688 = arith.cmpi slt, %add3A_1686, %lt3A_1687 : i32
      %convert_element_type3A_1689 = arith.extui %lt3A_1688 : i1 to i32
      %cond3A_1690 = arith.constant 0 : i32
      %cond3A_1691 = arith.cmpi ne, %convert_element_type3A_1689, %cond3A_1690 : i32
      scf.if %cond3A_1691 {
        %dma_start3A = arith.constant 14 : i32
        %dma_start3A_1773 = arith.constant 0 : i32
        %dma_start3A_1774 = tpu.memref_slice %arg8[%dma_start3A, %dma_start3A_1773] : memref<16x128xi32, #tpu.memory_space<vmem>> -> memref<1x128xi32, #tpu.memory_space<vmem>>
        %dma_start3A_1775 = tpu.memref_squeeze %dma_start3A_1774 : memref<1x128xi32, #tpu.memory_space<vmem>> -> memref<128xi32, #tpu.memory_space<vmem>>
        %dma_start3A_1776 = arith.constant 0 : i32
        %dma_start3A_1777 = arith.constant 0 : i32
        %dma_start3A_1778 = tpu.memref_slice %arg2[%dma_start3A_1776, %dma_start3A_1777] : memref<10000x128xf32, #tpu.memory_space<hbm>> -> memref<10000x128xf32, #tpu.memory_space<hbm>>
        tpu.enqueue_indirect_dma source(%dma_start3A_1778 : memref<10000x128xf32, #tpu.memory_space<hbm>>) target(%arg11 : memref<128x128xf32, #tpu.memory_space<vmem>>) offsets(%dma_start3A_1775 : memref<128xi32, #tpu.memory_space<vmem>>) semaphore(%arg19 : memref<!tpu.dma_semaphore, #tpu.memory_space<semaphore_mem>>)
      } else {
      }
      %mul3A_1692 = arith.constant 16 : i32
      %mul3A_1693 = arith.muli %add3A_477, %mul3A_1692 : i32
      %add3A_1694 = arith.constant 13 : i32
      %add3A_1695 = arith.addi %mul3A_1693, %add3A_1694 : i32
      %lt3A_1696 = arith.constant 2500 : i32
      %lt3A_1697 = arith.cmpi slt, %add3A_1695, %lt3A_1696 : i32
      %convert_element_type3A_1698 = arith.extui %lt3A_1697 : i1 to i32
      %cond3A_1699 = arith.constant 0 : i32
      %cond3A_1700 = arith.cmpi ne, %convert_element_type3A_1698, %cond3A_1699 : i32
      scf.if %cond3A_1700 {
        %dma_wait3A = arith.constant 0 : i32
        %dma_wait3A_1773 = arith.constant 0 : i32
        %dma_wait3A_1774 = tpu.memref_slice %arg2[%dma_wait3A, %dma_wait3A_1773] : memref<10000x128xf32, #tpu.memory_space<hbm>> -> memref<128x128xf32, #tpu.memory_space<hbm>>
        %dma_wait3A_1775 = arith.constant 0 : i32
        %dma_wait3A_1776 = arith.constant 0 : i32
        %dma_wait3A_1777 = tpu.memref_slice %arg2[%dma_wait3A_1775, %dma_wait3A_1776] : memref<10000x128xf32, #tpu.memory_space<hbm>> -> memref<128x128xf32, #tpu.memory_space<hbm>>
        tpu.wait_dma2 semaphore(%arg20 : memref<!tpu.dma_semaphore, #tpu.memory_space<semaphore_mem>>) src(%dma_wait3A_1777 : memref<128x128xf32, #tpu.memory_space<hbm>>) dst(%arg12 : memref<128x128xf32, #tpu.memory_space<vmem>>)
      } else {
      }
      %mul3A_1701 = arith.constant 16 : i32
      %mul3A_1702 = arith.muli %add3A_477, %mul3A_1701 : i32
      %add3A_1703 = arith.constant 13 : i32
      %add3A_1704 = arith.addi %mul3A_1702, %add3A_1703 : i32
      %lt3A_1705 = arith.constant 2500 : i32
      %lt3A_1706 = arith.cmpi slt, %add3A_1704, %lt3A_1705 : i32
      %convert_element_type3A_1707 = arith.extui %lt3A_1706 : i1 to i32
      %cond3A_1708 = arith.constant 0 : i32
      %cond3A_1709 = arith.cmpi ne, %convert_element_type3A_1707, %cond3A_1708 : i32
      scf.if %cond3A_1709 {
        %dma_start3A = arith.constant 13 : i32
        %dma_start3A_1773 = arith.constant 0 : i32
        %dma_start3A_1774 = tpu.memref_slice %arg10[%dma_start3A, %dma_start3A_1773] : memref<16x128xi32, #tpu.memory_space<vmem>> -> memref<1x128xi32, #tpu.memory_space<vmem>>
        %dma_start3A_1775 = tpu.memref_squeeze %dma_start3A_1774 : memref<1x128xi32, #tpu.memory_space<vmem>> -> memref<128xi32, #tpu.memory_space<vmem>>
        %dma_start3A_1776 = arith.constant 0 : i32
        %dma_start3A_1777 = tpu.memref_slice %arg16[%dma_start3A_1776] : memref<10000xf32, #tpu.memory_space<vmem_shared>> -> memref<10000xf32, #tpu.memory_space<vmem_shared>>
        tpu.enqueue_indirect_dma source(%arg13 : memref<128xf32, #tpu.memory_space<vmem>>) target(%dma_start3A_1777 : memref<10000xf32, #tpu.memory_space<vmem_shared>>) offsets(%dma_start3A_1775 : memref<128xi32, #tpu.memory_space<vmem>>) semaphore(%arg21 : memref<!tpu.dma_semaphore, #tpu.memory_space<semaphore_mem>>) {add = true}
        %run_scoped3A = arith.constant 13 : i32
        "tpu.region"() ({
          %run_scoped3A_1778 = tpu.sem_alloc : memref<!tpu.dma_semaphore, #tpu.memory_space<semaphore_mem>>
          %dma_start3A_1779 = arith.constant 0 : i32
          %dma_start3A_1780 = tpu.memref_slice %arg10[%run_scoped3A, %dma_start3A_1779] : memref<16x128xi32, #tpu.memory_space<vmem>> -> memref<1x128xi32, #tpu.memory_space<vmem>>
          %dma_start3A_1781 = tpu.memref_squeeze %dma_start3A_1780 : memref<1x128xi32, #tpu.memory_space<vmem>> -> memref<128xi32, #tpu.memory_space<vmem>>
          %dma_start3A_1782 = arith.constant 0 : i32
          %dma_start3A_1783 = arith.constant 0 : i32
          %dma_start3A_1784 = tpu.memref_slice %arg15[%dma_start3A_1782, %dma_start3A_1783] : memref<10000x128xf32, #tpu.memory_space<vmem_shared>> -> memref<10000x128xf32, #tpu.memory_space<vmem_shared>>
          tpu.enqueue_indirect_dma source(%arg12 : memref<128x128xf32, #tpu.memory_space<vmem>>) target(%dma_start3A_1784 : memref<10000x128xf32, #tpu.memory_space<vmem_shared>>) offsets(%dma_start3A_1781 : memref<128xi32, #tpu.memory_space<vmem>>) semaphore(%run_scoped3A_1778 : memref<!tpu.dma_semaphore, #tpu.memory_space<semaphore_mem>>) {add = true}
          %dma_wait3A = arith.constant 0 : i32
          %dma_wait3A_1785 = tpu.memref_slice %arg10[%run_scoped3A, %dma_wait3A] : memref<16x128xi32, #tpu.memory_space<vmem>> -> memref<1x128xi32, #tpu.memory_space<vmem>>
          %dma_wait3A_1786 = tpu.memref_squeeze %dma_wait3A_1785 : memref<1x128xi32, #tpu.memory_space<vmem>> -> memref<128xi32, #tpu.memory_space<vmem>>
          %dma_wait3A_1787 = arith.constant 0 : i32
          %dma_wait3A_1788 = arith.constant 0 : i32
          %dma_wait3A_1789 = tpu.memref_slice %arg15[%dma_wait3A_1787, %dma_wait3A_1788] : memref<10000x128xf32, #tpu.memory_space<vmem_shared>> -> memref<10000x128xf32, #tpu.memory_space<vmem_shared>>
          tpu.wait_indirect_dma semaphore(%run_scoped3A_1778 : memref<!tpu.dma_semaphore, #tpu.memory_space<semaphore_mem>>) src(%arg12 : memref<128x128xf32, #tpu.memory_space<vmem>>) dst(%dma_wait3A_1789 : memref<10000x128xf32, #tpu.memory_space<vmem_shared>>)
          tpu.yield
        }) : () -> ()
      } else {
      }
      %mul3A_1710 = arith.constant 16 : i32
      %mul3A_1711 = arith.muli %add3A_477, %mul3A_1710 : i32
      %add3A_1712 = arith.constant 15 : i32
      %add3A_1713 = arith.addi %mul3A_1711, %add3A_1712 : i32
      %lt3A_1714 = arith.constant 2500 : i32
      %lt3A_1715 = arith.cmpi slt, %add3A_1713, %lt3A_1714 : i32
      %convert_element_type3A_1716 = arith.extui %lt3A_1715 : i1 to i32
      %cond3A_1717 = arith.constant 0 : i32
      %cond3A_1718 = arith.cmpi ne, %convert_element_type3A_1716, %cond3A_1717 : i32
      scf.if %cond3A_1718 {
        %dma_start3A = arith.constant 15 : i32
        %dma_start3A_1773 = arith.constant 0 : i32
        %dma_start3A_1774 = tpu.memref_slice %arg8[%dma_start3A, %dma_start3A_1773] : memref<16x128xi32, #tpu.memory_space<vmem>> -> memref<1x128xi32, #tpu.memory_space<vmem>>
        %dma_start3A_1775 = tpu.memref_squeeze %dma_start3A_1774 : memref<1x128xi32, #tpu.memory_space<vmem>> -> memref<128xi32, #tpu.memory_space<vmem>>
        %dma_start3A_1776 = arith.constant 0 : i32
        %dma_start3A_1777 = arith.constant 0 : i32
        %dma_start3A_1778 = tpu.memref_slice %arg2[%dma_start3A_1776, %dma_start3A_1777] : memref<10000x128xf32, #tpu.memory_space<hbm>> -> memref<10000x128xf32, #tpu.memory_space<hbm>>
        tpu.enqueue_indirect_dma source(%dma_start3A_1778 : memref<10000x128xf32, #tpu.memory_space<hbm>>) target(%arg12 : memref<128x128xf32, #tpu.memory_space<vmem>>) offsets(%dma_start3A_1775 : memref<128xi32, #tpu.memory_space<vmem>>) semaphore(%arg20 : memref<!tpu.dma_semaphore, #tpu.memory_space<semaphore_mem>>)
      } else {
      }
      %mul3A_1719 = arith.constant 16 : i32
      %mul3A_1720 = arith.muli %add3A_477, %mul3A_1719 : i32
      %add3A_1721 = arith.constant 14 : i32
      %add3A_1722 = arith.addi %mul3A_1720, %add3A_1721 : i32
      %lt3A_1723 = arith.constant 2500 : i32
      %lt3A_1724 = arith.cmpi slt, %add3A_1722, %lt3A_1723 : i32
      %convert_element_type3A_1725 = arith.extui %lt3A_1724 : i1 to i32
      %cond3A_1726 = arith.constant 0 : i32
      %cond3A_1727 = arith.cmpi ne, %convert_element_type3A_1725, %cond3A_1726 : i32
      scf.if %cond3A_1727 {
        %dma_wait3A = arith.constant 0 : i32
        %dma_wait3A_1773 = arith.constant 0 : i32
        %dma_wait3A_1774 = tpu.memref_slice %arg2[%dma_wait3A, %dma_wait3A_1773] : memref<10000x128xf32, #tpu.memory_space<hbm>> -> memref<128x128xf32, #tpu.memory_space<hbm>>
        %dma_wait3A_1775 = arith.constant 0 : i32
        %dma_wait3A_1776 = arith.constant 0 : i32
        %dma_wait3A_1777 = tpu.memref_slice %arg2[%dma_wait3A_1775, %dma_wait3A_1776] : memref<10000x128xf32, #tpu.memory_space<hbm>> -> memref<128x128xf32, #tpu.memory_space<hbm>>
        tpu.wait_dma2 semaphore(%arg19 : memref<!tpu.dma_semaphore, #tpu.memory_space<semaphore_mem>>) src(%dma_wait3A_1777 : memref<128x128xf32, #tpu.memory_space<hbm>>) dst(%arg11 : memref<128x128xf32, #tpu.memory_space<vmem>>)
      } else {
      }
      %mul3A_1728 = arith.constant 16 : i32
      %mul3A_1729 = arith.muli %add3A_477, %mul3A_1728 : i32
      %add3A_1730 = arith.constant 14 : i32
      %add3A_1731 = arith.addi %mul3A_1729, %add3A_1730 : i32
      %lt3A_1732 = arith.constant 2500 : i32
      %lt3A_1733 = arith.cmpi slt, %add3A_1731, %lt3A_1732 : i32
      %convert_element_type3A_1734 = arith.extui %lt3A_1733 : i1 to i32
      %cond3A_1735 = arith.constant 0 : i32
      %cond3A_1736 = arith.cmpi ne, %convert_element_type3A_1734, %cond3A_1735 : i32
      scf.if %cond3A_1736 {
        %dma_start3A = arith.constant 14 : i32
        %dma_start3A_1773 = arith.constant 0 : i32
        %dma_start3A_1774 = tpu.memref_slice %arg10[%dma_start3A, %dma_start3A_1773] : memref<16x128xi32, #tpu.memory_space<vmem>> -> memref<1x128xi32, #tpu.memory_space<vmem>>
        %dma_start3A_1775 = tpu.memref_squeeze %dma_start3A_1774 : memref<1x128xi32, #tpu.memory_space<vmem>> -> memref<128xi32, #tpu.memory_space<vmem>>
        %dma_start3A_1776 = arith.constant 0 : i32
        %dma_start3A_1777 = tpu.memref_slice %arg16[%dma_start3A_1776] : memref<10000xf32, #tpu.memory_space<vmem_shared>> -> memref<10000xf32, #tpu.memory_space<vmem_shared>>
        tpu.enqueue_indirect_dma source(%arg13 : memref<128xf32, #tpu.memory_space<vmem>>) target(%dma_start3A_1777 : memref<10000xf32, #tpu.memory_space<vmem_shared>>) offsets(%dma_start3A_1775 : memref<128xi32, #tpu.memory_space<vmem>>) semaphore(%arg21 : memref<!tpu.dma_semaphore, #tpu.memory_space<semaphore_mem>>) {add = true}
        %run_scoped3A = arith.constant 14 : i32
        "tpu.region"() ({
          %run_scoped3A_1778 = tpu.sem_alloc : memref<!tpu.dma_semaphore, #tpu.memory_space<semaphore_mem>>
          %dma_start3A_1779 = arith.constant 0 : i32
          %dma_start3A_1780 = tpu.memref_slice %arg10[%run_scoped3A, %dma_start3A_1779] : memref<16x128xi32, #tpu.memory_space<vmem>> -> memref<1x128xi32, #tpu.memory_space<vmem>>
          %dma_start3A_1781 = tpu.memref_squeeze %dma_start3A_1780 : memref<1x128xi32, #tpu.memory_space<vmem>> -> memref<128xi32, #tpu.memory_space<vmem>>
          %dma_start3A_1782 = arith.constant 0 : i32
          %dma_start3A_1783 = arith.constant 0 : i32
          %dma_start3A_1784 = tpu.memref_slice %arg15[%dma_start3A_1782, %dma_start3A_1783] : memref<10000x128xf32, #tpu.memory_space<vmem_shared>> -> memref<10000x128xf32, #tpu.memory_space<vmem_shared>>
          tpu.enqueue_indirect_dma source(%arg11 : memref<128x128xf32, #tpu.memory_space<vmem>>) target(%dma_start3A_1784 : memref<10000x128xf32, #tpu.memory_space<vmem_shared>>) offsets(%dma_start3A_1781 : memref<128xi32, #tpu.memory_space<vmem>>) semaphore(%run_scoped3A_1778 : memref<!tpu.dma_semaphore, #tpu.memory_space<semaphore_mem>>) {add = true}
          %dma_wait3A = arith.constant 0 : i32
          %dma_wait3A_1785 = tpu.memref_slice %arg10[%run_scoped3A, %dma_wait3A] : memref<16x128xi32, #tpu.memory_space<vmem>> -> memref<1x128xi32, #tpu.memory_space<vmem>>
          %dma_wait3A_1786 = tpu.memref_squeeze %dma_wait3A_1785 : memref<1x128xi32, #tpu.memory_space<vmem>> -> memref<128xi32, #tpu.memory_space<vmem>>
          %dma_wait3A_1787 = arith.constant 0 : i32
          %dma_wait3A_1788 = arith.constant 0 : i32
          %dma_wait3A_1789 = tpu.memref_slice %arg15[%dma_wait3A_1787, %dma_wait3A_1788] : memref<10000x128xf32, #tpu.memory_space<vmem_shared>> -> memref<10000x128xf32, #tpu.memory_space<vmem_shared>>
          tpu.wait_indirect_dma semaphore(%run_scoped3A_1778 : memref<!tpu.dma_semaphore, #tpu.memory_space<semaphore_mem>>) src(%arg11 : memref<128x128xf32, #tpu.memory_space<vmem>>) dst(%dma_wait3A_1789 : memref<10000x128xf32, #tpu.memory_space<vmem_shared>>)
          tpu.yield
        }) : () -> ()
      } else {
      }
      %mul3A_1737 = arith.constant 16 : i32
      %mul3A_1738 = arith.muli %add3A_1128, %mul3A_1737 : i32
      %add3A_1739 = arith.constant 0 : i32
      %add3A_1740 = arith.addi %mul3A_1738, %add3A_1739 : i32
      %lt3A_1741 = arith.constant 2500 : i32
      %lt3A_1742 = arith.cmpi slt, %add3A_1740, %lt3A_1741 : i32
      %convert_element_type3A_1743 = arith.extui %lt3A_1742 : i1 to i32
      %cond3A_1744 = arith.constant 0 : i32
      %cond3A_1745 = arith.cmpi ne, %convert_element_type3A_1743, %cond3A_1744 : i32
      scf.if %cond3A_1745 {
        %dma_start3A = arith.constant 0 : i32
        %dma_start3A_1773 = arith.constant 0 : i32
        %dma_start3A_1774 = tpu.memref_slice %arg7[%dma_start3A, %dma_start3A_1773] : memref<16x128xi32, #tpu.memory_space<vmem>> -> memref<1x128xi32, #tpu.memory_space<vmem>>
        %dma_start3A_1775 = tpu.memref_squeeze %dma_start3A_1774 : memref<1x128xi32, #tpu.memory_space<vmem>> -> memref<128xi32, #tpu.memory_space<vmem>>
        %dma_start3A_1776 = arith.constant 0 : i32
        %dma_start3A_1777 = arith.constant 0 : i32
        %dma_start3A_1778 = tpu.memref_slice %arg2[%dma_start3A_1776, %dma_start3A_1777] : memref<10000x128xf32, #tpu.memory_space<hbm>> -> memref<10000x128xf32, #tpu.memory_space<hbm>>
        tpu.enqueue_indirect_dma source(%dma_start3A_1778 : memref<10000x128xf32, #tpu.memory_space<hbm>>) target(%arg11 : memref<128x128xf32, #tpu.memory_space<vmem>>) offsets(%dma_start3A_1775 : memref<128xi32, #tpu.memory_space<vmem>>) semaphore(%arg19 : memref<!tpu.dma_semaphore, #tpu.memory_space<semaphore_mem>>)
      } else {
      }
      %mul3A_1746 = arith.constant 16 : i32
      %mul3A_1747 = arith.muli %add3A_477, %mul3A_1746 : i32
      %add3A_1748 = arith.constant 15 : i32
      %add3A_1749 = arith.addi %mul3A_1747, %add3A_1748 : i32
      %lt3A_1750 = arith.constant 2500 : i32
      %lt3A_1751 = arith.cmpi slt, %add3A_1749, %lt3A_1750 : i32
      %convert_element_type3A_1752 = arith.extui %lt3A_1751 : i1 to i32
      %cond3A_1753 = arith.constant 0 : i32
      %cond3A_1754 = arith.cmpi ne, %convert_element_type3A_1752, %cond3A_1753 : i32
      scf.if %cond3A_1754 {
        %dma_wait3A = arith.constant 0 : i32
        %dma_wait3A_1773 = arith.constant 0 : i32
        %dma_wait3A_1774 = tpu.memref_slice %arg2[%dma_wait3A, %dma_wait3A_1773] : memref<10000x128xf32, #tpu.memory_space<hbm>> -> memref<128x128xf32, #tpu.memory_space<hbm>>
        %dma_wait3A_1775 = arith.constant 0 : i32
        %dma_wait3A_1776 = arith.constant 0 : i32
        %dma_wait3A_1777 = tpu.memref_slice %arg2[%dma_wait3A_1775, %dma_wait3A_1776] : memref<10000x128xf32, #tpu.memory_space<hbm>> -> memref<128x128xf32, #tpu.memory_space<hbm>>
        tpu.wait_dma2 semaphore(%arg20 : memref<!tpu.dma_semaphore, #tpu.memory_space<semaphore_mem>>) src(%dma_wait3A_1777 : memref<128x128xf32, #tpu.memory_space<hbm>>) dst(%arg12 : memref<128x128xf32, #tpu.memory_space<vmem>>)
      } else {
      }
      %mul3A_1755 = arith.constant 16 : i32
      %mul3A_1756 = arith.muli %add3A_477, %mul3A_1755 : i32
      %add3A_1757 = arith.constant 15 : i32
      %add3A_1758 = arith.addi %mul3A_1756, %add3A_1757 : i32
      %lt3A_1759 = arith.constant 2500 : i32
      %lt3A_1760 = arith.cmpi slt, %add3A_1758, %lt3A_1759 : i32
      %convert_element_type3A_1761 = arith.extui %lt3A_1760 : i1 to i32
      %cond3A_1762 = arith.constant 0 : i32
      %cond3A_1763 = arith.cmpi ne, %convert_element_type3A_1761, %cond3A_1762 : i32
      scf.if %cond3A_1763 {
        %dma_start3A = arith.constant 15 : i32
        %dma_start3A_1773 = arith.constant 0 : i32
        %dma_start3A_1774 = tpu.memref_slice %arg10[%dma_start3A, %dma_start3A_1773] : memref<16x128xi32, #tpu.memory_space<vmem>> -> memref<1x128xi32, #tpu.memory_space<vmem>>
        %dma_start3A_1775 = tpu.memref_squeeze %dma_start3A_1774 : memref<1x128xi32, #tpu.memory_space<vmem>> -> memref<128xi32, #tpu.memory_space<vmem>>
        %dma_start3A_1776 = arith.constant 0 : i32
        %dma_start3A_1777 = tpu.memref_slice %arg16[%dma_start3A_1776] : memref<10000xf32, #tpu.memory_space<vmem_shared>> -> memref<10000xf32, #tpu.memory_space<vmem_shared>>
        tpu.enqueue_indirect_dma source(%arg13 : memref<128xf32, #tpu.memory_space<vmem>>) target(%dma_start3A_1777 : memref<10000xf32, #tpu.memory_space<vmem_shared>>) offsets(%dma_start3A_1775 : memref<128xi32, #tpu.memory_space<vmem>>) semaphore(%arg21 : memref<!tpu.dma_semaphore, #tpu.memory_space<semaphore_mem>>) {add = true}
        %run_scoped3A = arith.constant 15 : i32
        "tpu.region"() ({
          %run_scoped3A_1778 = tpu.sem_alloc : memref<!tpu.dma_semaphore, #tpu.memory_space<semaphore_mem>>
          %dma_start3A_1779 = arith.constant 0 : i32
          %dma_start3A_1780 = tpu.memref_slice %arg10[%run_scoped3A, %dma_start3A_1779] : memref<16x128xi32, #tpu.memory_space<vmem>> -> memref<1x128xi32, #tpu.memory_space<vmem>>
          %dma_start3A_1781 = tpu.memref_squeeze %dma_start3A_1780 : memref<1x128xi32, #tpu.memory_space<vmem>> -> memref<128xi32, #tpu.memory_space<vmem>>
          %dma_start3A_1782 = arith.constant 0 : i32
          %dma_start3A_1783 = arith.constant 0 : i32
          %dma_start3A_1784 = tpu.memref_slice %arg15[%dma_start3A_1782, %dma_start3A_1783] : memref<10000x128xf32, #tpu.memory_space<vmem_shared>> -> memref<10000x128xf32, #tpu.memory_space<vmem_shared>>
          tpu.enqueue_indirect_dma source(%arg12 : memref<128x128xf32, #tpu.memory_space<vmem>>) target(%dma_start3A_1784 : memref<10000x128xf32, #tpu.memory_space<vmem_shared>>) offsets(%dma_start3A_1781 : memref<128xi32, #tpu.memory_space<vmem>>) semaphore(%run_scoped3A_1778 : memref<!tpu.dma_semaphore, #tpu.memory_space<semaphore_mem>>) {add = true}
          %dma_wait3A = arith.constant 0 : i32
          %dma_wait3A_1785 = tpu.memref_slice %arg10[%run_scoped3A, %dma_wait3A] : memref<16x128xi32, #tpu.memory_space<vmem>> -> memref<1x128xi32, #tpu.memory_space<vmem>>
          %dma_wait3A_1786 = tpu.memref_squeeze %dma_wait3A_1785 : memref<1x128xi32, #tpu.memory_space<vmem>> -> memref<128xi32, #tpu.memory_space<vmem>>
          %dma_wait3A_1787 = arith.constant 0 : i32
          %dma_wait3A_1788 = arith.constant 0 : i32
          %dma_wait3A_1789 = tpu.memref_slice %arg15[%dma_wait3A_1787, %dma_wait3A_1788] : memref<10000x128xf32, #tpu.memory_space<vmem_shared>> -> memref<10000x128xf32, #tpu.memory_space<vmem_shared>>
          tpu.wait_indirect_dma semaphore(%run_scoped3A_1778 : memref<!tpu.dma_semaphore, #tpu.memory_space<semaphore_mem>>) src(%arg12 : memref<128x128xf32, #tpu.memory_space<vmem>>) dst(%dma_wait3A_1789 : memref<10000x128xf32, #tpu.memory_space<vmem_shared>>)
          tpu.yield
        }) : () -> ()
      } else {
      }
      %mul3A_1764 = arith.constant 16 : i32
      %mul3A_1765 = arith.muli %add3A_1128, %mul3A_1764 : i32
      %add3A_1766 = arith.constant 1 : i32
      %add3A_1767 = arith.addi %mul3A_1765, %add3A_1766 : i32
      %lt3A_1768 = arith.constant 2500 : i32
      %lt3A_1769 = arith.cmpi slt, %add3A_1767, %lt3A_1768 : i32
      %convert_element_type3A_1770 = arith.extui %lt3A_1769 : i1 to i32
      %cond3A_1771 = arith.constant 0 : i32
      %cond3A_1772 = arith.cmpi ne, %convert_element_type3A_1770, %cond3A_1771 : i32
      scf.if %cond3A_1772 {
        %dma_start3A = arith.constant 1 : i32
        %dma_start3A_1773 = arith.constant 0 : i32
        %dma_start3A_1774 = tpu.memref_slice %arg7[%dma_start3A, %dma_start3A_1773] : memref<16x128xi32, #tpu.memory_space<vmem>> -> memref<1x128xi32, #tpu.memory_space<vmem>>
        %dma_start3A_1775 = tpu.memref_squeeze %dma_start3A_1774 : memref<1x128xi32, #tpu.memory_space<vmem>> -> memref<128xi32, #tpu.memory_space<vmem>>
        %dma_start3A_1776 = arith.constant 0 : i32
        %dma_start3A_1777 = arith.constant 0 : i32
        %dma_start3A_1778 = tpu.memref_slice %arg2[%dma_start3A_1776, %dma_start3A_1777] : memref<10000x128xf32, #tpu.memory_space<hbm>> -> memref<10000x128xf32, #tpu.memory_space<hbm>>
        tpu.enqueue_indirect_dma source(%dma_start3A_1778 : memref<10000x128xf32, #tpu.memory_space<hbm>>) target(%arg12 : memref<128x128xf32, #tpu.memory_space<vmem>>) offsets(%dma_start3A_1775 : memref<128xi32, #tpu.memory_space<vmem>>) semaphore(%arg20 : memref<!tpu.dma_semaphore, #tpu.memory_space<semaphore_mem>>)
      } else {
      }
    }
    %scan3A_261 = arith.constant 3 : i32
    %add3A_262 = arith.constant 160 : i32
    %add3A_263 = arith.addi %add3A, %add3A_262 : i32
    %ge3A = arith.constant 0 : i32
    %ge3A_264 = arith.cmpi sge, %add3A_263, %ge3A : i32
    %mul3A_265 = arith.constant 16 : i32
    %mul3A_266 = arith.muli %add3A_263, %mul3A_265 : i32
    %add3A_267 = arith.constant 0 : i32
    %add3A_268 = arith.addi %mul3A_266, %add3A_267 : i32
    %lt3A_269 = arith.constant 2500 : i32
    %lt3A_270 = arith.cmpi slt, %add3A_268, %lt3A_269 : i32
    %and3A = arith.andi %ge3A_264, %lt3A_270 : i1
    %convert_element_type3A_271 = arith.extui %and3A : i1 to i32
    %cond3A_272 = arith.constant 0 : i32
    %cond3A_273 = arith.cmpi ne, %convert_element_type3A_271, %cond3A_272 : i32
    scf.if %cond3A_273 {
      %dma_wait3A = arith.constant 0 : i32
      %dma_wait3A_465 = tpu.memref_slice %arg16[%dma_wait3A] : memref<10000xf32, #tpu.memory_space<vmem_shared>> -> memref<128xf32, #tpu.memory_space<vmem_shared>>
      %dma_wait3A_466 = arith.constant 0 : i32
      %dma_wait3A_467 = tpu.memref_slice %arg16[%dma_wait3A_466] : memref<10000xf32, #tpu.memory_space<vmem_shared>> -> memref<128xf32, #tpu.memory_space<vmem_shared>>
      tpu.wait_dma2 semaphore(%arg21 : memref<!tpu.dma_semaphore, #tpu.memory_space<semaphore_mem>>) src(%arg13 : memref<128xf32, #tpu.memory_space<vmem>>) dst(%dma_wait3A_467 : memref<128xf32, #tpu.memory_space<vmem_shared>>)
    } else {
    }
    %ge3A_274 = arith.constant 0 : i32
    %ge3A_275 = arith.cmpi sge, %add3A_263, %ge3A_274 : i32
    %mul3A_276 = arith.constant 16 : i32
    %mul3A_277 = arith.muli %add3A_263, %mul3A_276 : i32
    %add3A_278 = arith.constant 1 : i32
    %add3A_279 = arith.addi %mul3A_277, %add3A_278 : i32
    %lt3A_280 = arith.constant 2500 : i32
    %lt3A_281 = arith.cmpi slt, %add3A_279, %lt3A_280 : i32
    %and3A_282 = arith.andi %ge3A_275, %lt3A_281 : i1
    %convert_element_type3A_283 = arith.extui %and3A_282 : i1 to i32
    %cond3A_284 = arith.constant 0 : i32
    %cond3A_285 = arith.cmpi ne, %convert_element_type3A_283, %cond3A_284 : i32
    scf.if %cond3A_285 {
      %dma_wait3A = arith.constant 0 : i32
      %dma_wait3A_465 = tpu.memref_slice %arg16[%dma_wait3A] : memref<10000xf32, #tpu.memory_space<vmem_shared>> -> memref<128xf32, #tpu.memory_space<vmem_shared>>
      %dma_wait3A_466 = arith.constant 0 : i32
      %dma_wait3A_467 = tpu.memref_slice %arg16[%dma_wait3A_466] : memref<10000xf32, #tpu.memory_space<vmem_shared>> -> memref<128xf32, #tpu.memory_space<vmem_shared>>
      tpu.wait_dma2 semaphore(%arg21 : memref<!tpu.dma_semaphore, #tpu.memory_space<semaphore_mem>>) src(%arg13 : memref<128xf32, #tpu.memory_space<vmem>>) dst(%dma_wait3A_467 : memref<128xf32, #tpu.memory_space<vmem_shared>>)
    } else {
    }
    %ge3A_286 = arith.constant 0 : i32
    %ge3A_287 = arith.cmpi sge, %add3A_263, %ge3A_286 : i32
    %mul3A_288 = arith.constant 16 : i32
    %mul3A_289 = arith.muli %add3A_263, %mul3A_288 : i32
    %add3A_290 = arith.constant 2 : i32
    %add3A_291 = arith.addi %mul3A_289, %add3A_290 : i32
    %lt3A_292 = arith.constant 2500 : i32
    %lt3A_293 = arith.cmpi slt, %add3A_291, %lt3A_292 : i32
    %and3A_294 = arith.andi %ge3A_287, %lt3A_293 : i1
    %convert_element_type3A_295 = arith.extui %and3A_294 : i1 to i32
    %cond3A_296 = arith.constant 0 : i32
    %cond3A_297 = arith.cmpi ne, %convert_element_type3A_295, %cond3A_296 : i32
    scf.if %cond3A_297 {
      %dma_wait3A = arith.constant 0 : i32
      %dma_wait3A_465 = tpu.memref_slice %arg16[%dma_wait3A] : memref<10000xf32, #tpu.memory_space<vmem_shared>> -> memref<128xf32, #tpu.memory_space<vmem_shared>>
      %dma_wait3A_466 = arith.constant 0 : i32
      %dma_wait3A_467 = tpu.memref_slice %arg16[%dma_wait3A_466] : memref<10000xf32, #tpu.memory_space<vmem_shared>> -> memref<128xf32, #tpu.memory_space<vmem_shared>>
      tpu.wait_dma2 semaphore(%arg21 : memref<!tpu.dma_semaphore, #tpu.memory_space<semaphore_mem>>) src(%arg13 : memref<128xf32, #tpu.memory_space<vmem>>) dst(%dma_wait3A_467 : memref<128xf32, #tpu.memory_space<vmem_shared>>)
    } else {
    }
    %ge3A_298 = arith.constant 0 : i32
    %ge3A_299 = arith.cmpi sge, %add3A_263, %ge3A_298 : i32
    %mul3A_300 = arith.constant 16 : i32
    %mul3A_301 = arith.muli %add3A_263, %mul3A_300 : i32
    %add3A_302 = arith.constant 3 : i32
    %add3A_303 = arith.addi %mul3A_301, %add3A_302 : i32
    %lt3A_304 = arith.constant 2500 : i32
    %lt3A_305 = arith.cmpi slt, %add3A_303, %lt3A_304 : i32
    %and3A_306 = arith.andi %ge3A_299, %lt3A_305 : i1
    %convert_element_type3A_307 = arith.extui %and3A_306 : i1 to i32
    %cond3A_308 = arith.constant 0 : i32
    %cond3A_309 = arith.cmpi ne, %convert_element_type3A_307, %cond3A_308 : i32
    scf.if %cond3A_309 {
      %dma_wait3A = arith.constant 0 : i32
      %dma_wait3A_465 = tpu.memref_slice %arg16[%dma_wait3A] : memref<10000xf32, #tpu.memory_space<vmem_shared>> -> memref<128xf32, #tpu.memory_space<vmem_shared>>
      %dma_wait3A_466 = arith.constant 0 : i32
      %dma_wait3A_467 = tpu.memref_slice %arg16[%dma_wait3A_466] : memref<10000xf32, #tpu.memory_space<vmem_shared>> -> memref<128xf32, #tpu.memory_space<vmem_shared>>
      tpu.wait_dma2 semaphore(%arg21 : memref<!tpu.dma_semaphore, #tpu.memory_space<semaphore_mem>>) src(%arg13 : memref<128xf32, #tpu.memory_space<vmem>>) dst(%dma_wait3A_467 : memref<128xf32, #tpu.memory_space<vmem_shared>>)
    } else {
    }
    %ge3A_310 = arith.constant 0 : i32
    %ge3A_311 = arith.cmpi sge, %add3A_263, %ge3A_310 : i32
    %mul3A_312 = arith.constant 16 : i32
    %mul3A_313 = arith.muli %add3A_263, %mul3A_312 : i32
    %add3A_314 = arith.constant 4 : i32
    %add3A_315 = arith.addi %mul3A_313, %add3A_314 : i32
    %lt3A_316 = arith.constant 2500 : i32
    %lt3A_317 = arith.cmpi slt, %add3A_315, %lt3A_316 : i32
    %and3A_318 = arith.andi %ge3A_311, %lt3A_317 : i1
    %convert_element_type3A_319 = arith.extui %and3A_318 : i1 to i32
    %cond3A_320 = arith.constant 0 : i32
    %cond3A_321 = arith.cmpi ne, %convert_element_type3A_319, %cond3A_320 : i32
    scf.if %cond3A_321 {
      %dma_wait3A = arith.constant 0 : i32
      %dma_wait3A_465 = tpu.memref_slice %arg16[%dma_wait3A] : memref<10000xf32, #tpu.memory_space<vmem_shared>> -> memref<128xf32, #tpu.memory_space<vmem_shared>>
      %dma_wait3A_466 = arith.constant 0 : i32
      %dma_wait3A_467 = tpu.memref_slice %arg16[%dma_wait3A_466] : memref<10000xf32, #tpu.memory_space<vmem_shared>> -> memref<128xf32, #tpu.memory_space<vmem_shared>>
      tpu.wait_dma2 semaphore(%arg21 : memref<!tpu.dma_semaphore, #tpu.memory_space<semaphore_mem>>) src(%arg13 : memref<128xf32, #tpu.memory_space<vmem>>) dst(%dma_wait3A_467 : memref<128xf32, #tpu.memory_space<vmem_shared>>)
    } else {
    }
    %ge3A_322 = arith.constant 0 : i32
    %ge3A_323 = arith.cmpi sge, %add3A_263, %ge3A_322 : i32
    %mul3A_324 = arith.constant 16 : i32
    %mul3A_325 = arith.muli %add3A_263, %mul3A_324 : i32
    %add3A_326 = arith.constant 5 : i32
    %add3A_327 = arith.addi %mul3A_325, %add3A_326 : i32
    %lt3A_328 = arith.constant 2500 : i32
    %lt3A_329 = arith.cmpi slt, %add3A_327, %lt3A_328 : i32
    %and3A_330 = arith.andi %ge3A_323, %lt3A_329 : i1
    %convert_element_type3A_331 = arith.extui %and3A_330 : i1 to i32
    %cond3A_332 = arith.constant 0 : i32
    %cond3A_333 = arith.cmpi ne, %convert_element_type3A_331, %cond3A_332 : i32
    scf.if %cond3A_333 {
      %dma_wait3A = arith.constant 0 : i32
      %dma_wait3A_465 = tpu.memref_slice %arg16[%dma_wait3A] : memref<10000xf32, #tpu.memory_space<vmem_shared>> -> memref<128xf32, #tpu.memory_space<vmem_shared>>
      %dma_wait3A_466 = arith.constant 0 : i32
      %dma_wait3A_467 = tpu.memref_slice %arg16[%dma_wait3A_466] : memref<10000xf32, #tpu.memory_space<vmem_shared>> -> memref<128xf32, #tpu.memory_space<vmem_shared>>
      tpu.wait_dma2 semaphore(%arg21 : memref<!tpu.dma_semaphore, #tpu.memory_space<semaphore_mem>>) src(%arg13 : memref<128xf32, #tpu.memory_space<vmem>>) dst(%dma_wait3A_467 : memref<128xf32, #tpu.memory_space<vmem_shared>>)
    } else {
    }
    %ge3A_334 = arith.constant 0 : i32
    %ge3A_335 = arith.cmpi sge, %add3A_263, %ge3A_334 : i32
    %mul3A_336 = arith.constant 16 : i32
    %mul3A_337 = arith.muli %add3A_263, %mul3A_336 : i32
    %add3A_338 = arith.constant 6 : i32
    %add3A_339 = arith.addi %mul3A_337, %add3A_338 : i32
    %lt3A_340 = arith.constant 2500 : i32
    %lt3A_341 = arith.cmpi slt, %add3A_339, %lt3A_340 : i32
    %and3A_342 = arith.andi %ge3A_335, %lt3A_341 : i1
    %convert_element_type3A_343 = arith.extui %and3A_342 : i1 to i32
    %cond3A_344 = arith.constant 0 : i32
    %cond3A_345 = arith.cmpi ne, %convert_element_type3A_343, %cond3A_344 : i32
    scf.if %cond3A_345 {
      %dma_wait3A = arith.constant 0 : i32
      %dma_wait3A_465 = tpu.memref_slice %arg16[%dma_wait3A] : memref<10000xf32, #tpu.memory_space<vmem_shared>> -> memref<128xf32, #tpu.memory_space<vmem_shared>>
      %dma_wait3A_466 = arith.constant 0 : i32
      %dma_wait3A_467 = tpu.memref_slice %arg16[%dma_wait3A_466] : memref<10000xf32, #tpu.memory_space<vmem_shared>> -> memref<128xf32, #tpu.memory_space<vmem_shared>>
      tpu.wait_dma2 semaphore(%arg21 : memref<!tpu.dma_semaphore, #tpu.memory_space<semaphore_mem>>) src(%arg13 : memref<128xf32, #tpu.memory_space<vmem>>) dst(%dma_wait3A_467 : memref<128xf32, #tpu.memory_space<vmem_shared>>)
    } else {
    }
    %ge3A_346 = arith.constant 0 : i32
    %ge3A_347 = arith.cmpi sge, %add3A_263, %ge3A_346 : i32
    %mul3A_348 = arith.constant 16 : i32
    %mul3A_349 = arith.muli %add3A_263, %mul3A_348 : i32
    %add3A_350 = arith.constant 7 : i32
    %add3A_351 = arith.addi %mul3A_349, %add3A_350 : i32
    %lt3A_352 = arith.constant 2500 : i32
    %lt3A_353 = arith.cmpi slt, %add3A_351, %lt3A_352 : i32
    %and3A_354 = arith.andi %ge3A_347, %lt3A_353 : i1
    %convert_element_type3A_355 = arith.extui %and3A_354 : i1 to i32
    %cond3A_356 = arith.constant 0 : i32
    %cond3A_357 = arith.cmpi ne, %convert_element_type3A_355, %cond3A_356 : i32
    scf.if %cond3A_357 {
      %dma_wait3A = arith.constant 0 : i32
      %dma_wait3A_465 = tpu.memref_slice %arg16[%dma_wait3A] : memref<10000xf32, #tpu.memory_space<vmem_shared>> -> memref<128xf32, #tpu.memory_space<vmem_shared>>
      %dma_wait3A_466 = arith.constant 0 : i32
      %dma_wait3A_467 = tpu.memref_slice %arg16[%dma_wait3A_466] : memref<10000xf32, #tpu.memory_space<vmem_shared>> -> memref<128xf32, #tpu.memory_space<vmem_shared>>
      tpu.wait_dma2 semaphore(%arg21 : memref<!tpu.dma_semaphore, #tpu.memory_space<semaphore_mem>>) src(%arg13 : memref<128xf32, #tpu.memory_space<vmem>>) dst(%dma_wait3A_467 : memref<128xf32, #tpu.memory_space<vmem_shared>>)
    } else {
    }
    %ge3A_358 = arith.constant 0 : i32
    %ge3A_359 = arith.cmpi sge, %add3A_263, %ge3A_358 : i32
    %mul3A_360 = arith.constant 16 : i32
    %mul3A_361 = arith.muli %add3A_263, %mul3A_360 : i32
    %add3A_362 = arith.constant 8 : i32
    %add3A_363 = arith.addi %mul3A_361, %add3A_362 : i32
    %lt3A_364 = arith.constant 2500 : i32
    %lt3A_365 = arith.cmpi slt, %add3A_363, %lt3A_364 : i32
    %and3A_366 = arith.andi %ge3A_359, %lt3A_365 : i1
    %convert_element_type3A_367 = arith.extui %and3A_366 : i1 to i32
    %cond3A_368 = arith.constant 0 : i32
    %cond3A_369 = arith.cmpi ne, %convert_element_type3A_367, %cond3A_368 : i32
    scf.if %cond3A_369 {
      %dma_wait3A = arith.constant 0 : i32
      %dma_wait3A_465 = tpu.memref_slice %arg16[%dma_wait3A] : memref<10000xf32, #tpu.memory_space<vmem_shared>> -> memref<128xf32, #tpu.memory_space<vmem_shared>>
      %dma_wait3A_466 = arith.constant 0 : i32
      %dma_wait3A_467 = tpu.memref_slice %arg16[%dma_wait3A_466] : memref<10000xf32, #tpu.memory_space<vmem_shared>> -> memref<128xf32, #tpu.memory_space<vmem_shared>>
      tpu.wait_dma2 semaphore(%arg21 : memref<!tpu.dma_semaphore, #tpu.memory_space<semaphore_mem>>) src(%arg13 : memref<128xf32, #tpu.memory_space<vmem>>) dst(%dma_wait3A_467 : memref<128xf32, #tpu.memory_space<vmem_shared>>)
    } else {
    }
    %ge3A_370 = arith.constant 0 : i32
    %ge3A_371 = arith.cmpi sge, %add3A_263, %ge3A_370 : i32
    %mul3A_372 = arith.constant 16 : i32
    %mul3A_373 = arith.muli %add3A_263, %mul3A_372 : i32
    %add3A_374 = arith.constant 9 : i32
    %add3A_375 = arith.addi %mul3A_373, %add3A_374 : i32
    %lt3A_376 = arith.constant 2500 : i32
    %lt3A_377 = arith.cmpi slt, %add3A_375, %lt3A_376 : i32
    %and3A_378 = arith.andi %ge3A_371, %lt3A_377 : i1
    %convert_element_type3A_379 = arith.extui %and3A_378 : i1 to i32
    %cond3A_380 = arith.constant 0 : i32
    %cond3A_381 = arith.cmpi ne, %convert_element_type3A_379, %cond3A_380 : i32
    scf.if %cond3A_381 {
      %dma_wait3A = arith.constant 0 : i32
      %dma_wait3A_465 = tpu.memref_slice %arg16[%dma_wait3A] : memref<10000xf32, #tpu.memory_space<vmem_shared>> -> memref<128xf32, #tpu.memory_space<vmem_shared>>
      %dma_wait3A_466 = arith.constant 0 : i32
      %dma_wait3A_467 = tpu.memref_slice %arg16[%dma_wait3A_466] : memref<10000xf32, #tpu.memory_space<vmem_shared>> -> memref<128xf32, #tpu.memory_space<vmem_shared>>
      tpu.wait_dma2 semaphore(%arg21 : memref<!tpu.dma_semaphore, #tpu.memory_space<semaphore_mem>>) src(%arg13 : memref<128xf32, #tpu.memory_space<vmem>>) dst(%dma_wait3A_467 : memref<128xf32, #tpu.memory_space<vmem_shared>>)
    } else {
    }
    %ge3A_382 = arith.constant 0 : i32
    %ge3A_383 = arith.cmpi sge, %add3A_263, %ge3A_382 : i32
    %mul3A_384 = arith.constant 16 : i32
    %mul3A_385 = arith.muli %add3A_263, %mul3A_384 : i32
    %add3A_386 = arith.constant 10 : i32
    %add3A_387 = arith.addi %mul3A_385, %add3A_386 : i32
    %lt3A_388 = arith.constant 2500 : i32
    %lt3A_389 = arith.cmpi slt, %add3A_387, %lt3A_388 : i32
    %and3A_390 = arith.andi %ge3A_383, %lt3A_389 : i1
    %convert_element_type3A_391 = arith.extui %and3A_390 : i1 to i32
    %cond3A_392 = arith.constant 0 : i32
    %cond3A_393 = arith.cmpi ne, %convert_element_type3A_391, %cond3A_392 : i32
    scf.if %cond3A_393 {
      %dma_wait3A = arith.constant 0 : i32
      %dma_wait3A_465 = tpu.memref_slice %arg16[%dma_wait3A] : memref<10000xf32, #tpu.memory_space<vmem_shared>> -> memref<128xf32, #tpu.memory_space<vmem_shared>>
      %dma_wait3A_466 = arith.constant 0 : i32
      %dma_wait3A_467 = tpu.memref_slice %arg16[%dma_wait3A_466] : memref<10000xf32, #tpu.memory_space<vmem_shared>> -> memref<128xf32, #tpu.memory_space<vmem_shared>>
      tpu.wait_dma2 semaphore(%arg21 : memref<!tpu.dma_semaphore, #tpu.memory_space<semaphore_mem>>) src(%arg13 : memref<128xf32, #tpu.memory_space<vmem>>) dst(%dma_wait3A_467 : memref<128xf32, #tpu.memory_space<vmem_shared>>)
    } else {
    }
    %ge3A_394 = arith.constant 0 : i32
    %ge3A_395 = arith.cmpi sge, %add3A_263, %ge3A_394 : i32
    %mul3A_396 = arith.constant 16 : i32
    %mul3A_397 = arith.muli %add3A_263, %mul3A_396 : i32
    %add3A_398 = arith.constant 11 : i32
    %add3A_399 = arith.addi %mul3A_397, %add3A_398 : i32
    %lt3A_400 = arith.constant 2500 : i32
    %lt3A_401 = arith.cmpi slt, %add3A_399, %lt3A_400 : i32
    %and3A_402 = arith.andi %ge3A_395, %lt3A_401 : i1
    %convert_element_type3A_403 = arith.extui %and3A_402 : i1 to i32
    %cond3A_404 = arith.constant 0 : i32
    %cond3A_405 = arith.cmpi ne, %convert_element_type3A_403, %cond3A_404 : i32
    scf.if %cond3A_405 {
      %dma_wait3A = arith.constant 0 : i32
      %dma_wait3A_465 = tpu.memref_slice %arg16[%dma_wait3A] : memref<10000xf32, #tpu.memory_space<vmem_shared>> -> memref<128xf32, #tpu.memory_space<vmem_shared>>
      %dma_wait3A_466 = arith.constant 0 : i32
      %dma_wait3A_467 = tpu.memref_slice %arg16[%dma_wait3A_466] : memref<10000xf32, #tpu.memory_space<vmem_shared>> -> memref<128xf32, #tpu.memory_space<vmem_shared>>
      tpu.wait_dma2 semaphore(%arg21 : memref<!tpu.dma_semaphore, #tpu.memory_space<semaphore_mem>>) src(%arg13 : memref<128xf32, #tpu.memory_space<vmem>>) dst(%dma_wait3A_467 : memref<128xf32, #tpu.memory_space<vmem_shared>>)
    } else {
    }
    %ge3A_406 = arith.constant 0 : i32
    %ge3A_407 = arith.cmpi sge, %add3A_263, %ge3A_406 : i32
    %mul3A_408 = arith.constant 16 : i32
    %mul3A_409 = arith.muli %add3A_263, %mul3A_408 : i32
    %add3A_410 = arith.constant 12 : i32
    %add3A_411 = arith.addi %mul3A_409, %add3A_410 : i32
    %lt3A_412 = arith.constant 2500 : i32
    %lt3A_413 = arith.cmpi slt, %add3A_411, %lt3A_412 : i32
    %and3A_414 = arith.andi %ge3A_407, %lt3A_413 : i1
    %convert_element_type3A_415 = arith.extui %and3A_414 : i1 to i32
    %cond3A_416 = arith.constant 0 : i32
    %cond3A_417 = arith.cmpi ne, %convert_element_type3A_415, %cond3A_416 : i32
    scf.if %cond3A_417 {
      %dma_wait3A = arith.constant 0 : i32
      %dma_wait3A_465 = tpu.memref_slice %arg16[%dma_wait3A] : memref<10000xf32, #tpu.memory_space<vmem_shared>> -> memref<128xf32, #tpu.memory_space<vmem_shared>>
      %dma_wait3A_466 = arith.constant 0 : i32
      %dma_wait3A_467 = tpu.memref_slice %arg16[%dma_wait3A_466] : memref<10000xf32, #tpu.memory_space<vmem_shared>> -> memref<128xf32, #tpu.memory_space<vmem_shared>>
      tpu.wait_dma2 semaphore(%arg21 : memref<!tpu.dma_semaphore, #tpu.memory_space<semaphore_mem>>) src(%arg13 : memref<128xf32, #tpu.memory_space<vmem>>) dst(%dma_wait3A_467 : memref<128xf32, #tpu.memory_space<vmem_shared>>)
    } else {
    }
    %ge3A_418 = arith.constant 0 : i32
    %ge3A_419 = arith.cmpi sge, %add3A_263, %ge3A_418 : i32
    %mul3A_420 = arith.constant 16 : i32
    %mul3A_421 = arith.muli %add3A_263, %mul3A_420 : i32
    %add3A_422 = arith.constant 13 : i32
    %add3A_423 = arith.addi %mul3A_421, %add3A_422 : i32
    %lt3A_424 = arith.constant 2500 : i32
    %lt3A_425 = arith.cmpi slt, %add3A_423, %lt3A_424 : i32
    %and3A_426 = arith.andi %ge3A_419, %lt3A_425 : i1
    %convert_element_type3A_427 = arith.extui %and3A_426 : i1 to i32
    %cond3A_428 = arith.constant 0 : i32
    %cond3A_429 = arith.cmpi ne, %convert_element_type3A_427, %cond3A_428 : i32
    scf.if %cond3A_429 {
      %dma_wait3A = arith.constant 0 : i32
      %dma_wait3A_465 = tpu.memref_slice %arg16[%dma_wait3A] : memref<10000xf32, #tpu.memory_space<vmem_shared>> -> memref<128xf32, #tpu.memory_space<vmem_shared>>
      %dma_wait3A_466 = arith.constant 0 : i32
      %dma_wait3A_467 = tpu.memref_slice %arg16[%dma_wait3A_466] : memref<10000xf32, #tpu.memory_space<vmem_shared>> -> memref<128xf32, #tpu.memory_space<vmem_shared>>
      tpu.wait_dma2 semaphore(%arg21 : memref<!tpu.dma_semaphore, #tpu.memory_space<semaphore_mem>>) src(%arg13 : memref<128xf32, #tpu.memory_space<vmem>>) dst(%dma_wait3A_467 : memref<128xf32, #tpu.memory_space<vmem_shared>>)
    } else {
    }
    %ge3A_430 = arith.constant 0 : i32
    %ge3A_431 = arith.cmpi sge, %add3A_263, %ge3A_430 : i32
    %mul3A_432 = arith.constant 16 : i32
    %mul3A_433 = arith.muli %add3A_263, %mul3A_432 : i32
    %add3A_434 = arith.constant 14 : i32
    %add3A_435 = arith.addi %mul3A_433, %add3A_434 : i32
    %lt3A_436 = arith.constant 2500 : i32
    %lt3A_437 = arith.cmpi slt, %add3A_435, %lt3A_436 : i32
    %and3A_438 = arith.andi %ge3A_431, %lt3A_437 : i1
    %convert_element_type3A_439 = arith.extui %and3A_438 : i1 to i32
    %cond3A_440 = arith.constant 0 : i32
    %cond3A_441 = arith.cmpi ne, %convert_element_type3A_439, %cond3A_440 : i32
    scf.if %cond3A_441 {
      %dma_wait3A = arith.constant 0 : i32
      %dma_wait3A_465 = tpu.memref_slice %arg16[%dma_wait3A] : memref<10000xf32, #tpu.memory_space<vmem_shared>> -> memref<128xf32, #tpu.memory_space<vmem_shared>>
      %dma_wait3A_466 = arith.constant 0 : i32
      %dma_wait3A_467 = tpu.memref_slice %arg16[%dma_wait3A_466] : memref<10000xf32, #tpu.memory_space<vmem_shared>> -> memref<128xf32, #tpu.memory_space<vmem_shared>>
      tpu.wait_dma2 semaphore(%arg21 : memref<!tpu.dma_semaphore, #tpu.memory_space<semaphore_mem>>) src(%arg13 : memref<128xf32, #tpu.memory_space<vmem>>) dst(%dma_wait3A_467 : memref<128xf32, #tpu.memory_space<vmem_shared>>)
    } else {
    }
    %ge3A_442 = arith.constant 0 : i32
    %ge3A_443 = arith.cmpi sge, %add3A_263, %ge3A_442 : i32
    %mul3A_444 = arith.constant 16 : i32
    %mul3A_445 = arith.muli %add3A_263, %mul3A_444 : i32
    %add3A_446 = arith.constant 15 : i32
    %add3A_447 = arith.addi %mul3A_445, %add3A_446 : i32
    %lt3A_448 = arith.constant 2500 : i32
    %lt3A_449 = arith.cmpi slt, %add3A_447, %lt3A_448 : i32
    %and3A_450 = arith.andi %ge3A_443, %lt3A_449 : i1
    %convert_element_type3A_451 = arith.extui %and3A_450 : i1 to i32
    %cond3A_452 = arith.constant 0 : i32
    %cond3A_453 = arith.cmpi ne, %convert_element_type3A_451, %cond3A_452 : i32
    scf.if %cond3A_453 {
      %dma_wait3A = arith.constant 0 : i32
      %dma_wait3A_465 = tpu.memref_slice %arg16[%dma_wait3A] : memref<10000xf32, #tpu.memory_space<vmem_shared>> -> memref<128xf32, #tpu.memory_space<vmem_shared>>
      %dma_wait3A_466 = arith.constant 0 : i32
      %dma_wait3A_467 = tpu.memref_slice %arg16[%dma_wait3A_466] : memref<10000xf32, #tpu.memory_space<vmem_shared>> -> memref<128xf32, #tpu.memory_space<vmem_shared>>
      tpu.wait_dma2 semaphore(%arg21 : memref<!tpu.dma_semaphore, #tpu.memory_space<semaphore_mem>>) src(%arg13 : memref<128xf32, #tpu.memory_space<vmem>>) dst(%dma_wait3A_467 : memref<128xf32, #tpu.memory_space<vmem_shared>>)
    } else {
    }
    %barrier3A_454 = arith.constant 0 : index
    tpu.barrier barrier_id(%barrier3A_454)
    "tpu.region"() ({
      %run_scoped3A = tpu.sem_alloc : memref<!tpu.dma_semaphore, #tpu.memory_space<semaphore_mem>>
      %dma_start3A = arith.constant 0 : i32
      %dma_start3A_465 = tpu.memref_slice %arg5[%arg0, %mul3A_201, %dma_start3A] : memref<2x10000x128xf32, #tpu.memory_space<hbm>> -> memref<1x512x128xf32, #tpu.memory_space<hbm>>
      %dma_start3A_466 = tpu.memref_squeeze %dma_start3A_465 : memref<1x512x128xf32, #tpu.memory_space<hbm>> -> memref<512x128xf32, #tpu.memory_space<hbm>>
      %dma_start3A_467 = arith.constant 0 : i32
      %dma_start3A_468 = tpu.memref_slice %arg15[%mul3A_201, %dma_start3A_467] : memref<10000x128xf32, #tpu.memory_space<vmem_shared>> -> memref<512x128xf32, #tpu.memory_space<vmem_shared>>
      tpu.enqueue_dma source(%dma_start3A_468 : memref<512x128xf32, #tpu.memory_space<vmem_shared>>) target(%dma_start3A_466 : memref<512x128xf32, #tpu.memory_space<hbm>>) target_semaphore(%run_scoped3A : memref<!tpu.dma_semaphore, #tpu.memory_space<semaphore_mem>>)
      %dma_wait3A = arith.constant 0 : i32
      %dma_wait3A_469 = tpu.memref_slice %arg5[%arg0, %mul3A_201, %dma_wait3A] : memref<2x10000x128xf32, #tpu.memory_space<hbm>> -> memref<1x512x128xf32, #tpu.memory_space<hbm>>
      %dma_wait3A_470 = tpu.memref_squeeze %dma_wait3A_469 : memref<1x512x128xf32, #tpu.memory_space<hbm>> -> memref<512x128xf32, #tpu.memory_space<hbm>>
      %dma_wait3A_471 = arith.constant 0 : i32
      %dma_wait3A_472 = tpu.memref_slice %arg15[%mul3A_201, %dma_wait3A_471] : memref<10000x128xf32, #tpu.memory_space<vmem_shared>> -> memref<512x128xf32, #tpu.memory_space<vmem_shared>>
      tpu.wait_dma2 semaphore(%run_scoped3A : memref<!tpu.dma_semaphore, #tpu.memory_space<semaphore_mem>>) src(%dma_wait3A_472 : memref<512x128xf32, #tpu.memory_space<vmem_shared>>) dst(%dma_wait3A_470 : memref<512x128xf32, #tpu.memory_space<hbm>>)
      tpu.yield
    }) : () -> ()
    %lt3A_455 = arith.constant 15 : i32
    %lt3A_456 = arith.cmpi slt, %arg1, %lt3A_455 : i32
    %convert_element_type3A_457 = arith.extui %lt3A_456 : i1 to i32
    %cond3A_458 = arith.constant 0 : i32
    %cond3A_459 = arith.cmpi ne, %convert_element_type3A_457, %cond3A_458 : i32
    scf.if %cond3A_459 {
      %add3A_465 = arith.constant 512 : i32
      %add3A_466 = arith.addi %mul3A_201, %add3A_465 : i32
      %add3A_467 = arith.constant 512 : i32
      %add3A_468 = arith.addi %mul3A_201, %add3A_467 : i32
      "tpu.region"() ({
        %run_scoped3A = tpu.sem_alloc : memref<!tpu.dma_semaphore, #tpu.memory_space<semaphore_mem>>
        %dma_start3A = arith.constant 0 : i32
        %dma_start3A_472 = tpu.memref_slice %arg5[%arg0, %add3A_468, %dma_start3A] : memref<2x10000x128xf32, #tpu.memory_space<hbm>> -> memref<1x120x128xf32, #tpu.memory_space<hbm>>
        %dma_start3A_473 = tpu.memref_squeeze %dma_start3A_472 : memref<1x120x128xf32, #tpu.memory_space<hbm>> -> memref<120x128xf32, #tpu.memory_space<hbm>>
        %dma_start3A_474 = arith.constant 0 : i32
        %dma_start3A_475 = tpu.memref_slice %arg15[%add3A_466, %dma_start3A_474] : memref<10000x128xf32, #tpu.memory_space<vmem_shared>> -> memref<120x128xf32, #tpu.memory_space<vmem_shared>>
        tpu.enqueue_dma source(%dma_start3A_475 : memref<120x128xf32, #tpu.memory_space<vmem_shared>>) target(%dma_start3A_473 : memref<120x128xf32, #tpu.memory_space<hbm>>) target_semaphore(%run_scoped3A : memref<!tpu.dma_semaphore, #tpu.memory_space<semaphore_mem>>)
        %dma_wait3A = arith.constant 0 : i32
        %dma_wait3A_476 = tpu.memref_slice %arg5[%arg0, %add3A_468, %dma_wait3A] : memref<2x10000x128xf32, #tpu.memory_space<hbm>> -> memref<1x120x128xf32, #tpu.memory_space<hbm>>
        %dma_wait3A_477 = tpu.memref_squeeze %dma_wait3A_476 : memref<1x120x128xf32, #tpu.memory_space<hbm>> -> memref<120x128xf32, #tpu.memory_space<hbm>>
        %dma_wait3A_478 = arith.constant 0 : i32
        %dma_wait3A_479 = tpu.memref_slice %arg15[%add3A_466, %dma_wait3A_478] : memref<10000x128xf32, #tpu.memory_space<vmem_shared>> -> memref<120x128xf32, #tpu.memory_space<vmem_shared>>
        tpu.wait_dma2 semaphore(%run_scoped3A : memref<!tpu.dma_semaphore, #tpu.memory_space<semaphore_mem>>) src(%dma_wait3A_479 : memref<120x128xf32, #tpu.memory_space<vmem_shared>>) dst(%dma_wait3A_477 : memref<120x128xf32, #tpu.memory_space<hbm>>)
        tpu.yield
      }) : () -> ()
      "tpu.region"() ({
        %run_scoped3A = tpu.sem_alloc : memref<!tpu.dma_semaphore, #tpu.memory_space<semaphore_mem>>
        %dma_start3A = tpu.memref_slice %arg16[%mul3A_203] : memref<10000xf32, #tpu.memory_space<vmem_shared>> -> memref<640xf32, #tpu.memory_space<vmem_shared>>
        %dma_start3A_472 = tpu.memref_slice %arg16[%mul3A_203] : memref<10000xf32, #tpu.memory_space<vmem_shared>> -> memref<640xf32, #tpu.memory_space<vmem_shared>>
        tpu.enqueue_dma source(%dma_start3A_472 : memref<640xf32, #tpu.memory_space<vmem_shared>>) target(%arg14 : memref<640xf32, #tpu.memory_space<vmem>>) target_semaphore(%run_scoped3A : memref<!tpu.dma_semaphore, #tpu.memory_space<semaphore_mem>>)
        %dma_wait3A = tpu.memref_slice %arg16[%mul3A_203] : memref<10000xf32, #tpu.memory_space<vmem_shared>> -> memref<640xf32, #tpu.memory_space<vmem_shared>>
        %dma_wait3A_473 = tpu.memref_slice %arg16[%mul3A_203] : memref<10000xf32, #tpu.memory_space<vmem_shared>> -> memref<640xf32, #tpu.memory_space<vmem_shared>>
        tpu.wait_dma2 semaphore(%run_scoped3A : memref<!tpu.dma_semaphore, #tpu.memory_space<semaphore_mem>>) src(%dma_wait3A_473 : memref<640xf32, #tpu.memory_space<vmem_shared>>) dst(%arg14 : memref<640xf32, #tpu.memory_space<vmem>>)
        tpu.yield
      }) : () -> ()
      %mul3A_469 = arith.constant 10000 : i32
      %mul3A_470 = arith.muli %arg0, %mul3A_469 : i32
      %add3A_471 = arith.addi %mul3A_470, %mul3A_203 : i32
      "tpu.region"() ({
        %run_scoped3A = tpu.sem_alloc : memref<!tpu.dma_semaphore, #tpu.memory_space<semaphore_mem>>
        %dma_start3A = tpu.memref_slice %arg6[%add3A_471] : memref<20000xf32, #tpu.memory_space<hbm>> -> memref<640xf32, #tpu.memory_space<hbm>>
        %dma_start3A_472 = tpu.memref_slice %arg6[%add3A_471] : memref<20000xf32, #tpu.memory_space<hbm>> -> memref<640xf32, #tpu.memory_space<hbm>>
        tpu.enqueue_dma source(%arg14 : memref<640xf32, #tpu.memory_space<vmem>>) target(%dma_start3A_472 : memref<640xf32, #tpu.memory_space<hbm>>) target_semaphore(%run_scoped3A : memref<!tpu.dma_semaphore, #tpu.memory_space<semaphore_mem>>)
        %dma_wait3A = tpu.memref_slice %arg6[%add3A_471] : memref<20000xf32, #tpu.memory_space<hbm>> -> memref<640xf32, #tpu.memory_space<hbm>>
        %dma_wait3A_473 = tpu.memref_slice %arg6[%add3A_471] : memref<20000xf32, #tpu.memory_space<hbm>> -> memref<640xf32, #tpu.memory_space<hbm>>
        tpu.wait_dma2 semaphore(%run_scoped3A : memref<!tpu.dma_semaphore, #tpu.memory_space<semaphore_mem>>) src(%arg14 : memref<640xf32, #tpu.memory_space<vmem>>) dst(%dma_wait3A_473 : memref<640xf32, #tpu.memory_space<hbm>>)
        tpu.yield
      }) : () -> ()
    } else {
    }
    %eq3A_460 = arith.constant 15 : i32
    %eq3A_461 = arith.cmpi eq, %arg1, %eq3A_460 : i32
    %convert_element_type3A_462 = arith.extui %eq3A_461 : i1 to i32
    %cond3A_463 = arith.constant 0 : i32
    %cond3A_464 = arith.cmpi ne, %convert_element_type3A_462, %cond3A_463 : i32
    scf.if %cond3A_464 {
      %add3A_465 = arith.constant 512 : i32
      %add3A_466 = arith.addi %mul3A_201, %add3A_465 : i32
      %add3A_467 = arith.constant 512 : i32
      %add3A_468 = arith.addi %mul3A_201, %add3A_467 : i32
      "tpu.region"() ({
        %run_scoped3A = tpu.sem_alloc : memref<!tpu.dma_semaphore, #tpu.memory_space<semaphore_mem>>
        %dma_start3A = arith.constant 0 : i32
        %dma_start3A_472 = tpu.memref_slice %arg5[%arg0, %add3A_468, %dma_start3A] : memref<2x10000x128xf32, #tpu.memory_space<hbm>> -> memref<1x8x128xf32, #tpu.memory_space<hbm>>
        %dma_start3A_473 = tpu.memref_squeeze %dma_start3A_472 : memref<1x8x128xf32, #tpu.memory_space<hbm>> -> memref<8x128xf32, #tpu.memory_space<hbm>>
        %dma_start3A_474 = arith.constant 0 : i32
        %dma_start3A_475 = tpu.memref_slice %arg15[%add3A_466, %dma_start3A_474] : memref<10000x128xf32, #tpu.memory_space<vmem_shared>> -> memref<8x128xf32, #tpu.memory_space<vmem_shared>>
        tpu.enqueue_dma source(%dma_start3A_475 : memref<8x128xf32, #tpu.memory_space<vmem_shared>>) target(%dma_start3A_473 : memref<8x128xf32, #tpu.memory_space<hbm>>) target_semaphore(%run_scoped3A : memref<!tpu.dma_semaphore, #tpu.memory_space<semaphore_mem>>)
        %dma_wait3A = arith.constant 0 : i32
        %dma_wait3A_476 = tpu.memref_slice %arg5[%arg0, %add3A_468, %dma_wait3A] : memref<2x10000x128xf32, #tpu.memory_space<hbm>> -> memref<1x8x128xf32, #tpu.memory_space<hbm>>
        %dma_wait3A_477 = tpu.memref_squeeze %dma_wait3A_476 : memref<1x8x128xf32, #tpu.memory_space<hbm>> -> memref<8x128xf32, #tpu.memory_space<hbm>>
        %dma_wait3A_478 = arith.constant 0 : i32
        %dma_wait3A_479 = tpu.memref_slice %arg15[%add3A_466, %dma_wait3A_478] : memref<10000x128xf32, #tpu.memory_space<vmem_shared>> -> memref<8x128xf32, #tpu.memory_space<vmem_shared>>
        tpu.wait_dma2 semaphore(%run_scoped3A : memref<!tpu.dma_semaphore, #tpu.memory_space<semaphore_mem>>) src(%dma_wait3A_479 : memref<8x128xf32, #tpu.memory_space<vmem_shared>>) dst(%dma_wait3A_477 : memref<8x128xf32, #tpu.memory_space<hbm>>)
        tpu.yield
      }) : () -> ()
      "tpu.region"() ({
        %run_scoped3A = tpu.sem_alloc : memref<!tpu.dma_semaphore, #tpu.memory_space<semaphore_mem>>
        %dma_start3A = arith.constant 0 : i32
        %dma_start3A_472 = tpu.memref_slice %arg14[%dma_start3A] : memref<640xf32, #tpu.memory_space<vmem>> -> memref<400xf32, #tpu.memory_space<vmem>>
        %dma_start3A_473 = tpu.memref_slice %arg16[%mul3A_203] : memref<10000xf32, #tpu.memory_space<vmem_shared>> -> memref<400xf32, #tpu.memory_space<vmem_shared>>
        %dma_start3A_474 = arith.constant 0 : i32
        %dma_start3A_475 = tpu.memref_slice %arg14[%dma_start3A_474] : memref<640xf32, #tpu.memory_space<vmem>> -> memref<400xf32, #tpu.memory_space<vmem>>
        %dma_start3A_476 = tpu.memref_slice %arg16[%mul3A_203] : memref<10000xf32, #tpu.memory_space<vmem_shared>> -> memref<400xf32, #tpu.memory_space<vmem_shared>>
        tpu.enqueue_dma source(%dma_start3A_476 : memref<400xf32, #tpu.memory_space<vmem_shared>>) target(%dma_start3A_475 : memref<400xf32, #tpu.memory_space<vmem>>) target_semaphore(%run_scoped3A : memref<!tpu.dma_semaphore, #tpu.memory_space<semaphore_mem>>)
        %dma_wait3A = arith.constant 0 : i32
        %dma_wait3A_477 = tpu.memref_slice %arg14[%dma_wait3A] : memref<640xf32, #tpu.memory_space<vmem>> -> memref<400xf32, #tpu.memory_space<vmem>>
        %dma_wait3A_478 = tpu.memref_slice %arg16[%mul3A_203] : memref<10000xf32, #tpu.memory_space<vmem_shared>> -> memref<400xf32, #tpu.memory_space<vmem_shared>>
        %dma_wait3A_479 = arith.constant 0 : i32
        %dma_wait3A_480 = tpu.memref_slice %arg14[%dma_wait3A_479] : memref<640xf32, #tpu.memory_space<vmem>> -> memref<400xf32, #tpu.memory_space<vmem>>
        %dma_wait3A_481 = tpu.memref_slice %arg16[%mul3A_203] : memref<10000xf32, #tpu.memory_space<vmem_shared>> -> memref<400xf32, #tpu.memory_space<vmem_shared>>
        tpu.wait_dma2 semaphore(%run_scoped3A : memref<!tpu.dma_semaphore, #tpu.memory_space<semaphore_mem>>) src(%dma_wait3A_481 : memref<400xf32, #tpu.memory_space<vmem_shared>>) dst(%dma_wait3A_480 : memref<400xf32, #tpu.memory_space<vmem>>)
        tpu.yield
      }) : () -> ()
      %mul3A_469 = arith.constant 10000 : i32
      %mul3A_470 = arith.muli %arg0, %mul3A_469 : i32
      %add3A_471 = arith.addi %mul3A_470, %mul3A_203 : i32
      "tpu.region"() ({
        %run_scoped3A = tpu.sem_alloc : memref<!tpu.dma_semaphore, #tpu.memory_space<semaphore_mem>>
        %dma_start3A = arith.constant 0 : i32
        %dma_start3A_472 = tpu.memref_slice %arg14[%dma_start3A] : memref<640xf32, #tpu.memory_space<vmem>> -> memref<400xf32, #tpu.memory_space<vmem>>
        %dma_start3A_473 = tpu.memref_slice %arg6[%add3A_471] : memref<20000xf32, #tpu.memory_space<hbm>> -> memref<400xf32, #tpu.memory_space<hbm>>
        %dma_start3A_474 = tpu.memref_slice %arg6[%add3A_471] : memref<20000xf32, #tpu.memory_space<hbm>> -> memref<400xf32, #tpu.memory_space<hbm>>
        %dma_start3A_475 = arith.constant 0 : i32
        %dma_start3A_476 = tpu.memref_slice %arg14[%dma_start3A_475] : memref<640xf32, #tpu.memory_space<vmem>> -> memref<400xf32, #tpu.memory_space<vmem>>
        tpu.enqueue_dma source(%dma_start3A_476 : memref<400xf32, #tpu.memory_space<vmem>>) target(%dma_start3A_474 : memref<400xf32, #tpu.memory_space<hbm>>) target_semaphore(%run_scoped3A : memref<!tpu.dma_semaphore, #tpu.memory_space<semaphore_mem>>)
        %dma_wait3A = arith.constant 0 : i32
        %dma_wait3A_477 = tpu.memref_slice %arg14[%dma_wait3A] : memref<640xf32, #tpu.memory_space<vmem>> -> memref<400xf32, #tpu.memory_space<vmem>>
        %dma_wait3A_478 = tpu.memref_slice %arg6[%add3A_471] : memref<20000xf32, #tpu.memory_space<hbm>> -> memref<400xf32, #tpu.memory_space<hbm>>
        %dma_wait3A_479 = tpu.memref_slice %arg6[%add3A_471] : memref<20000xf32, #tpu.memory_space<hbm>> -> memref<400xf32, #tpu.memory_space<hbm>>
        %dma_wait3A_480 = arith.constant 0 : i32
        %dma_wait3A_481 = tpu.memref_slice %arg14[%dma_wait3A_480] : memref<640xf32, #tpu.memory_space<vmem>> -> memref<400xf32, #tpu.memory_space<vmem>>
        tpu.wait_dma2 semaphore(%run_scoped3A : memref<!tpu.dma_semaphore, #tpu.memory_space<semaphore_mem>>) src(%dma_wait3A_481 : memref<400xf32, #tpu.memory_space<vmem>>) dst(%dma_wait3A_479 : memref<400xf32, #tpu.memory_space<hbm>>)
        tpu.yield
      }) : () -> ()
    } else {
    }
    return
  }
}

module attributes {stable_mosaic.version = 14 : i64} {
  func.func @_tc_combine_body(%arg0: i32, %arg1: memref<128x128xf32, #tpu.memory_space<vmem>>, %arg2: memref<2x1000x128xf32, #tpu.memory_space<vmem>>, %arg3: memref<1000x1xf32, #tpu.memory_space<vmem>>, %arg4: memref<1000x1xf32, #tpu.memory_space<vmem>>, %arg5: memref<1000x128xf32, #tpu.memory_space<vmem>>, %arg6: memref<1000x1xf32, #tpu.memory_space<vmem>>) attributes {dimension_semantics = [#tpu.dimension_semantics<arbitrary>], iteration_bounds = array<i64: 10>, scalar_prefetch = 0 : i64, scratch_operands = 0 : i64, tpu.core_type = #tpu.core_type<tc>, window_params = [{pipeline_mode = #tpu.pipeline_mode<synchronous>, transform_indices = @transform_0, window_bounds = array<i64: 128, 128>}, {transform_indices = @transform_1, window_bounds = array<i64: 2, 1000, 128>}, {transform_indices = @transform_2, window_bounds = array<i64: 1000, 1>}, {transform_indices = @transform_3, window_bounds = array<i64: 1000, 1>}, {transform_indices = @transform_4, window_bounds = array<i64: 1000, 128>}, {transform_indices = @transform_5, window_bounds = array<i64: 1000, 1>}]} {
    %get3A = arith.constant 0 : index
    %get3A_0 = arith.constant 0 : index
    %get3A_1 = vector.load %arg1[%get3A, %get3A_0] : memref<128x128xf32, #tpu.memory_space<vmem>>, vector<128x128xf32>
    %get3A_2 = arith.constant 0 : index
    %get3A_3 = arith.constant 0 : index
    %get3A_4 = arith.constant 0 : index
    %get3A_5 = vector.load %arg2[%get3A_2, %get3A_3, %get3A_4] : memref<2x1000x128xf32, #tpu.memory_space<vmem>>, vector<1x1000x128xf32>
    %get3A_6 = vector.shape_cast %get3A_5 : vector<1x1000x128xf32> to vector<1000x128xf32>
    %get3A_7 = arith.constant 1 : index
    %get3A_8 = arith.constant 0 : index
    %get3A_9 = arith.constant 0 : index
    %get3A_10 = vector.load %arg2[%get3A_7, %get3A_8, %get3A_9] : memref<2x1000x128xf32, #tpu.memory_space<vmem>>, vector<1x1000x128xf32>
    %get3A_11 = vector.shape_cast %get3A_10 : vector<1x1000x128xf32> to vector<1000x128xf32>
    %add3A = arith.addf %get3A_6, %get3A_11 : vector<1000x128xf32>
    %get3A_12 = arith.constant 0 : index
    %get3A_13 = arith.constant 0 : index
    %get3A_14 = vector.load %arg3[%get3A_12, %get3A_13] : memref<1000x1xf32, #tpu.memory_space<vmem>>, vector<1000x1xf32>
    %get3A_15 = arith.constant 0 : index
    %get3A_16 = arith.constant 0 : index
    %get3A_17 = vector.load %arg4[%get3A_15, %get3A_16] : memref<1000x1xf32, #tpu.memory_space<vmem>>, vector<1000x1xf32>
    %add3A_18 = arith.addf %get3A_14, %get3A_17 : vector<1000x1xf32>
    %max3A = arith.constant 1.000000e+00 : f32
    %max3A_19 = vector.broadcast %max3A : f32 to vector<1000x1xf32>
    %max3A_20 = arith.maximumf %add3A_18, %max3A_19 : vector<1000x1xf32>
    %div3A = arith.constant 1.000000e+00 : f32
    %div3A_21 = vector.broadcast %div3A : f32 to vector<1000x1xf32>
    %div3A_22 = arith.divf %div3A_21, %max3A_20 : vector<1000x1xf32>
    %mul3A = vector.broadcast %div3A_22 : vector<1000x1xf32> to vector<1000x128xf32>
    %mul3A_23 = arith.mulf %add3A, %mul3A : vector<1000x128xf32>
    %dot_general3A = arith.constant dense<0.000000e+00> : vector<1000x128xf32>
    %dot_general3A_24 = tpu.matmul %mul3A_23, %get3A_1, %dot_general3A {dimension_numbers = #tpu.dot_dimension_numbers<[1], [0], [0], [1], [0, 0, 1, 1], [], []>, transpose_lhs_hint = false} : vector<1000x128xf32>, vector<128x128xf32>, vector<1000x128xf32> -> vector<1000x128xf32>
    %swap3A = arith.constant 0 : index
    %swap3A_25 = arith.constant 0 : index
    %swap3A_26 = vector.load %arg5[%swap3A, %swap3A_25] : memref<1000x128xf32, #tpu.memory_space<vmem>>, vector<1000x128xf32>
    tpu.vector_store %arg5[%swap3A, %swap3A_25], %dot_general3A_24 {strides = array<i32>} : memref<1000x128xf32, #tpu.memory_space<vmem>>, vector<1000x128xf32>,
    %swap3A_27 = arith.constant 0 : index
    %swap3A_28 = arith.constant 0 : index
    %swap3A_29 = vector.load %arg6[%swap3A_27, %swap3A_28] : memref<1000x1xf32, #tpu.memory_space<vmem>>, vector<1000x1xf32>
    tpu.vector_store %arg6[%swap3A_27, %swap3A_28], %max3A_20 {strides = array<i32>} : memref<1000x1xf32, #tpu.memory_space<vmem>>, vector<1000x1xf32>,
    return
  }
  func.func @transform_0(%arg0: i32) -> (i32, i32) {
    %c0_i32 = arith.constant 0 : i32
    %c0_i32_0 = arith.constant 0 : i32
    %c0_i32_1 = arith.constant 0 : i32
    return %c0_i32, %c0_i32_0 : i32, i32
  }
  func.func @transform_1(%arg0: i32) -> (i32, i32, i32) {
    %c0_i32 = arith.constant 0 : i32
    %c0_i32_0 = arith.constant 0 : i32
    %c0_i32_1 = arith.constant 0 : i32
    return %c0_i32, %arg0, %c0_i32_0 : i32, i32, i32
  }
  func.func @transform_2(%arg0: i32) -> (i32, i32) {
    %c0_i32 = arith.constant 0 : i32
    %c0_i32_0 = arith.constant 0 : i32
    return %arg0, %c0_i32 : i32, i32
  }
  func.func @transform_3(%arg0: i32) -> (i32, i32) {
    %add3A = arith.constant 10 : i32
    %add3A_0 = arith.addi %arg0, %add3A : i32
    %c0_i32 = arith.constant 0 : i32
    %c0_i32_1 = arith.constant 0 : i32
    return %add3A_0, %c0_i32 : i32, i32
  }
  func.func @transform_4(%arg0: i32) -> (i32, i32) {
    %c0_i32 = arith.constant 0 : i32
    %c0_i32_0 = arith.constant 0 : i32
    return %arg0, %c0_i32 : i32, i32
  }
  func.func @transform_5(%arg0: i32) -> (i32, i32) {
    %c0_i32 = arith.constant 0 : i32
    %c0_i32_0 = arith.constant 0 : i32
    return %arg0, %c0_i32 : i32, i32
  }
}

module attributes {stable_mosaic.version = 14 : i64} {
  func.func @_tc_proj_body(%arg0: i32, %arg1: memref<1000x128xf32, #tpu.memory_space<vmem>>, %arg2: memref<128x128xf32, #tpu.memory_space<vmem>>, %arg3: memref<1000x128xf32, #tpu.memory_space<vmem>>) attributes {dimension_semantics = [#tpu.dimension_semantics<arbitrary>], iteration_bounds = array<i64: 10>, scalar_prefetch = 0 : i64, scratch_operands = 0 : i64, tpu.core_type = #tpu.core_type<tc>, window_params = [{transform_indices = @transform_0, window_bounds = array<i64: 1000, 128>}, {pipeline_mode = #tpu.pipeline_mode<synchronous>, transform_indices = @transform_1, window_bounds = array<i64: 128, 128>}, {transform_indices = @transform_2, window_bounds = array<i64: 1000, 128>}]} {
    %get3A = arith.constant 0 : index
    %get3A_0 = arith.constant 0 : index
    %get3A_1 = vector.load %arg1[%get3A, %get3A_0] : memref<1000x128xf32, #tpu.memory_space<vmem>>, vector<1000x128xf32>
    %get3A_2 = arith.constant 0 : index
    %get3A_3 = arith.constant 0 : index
    %get3A_4 = vector.load %arg2[%get3A_2, %get3A_3] : memref<128x128xf32, #tpu.memory_space<vmem>>, vector<128x128xf32>
    %dot_general3A = arith.constant dense<0.000000e+00> : vector<1000x128xf32>
    %dot_general3A_5 = tpu.matmul %get3A_1, %get3A_4, %dot_general3A {dimension_numbers = #tpu.dot_dimension_numbers<[1], [0], [0], [1], [0, 0, 1, 1], [], []>, transpose_lhs_hint = false} : vector<1000x128xf32>, vector<128x128xf32>, vector<1000x128xf32> -> vector<1000x128xf32>
    %swap3A = arith.constant 0 : index
    %swap3A_6 = arith.constant 0 : index
    %swap3A_7 = vector.load %arg3[%swap3A, %swap3A_6] : memref<1000x128xf32, #tpu.memory_space<vmem>>, vector<1000x128xf32>
    tpu.vector_store %arg3[%swap3A, %swap3A_6], %dot_general3A_5 {strides = array<i32>} : memref<1000x128xf32, #tpu.memory_space<vmem>>, vector<1000x128xf32>,
    return
  }
  func.func @transform_0(%arg0: i32) -> (i32, i32) {
    %c0_i32 = arith.constant 0 : i32
    %c0_i32_0 = arith.constant 0 : i32
    return %arg0, %c0_i32 : i32, i32
  }
  func.func @transform_1(%arg0: i32) -> (i32, i32) {
    %c0_i32 = arith.constant 0 : i32
    %c0_i32_0 = arith.constant 0 : i32
    %c0_i32_1 = arith.constant 0 : i32
    return %c0_i32, %c0_i32_0 : i32, i32
  }
  func.func @transform_2(%arg0: i32) -> (i32, i32) {
    %c0_i32 = arith.constant 0 : i32
    %c0_i32_0 = arith.constant 0 : i32
    return %arg0, %c0_i32 : i32, i32
  }
}

</mosaic_0001>

<sc_bundles>
// kernel: kernel.5.cloned.1.call-start
scs
__scs_entry_jumppad:
0x0: {  	(pc) =	sbr.rel $0x88, $3  }
0x1: {  	(tag) =	ssettag $0x0;
	lr =	simm.s32 $0x1  }
0x2: {  	[smem:$0x3F9E] =	sst lr;
	_ =	strace $0xD0000000  }
0x3: {  	_ = 	snop  }
0x4: {  	_ = 	snop  }
0x5: {  	_ = 	snop  }
0x6: {  	_ = 	snop  }
0x7: {  	_ = 	snop  }
__scs_overlays_trampoline_lowered:
0x8: {  	[smem:$0x3FAD] =	sst s0  }
0x9: {  	[smem:$0x3FAE] =	sst s1  }
0xa: {  	[smem:$0x3FAF] =	sst s2  }
0xb: {  	[smem:$0x3FB0] =	sst s3  }
0xc: {  	[smem:$0x3FB1] =	sst s4  }
0xd: {  	[smem:$0x3FB2] =	sst s5  }
0xe: {  	[smem:$0x3FB3] =	sst s6  }
0xf: {  	[smem:$0x3FB4] =	sst s7  }
0x10: {  	[smem:$0x3FB5] =	sst s8  }
0x11: {  	[smem:$0x3FB6] =	sst s9;
	s0 =	simm.s32 @!p0 $0x0  }
0x12: {  	s1 =	sld [smem:$0x3F9C];
	s0 =	simm.s32 @p0 $0x1  }
0x13: {  	[smem:$0x3FB7] =	sst s0;
	s0 =	simm.s32 @!p1 $0x0  }
0x14: {  	s2 =	sld [smem:$0x3F9B];
	s0 =	simm.s32 @p1 $0x1  }
0x15: {  	[smem:$0x3FB8] =	sst s0;
	s0 =	simm.s32 @!p2 $0x0  }
0x16: {  	s3 =	sld [smem:$0x3FDB];
	s0 =	simm.s32 @p2 $0x1  }
0x17: {  	s4 =	simm.s32 $0x1BF5;
	[smem:$0x3FBA] =	sst s0  }
0x18: {  	s0 =	sld [smem:$0x3F9D];
	_ =	swait.ge [sflag:s4], $0x0  }
0x19: {  	s7 =	sld [smem:$0x3F9E]  }
0x1a: {  	s8 =	sadd.s32 $0xFFFFE003, lr  }
0x1b: {  	s9 =	sadd.s32 $0xFFFFFEF7, lr;
	s5 =	simm.s32 $0xFFFFFFFF;
	p2 =	slt.u32 s8, $0xFFFFF086  }
0x1c: {  	p1 =	slt.u32 s9, $0xF7A;
	s5 =	simm.s32 @!p2 $0x0  }
0x1d: {  	s5 =	simm.s32 @p1 $0x1;
	p0 =	seq.s32 s7, s2  }
0x1e: {  	s7 =	smul.u32 @!p0 $0xF7A, s2;
	p2 =	seq.s32 @!p0 s5, $0x0  }
0x1f: {  	s9 =	smul.u32 $0xF7A, s1;
	s8 =	simm.s32 @!p0 $0x1BF5;
	p2 =	por !p2, p0  }
0x20: {  	[sflag:s8] =	ssyncset.s32 @!p0 $0xFFFFF086;
	s6 =	sadd.s32 @!p0 s3, s7;
	s7 =	simm.s32 @!p0 $0x108  }
0x21: {  	s3 =	sadd.s32 s3, s9;
	s6 =	sadd.s32 @!p0 $0x88, s6;
	s7 =	simm.s32 @p2 $0x1082  }
0x22: {  	[simem:s7], [sflag:s8] =	dma.local @!p0 [hbm:s6], $0xF7A  }
0x23: {  	s9 =	sor.u32 $0xD0000000, s2;
	s6 =	simm.s32 $0x108;
	_ =	swait.ge @!p0 [sflag:s8], $0x0  }
0x24: {  	s3 =	sadd.s32 $0x88, s3;
	s6 =	simm.s32 @!p1 $0x1082;
	[sflag:s4] =	ssyncset.s32 $0xFFFFF086  }
0x25: {  	[simem:s6], [sflag:s4] =	dma.local [hbm:s3], $0xF7A  }
0x26: {  	[smem:$0x3F9E] =	sst s1;
	(tag) =	ssettag s2;
	_ =	strace s9  }
0x27: {  	s1 =	sld [smem:$0x3FAE]  }
0x28: {  	s2 =	sld [smem:$0x3FAF]  }
0x29: {  	s4 =	sld [smem:$0x3FB1]  }
0x2a: {  	p0 =	seq.s32 s5, $0x0;
	s5 =	sld [smem:$0x3FB2]  }
0x2b: {  	s6 =	sld [smem:$0x3FB3]  }
0x2c: {  	s7 =	sld [smem:$0x3FB4]  }
0x2d: {  	s3 =	simm.s32 $0x108;
	s8 =	sld [smem:$0x3FB5]  }
0x2e: {  	s3 =	simm.s32 @!p0 $0x1082;
	s9 =	sld [smem:$0x3FB6]  }
0x2f: {  	lr =	sadd.s32 s0, s3;
	s0 =	sld [smem:$0x3FAD]  }
0x30: {  	s3 =	sld [smem:$0x3FB0]  }
0x31: {  	[smem:$0x3FB9] =	sst s10  }
0x32: {  	s10 =	sld [smem:$0x3FB7];
	_ =	sdelay $0x3  }
0x33: {  	p0 =	seq.s32 s10, $0x1;
	s10 =	sld [smem:$0x3FB9];
	_ =	sdelay $0x3  }
0x34: {  	[smem:$0x3FB9] =	sst s10  }
0x35: {  	s10 =	sld [smem:$0x3FB8];
	_ =	sdelay $0x3  }
0x36: {  	p1 =	seq.s32 s10, $0x1;
	s10 =	sld [smem:$0x3FB9];
	_ =	sdelay $0x3  }
0x37: {  	[smem:$0x3FB9] =	sst s10  }
0x38: {  	s10 =	sld [smem:$0x3FBA]  }
0x39: {  	_ = 	snop;
	(pc) =	sbr.ind lr, $3  }
0x3a: {  	_ = 	snop  }
0x3b: {  	_ = 	snop  }
0x3c: {  	p2 =	seq.s32 s10, $0x1;
	s10 =	sld [smem:$0x3FB9]  }
0x3d: {  	_ =	shalt  }
0x3e: {  	_ =	shalt  }
0x3f: {  	_ =	shalt  }
0x40: {  	_ =	shalt  }
0x41: {  	_ =	shalt  }
0x42: {  	_ =	shalt  }
0x43: {  	_ =	shalt  }
0x44: {  	_ =	shalt  }
0x45: {  	_ =	shalt  }
0x46: {  	_ =	shalt  }
0x47: {  	_ =	shalt  }
0x48: {  	_ =	shalt  }
0x49: {  	_ =	shalt  }
0x4a: {  	_ =	shalt  }
0x4b: {  	_ =	shalt  }
0x4c: {  	_ =	shalt  }
0x4d: {  	_ =	shalt  }
0x4e: {  	_ =	shalt  }
0x4f: {  	_ =	shalt  }
0x50: {  	_ =	shalt  }
0x51: {  	_ =	shalt  }
0x52: {  	_ =	shalt  }
0x53: {  	_ =	shalt  }
0x54: {  	_ =	shalt  }
0x55: {  	_ =	shalt  }
0x56: {  	_ =	shalt  }
0x57: {  	_ =	shalt  }
0x58: {  	_ =	shalt  }
0x59: {  	_ =	shalt  }
0x5a: {  	_ =	shalt  }
0x5b: {  	_ =	shalt  }
0x5c: {  	_ =	shalt  }
0x5d: {  	_ =	shalt  }
0x5e: {  	_ =	shalt  }
0x5f: {  	_ =	shalt  }
0x60: {  	_ =	shalt  }
0x61: {  	_ =	shalt  }
0x62: {  	_ =	shalt  }
0x63: {  	_ =	shalt  }
0x64: {  	_ =	shalt  }
0x65: {  	_ =	shalt  }
0x66: {  	_ =	shalt  }
0x67: {  	_ =	shalt  }
0x68: {  	_ =	shalt  }
0x69: {  	_ =	shalt  }
0x6a: {  	_ =	shalt  }
0x6b: {  	_ =	shalt  }
0x6c: {  	_ =	shalt  }
0x6d: {  	_ =	shalt  }
0x6e: {  	_ =	shalt  }
0x6f: {  	_ =	shalt  }
0x70: {  	_ =	shalt  }
0x71: {  	_ =	shalt  }
0x72: {  	_ =	shalt  }
0x73: {  	_ =	shalt  }
0x74: {  	_ =	shalt  }
0x75: {  	_ =	shalt  }
0x76: {  	_ =	shalt  }
0x77: {  	_ =	shalt  }
0x78: {  	_ =	shalt  }
0x79: {  	_ =	shalt  }
0x7a: {  	_ =	shalt  }
0x7b: {  	_ =	shalt  }
0x7c: {  	_ =	shalt  }
0x7d: {  	_ =	shalt  }
0x7e: {  	_ =	shalt  }
0x7f: {  	_ =	shalt  }
0x80: {  	_ =	shalt  }
0x81: {  	_ =	shalt  }
0x82: {  	_ =	shalt  }
0x83: {  	_ =	shalt  }
0x84: {  	_ =	shalt  }
0x85: {  	_ =	shalt  }
0x86: {  	_ =	shalt  }
0x87: {  	_ =	shalt  }
.Lfunc_end0:
.L_simem_size_0:
called_computation_lowered:
.L_overlay_start_0:
0x88: {  	s2 =	sld [smem:$0x3FD9]  }
0x89: {  	s3 =	sld [smem:$0x3FFE];
	_ =	sdelay $0x1  }
0x8a: {  	s1 =	srdreg.scid  }
0x8b: {  	s0 =	sand.u32 $0x1, s1  }
0x8c: {  	s14 =	sshll.u32 s0, $0xA;
	s2 =	sadd.s32 s3, s2  }
0x8d: {  	s2 =	sadd.s32 s2, s14  }
0x8e: {  	[smem:$0x3FC5] =	sst s2  }
0x8f: {  	_ = 	snop  }
0x90: {  	s2 =	sld [smem:$0x3FD0];
	_ =	sdelay $0x2  }
0x91: {  	s4 =	simm.s32 $0xA;
	s5 =	simm.s32 $0x10;
	s15 =	sld [smem:$0x3FC9]  }
0x92: {  	[smem:s5], [sflag:s4] =	dma.local [hbm:s2], $0x1  }
0x93: {  	_ =	swait.eq [sflag:s4], $0x1  }
0x94: {  	[sflag:s4] =	ssyncset.done $0x0  }
0x95: {  	[sflag:s4] =	ssyncadd.s32 $0xFFFFFFFF  }
0x96: {  	s16 =	sld [smem:$0x10];
	(tm) =	ssettm $0x1  }
0x97: {  	s17 =	sld [smem:$0x3FFB];
	_ =	sdelay $0x3  }
0x98: {  	_ =	strace s17  }
0x99: {  	s4 =	sld [smem:$0x3FFC];
	_ =	sdelay $0x3  }
0x9a: {  	_ =	strace s4  }
0x9b: {  	s4 =	sld [smem:$0x3FFD];
	_ =	sdelay $0x3  }
0x9c: {  	_ =	strace s4  }
0x9d: {  	_ =	strace $0x8FFFFFFF  }
0x9e: {  	s18 =	sld [smem:$0x3FDB];
	_ =	sdelay $0x1  }
0x9f: {  	s19 =	simm.s32 $_scs_section_size  }
0xa0: {  	s6 =	simm.s32 $_size__tile_overlayer_lowered;
	s7 =	simm.s32 $_tile_overlayer_lowered  }
0xa1: {  	s22 =	simm.s32 $0x1BFF;
	s21 =	sshll.u32 s7, $0x1;
	s4 =	sadd.s32 s19, s18  }
0xa2: {  	s8 =	simm.s32 $0x0;
	s20 =	sshll.u32 s6, $0x1;
	s6 =	sadd.s32 s21, s4  }
0xa3: {  	[timem:s8], [sflag:s22] =	dma.local [hbm:s6], s20  }
0xa4: {  	_ =	swait.ge [sflag:s22], s20  }
0xa5: {  	s5 =	ssub.s32 $0x0, s20;
	[sflag:s22] =	ssyncset.done $0x0  }
0xa6: {  	[sflag:s22] =	ssyncadd.s32 s5;
	_ =	sdelay $0x1  }
0xa7: {  	s23 =	simm.s32 $0x1B8B  }
0xa8: {  	_ =	swait.ge [sflag:s23], $0x1  }
0xa9: {  	[sflag:s23] =	ssyncset.done $0x0  }
0xaa: {  	s25 =	simm.s32 $0x1B8E;
	s24 =	sld [smem:$0x3FFE];
	[sflag:s23] =	ssyncadd.s32 $0xFFFFFFFF  }
0xab: {  	s26 =	simm.s32 $execute0_lowered;
	[smem:$0x3FD2] =	sst s25  }
0xac: {  	s6 =	sshll.u32 s26, $0x1;
	_ =	strace $0x80000046;
	[dreg:$0x1] =	wrdreg $0xFFFFFFFF  }
0xad: {  	s28 =	simm.s32 $_size_execute0_lowered;
	s4 =	sadd.s32 s4, s6;
	[dreg:$0x0] =	wrdreg $0x0  }
0xae: {  	s6 =	sshll.u32 s28, $0x1;
	[dreg:$0x2] =	wrdreg s4  }
0xaf: {  	[dreg:$0x3] =	wrdreg s6  }
0xb0: {  	[dreg:$0x4] =	wrdreg $0xC0  }
0xb1: {  	_ =	task [dreg:s8], $0x5FFFF  }
0xb2: {  	[dreg:$0x1] =	wrdreg $0xFFFFFFFF  }
0xb3: {  	[dreg:$0x0] =	wrdreg $0x60  }
0xb4: {  	[dreg:$0x2] =	wrdreg s15  }
0xb5: {  	[dreg:$0x3] =	wrdreg s24  }
0xb6: {  	[dreg:$0x4] =	wrdreg s16  }
0xb7: {  	[dreg:$0x5] =	wrdreg $0xA3000  }
0xb8: {  	[dreg:$0x6] =	wrdreg $0x1DB800  }
0xb9: {  	[dreg:$0x7] =	wrdreg $0x9  }
0xba: {  	_ =	task.clear_ibuf [dreg:s8], $0x8FFFF;
	_ =	strace $0x90000046  }
0xbb: {  	s29 =	simm.s32 $0x9;
	_ =	strace $0x80000048  }
0xbc: {  	_ =	swait.ge [sflag:s29], $0x1  }
0xbd: {  	[sflag:s29] =	ssyncadd.s32 $0xFFFFFFFF  }
0xbe: {  	_ =	strace $0x90000048  }
0xbf: {  	_ =	sfence  }
0xc0: {  	s30 =	sld [smem:$0x0];
	_ =	sdelay $0x2  }
0xc1: {  	s31 =	sshll.u32 s1, $0xD;
	s1 =	sshrl.u32 s1, $0x2  }
0xc2: {  	s3 =	sand.u32 $0x4000, s31;
	s1 =	sadd.s32 s1, s30  }
0xc3: {  	s0 =	sor.u32 s3, s0;
	s1 =	sshll.u32 s1, $0x11  }
0xc4: {  	s0 =	sor.u32 s1, s0  }
0xc5: {  	s0 =	sadd.s32 $0x8F2B, s0  }
0xc6: {  	[sflag:s0] =	ssyncadd.remote.s32 $0x1  }
0xc7: {  	_ =	sfence.sel $0xFFFF  }
0xc8: {  	[dreg:$0x0] =	wrdreg $0xFFFFFFFF;
	(pc) =	sbr.abs _section_cstart, $3  }
0xc9: {  	[dreg:$0x1] =	wrdreg $0xFFFFFFFF  }
0xca: {  	_ =	task.clear_ibuf [dreg:s8], $0x2FFFF;
	_ =	strace $0x9FFFFFFF  }
0xcb: {  	(tm) =	ssettm $0x7FFFFFFF  }
tec
execute0_lowered:
.L_overlay_start_1:
0x0: {  	(tag) =	ssettag $0x1  }
0x1: {  	s1 =	rddreg [dreg:$0x0]  }
0x2: {  	s0 =	rddreg [dreg:$0x1]  }
0x3: {  	s15 =	rddreg [dreg:$0x2]  }
0x4: {  	s3 =	rddreg [dreg:$0x3]  }
0x5: {  	s4 =	rddreg [dreg:$0x4];
	s5 =	simm.s32 $0x0  }
0x6: {  	s2 =	srdreg.scid;
	s16 =	stileid.u32;
	s30 =	simm.s32 $0x2000  }
0x7: {  	s31 =	simm.s32 $0x6;
	s29 =	simm.s32 $0x1580;
	[smem:$0x7FF] =	sst s5  }
0x8: {  	s2 =	sand.u32 $0x1, s2;
	s17 =	sadd.s32 $0x800, s0;
	s7 =	smul.u32 $0x4F000, s16  }
0x9: {  	s9 =	sadd.s32 $0xB000, s0;
	s10 =	sadd.s32 $0xA600, s0;
	s11 =	smul.u32 $0x280, s16  }
0xa: {  	s19 =	sshll.u32 s16, $0x1;
	s20 =	smul.u32 $0x13C00, s16;
	s0 =	sadd.s32 $0xA400, s0  }
0xb: {  	p0 =	seq.s32 s16, $0xF;
	_ =	strace $0x80000047;
	s18 =	ssub.s32 $0x2, s2  }
0xc: {  	s8 =	sor.u32 s2, s19;
	s22 =	smul.u32 $0x138800, s2;
	[dreg:$0x6] =	wrdreg s17  }
0xd: {  	s13 =	smul.u32 $0x2710, s2;
	s2 =	sshll.u32 s2, $0x8;
	[dreg:$0x11] =	wrdreg s0  }
0xe: {  	s6 =	sshrl.u32 s18, $0x1;
	s7 =	sshrl.u32 s7, $0x2;
	s23 =	sadd.s32 $0x10000, s20  }
0xf: {  	s26 =	sadd.s32 s11, s4;
	s5 =	ssub.s32 s18, s6;
	s25 =	sadd.s32 s7, s3  }
0x10: {  	s6 =	sadd.s32 s20, s22;
	s14 =	sadd.s32 s22, s23;
	s11 =	sadd.s32 s11, s13  }
0x11: {  	s18 =	sshll.u32 s8, $0x8;
	s0 =	sadd.s32 s23, s3;
	[dreg:$0xb] =	wrdreg s26  }
0x12: {  	s7 =	sadd.s32 $0x4000, s25;
	s21 =	sadd.s32 $0x8000, s25;
	s12 =	sadd.s32 $0xC000, s25  }
0x13: {  	s6 =	sshrl.u32 s6, $0x3;
	s14 =	sshrl.u32 s14, $0x3;
	[dreg:$0x7] =	wrdreg s25  }
0x14: {  	s28 =	sshrl.u32 s11, $0x3;
	s11 =	sshrl.u32 s13, $0x3;
	[dreg:$0x8] =	wrdreg s7  }
0x15: {  	s13 =	sshll.u32 s16, $0x9;
	s19 =	sadd.s32 s17, s18;
	[dreg:$0x9] =	wrdreg s21  }
0x16: {  	s20 =	sadd.s32 s15, s18;
	s5 =	smax.u32 s5, $0x1;
	[dreg:$0xa] =	wrdreg s12  }
0x17: {  	s0 =	sshrl.u32 @!p0 s0, $0x3;
	s23 =	sadd.s32 $0x10000, s25;
	[dreg:$0xf] =	wrdreg s19  }
0x18: {  	s16 =	simm.s32 $0x4;
	s18 =	simm.s32 $0x1680;
	[dreg:$0x10] =	wrdreg s20  }
0x19: {  	s6 =	sadd.s32 s9, s6;
	s24 =	sadd.s32 s9, s14;
	[dreg:$0x14] =	wrdreg s5  }
0x1a: {  	s7 =	sshrl.u32 s22, $0x3;
	s14 =	sadd.s32 s13, s15;
	[dreg:$0x17] =	wrdreg s0  }
0x1b: {  	[dreg:$0x18] =	wrdreg s23;
	s0 =	simm.s32 $0x1000;
	s12 =	simm.s32 $0x3  }
0x1c: {  	s20 =	simm.s32 $0x1100;
	s23 =	simm.s32 $0x5;
	[dreg:$0xc] =	wrdreg s6  }
0x1d: {  	s19 =	simm.s32 $0x1500;
	[dreg:$0xd] =	wrdreg s24;
	s6 =	sadd.s32 s10, s28  }
0x1e: {  	s24 =	sadd.s32 $0x138400, s3;
	s28 =	sadd.s32 $0x9C00, s15;
	s15 =	simm.s32 $0x1600  }
0x1f: {  	[dreg:$0xe] =	wrdreg s6;
	s6 =	sadd.s32 s9, s7;
	s7 =	sadd.s32 s10, s11  }
0x20: {  	s9 =	sadd.s32 s13, s17;
	s10 =	sadd.s32 s2, s14;
	[dreg:$0x19] =	wrdreg s24  }
0x21: {  	[dreg:$0x1a] =	wrdreg s28;
	s11 =	simm.s32 $0x6000;
	s14 =	simm.s32 $0xA000  }
0x22: {  	s17 =	simm.s32 $0x1080;
	s24 =	simm.s32 $0x1700;
	s13 =	simm.s32 $0x0  }
.Ltmp0:
0x23: {  	s2 =	sadd.s32 s2, s9;
	s6 =	sadd.s32 $0x27080, s6;
	(pc) =	sbr.rel .LBB2_1-.Ltmp0, $4  }
0x24: {  	s21 =	sadd.s32 $0x4B0, s7;
	s22 =	sadd.s32 $0x2000, s10;
	[dreg:$0x12] =	wrdreg s6  }
0x25: {  	s10 =	simm.s32 $0x80;
	s7 =	simm.s32 $0x100;
	[dreg:$0x13] =	wrdreg s21  }
0x26: {  	s9 =	simm.s32 $0x1780;
	[dreg:$0x15] =	wrdreg s22;
	s2 =	sadd.s32 $0x2000, s2  }
0x27: {  	v0 =	vimm.f32 $0.0e+00;
	v1 =	vimm.f32 $1.000000000e+00;
	s6 =	simm.s32 $0x1;
	s21 =	simm.s32 $0x1180;
	[dreg:$0x16] =	wrdreg s2  }
.LBB2_33:
0x28: {  	s2 =	stileid.u32;
	[bflag:$0x0] =	sbarrier.arrive $0xFFFF  }
0x29: {  	s2 =	sshll.u32 s2, $0x6;
	s25 =	rddreg [dreg:$0x7]  }
0x2a: {  	s13 =	rddreg [dreg:$0xc];
	s2 =	sor.u32 $0x1C06, s2;
	s5 =	sshrl.u32 s25, $0x3  }
0x2b: {  	[hbm:s13], [sflag:s2] =	dma.local [spmem:s5], $0x2000  }
0x2c: {  	_ =	swait.ge [sflag:s31], $0x2000  }
0x2d: {  	[sflag:s31] =	ssyncset.done $0x0;
	s5 =	rddreg [dreg:$0x19]  }
0x2e: {  	s13 =	rddreg [dreg:$0x12];
	[sflag:s31] =	ssyncadd.s32 $0xFFFFE000;
	s5 =	sshrl.u32 @p0 s5, $0x3  }
0x2f: {  	[hbm:s13], [sflag:s2] =	dma.local @p0 [spmem:s5], $0x80  }
0x30: {  	s5 =	simm.s32 @p0 $0x6  }
0x31: {  	_ =	swait.ge @p0 [sflag:s5], $0x80  }
0x32: {  	[sflag:s5] =	ssyncset.done @p0 $0x0  }
0x33: {  	s13 =	simm.s32 @p0 $0xA080;
	s26 =	rddreg [dreg:$0xb];
	[sflag:s5] =	ssyncadd.s32 @p0 $0xFFFFFF80  }
0x34: {  	[tilespmem:s13], [sflag:$0x6] =	stream.linear.gather @p0 [spmem:s26], $0x190, $0x38;
	[tilespmem:$0x1DDF8] =	vst v63  }
0x35: {  	_ =	swait.ge @p0 [sflag:s5], $0x190  }
0x36: {  	[sflag:s5] =	ssyncset.done @p0 $0x0  }
0x37: {  	s22 =	simm.s32 @p0 $0x0;
	s28 =	rddreg [dreg:$0x13];
	[sflag:s5] =	ssyncadd.s32 @p0 $0xFFFFFE70  }
0x38: {  	[hbm4b:s28+s22] =	stream.linear.scatter @p0 [tilespmem:s13], [sflag:$0x6], $0x190, $0x38;
	[tilespmem:$0x1DDF8] =	vst v63  }
0x39: {  	_ =	swait.ge @p0 [sflag:s5], $0x190  }
0x3a: {  	[sflag:s5] =	ssyncset.done @p0 $0x0;
	s13 =	rddreg [dreg:$0x17]  }
0x3b: {  	[sflag:s5] =	ssyncadd.s32 @p0 $0xFFFFFE70;
	s5 =	rddreg [dreg:$0xd]  }
0x3c: {  	[hbm:s5], [sflag:s2] =	dma.local @!p0 [spmem:s13], $0x780  }
0x3d: {  	s2 =	simm.s32 @!p0 $0x6  }
0x3e: {  	_ =	swait.ge @!p0 [sflag:s2], $0x780  }
0x3f: {  	[sflag:s2] =	ssyncset.done @!p0 $0x0  }
0x40: {  	s5 =	simm.s32 @!p0 $0xA080;
	[sflag:s2] =	ssyncadd.s32 @!p0 $0xFFFFF880  }
0x41: {  	[tilespmem:s5], [sflag:$0x6] =	stream.linear.gather @!p0 [spmem:s26], $0x280, $0x38;
	[tilespmem:$0x1DDF8] =	vst v63  }
0x42: {  	_ =	swait.ge @!p0 [sflag:s2], $0x280  }
0x43: {  	[sflag:s2] =	ssyncset.done @!p0 $0x0  }
0x44: {  	s13 =	simm.s32 @!p0 $0x0;
	s22 =	rddreg [dreg:$0xe];
	[sflag:s2] =	ssyncadd.s32 @!p0 $0xFFFFFD80  }
0x45: {  	[hbm4b:s22+s13] =	stream.linear.scatter @!p0 [tilespmem:s5], [sflag:$0x6], $0x280, $0x38;
	[tilespmem:$0x1DDF8] =	vst v63  }
0x46: {  	_ =	swait.ge @!p0 [sflag:s2], $0x280  }
0x47: {  	s22 =	rddreg [dreg:$0x1b]  }
0x48: {  	s28 =	rddreg [dreg:$0x14];
	s13 =	sadd.s32 $0x1, s22  }
0x49: {  	p1 =	sne.s32 s13, s28  }
.Ltmp1:
0x4a: {  	_ = 	snop;
	(pc) =	sbr.rel @!p1 .LBB2_34-.Ltmp1, $3  }
0x4b: {  	_ =	sdelay $0x1  }
0x4c: {  	[sflag:s2] =	ssyncset.done @!p0 $0x0  }
0x4d: {  	[sflag:s2] =	ssyncadd.s32 @!p0 $0xFFFFFD80  }
.LBB2_1:
0x4e: {  	s2 =	simm.s32 $0x0;
	s5 =	simm.s32 $0x200  }
.LBB2_2:
0x4f: {  	p1 =	sne.s32 s5, $0xFE00;
	[tilespmem:s2+$0x2070] =	vst v0  }
0x50: {  	[tilespmem:s2+$0x2000] =	vst v0  }
0x51: {  	[tilespmem:s2+$0x2010] =	vst v0  }
.Ltmp2:
0x52: {  	[tilespmem:s2+$0x2020] =	vst v0;
	(pc) =	sbr.rel @p1 .LBB2_2-.Ltmp2, $4  }
0x53: {  	[tilespmem:s2+$0x2030] =	vst v0  }
0x54: {  	[tilespmem:s2+$0x2040] =	vst v0  }
0x55: {  	[tilespmem:s2+$0x2050] =	vst v0  }
0x56: {  	[tilespmem:s2+$0x2060] =	vst v0;
	s2 =	sshra.s32 s5, $0x2;
	s5 =	sadd.s32 $0x200, s5  }
0x57: {  	[tilespmem:s2+$0x2070] =	vst v0  }
0x58: {  	[tilespmem:s2+$0x2000] =	vst v0  }
0x59: {  	[tilespmem:s2+$0x2010] =	vst v0  }
0x5a: {  	[tilespmem:s2+$0x2020] =	vst v0  }
0x5b: {  	[tilespmem:s2+$0x2030] =	vst v0  }
0x5c: {  	[tilespmem:s2+$0x2040] =	vst v0  }
0x5d: {  	[tilespmem:s2+$0x2050] =	vst v0  }
0x5e: {  	[tilespmem:s2+$0x2060] =	vst v0  }
0x5f: {  	[tilespmem:$0xA000] =	vst v1  }
0x60: {  	[tilespmem:$0xA010] =	vst v1  }
0x61: {  	[tilespmem:$0xA020] =	vst v1  }
0x62: {  	[tilespmem:$0xA030] =	vst v1  }
0x63: {  	[tilespmem:$0xA040] =	vst v1  }
0x64: {  	[tilespmem:$0xA050] =	vst v1  }
0x65: {  	[tilespmem:$0xA060] =	vst v1  }
0x66: {  	[tilespmem:$0xA070] =	vst v1  }
0x67: {  	[tilespmem:$0xA080] =	vst v0  }
0x68: {  	[tilespmem:$0xA090] =	vst v0  }
0x69: {  	[tilespmem:$0xA0A0] =	vst v0  }
0x6a: {  	[tilespmem:$0xA0B0] =	vst v0  }
0x6b: {  	[tilespmem:$0xA0C0] =	vst v0  }
0x6c: {  	[tilespmem:$0xA0D0] =	vst v0  }
0x6d: {  	[tilespmem:$0xA0E0] =	vst v0  }
0x6e: {  	[tilespmem:$0xA0F0] =	vst v0  }
0x6f: {  	[tilespmem:$0xA100] =	vst v0  }
0x70: {  	[tilespmem:$0xA110] =	vst v0  }
0x71: {  	[tilespmem:$0xA120] =	vst v0  }
0x72: {  	[tilespmem:$0xA130] =	vst v0  }
0x73: {  	[tilespmem:$0xA140] =	vst v0  }
0x74: {  	[tilespmem:$0xA150] =	vst v0  }
0x75: {  	[tilespmem:$0xA160] =	vst v0  }
0x76: {  	[tilespmem:$0xA170] =	vst v0  }
0x77: {  	[tilespmem:$0xA180] =	vst v0  }
0x78: {  	[tilespmem:$0xA190] =	vst v0  }
0x79: {  	[tilespmem:$0xA1A0] =	vst v0  }
0x7a: {  	[tilespmem:$0xA1B0] =	vst v0  }
0x7b: {  	[tilespmem:$0xA1C0] =	vst v0  }
0x7c: {  	[tilespmem:$0xA1D0] =	vst v0  }
0x7d: {  	[tilespmem:$0xA1E0] =	vst v0  }
0x7e: {  	[tilespmem:$0xA1F0] =	vst v0  }
0x7f: {  	[tilespmem:$0xA200] =	vst v0  }
0x80: {  	[tilespmem:$0xA210] =	vst v0  }
0x81: {  	[tilespmem:$0xA220] =	vst v0  }
0x82: {  	[tilespmem:$0xA230] =	vst v0  }
0x83: {  	[tilespmem:$0xA240] =	vst v0  }
0x84: {  	[tilespmem:$0xA250] =	vst v0  }
0x85: {  	[tilespmem:$0xA260] =	vst v0  }
0x86: {  	[tilespmem:$0xA270] =	vst v0  }
0x87: {  	[tilespmem:$0xA280] =	vst v0  }
0x88: {  	[tilespmem:$0xA290] =	vst v0  }
0x89: {  	[tilespmem:$0xA2A0] =	vst v0  }
0x8a: {  	[tilespmem:$0xA2B0] =	vst v0  }
0x8b: {  	[tilespmem:$0xA2C0] =	vst v0  }
0x8c: {  	[tilespmem:$0xA2D0] =	vst v0  }
0x8d: {  	[tilespmem:$0xA2E0] =	vst v0  }
0x8e: {  	[dreg:$0x1b] =	wrdreg s13;
	[tilespmem:$0xA2F0] =	vst v0  }
0x8f: {  	[spmem:s25] =	stream.linear.scatter [tilespmem:s30], [sflag:$0x6], $0x4000, $0x38;
	[tilespmem:$0x1DDF8] =	vst v63  }
0x90: {  	_ =	swait.ge [sflag:s31], $0x4000  }
0x91: {  	[sflag:s31] =	ssyncset.done $0x0  }
0x92: {  	s5 =	rddreg [dreg:$0x8];
	[sflag:s31] =	ssyncadd.s32 $0xFFFFC000  }
0x93: {  	[spmem:s5] =	stream.linear.scatter [tilespmem:s30], [sflag:$0x6], $0x4000, $0x38;
	[tilespmem:$0x1DDF8] =	vst v63  }
0x94: {  	_ =	swait.ge [sflag:s31], $0x4000  }
0x95: {  	[sflag:s31] =	ssyncset.done $0x0  }
0x96: {  	s13 =	rddreg [dreg:$0x9];
	[sflag:s31] =	ssyncadd.s32 $0xFFFFC000  }
0x97: {  	[spmem:s13] =	stream.linear.scatter [tilespmem:s30], [sflag:$0x6], $0x4000, $0x38;
	[tilespmem:$0x1DDF8] =	vst v63  }
0x98: {  	_ =	swait.ge [sflag:s31], $0x4000  }
0x99: {  	[sflag:s31] =	ssyncset.done $0x0  }
0x9a: {  	s22 =	rddreg [dreg:$0xa];
	[sflag:s31] =	ssyncadd.s32 $0xFFFFC000  }
0x9b: {  	[spmem:s22] =	stream.linear.scatter [tilespmem:s30], [sflag:$0x6], $0x4000, $0x38;
	[tilespmem:$0x1DDF8] =	vst v63  }
0x9c: {  	_ =	swait.ge [sflag:s31], $0x4000  }
0x9d: {  	[sflag:s31] =	ssyncset.done $0x0  }
0x9e: {  	s2 =	simm.s32 @p0 $0x2000;
	s5 =	rddreg [dreg:$0x19];
	[sflag:s31] =	ssyncadd.s32 $0xFFFFC000  }
0x9f: {  	[spmem:s5] =	stream.linear.scatter @p0 [tilespmem:s2], [sflag:$0x6], $0x400, $0x38;
	[tilespmem:$0x1DDF8] =	vst v63  }
0xa0: {  	s2 =	simm.s32 @p0 $0x6  }
0xa1: {  	_ =	swait.ge @p0 [sflag:s2], $0x400  }
0xa2: {  	[sflag:s2] =	ssyncset.done @p0 $0x0  }
0xa3: {  	s5 =	simm.s32 @p0 $0xA080;
	[sflag:s2] =	ssyncadd.s32 @p0 $0xFFFFFC00  }
0xa4: {  	[spmem:s26] =	stream.linear.scatter @p0 [tilespmem:s5], [sflag:$0x6], $0x190, $0x38;
	[tilespmem:$0x1DDF8] =	vst v63  }
0xa5: {  	_ =	swait.ge @p0 [sflag:s2], $0x190  }
0xa6: {  	[sflag:s2] =	ssyncset.done @p0 $0x0  }
0xa7: {  	s5 =	rddreg [dreg:$0x18];
	[sflag:s2] =	ssyncadd.s32 @p0 $0xFFFFFE70;
	s2 =	simm.s32 @!p0 $0x2000  }
0xa8: {  	[spmem:s5] =	stream.linear.scatter @!p0 [tilespmem:s2], [sflag:$0x6], $0x3C00, $0x38;
	[tilespmem:$0x1DDF8] =	vst v63  }
0xa9: {  	s2 =	simm.s32 @!p0 $0x6  }
0xaa: {  	_ =	swait.ge @!p0 [sflag:s2], $0x3C00  }
0xab: {  	[sflag:s2] =	ssyncset.done @!p0 $0x0  }
0xac: {  	s5 =	simm.s32 @!p0 $0xA080;
	[sflag:s2] =	ssyncadd.s32 @!p0 $0xFFFFC400  }
0xad: {  	[spmem:s26] =	stream.linear.scatter @!p0 [tilespmem:s5], [sflag:$0x6], $0x280, $0x38;
	[tilespmem:$0x1DDF8] =	vst v63  }
0xae: {  	_ =	swait.ge @!p0 [sflag:s2], $0x280  }
0xaf: {  	[sflag:s2] =	ssyncset.done @!p0 $0x0  }
0xb0: {  	[sflag:s2] =	ssyncadd.s32 @!p0 $0xFFFFFD80  }
0xb1: {  	[bflag:$0x0] =	sbarrier.arrive $0xFFFF  }
0xb2: {  	s2 =	simm.s32 $0x0;
	s25 =	rddreg [dreg:$0xf]  }
0xb3: {  	[tilespmem:s2], [sflag:$0x1] =	stream.linear.gather [hbm4b:s25+s2], $0x800, $0x38;
	[tilespmem:$0x1DDF8] =	vst v63  }
0xb4: {  	s26 =	rddreg [dreg:$0x10]  }
0xb5: {  	[tilespmem:s0], [sflag:$0x1] =	stream.linear.gather [hbm4b:s26+s2], $0x800, $0x38;
	[tilespmem:$0x1DDF8] =	vst v63  }
0xb6: {  	_ =	swait.ge [sflag:s6], $0x800  }
0xb7: {  	[sflag:s6] =	ssyncset.done $0x0  }
0xb8: {  	[sflag:s6] =	ssyncadd.s32 $0xFFFFF800  }
0xb9: {  	_ =	swait.ge [sflag:s6], $0x800  }
.Ltmp3:
0xba: {  	[sflag:s6] =	ssyncset.done $0x0;
	(pc) =	sbr.rel .LBB2_4-.Ltmp3, $4  }
0xbb: {  	s22 =	rddreg [dreg:$0x16];
	[sflag:s6] =	ssyncadd.s32 $0xFFFFF800  }
0xbc: {  	[tilespmem:s30], [sflag:$0x3] =	stream.indirect.gather [hbm4b:s1+s10], $0x80, s2, s10, $0xb8;
	[tilespmem:$0x1DDF8] =	vst v63  }
0xbd: {  	s28 =	rddreg [dreg:$0x15]  }
0xbe: {  	[tilespmem:s11], [sflag:$0x4] =	stream.indirect.gather [hbm4b:s1+s10], $0x80, s10, s10, $0xb8;
	[tilespmem:$0x1DDF8] =	vst v63  }
.LBB2_26:
0xbf: {  	s13 =	simm.s32 $0xB80  }
0xc0: {  	[tilespmem:s11], [sflag:$0x4] =	stream.indirect.gather [hbm4b:s1+s10], $0x80, s13, s10, $0xb8;
	[tilespmem:$0x1DDF8] =	vst v63  }
0xc1: {  	_ =	swait.ge [sflag:s12], $0x4000  }
0xc2: {  	[sflag:s12] =	ssyncset.done $0x0  }
0xc3: {  	s26 =	simm.s32 $0x1B00;
	[sflag:s12] =	ssyncadd.s32 $0xFFFFC000  }
0xc4: {  	[spmem:s4] =	stream.indirect.scatter.add.f32 [tilespmem:s14], [sflag:$0x5], $0x1, s26, s10, $0xb8;
	[tilespmem:$0x1DDF8] =	vst v63  }
0xc5: {  	_ = 	snop  }
0xc6: {  	[spmem:s3] =	stream.indirect.scatter.add.f32 [tilespmem:s30], [sflag:$0x6], $0x80, s26, s10, $0xb8;
	[tilespmem:$0x1DDF8] =	vst v63  }
0xc7: {  	_ =	swait.ge [sflag:s31], $0x4000  }
0xc8: {  	[sflag:s31] =	ssyncset.done $0x0  }
0xc9: {  	s25 =	simm.s32 $0xC00;
	[sflag:s31] =	ssyncadd.s32 $0xFFFFC000  }
0xca: {  	[tilespmem:s30], [sflag:$0x3] =	stream.indirect.gather [hbm4b:s1+s10], $0x80, s25, s10, $0xb8;
	[tilespmem:$0x1DDF8] =	vst v63  }
0xcb: {  	_ =	swait.ge [sflag:s16], $0x4000  }
0xcc: {  	[sflag:s16] =	ssyncset.done $0x0  }
0xcd: {  	s26 =	simm.s32 $0x1B80;
	[sflag:s16] =	ssyncadd.s32 $0xFFFFC000  }
0xce: {  	[spmem:s4] =	stream.indirect.scatter.add.f32 [tilespmem:s14], [sflag:$0x5], $0x1, s26, s10, $0xb8;
	[tilespmem:$0x1DDF8] =	vst v63  }
0xcf: {  	_ = 	snop  }
0xd0: {  	[spmem:s3] =	stream.indirect.scatter.add.f32 [tilespmem:s11], [sflag:$0x6], $0x80, s26, s10, $0xb8;
	[tilespmem:$0x1DDF8] =	vst v63  }
0xd1: {  	_ =	swait.ge [sflag:s31], $0x4000  }
0xd2: {  	[sflag:s31] =	ssyncset.done $0x0  }
0xd3: {  	s25 =	simm.s32 $0xC80;
	[sflag:s31] =	ssyncadd.s32 $0xFFFFC000  }
0xd4: {  	[tilespmem:s11], [sflag:$0x4] =	stream.indirect.gather [hbm4b:s1+s10], $0x80, s25, s10, $0xb8;
	[tilespmem:$0x1DDF8] =	vst v63  }
0xd5: {  	_ =	swait.ge [sflag:s12], $0x4000  }
0xd6: {  	[sflag:s12] =	ssyncset.done $0x0  }
0xd7: {  	s26 =	simm.s32 $0x1C00;
	[sflag:s12] =	ssyncadd.s32 $0xFFFFC000  }
0xd8: {  	[spmem:s4] =	stream.indirect.scatter.add.f32 [tilespmem:s14], [sflag:$0x5], $0x1, s26, s10, $0xb8;
	[tilespmem:$0x1DDF8] =	vst v63  }
0xd9: {  	_ = 	snop  }
0xda: {  	[spmem:s3] =	stream.indirect.scatter.add.f32 [tilespmem:s30], [sflag:$0x6], $0x80, s26, s10, $0xb8;
	[tilespmem:$0x1DDF8] =	vst v63  }
0xdb: {  	_ =	swait.ge [sflag:s31], $0x4000  }
0xdc: {  	[sflag:s31] =	ssyncset.done $0x0  }
0xdd: {  	s25 =	simm.s32 $0xD00;
	[sflag:s31] =	ssyncadd.s32 $0xFFFFC000  }
0xde: {  	[tilespmem:s30], [sflag:$0x3] =	stream.indirect.gather [hbm4b:s1+s10], $0x80, s25, s10, $0xb8;
	[tilespmem:$0x1DDF8] =	vst v63  }
0xdf: {  	_ =	swait.ge [sflag:s16], $0x4000  }
0xe0: {  	[sflag:s16] =	ssyncset.done $0x0  }
0xe1: {  	s26 =	simm.s32 $0x1C80;
	[sflag:s16] =	ssyncadd.s32 $0xFFFFC000  }
0xe2: {  	[spmem:s4] =	stream.indirect.scatter.add.f32 [tilespmem:s14], [sflag:$0x5], $0x1, s26, s10, $0xb8;
	[tilespmem:$0x1DDF8] =	vst v63  }
0xe3: {  	_ = 	snop  }
0xe4: {  	[spmem:s3] =	stream.indirect.scatter.add.f32 [tilespmem:s11], [sflag:$0x6], $0x80, s26, s10, $0xb8;
	[tilespmem:$0x1DDF8] =	vst v63  }
0xe5: {  	_ =	swait.ge [sflag:s31], $0x4000  }
0xe6: {  	[sflag:s31] =	ssyncset.done $0x0  }
0xe7: {  	s25 =	simm.s32 $0xD80;
	[sflag:s31] =	ssyncadd.s32 $0xFFFFC000  }
0xe8: {  	[tilespmem:s11], [sflag:$0x4] =	stream.indirect.gather [hbm4b:s1+s10], $0x80, s25, s10, $0xb8;
	[tilespmem:$0x1DDF8] =	vst v63  }
0xe9: {  	_ =	swait.ge [sflag:s12], $0x4000  }
0xea: {  	[sflag:s12] =	ssyncset.done $0x0  }
0xeb: {  	s26 =	simm.s32 $0x1D00;
	[sflag:s12] =	ssyncadd.s32 $0xFFFFC000  }
0xec: {  	[spmem:s4] =	stream.indirect.scatter.add.f32 [tilespmem:s14], [sflag:$0x5], $0x1, s26, s10, $0xb8;
	[tilespmem:$0x1DDF8] =	vst v63  }
0xed: {  	_ = 	snop  }
0xee: {  	[spmem:s3] =	stream.indirect.scatter.add.f32 [tilespmem:s30], [sflag:$0x6], $0x80, s26, s10, $0xb8;
	[tilespmem:$0x1DDF8] =	vst v63  }
0xef: {  	_ =	swait.ge [sflag:s31], $0x4000  }
0xf0: {  	[sflag:s31] =	ssyncset.done $0x0  }
0xf1: {  	s25 =	simm.s32 $0xE00;
	[sflag:s31] =	ssyncadd.s32 $0xFFFFC000  }
0xf2: {  	[tilespmem:s30], [sflag:$0x3] =	stream.indirect.gather [hbm4b:s1+s10], $0x80, s25, s10, $0xb8;
	[tilespmem:$0x1DDF8] =	vst v63  }
0xf3: {  	_ =	swait.ge [sflag:s16], $0x4000  }
0xf4: {  	[sflag:s16] =	ssyncset.done $0x0  }
0xf5: {  	s26 =	simm.s32 $0x1D80;
	[sflag:s16] =	ssyncadd.s32 $0xFFFFC000  }
0xf6: {  	[spmem:s4] =	stream.indirect.scatter.add.f32 [tilespmem:s14], [sflag:$0x5], $0x1, s26, s10, $0xb8;
	[tilespmem:$0x1DDF8] =	vst v63  }
0xf7: {  	_ = 	snop  }
0xf8: {  	[spmem:s3] =	stream.indirect.scatter.add.f32 [tilespmem:s11], [sflag:$0x6], $0x80, s26, s10, $0xb8;
	[tilespmem:$0x1DDF8] =	vst v63  }
0xf9: {  	_ =	swait.ge [sflag:s31], $0x4000  }
0xfa: {  	[sflag:s31] =	ssyncset.done $0x0  }
0xfb: {  	s25 =	simm.s32 $0xE80;
	[sflag:s31] =	ssyncadd.s32 $0xFFFFC000  }
0xfc: {  	[tilespmem:s11], [sflag:$0x4] =	stream.indirect.gather [hbm4b:s1+s10], $0x80, s25, s10, $0xb8;
	[tilespmem:$0x1DDF8] =	vst v63  }
0xfd: {  	_ =	swait.ge [sflag:s12], $0x4000  }
0xfe: {  	[sflag:s12] =	ssyncset.done $0x0  }
0xff: {  	s26 =	simm.s32 $0x1E00;
	[sflag:s12] =	ssyncadd.s32 $0xFFFFC000  }
0x100: {  	[spmem:s4] =	stream.indirect.scatter.add.f32 [tilespmem:s14], [sflag:$0x5], $0x1, s26, s10, $0xb8;
	[tilespmem:$0x1DDF8] =	vst v63  }
0x101: {  	_ = 	snop  }
0x102: {  	[spmem:s3] =	stream.indirect.scatter.add.f32 [tilespmem:s30], [sflag:$0x6], $0x80, s26, s10, $0xb8;
	[tilespmem:$0x1DDF8] =	vst v63  }
0x103: {  	_ =	swait.ge [sflag:s31], $0x4000  }
0x104: {  	[sflag:s31] =	ssyncset.done $0x0  }
0x105: {  	s25 =	simm.s32 $0xF00;
	[sflag:s31] =	ssyncadd.s32 $0xFFFFC000  }
0x106: {  	[tilespmem:s30], [sflag:$0x3] =	stream.indirect.gather [hbm4b:s1+s10], $0x80, s25, s10, $0xb8;
	[tilespmem:$0x1DDF8] =	vst v63  }
0x107: {  	_ =	swait.ge [sflag:s16], $0x4000  }
0x108: {  	[sflag:s16] =	ssyncset.done $0x0  }
0x109: {  	s26 =	simm.s32 $0x1E80;
	[sflag:s16] =	ssyncadd.s32 $0xFFFFC000  }
0x10a: {  	[spmem:s4] =	stream.indirect.scatter.add.f32 [tilespmem:s14], [sflag:$0x5], $0x1, s26, s10, $0xb8;
	[tilespmem:$0x1DDF8] =	vst v63  }
0x10b: {  	_ = 	snop  }
0x10c: {  	[spmem:s3] =	stream.indirect.scatter.add.f32 [tilespmem:s11], [sflag:$0x6], $0x80, s26, s10, $0xb8;
	[tilespmem:$0x1DDF8] =	vst v63  }
0x10d: {  	_ =	swait.ge [sflag:s31], $0x4000  }
0x10e: {  	[sflag:s31] =	ssyncset.done $0x0  }
0x10f: {  	s25 =	simm.s32 $0xF80;
	[sflag:s31] =	ssyncadd.s32 $0xFFFFC000  }
0x110: {  	[tilespmem:s11], [sflag:$0x4] =	stream.indirect.gather [hbm4b:s1+s10], $0x80, s25, s10, $0xb8;
	[tilespmem:$0x1DDF8] =	vst v63  }
0x111: {  	_ =	swait.ge [sflag:s12], $0x4000  }
0x112: {  	[sflag:s12] =	ssyncset.done $0x0  }
0x113: {  	s26 =	simm.s32 $0x1F00;
	[sflag:s12] =	ssyncadd.s32 $0xFFFFC000  }
0x114: {  	[spmem:s4] =	stream.indirect.scatter.add.f32 [tilespmem:s14], [sflag:$0x5], $0x1, s26, s10, $0xb8;
	[tilespmem:$0x1DDF8] =	vst v63  }
0x115: {  	_ = 	snop  }
0x116: {  	[spmem:s3] =	stream.indirect.scatter.add.f32 [tilespmem:s30], [sflag:$0x6], $0x80, s26, s10, $0xb8;
	[tilespmem:$0x1DDF8] =	vst v63  }
0x117: {  	_ =	swait.ge [sflag:s31], $0x4000  }
0x118: {  	[sflag:s31] =	ssyncset.done $0x0  }
0x119: {  	p1 =	sgt.u32 s5, $0x7C;
	[sflag:s31] =	ssyncadd.s32 $0xFFFFC000  }
0x11a: {  	_ =	swait.ge @p1 [sflag:s16], $0x4000  }
0x11b: {  	[sflag:s16] =	ssyncset.done @p1 $0x0  }
0x11c: {  	s5 =	simm.s32 @p1 $0x1F80;
	[sflag:s16] =	ssyncadd.s32 @p1 $0xFFFFC000  }
0x11d: {  	[spmem:s4] =	stream.indirect.scatter.add.f32 @p1 [tilespmem:s14], [sflag:$0x5], $0x1, s5, s10, $0xb8;
	[tilespmem:$0x1DDF8] =	vst v63  }
0x11e: {  	_ = 	snop  }
0x11f: {  	[spmem:s3] =	stream.indirect.scatter.add.f32 @p1 [tilespmem:s11], [sflag:$0x6], $0x80, s5, s10, $0xb8;
	[tilespmem:$0x1DDF8] =	vst v63  }
0x120: {  	_ =	swait.ge @p1 [sflag:s31], $0x4000  }
0x121: {  	[sflag:s31] =	ssyncset.done @p1 $0x0  }
0x122: {  	s5 =	simm.s32 @!p1 $0x0;
	[sflag:s31] =	ssyncadd.s32 @p1 $0xFFFFC000  }
0x123: {  	[tilespmem:s30], [sflag:$0x3] =	stream.indirect.gather @!p1 [hbm4b:s1+s10], $0x80, s5, s10, $0xb8;
	[tilespmem:$0x1DDF8] =	vst v63  }
0x124: {  	_ =	swait.ge @!p1 [sflag:s16], $0x4000  }
0x125: {  	[sflag:s16] =	ssyncset.done @!p1 $0x0  }
0x126: {  	s5 =	simm.s32 @!p1 $0x1F80;
	[sflag:s16] =	ssyncadd.s32 @!p1 $0xFFFFC000  }
0x127: {  	[spmem:s4] =	stream.indirect.scatter.add.f32 @!p1 [tilespmem:s14], [sflag:$0x5], $0x1, s5, s10, $0xb8;
	[tilespmem:$0x1DDF8] =	vst v63  }
0x128: {  	_ = 	snop  }
0x129: {  	[spmem:s3] =	stream.indirect.scatter.add.f32 @!p1 [tilespmem:s11], [sflag:$0x6], $0x80, s5, s10, $0xb8;
	[tilespmem:$0x1DDF8] =	vst v63  }
0x12a: {  	_ =	swait.ge @!p1 [sflag:s31], $0x4000  }
0x12b: {  	[sflag:s31] =	ssyncset.done @!p1 $0x0  }
0x12c: {  	[sflag:s31] =	ssyncadd.s32 @!p1 $0xFFFFC000  }
0x12d: {  	[tilespmem:s11], [sflag:$0x4] =	stream.indirect.gather @!p1 [hbm4b:s1+s10], $0x80, s10, s10, $0xb8;
	[tilespmem:$0x1DDF8] =	vst v63  }
.LBB2_32:
0x12e: {  	s2 =	sadd.s32 $0x40, s2  }
0x12f: {  	p1 =	sne.s32 s2, $0xC0  }
.Ltmp4:
0x130: {  	_ = 	snop;
	(pc) =	sbr.rel @!p1 .LBB2_33-.Ltmp4, $2  }
0x131: {  	_ =	sdelay $0x2  }
0x132: {  	s28 =	sadd.s32 $0x4000, s28;
	s22 =	sadd.s32 $0x4000, s22  }
.LBB2_4:
0x133: {  	p1 =	seq.s32 s2, $0x0  }
0x134: {  	s5 =	simm.s32 @!p1 $0x5  }
0x135: {  	_ =	swait.ge @!p1 [sflag:s5], $0x80  }
0x136: {  	[sflag:s5] =	ssyncset.done @!p1 $0x0  }
0x137: {  	[sflag:s5] =	ssyncadd.s32 @!p1 $0xFFFFFF80  }
0x138: {  	_ =	swait.ge @!p1 [sflag:s5], $0x80  }
0x139: {  	[sflag:s5] =	ssyncset.done @!p1 $0x0  }
0x13a: {  	[sflag:s5] =	ssyncadd.s32 @!p1 $0xFFFFFF80  }
0x13b: {  	_ =	swait.ge @!p1 [sflag:s5], $0x80  }
0x13c: {  	[sflag:s5] =	ssyncset.done @!p1 $0x0  }
0x13d: {  	[sflag:s5] =	ssyncadd.s32 @!p1 $0xFFFFFF80  }
0x13e: {  	_ =	swait.ge @!p1 [sflag:s5], $0x80  }
0x13f: {  	[sflag:s5] =	ssyncset.done @!p1 $0x0  }
0x140: {  	[sflag:s5] =	ssyncadd.s32 @!p1 $0xFFFFFF80  }
0x141: {  	_ =	swait.ge @!p1 [sflag:s5], $0x80  }
0x142: {  	[sflag:s5] =	ssyncset.done @!p1 $0x0  }
0x143: {  	[sflag:s5] =	ssyncadd.s32 @!p1 $0xFFFFFF80  }
0x144: {  	_ =	swait.ge @!p1 [sflag:s5], $0x80  }
0x145: {  	[sflag:s5] =	ssyncset.done @!p1 $0x0  }
0x146: {  	[sflag:s5] =	ssyncadd.s32 @!p1 $0xFFFFFF80  }
0x147: {  	_ =	swait.ge @!p1 [sflag:s5], $0x80  }
0x148: {  	[sflag:s5] =	ssyncset.done @!p1 $0x0  }
0x149: {  	[sflag:s5] =	ssyncadd.s32 @!p1 $0xFFFFFF80  }
0x14a: {  	_ =	swait.ge @!p1 [sflag:s5], $0x80  }
0x14b: {  	[sflag:s5] =	ssyncset.done @!p1 $0x0  }
0x14c: {  	[sflag:s5] =	ssyncadd.s32 @!p1 $0xFFFFFF80  }
0x14d: {  	_ =	swait.ge @!p1 [sflag:s5], $0x80  }
0x14e: {  	[sflag:s5] =	ssyncset.done @!p1 $0x0  }
0x14f: {  	[sflag:s5] =	ssyncadd.s32 @!p1 $0xFFFFFF80  }
0x150: {  	_ =	swait.ge @!p1 [sflag:s5], $0x80  }
0x151: {  	[sflag:s5] =	ssyncset.done @!p1 $0x0  }
0x152: {  	[sflag:s5] =	ssyncadd.s32 @!p1 $0xFFFFFF80  }
0x153: {  	_ =	swait.ge @!p1 [sflag:s5], $0x80  }
0x154: {  	[sflag:s5] =	ssyncset.done @!p1 $0x0  }
0x155: {  	[sflag:s5] =	ssyncadd.s32 @!p1 $0xFFFFFF80  }
0x156: {  	_ =	swait.ge @!p1 [sflag:s5], $0x80  }
0x157: {  	[sflag:s5] =	ssyncset.done @!p1 $0x0  }
0x158: {  	[sflag:s5] =	ssyncadd.s32 @!p1 $0xFFFFFF80  }
0x159: {  	_ =	swait.ge @!p1 [sflag:s5], $0x80  }
0x15a: {  	[sflag:s5] =	ssyncset.done @!p1 $0x0  }
0x15b: {  	[sflag:s5] =	ssyncadd.s32 @!p1 $0xFFFFFF80  }
0x15c: {  	_ =	swait.ge @!p1 [sflag:s5], $0x80  }
0x15d: {  	[sflag:s5] =	ssyncset.done @!p1 $0x0  }
0x15e: {  	s13 =	sadd.s32 s2, s8;
	[sflag:s5] =	ssyncadd.s32 @!p1 $0xFFFFFF80  }
0x15f: {  	p2 =	sgt.u32 s13, $0x9C;
	_ =	swait.ge @!p1 [sflag:s5], $0x80  }
.Ltmp5:
0x160: {  	[sflag:s5] =	ssyncset.done @!p1 $0x0;
	(pc) =	sbr.rel @p2 .LBB2_32-.Ltmp5, $4  }
0x161: {  	[sflag:s5] =	ssyncadd.s32 @!p1 $0xFFFFFF80  }
0x162: {  	_ =	swait.ge @!p1 [sflag:s5], $0x80  }
0x163: {  	[sflag:s5] =	ssyncset.done @!p1 $0x0  }
0x164: {  	[sflag:s5] =	ssyncadd.s32 @!p1 $0xFFFFFF80  }
0x165: {  	_ =	swait.ge [sflag:s12], $0x4000  }
0x166: {  	[sflag:s12] =	ssyncset.done $0x0  }
0x167: {  	[sflag:s12] =	ssyncadd.s32 $0xFFFFC000  }
0x168: {  	[spmem:s4] =	stream.indirect.scatter.add.f32 [tilespmem:s14], [sflag:$0x5], $0x1, s0, s10, $0xb8;
	[tilespmem:$0x1DDF8] =	vst v63  }
0x169: {  	_ = 	snop  }
0x16a: {  	[spmem:s3] =	stream.indirect.scatter.add.f32 [tilespmem:s30], [sflag:$0x6], $0x80, s0, s10, $0xb8;
	[tilespmem:$0x1DDF8] =	vst v63  }
0x16b: {  	_ =	swait.ge [sflag:s31], $0x4000  }
0x16c: {  	[sflag:s31] =	ssyncset.done $0x0  }
0x16d: {  	[sflag:s31] =	ssyncadd.s32 $0xFFFFC000  }
0x16e: {  	[tilespmem:s30], [sflag:$0x3] =	stream.indirect.gather [hbm4b:s1+s10], $0x80, s7, s10, $0xb8;
	[tilespmem:$0x1DDF8] =	vst v63  }
0x16f: {  	_ =	swait.ge [sflag:s16], $0x4000  }
0x170: {  	[sflag:s16] =	ssyncset.done $0x0  }
0x171: {  	[sflag:s16] =	ssyncadd.s32 $0xFFFFC000  }
0x172: {  	[spmem:s4] =	stream.indirect.scatter.add.f32 [tilespmem:s14], [sflag:$0x5], $0x1, s17, s10, $0xb8;
	[tilespmem:$0x1DDF8] =	vst v63  }
0x173: {  	_ = 	snop  }
0x174: {  	[spmem:s3] =	stream.indirect.scatter.add.f32 [tilespmem:s11], [sflag:$0x6], $0x80, s17, s10, $0xb8;
	[tilespmem:$0x1DDF8] =	vst v63  }
0x175: {  	s5 =	sadd.s32 $0x20, s13;
	_ =	swait.ge [sflag:s31], $0x4000  }
0x176: {  	p1 =	sgt.u32 s5, $0x9B;
	[sflag:s31] =	ssyncset.done $0x0  }
0x177: {  	s25 =	simm.s32 @!p1 $0x0;
	s26 =	simm.s32 @!p1 $0x800;
	[sflag:s31] =	ssyncadd.s32 $0xFFFFC000  }
0x178: {  	[tilespmem:s26], [sflag:$0x2] =	stream.linear.gather @!p1 [hbm4b:s22+s25], $0x800, $0x38;
	[tilespmem:$0x1DDF8] =	vst v63  }
0x179: {  	s26 =	simm.s32 @!p1 $0x1800  }
0x17a: {  	[tilespmem:s26], [sflag:$0x2] =	stream.linear.gather @!p1 [hbm4b:s28+s25], $0x800, $0x38;
	[tilespmem:$0x1DDF8] =	vst v63  }
0x17b: {  	s26 =	simm.s32 $0x180  }
0x17c: {  	[tilespmem:s11], [sflag:$0x4] =	stream.indirect.gather [hbm4b:s1+s10], $0x80, s26, s10, $0xb8;
	[tilespmem:$0x1DDF8] =	vst v63  }
0x17d: {  	_ =	swait.ge [sflag:s12], $0x4000  }
0x17e: {  	s26 =	sadd.s32 $0xFFFFFF64, s13;
	[sflag:s12] =	ssyncset.done $0x0  }
0x17f: {  	p2 =	seq.s32 s26, $0x0;
	[sflag:s12] =	ssyncadd.s32 $0xFFFFC000  }
0x180: {  	[spmem:s4] =	stream.indirect.scatter.add.f32 [tilespmem:s14], [sflag:$0x5], $0x1, s20, s10, $0xb8;
	[tilespmem:$0x1DDF8] =	vst v63  }
.Ltmp6:
0x181: {  	_ = 	snop;
	(pc) =	sbr.rel @p2 .LBB2_8-.Ltmp6, $4  }
0x182: {  	[spmem:s3] =	stream.indirect.scatter.add.f32 [tilespmem:s30], [sflag:$0x6], $0x80, s20, s10, $0xb8;
	[tilespmem:$0x1DDF8] =	vst v63  }
0x183: {  	_ =	swait.ge [sflag:s31], $0x4000  }
0x184: {  	[sflag:s31] =	ssyncset.done $0x0  }
0x185: {  	[sflag:s31] =	ssyncadd.s32 $0xFFFFC000  }
0x186: {  	s25 =	simm.s32 $0x200  }
0x187: {  	[tilespmem:s30], [sflag:$0x3] =	stream.indirect.gather [hbm4b:s1+s10], $0x80, s25, s10, $0xb8;
	[tilespmem:$0x1DDF8] =	vst v63  }
0x188: {  	_ =	swait.ge [sflag:s16], $0x4000  }
0x189: {  	[sflag:s16] =	ssyncset.done $0x0  }
0x18a: {  	[sflag:s16] =	ssyncadd.s32 $0xFFFFC000  }
0x18b: {  	[spmem:s4] =	stream.indirect.scatter.add.f32 [tilespmem:s14], [sflag:$0x5], $0x1, s21, s10, $0xb8;
	[tilespmem:$0x1DDF8] =	vst v63  }
0x18c: {  	_ = 	snop  }
0x18d: {  	[spmem:s3] =	stream.indirect.scatter.add.f32 [tilespmem:s11], [sflag:$0x6], $0x80, s21, s10, $0xb8;
	[tilespmem:$0x1DDF8] =	vst v63  }
0x18e: {  	_ =	swait.ge [sflag:s31], $0x4000  }
0x18f: {  	[sflag:s31] =	ssyncset.done $0x0  }
0x190: {  	s26 =	simm.s32 $0x280;
	[sflag:s31] =	ssyncadd.s32 $0xFFFFC000  }
0x191: {  	[tilespmem:s11], [sflag:$0x4] =	stream.indirect.gather [hbm4b:s1+s10], $0x80, s26, s10, $0xb8;
	[tilespmem:$0x1DDF8] =	vst v63  }
0x192: {  	_ =	swait.ge [sflag:s12], $0x4000  }
0x193: {  	[sflag:s12] =	ssyncset.done $0x0  }
0x194: {  	s26 =	simm.s32 $0x1200;
	[sflag:s12] =	ssyncadd.s32 $0xFFFFC000  }
0x195: {  	[spmem:s4] =	stream.indirect.scatter.add.f32 [tilespmem:s14], [sflag:$0x5], $0x1, s26, s10, $0xb8;
	[tilespmem:$0x1DDF8] =	vst v63  }
0x196: {  	_ = 	snop  }
0x197: {  	[spmem:s3] =	stream.indirect.scatter.add.f32 [tilespmem:s30], [sflag:$0x6], $0x80, s26, s10, $0xb8;
	[tilespmem:$0x1DDF8] =	vst v63  }
0x198: {  	_ =	swait.ge [sflag:s31], $0x4000  }
0x199: {  	[sflag:s31] =	ssyncset.done $0x0  }
0x19a: {  	s26 =	simm.s32 $0x300;
	[sflag:s31] =	ssyncadd.s32 $0xFFFFC000  }
0x19b: {  	[tilespmem:s30], [sflag:$0x3] =	stream.indirect.gather [hbm4b:s1+s10], $0x80, s26, s10, $0xb8;
	[tilespmem:$0x1DDF8] =	vst v63  }
0x19c: {  	_ =	swait.ge [sflag:s16], $0x4000  }
0x19d: {  	[sflag:s16] =	ssyncset.done $0x0  }
0x19e: {  	s26 =	simm.s32 $0x1280;
	[sflag:s16] =	ssyncadd.s32 $0xFFFFC000  }
0x19f: {  	[spmem:s4] =	stream.indirect.scatter.add.f32 [tilespmem:s14], [sflag:$0x5], $0x1, s26, s10, $0xb8;
	[tilespmem:$0x1DDF8] =	vst v63  }
0x1a0: {  	_ = 	snop  }
0x1a1: {  	[spmem:s3] =	stream.indirect.scatter.add.f32 [tilespmem:s11], [sflag:$0x6], $0x80, s26, s10, $0xb8;
	[tilespmem:$0x1DDF8] =	vst v63  }
0x1a2: {  	_ =	swait.ge [sflag:s31], $0x4000  }
0x1a3: {  	p2 =	slt.u32 s5, $0x9C;
	[sflag:s31] =	ssyncset.done $0x0  }
0x1a4: {  	s25 =	simm.s32 @p2 $0x2;
	[sflag:s31] =	ssyncadd.s32 $0xFFFFC000  }
0x1a5: {  	_ =	swait.ge @p2 [sflag:s25], $0x800  }
0x1a6: {  	[sflag:s25] =	ssyncset.done @p2 $0x0  }
0x1a7: {  	[sflag:s25] =	ssyncadd.s32 @p2 $0xFFFFF800  }
0x1a8: {  	_ =	swait.ge @p2 [sflag:s25], $0x800  }
0x1a9: {  	[sflag:s25] =	ssyncset.done @p2 $0x0  }
0x1aa: {  	s26 =	simm.s32 $0x380;
	[sflag:s25] =	ssyncadd.s32 @p2 $0xFFFFF800  }
0x1ab: {  	[tilespmem:s11], [sflag:$0x4] =	stream.indirect.gather [hbm4b:s1+s10], $0x80, s26, s10, $0xb8;
	[tilespmem:$0x1DDF8] =	vst v63  }
0x1ac: {  	_ =	swait.ge [sflag:s12], $0x4000  }
0x1ad: {  	[sflag:s12] =	ssyncset.done $0x0  }
0x1ae: {  	s26 =	simm.s32 $0x1300;
	[sflag:s12] =	ssyncadd.s32 $0xFFFFC000  }
0x1af: {  	[spmem:s4] =	stream.indirect.scatter.add.f32 [tilespmem:s14], [sflag:$0x5], $0x1, s26, s10, $0xb8;
	[tilespmem:$0x1DDF8] =	vst v63  }
0x1b0: {  	_ = 	snop  }
0x1b1: {  	[spmem:s3] =	stream.indirect.scatter.add.f32 [tilespmem:s30], [sflag:$0x6], $0x80, s26, s10, $0xb8;
	[tilespmem:$0x1DDF8] =	vst v63  }
0x1b2: {  	_ =	swait.ge [sflag:s31], $0x4000  }
0x1b3: {  	[sflag:s31] =	ssyncset.done $0x0  }
0x1b4: {  	s26 =	simm.s32 $0x400;
	[sflag:s31] =	ssyncadd.s32 $0xFFFFC000  }
0x1b5: {  	[tilespmem:s30], [sflag:$0x3] =	stream.indirect.gather [hbm4b:s1+s10], $0x80, s26, s10, $0xb8;
	[tilespmem:$0x1DDF8] =	vst v63  }
0x1b6: {  	_ =	swait.ge [sflag:s16], $0x4000  }
0x1b7: {  	[sflag:s16] =	ssyncset.done $0x0  }
0x1b8: {  	s26 =	simm.s32 $0x1380;
	[sflag:s16] =	ssyncadd.s32 $0xFFFFC000  }
0x1b9: {  	[spmem:s4] =	stream.indirect.scatter.add.f32 [tilespmem:s14], [sflag:$0x5], $0x1, s26, s10, $0xb8;
	[tilespmem:$0x1DDF8] =	vst v63  }
0x1ba: {  	_ = 	snop  }
0x1bb: {  	[spmem:s3] =	stream.indirect.scatter.add.f32 [tilespmem:s11], [sflag:$0x6], $0x80, s26, s10, $0xb8;
	[tilespmem:$0x1DDF8] =	vst v63  }
0x1bc: {  	_ =	swait.ge [sflag:s31], $0x4000  }
0x1bd: {  	[sflag:s31] =	ssyncset.done $0x0  }
0x1be: {  	s26 =	simm.s32 $0x480;
	[sflag:s31] =	ssyncadd.s32 $0xFFFFC000  }
0x1bf: {  	[tilespmem:s11], [sflag:$0x4] =	stream.indirect.gather [hbm4b:s1+s10], $0x80, s26, s10, $0xb8;
	[tilespmem:$0x1DDF8] =	vst v63  }
0x1c0: {  	_ =	swait.ge [sflag:s12], $0x4000  }
0x1c1: {  	[sflag:s12] =	ssyncset.done $0x0  }
0x1c2: {  	s26 =	simm.s32 $0x1400;
	[sflag:s12] =	ssyncadd.s32 $0xFFFFC000  }
0x1c3: {  	[spmem:s4] =	stream.indirect.scatter.add.f32 [tilespmem:s14], [sflag:$0x5], $0x1, s26, s10, $0xb8;
	[tilespmem:$0x1DDF8] =	vst v63  }
0x1c4: {  	_ = 	snop  }
0x1c5: {  	[spmem:s3] =	stream.indirect.scatter.add.f32 [tilespmem:s30], [sflag:$0x6], $0x80, s26, s10, $0xb8;
	[tilespmem:$0x1DDF8] =	vst v63  }
0x1c6: {  	_ =	swait.ge [sflag:s31], $0x4000  }
0x1c7: {  	[sflag:s31] =	ssyncset.done $0x0  }
0x1c8: {  	s26 =	simm.s32 $0x500;
	[sflag:s31] =	ssyncadd.s32 $0xFFFFC000  }
0x1c9: {  	[tilespmem:s30], [sflag:$0x3] =	stream.indirect.gather [hbm4b:s1+s10], $0x80, s26, s10, $0xb8;
	[tilespmem:$0x1DDF8] =	vst v63  }
0x1ca: {  	_ =	swait.ge [sflag:s16], $0x4000  }
0x1cb: {  	[sflag:s16] =	ssyncset.done $0x0  }
0x1cc: {  	s26 =	simm.s32 $0x1480;
	[sflag:s16] =	ssyncadd.s32 $0xFFFFC000  }
0x1cd: {  	[spmem:s4] =	stream.indirect.scatter.add.f32 [tilespmem:s14], [sflag:$0x5], $0x1, s26, s10, $0xb8;
	[tilespmem:$0x1DDF8] =	vst v63  }
0x1ce: {  	_ = 	snop  }
0x1cf: {  	[spmem:s3] =	stream.indirect.scatter.add.f32 [tilespmem:s11], [sflag:$0x6], $0x80, s26, s10, $0xb8;
	[tilespmem:$0x1DDF8] =	vst v63  }
0x1d0: {  	_ =	swait.ge [sflag:s31], $0x4000  }
0x1d1: {  	[sflag:s31] =	ssyncset.done $0x0  }
0x1d2: {  	s26 =	simm.s32 $0x580;
	[sflag:s31] =	ssyncadd.s32 $0xFFFFC000  }
0x1d3: {  	[tilespmem:s11], [sflag:$0x4] =	stream.indirect.gather [hbm4b:s1+s10], $0x80, s26, s10, $0xb8;
	[tilespmem:$0x1DDF8] =	vst v63  }
0x1d4: {  	_ =	swait.ge [sflag:s12], $0x4000  }
0x1d5: {  	[sflag:s12] =	ssyncset.done $0x0  }
0x1d6: {  	[sflag:s12] =	ssyncadd.s32 $0xFFFFC000  }
0x1d7: {  	[spmem:s4] =	stream.indirect.scatter.add.f32 [tilespmem:s14], [sflag:$0x5], $0x1, s19, s10, $0xb8;
	[tilespmem:$0x1DDF8] =	vst v63  }
0x1d8: {  	_ = 	snop  }
0x1d9: {  	[spmem:s3] =	stream.indirect.scatter.add.f32 [tilespmem:s30], [sflag:$0x6], $0x80, s19, s10, $0xb8;
	[tilespmem:$0x1DDF8] =	vst v63  }
0x1da: {  	_ =	swait.ge [sflag:s31], $0x4000  }
0x1db: {  	[sflag:s31] =	ssyncset.done $0x0  }
0x1dc: {  	s26 =	simm.s32 $0x600;
	[sflag:s31] =	ssyncadd.s32 $0xFFFFC000  }
0x1dd: {  	[tilespmem:s30], [sflag:$0x3] =	stream.indirect.gather [hbm4b:s1+s10], $0x80, s26, s10, $0xb8;
	[tilespmem:$0x1DDF8] =	vst v63  }
0x1de: {  	_ =	swait.ge [sflag:s16], $0x4000  }
0x1df: {  	[sflag:s16] =	ssyncset.done $0x0  }
0x1e0: {  	[sflag:s16] =	ssyncadd.s32 $0xFFFFC000  }
0x1e1: {  	[spmem:s4] =	stream.indirect.scatter.add.f32 [tilespmem:s14], [sflag:$0x5], $0x1, s29, s10, $0xb8;
	[tilespmem:$0x1DDF8] =	vst v63  }
0x1e2: {  	_ = 	snop  }
0x1e3: {  	[spmem:s3] =	stream.indirect.scatter.add.f32 [tilespmem:s11], [sflag:$0x6], $0x80, s29, s10, $0xb8;
	[tilespmem:$0x1DDF8] =	vst v63  }
0x1e4: {  	_ =	swait.ge [sflag:s31], $0x4000  }
0x1e5: {  	[sflag:s31] =	ssyncset.done $0x0  }
0x1e6: {  	s26 =	simm.s32 $0x680;
	[sflag:s31] =	ssyncadd.s32 $0xFFFFC000  }
0x1e7: {  	[tilespmem:s11], [sflag:$0x4] =	stream.indirect.gather [hbm4b:s1+s10], $0x80, s26, s10, $0xb8;
	[tilespmem:$0x1DDF8] =	vst v63  }
0x1e8: {  	_ =	swait.ge [sflag:s12], $0x4000  }
0x1e9: {  	[sflag:s12] =	ssyncset.done $0x0  }
0x1ea: {  	[sflag:s12] =	ssyncadd.s32 $0xFFFFC000  }
0x1eb: {  	[spmem:s4] =	stream.indirect.scatter.add.f32 [tilespmem:s14], [sflag:$0x5], $0x1, s15, s10, $0xb8;
	[tilespmem:$0x1DDF8] =	vst v63  }
0x1ec: {  	_ = 	snop  }
0x1ed: {  	[spmem:s3] =	stream.indirect.scatter.add.f32 [tilespmem:s30], [sflag:$0x6], $0x80, s15, s10, $0xb8;
	[tilespmem:$0x1DDF8] =	vst v63  }
0x1ee: {  	_ =	swait.ge [sflag:s31], $0x4000  }
0x1ef: {  	[sflag:s31] =	ssyncset.done $0x0  }
0x1f0: {  	s26 =	simm.s32 $0x700;
	[sflag:s31] =	ssyncadd.s32 $0xFFFFC000  }
0x1f1: {  	[tilespmem:s30], [sflag:$0x3] =	stream.indirect.gather [hbm4b:s1+s10], $0x80, s26, s10, $0xb8;
	[tilespmem:$0x1DDF8] =	vst v63  }
0x1f2: {  	_ =	swait.ge [sflag:s16], $0x4000  }
0x1f3: {  	[sflag:s16] =	ssyncset.done $0x0  }
0x1f4: {  	[sflag:s16] =	ssyncadd.s32 $0xFFFFC000  }
0x1f5: {  	[spmem:s4] =	stream.indirect.scatter.add.f32 [tilespmem:s14], [sflag:$0x5], $0x1, s18, s10, $0xb8;
	[tilespmem:$0x1DDF8] =	vst v63  }
0x1f6: {  	_ = 	snop  }
0x1f7: {  	[spmem:s3] =	stream.indirect.scatter.add.f32 [tilespmem:s11], [sflag:$0x6], $0x80, s18, s10, $0xb8;
	[tilespmem:$0x1DDF8] =	vst v63  }
0x1f8: {  	_ =	swait.ge [sflag:s31], $0x4000  }
0x1f9: {  	[sflag:s31] =	ssyncset.done $0x0  }
0x1fa: {  	s26 =	simm.s32 $0x780;
	[sflag:s31] =	ssyncadd.s32 $0xFFFFC000  }
0x1fb: {  	[tilespmem:s11], [sflag:$0x4] =	stream.indirect.gather [hbm4b:s1+s10], $0x80, s26, s10, $0xb8;
	[tilespmem:$0x1DDF8] =	vst v63  }
0x1fc: {  	_ =	swait.ge [sflag:s12], $0x4000  }
0x1fd: {  	[sflag:s12] =	ssyncset.done $0x0  }
0x1fe: {  	p2 =	sgt.u32 s5, $0x9C;
	[sflag:s12] =	ssyncadd.s32 $0xFFFFC000  }
0x1ff: {  	[spmem:s4] =	stream.indirect.scatter.add.f32 [tilespmem:s14], [sflag:$0x5], $0x1, s24, s10, $0xb8;
	[tilespmem:$0x1DDF8] =	vst v63  }
.Ltmp7:
0x200: {  	_ = 	snop;
	(pc) =	sbr.rel @p2 .LBB2_10-.Ltmp7, $4  }
0x201: {  	[spmem:s3] =	stream.indirect.scatter.add.f32 [tilespmem:s30], [sflag:$0x6], $0x80, s24, s10, $0xb8;
	[tilespmem:$0x1DDF8] =	vst v63  }
0x202: {  	_ =	swait.ge [sflag:s31], $0x4000  }
0x203: {  	[sflag:s31] =	ssyncset.done $0x0  }
0x204: {  	[sflag:s31] =	ssyncadd.s32 $0xFFFFC000  }
0x205: {  	s25 =	simm.s32 $0x800  }
0x206: {  	[tilespmem:s30], [sflag:$0x3] =	stream.indirect.gather [hbm4b:s1+s10], $0x80, s25, s10, $0xb8;
	[tilespmem:$0x1DDF8] =	vst v63  }
0x207: {  	_ =	swait.ge [sflag:s16], $0x4000  }
0x208: {  	[sflag:s16] =	ssyncset.done $0x0  }
0x209: {  	[sflag:s16] =	ssyncadd.s32 $0xFFFFC000  }
0x20a: {  	[spmem:s4] =	stream.indirect.scatter.add.f32 [tilespmem:s14], [sflag:$0x5], $0x1, s9, s10, $0xb8;
	[tilespmem:$0x1DDF8] =	vst v63  }
.Ltmp8:
0x20b: {  	_ = 	snop;
	(pc) =	sbr.rel .LBB2_12-.Ltmp8, $4  }
0x20c: {  	[spmem:s3] =	stream.indirect.scatter.add.f32 [tilespmem:s11], [sflag:$0x6], $0x80, s9, s10, $0xb8;
	[tilespmem:$0x1DDF8] =	vst v63  }
0x20d: {  	_ =	swait.ge [sflag:s31], $0x4000  }
0x20e: {  	[sflag:s31] =	ssyncset.done $0x0  }
0x20f: {  	[sflag:s31] =	ssyncadd.s32 $0xFFFFC000  }
.LBB2_8:
0x210: {  	_ =	swait.ge [sflag:s16], $0x4000  }
0x211: {  	[sflag:s16] =	ssyncset.done $0x0  }
0x212: {  	[sflag:s16] =	ssyncadd.s32 $0xFFFFC000  }
0x213: {  	[spmem:s4] =	stream.indirect.scatter.add.f32 [tilespmem:s14], [sflag:$0x5], $0x1, s21, s10, $0xb8;
	[tilespmem:$0x1DDF8] =	vst v63  }
.Ltmp9:
0x214: {  	_ = 	snop;
	(pc) =	sbr.rel @p1 .LBB2_9-.Ltmp9, $4  }
0x215: {  	[spmem:s3] =	stream.indirect.scatter.add.f32 [tilespmem:s11], [sflag:$0x6], $0x80, s21, s10, $0xb8;
	[tilespmem:$0x1DDF8] =	vst v63  }
0x216: {  	_ =	swait.ge [sflag:s31], $0x4000  }
0x217: {  	[sflag:s31] =	ssyncset.done $0x0  }
0x218: {  	[sflag:s31] =	ssyncadd.s32 $0xFFFFC000  }
0x219: {  	s25 =	simm.s32 $0x2  }
0x21a: {  	_ =	swait.ge [sflag:s25], $0x800  }
0x21b: {  	[sflag:s25] =	ssyncset.done $0x0  }
0x21c: {  	[sflag:s25] =	ssyncadd.s32 $0xFFFFF800  }
0x21d: {  	_ =	swait.ge [sflag:s25], $0x800  }
0x21e: {  	[sflag:s25] =	ssyncset.done $0x0  }
0x21f: {  	s26 =	simm.s32 $0x800;
	[sflag:s25] =	ssyncadd.s32 $0xFFFFF800  }
0x220: {  	[tilespmem:s30], [sflag:$0x3] =	stream.indirect.gather [hbm4b:s1+s10], $0x80, s26, s10, $0xb8;
	[tilespmem:$0x1DDF8] =	vst v63  }
.LBB2_12:
.Ltmp10:
0x221: {  	(pc) =	sbr.rel .LBB2_13-.Ltmp10, $3  }
0x222: {  	_ =	sdelay $0x1  }
0x223: {  	s25 =	simm.s32 $0x880;
	p3 =	por $0x1, $0x1  }
0x224: {  	[tilespmem:s11], [sflag:$0x4] =	stream.indirect.gather [hbm4b:s1+s10], $0x80, s25, s10, $0xb8;
	[tilespmem:$0x1DDF8] =	vst v63  }
.LBB2_10:
0x225: {  	_ =	swait.ge [sflag:s16], $0x4000  }
0x226: {  	[sflag:s16] =	ssyncset.done $0x0  }
0x227: {  	[sflag:s16] =	ssyncadd.s32 $0xFFFFC000  }
0x228: {  	[spmem:s4] =	stream.indirect.scatter.add.f32 [tilespmem:s14], [sflag:$0x5], $0x1, s9, s10, $0xb8;
	[tilespmem:$0x1DDF8] =	vst v63  }
0x229: {  	_ = 	snop  }
0x22a: {  	[spmem:s3] =	stream.indirect.scatter.add.f32 [tilespmem:s11], [sflag:$0x6], $0x80, s9, s10, $0xb8;
	[tilespmem:$0x1DDF8] =	vst v63  }
0x22b: {  	_ =	swait.ge [sflag:s31], $0x4000  }
0x22c: {  	[sflag:s31] =	ssyncset.done $0x0  }
0x22d: {  	p3 =	por $0x0, $0x0;
	[sflag:s31] =	ssyncadd.s32 $0xFFFFC000  }
.LBB2_13:
0x22e: {  	s13 =	sadd.s32 $0x40, s13  }
.LBB2_14:
0x22f: {  	_ =	swait.ge [sflag:s23], $0x80  }
0x230: {  	[sflag:s23] =	ssyncset.done $0x0  }
0x231: {  	[sflag:s23] =	ssyncadd.s32 $0xFFFFFF80  }
0x232: {  	_ =	swait.ge [sflag:s23], $0x80  }
0x233: {  	[sflag:s23] =	ssyncset.done $0x0  }
0x234: {  	[sflag:s23] =	ssyncadd.s32 $0xFFFFFF80  }
0x235: {  	p2 =	sgt.u32 s5, $0xBB;
	_ =	swait.ge [sflag:s23], $0x80  }
.Ltmp11:
0x236: {  	[sflag:s23] =	ssyncset.done $0x0;
	(pc) =	sbr.rel @p2 .LBB2_16-.Ltmp11, $4  }
0x237: {  	[sflag:s23] =	ssyncadd.s32 $0xFFFFFF80  }
0x238: {  	_ =	swait.ge [sflag:s23], $0x80  }
0x239: {  	[sflag:s23] =	ssyncset.done $0x0  }
0x23a: {  	[sflag:s23] =	ssyncadd.s32 $0xFFFFFF80  }
0x23b: {  	_ =	swait.ge [sflag:s23], $0x80  }
0x23c: {  	[sflag:s23] =	ssyncset.done $0x0  }
0x23d: {  	[sflag:s23] =	ssyncadd.s32 $0xFFFFFF80  }
0x23e: {  	_ =	swait.ge [sflag:s23], $0x80  }
0x23f: {  	[sflag:s23] =	ssyncset.done $0x0  }
0x240: {  	[sflag:s23] =	ssyncadd.s32 $0xFFFFFF80  }
0x241: {  	_ =	swait.ge [sflag:s23], $0x80  }
0x242: {  	[sflag:s23] =	ssyncset.done $0x0  }
0x243: {  	[sflag:s23] =	ssyncadd.s32 $0xFFFFFF80  }
0x244: {  	_ =	swait.ge [sflag:s23], $0x80  }
0x245: {  	[sflag:s23] =	ssyncset.done $0x0  }
0x246: {  	[sflag:s23] =	ssyncadd.s32 $0xFFFFFF80  }
0x247: {  	_ =	swait.ge [sflag:s23], $0x80  }
0x248: {  	[sflag:s23] =	ssyncset.done $0x0  }
0x249: {  	[sflag:s23] =	ssyncadd.s32 $0xFFFFFF80  }
0x24a: {  	_ =	swait.ge [sflag:s23], $0x80  }
0x24b: {  	[sflag:s23] =	ssyncset.done $0x0  }
0x24c: {  	[sflag:s23] =	ssyncadd.s32 $0xFFFFFF80  }
0x24d: {  	_ =	swait.ge [sflag:s23], $0x80  }
0x24e: {  	[sflag:s23] =	ssyncset.done $0x0  }
0x24f: {  	[sflag:s23] =	ssyncadd.s32 $0xFFFFFF80  }
0x250: {  	_ =	swait.ge [sflag:s23], $0x80  }
0x251: {  	[sflag:s23] =	ssyncset.done $0x0  }
0x252: {  	[sflag:s23] =	ssyncadd.s32 $0xFFFFFF80  }
0x253: {  	_ =	swait.ge [sflag:s23], $0x80  }
0x254: {  	[sflag:s23] =	ssyncset.done $0x0  }
0x255: {  	[sflag:s23] =	ssyncadd.s32 $0xFFFFFF80  }
0x256: {  	_ =	swait.ge [sflag:s23], $0x80  }
0x257: {  	[sflag:s23] =	ssyncset.done $0x0  }
0x258: {  	[sflag:s23] =	ssyncadd.s32 $0xFFFFFF80  }
0x259: {  	_ =	swait.ge [sflag:s23], $0x80  }
.Ltmp12:
0x25a: {  	[sflag:s23] =	ssyncset.done $0x0;
	(pc) =	sbr.rel @p3 .LBB2_17-.Ltmp12, $4  }
.Ltmp13:
0x25b: {  	[sflag:s23] =	ssyncadd.s32 $0xFFFFFF80;
	(pc) =	sbr.rel @!p3 .LBB2_18-.Ltmp13, $4  }
0x25c: {  	_ =	swait.ge [sflag:s23], $0x80  }
0x25d: {  	p5 =	por $0x0, $0x0;
	[sflag:s23] =	ssyncset.done $0x0  }
0x25e: {  	p2 =	por $0x0, $0x0;
	p4 =	por $0x0, $0x0;
	[sflag:s23] =	ssyncadd.s32 $0xFFFFFF80  }
0x25f: {  	_ = 	snop  }
.LBB2_16:
.Ltmp14:
0x260: {  	(pc) =	sbr.rel @!p3 .LBB2_32-.Ltmp14, $1  }
0x261: {  	_ =	sdelay $0x3  }
.LBB2_17:
0x262: {  	_ =	swait.ge [sflag:s12], $0x4000  }
0x263: {  	[sflag:s12] =	ssyncset.done $0x0  }
0x264: {  	s7 =	simm.s32 $0x1800;
	[sflag:s12] =	ssyncadd.s32 $0xFFFFC000  }
0x265: {  	[spmem:s4] =	stream.indirect.scatter.add.f32 [tilespmem:s14], [sflag:$0x5], $0x1, s7, s10, $0xb8;
	[tilespmem:$0x1DDF8] =	vst v63  }
0x266: {  	_ = 	snop  }
0x267: {  	[spmem:s3] =	stream.indirect.scatter.add.f32 [tilespmem:s30], [sflag:$0x6], $0x80, s7, s10, $0xb8;
	[tilespmem:$0x1DDF8] =	vst v63  }
0x268: {  	_ =	swait.ge [sflag:s31], $0x4000  }
0x269: {  	[sflag:s31] =	ssyncset.done $0x0  }
0x26a: {  	s25 =	simm.s32 $0x900;
	[sflag:s31] =	ssyncadd.s32 $0xFFFFC000  }
0x26b: {  	[tilespmem:s30], [sflag:$0x3] =	stream.indirect.gather [hbm4b:s1+s10], $0x80, s25, s10, $0xb8;
	[tilespmem:$0x1DDF8] =	vst v63  }
0x26c: {  	_ =	swait.ge [sflag:s16], $0x4000  }
0x26d: {  	[sflag:s16] =	ssyncset.done $0x0  }
0x26e: {  	s26 =	simm.s32 $0x1880;
	[sflag:s16] =	ssyncadd.s32 $0xFFFFC000  }
0x26f: {  	[spmem:s4] =	stream.indirect.scatter.add.f32 [tilespmem:s14], [sflag:$0x5], $0x1, s26, s10, $0xb8;
	[tilespmem:$0x1DDF8] =	vst v63  }
0x270: {  	p3 =	sgt.u32 s5, $0x7B  }
0x271: {  	[spmem:s3] =	stream.indirect.scatter.add.f32 [tilespmem:s11], [sflag:$0x6], $0x80, s26, s10, $0xb8;
	[tilespmem:$0x1DDF8] =	vst v63  }
0x272: {  	p5 =	sne.s32 @p3 s13, $0x9C;
	_ =	swait.ge [sflag:s31], $0x4000  }
0x273: {  	p2 =	por p5, !p3;
	[sflag:s31] =	ssyncset.done $0x0  }
0x274: {  	s25 =	simm.s32 @!p2 $0x0;
	s26 =	rddreg [dreg:$0x11];
	[sflag:s31] =	ssyncadd.s32 $0xFFFFC000  }
0x275: {  	[tilespmem:s25], [sflag:$0x1] =	stream.linear.gather @!p2 [hbm4b:s26+s25], $0x200, $0x38;
	[tilespmem:$0x1DDF8] =	vst v63  }
0x276: {  	s7 =	rddreg [dreg:$0x1a];
	s26 =	simm.s32 @!p2 $0x1000  }
0x277: {  	[tilespmem:s26], [sflag:$0x1] =	stream.linear.gather @!p2 [hbm4b:s7+s25], $0x200, $0x38;
	[tilespmem:$0x1DDF8] =	vst v63  }
0x278: {  	s13 =	sshll.u32 @!p3 s13, $0x8;
	s25 =	rddreg [dreg:$0x6]  }
0x279: {  	s26 =	simm.s32 @!p3 $0x0;
	s25 =	sadd.s32 @!p3 s25, s13  }
0x27a: {  	[tilespmem:s26], [sflag:$0x1] =	stream.linear.gather @!p3 [hbm4b:s25+s26], $0x800, $0x38;
	[tilespmem:$0x1DDF8] =	vst v63  }
0x27b: {  	s25 =	rddreg [dreg:$0x2]  }
0x27c: {  	s13 =	sadd.s32 @!p3 s25, s13;
	s25 =	simm.s32 @!p3 $0x1000  }
0x27d: {  	[tilespmem:s25], [sflag:$0x1] =	stream.linear.gather @!p3 [hbm4b:s13+s26], $0x800, $0x38;
	[tilespmem:$0x1DDF8] =	vst v63  }
0x27e: {  	s25 =	simm.s32 $0x980  }
0x27f: {  	[tilespmem:s11], [sflag:$0x4] =	stream.indirect.gather [hbm4b:s1+s10], $0x80, s25, s10, $0xb8;
	[tilespmem:$0x1DDF8] =	vst v63  }
0x280: {  	_ =	swait.ge [sflag:s12], $0x4000  }
0x281: {  	[sflag:s12] =	ssyncset.done $0x0  }
0x282: {  	s26 =	simm.s32 $0x1900;
	[sflag:s12] =	ssyncadd.s32 $0xFFFFC000  }
0x283: {  	[spmem:s4] =	stream.indirect.scatter.add.f32 [tilespmem:s14], [sflag:$0x5], $0x1, s26, s10, $0xb8;
	[tilespmem:$0x1DDF8] =	vst v63  }
0x284: {  	p4 =	slt.u32 s5, $0x7C;
	p6 =	por @p3 $0x0, $0x0;
	p5 =	por !p5, !p3  }
0x285: {  	[spmem:s3] =	stream.indirect.scatter.add.f32 [tilespmem:s30], [sflag:$0x6], $0x80, s26, s10, $0xb8;
	[tilespmem:$0x1DDF8] =	vst v63  }
0x286: {  	s7 =	simm.s32 $0x100;
	p2 =	por @!p2 $0x1, $0x1;
	_ =	swait.ge [sflag:s31], $0x4000  }
0x287: {  	p2 =	por @!p5 p6, p6;
	p5 =	por @!p3 $0x0, $0x0;
	[sflag:s31] =	ssyncset.done $0x0  }
0x288: {  	p2 =	por @!p3 p5, p5;
	p5 =	por $0x1, $0x1;
	[sflag:s31] =	ssyncadd.s32 $0xFFFFC000  }
.LBB2_18:
.Ltmp15:
0x289: {  	(pc) =	sbr.rel @p1 .LBB2_22-.Ltmp15, $1  }
0x28a: {  	_ =	sdelay $0x3  }
.Ltmp16:
0x28b: {  	(pc) =	sbr.rel @!p5 .LBB2_21-.Ltmp16, $4  }
.Ltmp17:
0x28c: {  	(pc) =	sbr.rel @p5 .LBB2_20-.Ltmp17, $4  }
0x28d: {  	_ = 	snop  }
0x28e: {  	s13 =	simm.s32 $0xA00  }
0x28f: {  	[tilespmem:s30], [sflag:$0x3] =	stream.indirect.gather [hbm4b:s1+s10], $0x80, s13, s10, $0xb8;
	[tilespmem:$0x1DDF8] =	vst v63  }
0x290: {  	_ = 	snop  }
.LBB2_22:
.Ltmp18:
0x291: {  	(pc) =	sbr.rel @!p5 .LBB2_23-.Ltmp18, $1  }
0x292: {  	_ =	sdelay $0x3  }
.LBB2_20:
0x293: {  	_ =	swait.ge [sflag:s16], $0x4000  }
0x294: {  	[sflag:s16] =	ssyncset.done $0x0  }
0x295: {  	s13 =	simm.s32 $0x1980;
	[sflag:s16] =	ssyncadd.s32 $0xFFFFC000  }
0x296: {  	[spmem:s4] =	stream.indirect.scatter.add.f32 [tilespmem:s14], [sflag:$0x5], $0x1, s13, s10, $0xb8;
	[tilespmem:$0x1DDF8] =	vst v63  }
.Ltmp19:
0x297: {  	_ = 	snop;
	(pc) =	sbr.rel @p1 .LBB2_27-.Ltmp19, $4  }
0x298: {  	[spmem:s3] =	stream.indirect.scatter.add.f32 [tilespmem:s11], [sflag:$0x6], $0x80, s13, s10, $0xb8;
	[tilespmem:$0x1DDF8] =	vst v63  }
0x299: {  	_ =	swait.ge [sflag:s31], $0x4000  }
0x29a: {  	[sflag:s31] =	ssyncset.done $0x0  }
0x29b: {  	[sflag:s31] =	ssyncadd.s32 $0xFFFFC000  }
.LBB2_21:
0x29c: {  	s13 =	simm.s32 $0xA80  }
0x29d: {  	[tilespmem:s11], [sflag:$0x4] =	stream.indirect.gather [hbm4b:s1+s10], $0x80, s13, s10, $0xb8;
	[tilespmem:$0x1DDF8] =	vst v63  }
0x29e: {  	_ =	swait.ge [sflag:s12], $0x4000  }
0x29f: {  	[sflag:s12] =	ssyncset.done $0x0  }
0x2a0: {  	s26 =	simm.s32 $0x1A00;
	[sflag:s12] =	ssyncadd.s32 $0xFFFFC000  }
0x2a1: {  	[spmem:s4] =	stream.indirect.scatter.add.f32 [tilespmem:s14], [sflag:$0x5], $0x1, s26, s10, $0xb8;
	[tilespmem:$0x1DDF8] =	vst v63  }
0x2a2: {  	_ = 	snop  }
0x2a3: {  	[spmem:s3] =	stream.indirect.scatter.add.f32 [tilespmem:s30], [sflag:$0x6], $0x80, s26, s10, $0xb8;
	[tilespmem:$0x1DDF8] =	vst v63  }
0x2a4: {  	_ =	swait.ge [sflag:s31], $0x4000  }
0x2a5: {  	[sflag:s31] =	ssyncset.done $0x0  }
0x2a6: {  	s25 =	simm.s32 $0xB00;
	[sflag:s31] =	ssyncadd.s32 $0xFFFFC000  }
0x2a7: {  	[tilespmem:s30], [sflag:$0x3] =	stream.indirect.gather [hbm4b:s1+s10], $0x80, s25, s10, $0xb8;
	[tilespmem:$0x1DDF8] =	vst v63  }
0x2a8: {  	_ =	swait.ge [sflag:s16], $0x4000  }
0x2a9: {  	[sflag:s16] =	ssyncset.done $0x0  }
0x2aa: {  	s26 =	simm.s32 $0x1A80;
	[sflag:s16] =	ssyncadd.s32 $0xFFFFC000  }
0x2ab: {  	[spmem:s4] =	stream.indirect.scatter.add.f32 [tilespmem:s14], [sflag:$0x5], $0x1, s26, s10, $0xb8;
	[tilespmem:$0x1DDF8] =	vst v63  }
.Ltmp20:
0x2ac: {  	_ = 	snop;
	(pc) =	sbr.rel @!p4 .LBB2_24-.Ltmp20, $4  }
0x2ad: {  	[spmem:s3] =	stream.indirect.scatter.add.f32 [tilespmem:s11], [sflag:$0x6], $0x80, s26, s10, $0xb8;
	[tilespmem:$0x1DDF8] =	vst v63  }
0x2ae: {  	_ =	swait.ge [sflag:s31], $0x4000  }
0x2af: {  	[sflag:s31] =	ssyncset.done $0x0  }
0x2b0: {  	p1 =	por $0x1, $0x1;
	[sflag:s31] =	ssyncadd.s32 $0xFFFFC000  }
.LBB2_28:
0x2b1: {  	_ =	swait.ge [sflag:s6], $0x800  }
.Ltmp21:
0x2b2: {  	[sflag:s6] =	ssyncset.done $0x0;
	(pc) =	sbr.rel @p2 .LBB2_29-.Ltmp21, $4  }
0x2b3: {  	[sflag:s6] =	ssyncadd.s32 $0xFFFFF800  }
0x2b4: {  	_ =	swait.ge [sflag:s6], $0x800  }
0x2b5: {  	[sflag:s6] =	ssyncset.done $0x0  }
0x2b6: {  	[sflag:s6] =	ssyncadd.s32 $0xFFFFF800  }
.LBB2_25:
.Ltmp22:
0x2b7: {  	(pc) =	sbr.rel @!p1 .LBB2_30-.Ltmp22, $4  }
.Ltmp23:
0x2b8: {  	(pc) =	sbr.rel @p1 .LBB2_26-.Ltmp23, $4  }
0x2b9: {  	_ = 	snop  }
0x2ba: {  	_ = 	snop  }
0x2bb: {  	_ = 	snop  }
0x2bc: {  	_ = 	snop  }
.LBB2_9:
.Ltmp24:
0x2bd: {  	(pc) =	sbr.rel .LBB2_14-.Ltmp24, $2  }
0x2be: {  	_ =	sdelay $0x2  }
0x2bf: {  	p3 =	por $0x0, $0x0;
	s13 =	simm.s32 $0xDC  }
.LBB2_23:
.Ltmp25:
0x2c0: {  	(pc) =	sbr.rel @p4 .LBB2_28-.Ltmp25, $2  }
0x2c1: {  	_ =	sdelay $0x2  }
0x2c2: {  	p1 =	por $0x0, $0x0  }
.LBB2_24:
.Ltmp26:
0x2c3: {  	(pc) =	sbr.rel @!p2 .LBB2_25-.Ltmp26, $1  }
0x2c4: {  	_ =	sdelay $0x3  }
.LBB2_29:
0x2c5: {  	_ =	swait.ge [sflag:s6], $0x200  }
.Ltmp27:
0x2c6: {  	[sflag:s6] =	ssyncset.done $0x0;
	(pc) =	sbr.rel @p1 .LBB2_26-.Ltmp27, $4  }
0x2c7: {  	[sflag:s6] =	ssyncadd.s32 $0xFFFFFE00  }
0x2c8: {  	_ =	swait.ge [sflag:s6], $0x200  }
0x2c9: {  	[sflag:s6] =	ssyncset.done $0x0  }
0x2ca: {  	[sflag:s6] =	ssyncadd.s32 $0xFFFFFE00  }
.LBB2_30:
0x2cb: {  	p1 =	slt.u32 s5, $0x7D  }
.Ltmp28:
0x2cc: {  	_ = 	snop;
	(pc) =	sbr.rel @!p1 .LBB2_32-.Ltmp28, $1  }
0x2cd: {  	_ =	sdelay $0x3  }
.Ltmp29:
0x2ce: {  	(pc) =	sbr.rel .LBB2_32-.Ltmp29, $4  }
0x2cf: {  	s5 =	simm.s32 $0x0  }
0x2d0: {  	[tilespmem:s30], [sflag:$0x3] =	stream.indirect.gather [hbm4b:s1+s10], $0x80, s5, s10, $0xb8;
	[tilespmem:$0x1DDF8] =	vst v63  }
0x2d1: {  	_ = 	snop  }
0x2d2: {  	[tilespmem:s11], [sflag:$0x4] =	stream.indirect.gather [hbm4b:s1+s10], $0x80, s10, s10, $0xb8;
	[tilespmem:$0x1DDF8] =	vst v63  }
.LBB2_27:
.Ltmp30:
0x2d3: {  	(pc) =	sbr.rel @!p4 .LBB2_24-.Ltmp30, $4  }
.Ltmp31:
0x2d4: {  	(pc) =	sbr.rel @p4 .LBB2_28-.Ltmp31, $4  }
0x2d5: {  	_ = 	snop  }
0x2d6: {  	_ = 	snop  }
0x2d7: {  	p1 =	por $0x0, $0x0  }
0x2d8: {  	_ = 	snop  }
.LBB2_34:
0x2d9: {  	_ =	sfence.sel $0x180000  }
0x2da: {  	[bflag:$0x0] =	sbarrier.arrive $0xFFFF  }
0x2db: {  	_ =	strace $0x90000047  }
0x2dc: {  	s0 =	stileid.u32;
	[bflag:$0x2] =	sbarrier.arrive $0xFFFF  }
0x2dd: {  	p0 =	sne.s32 s0, $0x0;
	s0 =	rddreg [dreg:$0x5]  }
0x2de: {  	s0 =	sadd.s32 @!p0 $0x100000, s0  }
0x2df: {  	[sflag:s0] =	ssyncadd.tile.s32 @!p0 $0x1;
	_ =	shalt  }
.Lfunc_end2:
_tile_overlayer_lowered:
.L_overlay_start_2:
0x2e0: {  	(tag) =	ssettag $0x2  }
0x2e1: {  	s0 =	rddreg [dreg:$0x0];
	s2 =	stileid.u32  }
0x2e2: {  	s1 =	rddreg [dreg:$0x1];
	p0 =	sne.s32 s2, $0x0  }
0x2e3: {  	s3 =	rddreg [dreg:$0x2];
	[bflag:$0x3] =	sbarrier.arrive $0xFFFF;
	s2 =	simm.s32 @!p0 $0x1C06  }
0x2e4: {  	[timem:s3], [sflag:s2] =	dma.local @!p0 [hbm:s0], s1  }
0x2e5: {  	s0 =	simm.s32 @!p0 $0x6  }
0x2e6: {  	_ =	swait.ge @!p0 [sflag:s0], s1  }
0x2e7: {  	s1 =	ssub.s32 @!p0 $0x0, s1;
	[sflag:s0] =	ssyncset.done @!p0 $0x0  }
0x2e8: {  	[sflag:s0] =	ssyncadd.s32 @!p0 s1  }
0x2e9: {  	[bflag:$0x3] =	sbarrier.arrive $0xFFFF  }
0x2ea: {  	_ =	shalt  }

</sc_bundles>
